<compile_context>
chip_gen: v7x
topology: tpu7x:2x2x1
jax: 0.10.2.dev20260603
libtpu: 0.0.44.dev20260713+nightly
codegen_flags: <defaults>
</compile_context>

<pallas_src>
import functools

import jax
import jax.numpy as jnp
import numpy as np
from jax import lax
from jax.experimental import pallas as pl
from jax.experimental.pallas import tpu as pltpu
from jax.experimental.pallas import tpu_sc as plsc

_N = 10000
_E = 320000
_D = 128
_T = 16
_NC = 2
_NS = 16
_NPAD = 10000
_RPT = _NPAD // _NS
_NPD = 10240
_RPD = _NPD // _NS
_EPC = _E // _NC
_EPT = _EPC // _NS
_CB = 2000
_NBC = _EPT // _CB
_SUB = 80
_NSUB = _CB // _SUB
_VPS = _SUB // 16


def _pre_body(x_ref, w_ref, p_ref, y_ref, s_ref):
    xb = x_ref[...]
    y_ref[...] = jnp.dot(xb, w_ref[...], preferred_element_type=jnp.float32) * 2.0
    s_ref[...] = jnp.dot(xb, p_ref[...].T, preferred_element_type=jnp.float32) * (
        -1.0 / np.sqrt(np.float32(_D)))


def _pre(x, w_msg, etype_params):
    bn = 1000
    grid = (_N // bn,)
    return pl.pallas_call(
        _pre_body,
        grid=grid,
        in_specs=[
            pl.BlockSpec((bn, _D), lambda i: (i, 0)),
            pl.BlockSpec((_D, _D), lambda i: (0, 0)),
            pl.BlockSpec((_T, _D), lambda i: (0, 0)),
        ],
        out_specs=[
            pl.BlockSpec((bn, _D), lambda i: (i, 0)),
            pl.BlockSpec((bn, _T), lambda i: (i, 0)),
        ],
        out_shape=[
            jax.ShapeDtypeStruct((_N, _D), jnp.float32),
            jax.ShapeDtypeStruct((_N, _T), jnp.float32),
        ],
    )(x, w_msg, etype_params)


def _post_body(x_ref, a0_ref, a1_ref, d0_ref, d1_ref, w_ref, o_ref):
    scale = 1.0 / (d0_ref[...] + d1_ref[...] + 1e-9)
    aggr = (a0_ref[...] + a1_ref[...]) * scale
    o_ref[...] = x_ref[...] + jnp.tanh(
        jnp.dot(aggr, w_ref[...], preferred_element_type=jnp.float32))


def _post(x, aggr2, d0, d1, w_upd):
    bn = 1000
    nb = _N // bn
    grid = (nb,)
    return pl.pallas_call(
        _post_body,
        grid=grid,
        in_specs=[
            pl.BlockSpec((bn, _D), lambda i: (i, 0)),
            pl.BlockSpec((bn, _D), lambda i: (i, 0)),
            pl.BlockSpec((bn, _D), lambda i: (i + _N // bn, 0)),
            pl.BlockSpec((bn, 1), lambda i: (i, 0)),
            pl.BlockSpec((bn, 1), lambda i: (i, 0)),
            pl.BlockSpec((_D, _D), lambda i: (0, 0)),
        ],
        out_specs=pl.BlockSpec((bn, _D), lambda i: (i, 0)),
        out_shape=jax.ShapeDtypeStruct((_N, _D), jnp.float32),
    )(x, aggr2, aggr2, d0, d1, w_upd)


_sc_mesh = plsc.VectorSubcoreMesh(core_axis_name="c", subcore_axis_name="s")


@functools.partial(
    pl.kernel,
    out_type=[jax.ShapeDtypeStruct((_NC * _NPAD, _D), jnp.float32),
              jax.ShapeDtypeStruct((_NC * _NPD,), jnp.float32)],
    mesh=_sc_mesh,
    compiler_params=pltpu.CompilerParams(
        needs_layout_passes=False, use_tc_tiling_on_sc=False),
    scratch_types=[
        pltpu.VMEM_SHARED((_NPAD, _D), jnp.float32),
        pltpu.VMEM_SHARED((_NPD,), jnp.float32),
        pltpu.VMEM((_T, _D), jnp.float32),
        pltpu.VMEM((_CB,), jnp.int32),
        pltpu.VMEM((_CB,), jnp.int32),
        pltpu.VMEM((_CB,), jnp.int32),
        pltpu.VMEM((_CB,), jnp.float32),
        pltpu.VMEM((_CB,), jnp.float32),
        pltpu.VMEM((_NSUB, _SUB), jnp.int32),
        pltpu.VMEM((_NSUB, _SUB), jnp.int32),
        pltpu.VMEM((_NSUB, _SUB), jnp.int32),
        pltpu.VMEM((_SUB, _D), jnp.float32),
        pltpu.VMEM((_SUB, _D), jnp.float32),
        pltpu.SemaphoreType.DMA,
        pltpu.SemaphoreType.DMA,
        pltpu.SemaphoreType.DMA,
    ],
)
def _sc_edges(y_hbm, sflat_hbm, p_hbm, src_hbm, dst_hbm, et_hbm, attn_hbm,
              z2d_hbm, zd_hbm, out_hbm, dnout_hbm,
              aggr_sh, denom_sh, p_l,
              src_b, dst_b, et_b, na_b, sv_b,
              sidx2, yidx2, dst2, rows0, rows1, semg, sems, semd):
    c = lax.axis_index("c")
    s = lax.axis_index("s")
    base = c * _EPC + s * _EPT
    col0 = lax.iota(jnp.int32, 16)

    pltpu.sync_copy(z2d_hbm, aggr_sh.at[pl.ds(s * _RPT, _RPT)])
    pltpu.sync_copy(zd_hbm, denom_sh.at[pl.ds(s * _RPD, _RPD)])
    pltpu.sync_copy(p_hbm, p_l)
    plsc.subcore_barrier()

    def _compute(rbuf, r):
        @plsc.parallel_loop(0, _SUB, 1, unroll=2)
        def _edge(e):
            psplat = jnp.full((16,), r * _SUB + e, jnp.int32)
            rsplat = plsc.load_gather(et_b, [psplat])
            na = plsc.load_gather(na_b, [psplat])
            for q in range(_D // 16):
                pv = plsc.load_gather(p_l, [rsplat, col0 + q * 16])
                yv = rbuf[e, pl.ds(q * 16, 16)]
                u = jnp.exp(yv + pv)
                rbuf[e, pl.ds(q * 16, 16)] = (1.0 - 2.0 / (u + 1.0)) * na

    def _wait_gather(rbuf):
        pltpu.make_async_copy(y_hbm.at[yidx2.at[0]], rbuf, semg).wait()

    def _drain_scatter(rbuf):
        pltpu.make_async_copy(rbuf, aggr_sh.at[dst2.at[0]], sems).wait()

    def chunk(bc, carry):
        off = base + bc * _CB
        pltpu.sync_copy(src_hbm.at[pl.ds(off, _CB)], src_b)
        pltpu.sync_copy(dst_hbm.at[pl.ds(off, _CB)], dst_b)
        pltpu.sync_copy(et_hbm.at[pl.ds(off, _CB)], et_b)
        pltpu.sync_copy(attn_hbm.at[pl.ds(off, _CB)], na_b)

        @plsc.parallel_loop(0, _NSUB, 1, unroll=2)
        def _mk(r):
            for q in range(_VPS):
                j = r * _SUB + q * 16
                sv = src_b[pl.ds(j, 16)]
                ev = et_b[pl.ds(j, 16)]
                sidx2[r, pl.ds(q * 16, 16)] = sv * _T + ev
                yidx2[r, pl.ds(q * 16, 16)] = sv
                dst2[r, pl.ds(q * 16, 16)] = dst_b[pl.ds(j, 16)]

        def fire_g(r, _):
            pltpu.async_copy(sflat_hbm.at[sidx2.at[r]],
                             sv_b.at[pl.ds(r * _SUB, _SUB)], semg)
            return _
        lax.fori_loop(0, _NSUB, fire_g, None)

        def drain_g(r, _):
            pltpu.make_async_copy(sflat_hbm.at[sidx2.at[0]],
                                  sv_b.at[pl.ds(0, _SUB)], semg).wait()
            return _
        lax.fori_loop(0, _NSUB, drain_g, None)

        @plsc.parallel_loop(0, _CB // 16, 1, unroll=4)
        def _sig(j):
            sv = sv_b[pl.ds(j * 16, 16)]
            t = 1.0 / (1.0 + jnp.exp(sv))
            na_b[pl.ds(j * 16, 16)] = na_b[pl.ds(j * 16, 16)] * t

        def fire_d(r, _):
            pltpu.async_copy(na_b.at[pl.ds(r * _SUB, _SUB)],
                             denom_sh.at[dst2.at[r]], semd, add=True)
            return _
        lax.fori_loop(0, _NSUB, fire_d, None)

        pltpu.async_copy(y_hbm.at[yidx2.at[0]], rows0, semg)

        def pair(k, _):
            r0 = 2 * k
            _wait_gather(rows0)

            @pl.when(k > 0)
            def _():
                _drain_scatter(rows1)
            pltpu.async_copy(y_hbm.at[yidx2.at[r0 + 1]], rows1, semg)
            _compute(rows0, r0)
            pltpu.async_copy(rows0, aggr_sh.at[dst2.at[r0]], sems, add=True)
            _wait_gather(rows1)
            _drain_scatter(rows0)
            pltpu.async_copy(y_hbm.at[yidx2.at[r0 + 2]], rows0, semg)
            _compute(rows1, r0 + 1)
            pltpu.async_copy(rows1, aggr_sh.at[dst2.at[r0 + 1]], sems, add=True)
            return _
        lax.fori_loop(0, _NSUB // 2, pair, None)
        _wait_gather(rows0)
        _drain_scatter(rows1)
        _compute(rows0, _NSUB - 1)
        pltpu.async_copy(rows0, aggr_sh.at[dst2.at[_NSUB - 1]], sems, add=True)
        _drain_scatter(rows0)

        def drain_d(r, _):
            pltpu.make_async_copy(na_b.at[pl.ds(0, _SUB)],
                                  denom_sh.at[dst2.at[0]], semd).wait()
            return _
        lax.fori_loop(0, _NSUB, drain_d, None)
        return carry
    lax.fori_loop(0, _NBC, chunk, None)

    plsc.subcore_barrier()
    pltpu.sync_copy(aggr_sh.at[pl.ds(s * _RPT, _RPT)],
                    out_hbm.at[pl.ds(c * _NPAD + s * _RPT, _RPT)])
    pltpu.sync_copy(denom_sh.at[pl.ds(s * _RPD, _RPD)],
                    dnout_hbm.at[pl.ds(c * _NPD + s * _RPD, _RPD)])


def kernel(x, attn, W_msg, etype_params, W_upd, edge_index, edge_type):
    src = edge_index[0]
    dst = edge_index[1]
    y, S = _pre(x, W_msg, etype_params)
    sflat = S.reshape(_N * _T)
    pT = etype_params * 2.0
    z2d = jnp.zeros((_RPT, _D), jnp.float32)
    zd = jnp.zeros((_RPD,), jnp.float32)
    aggr_flat, dn_flat = _sc_edges(y, sflat, pT, src, dst, edge_type, attn,
                                   z2d, zd)
    dn = dn_flat.reshape(_NC, _NPD)
    return _post(x, aggr_flat, dn[0, :_N].reshape(_N, 1),
                 dn[1, :_N].reshape(_N, 1), W_upd)

# --- scband reference (transcript-rebuilt; emitter-appended) ---
"""Pipeline reference for scband-engine-48378511622701 (READ-ONLY COPY).

The authoritative reference and input builder live on the scoring server;
editing this copy changes nothing except your own understanding.
"""

import jax, jax.numpy as jnp
import numpy as np

N = 10000
E = 320000
D = 128
T = 16


def setup_inputs(seed: int = 0) -> dict:
    key = jax.random.key(seed)
    ks = jax.random.split(key, 8)
    x = jax.random.normal(ks[0], (N, D), dtype=jnp.float32)
    edge_index = jax.random.randint(ks[1], (2, E), 0, N, dtype=jnp.int32)
    edge_type = jax.random.randint(ks[2], (E,), 0, T, dtype=jnp.int32)
    attn = jax.random.uniform(ks[3], (E,), dtype=jnp.float32)
    # learned parameters (long memory): per-etype params, message and update weights
    W_msg = jax.random.normal(ks[4], (D, D), dtype=jnp.float32) / np.sqrt(D)
    etype_params = jax.random.normal(ks[5], (T, D), dtype=jnp.float32) * 0.02
    W_upd = jax.random.normal(ks[6], (D, D), dtype=jnp.float32) / np.sqrt(D)
    return {"x": x, "attn": attn, "W_msg": W_msg, "etype_params": etype_params,
            "W_upd": W_upd, "edge_index": edge_index, "edge_type": edge_type}


def reference(x, attn, W_msg, etype_params, W_upd, edge_index, edge_type):
    # One-step reasoning: attend over edges -> update attn -> propagate -> aggregate -> update nodes
    src = edge_index[0]
    dst = edge_index[1]
    # gather from/to node states and per-etype params (long memory lookup)
    from_states = jnp.take(x, src, axis=0)
    e_params = jnp.take(etype_params, edge_type, axis=0)
    # _attend: compute transition scores per attended edge
    score = jnp.sum(from_states * e_params, axis=-1) / jnp.sqrt(jnp.float32(D))
    transition = jax.nn.sigmoid(score)
    # _update_attn: modulate and renormalize attention over incoming edges of each dst node
    new_attn = attn * transition
    denom = jax.ops.segment_sum(new_attn, dst, num_segments=N)
    norm_attn = new_attn / (jnp.take(denom, dst, axis=0) + 1e-9)
    # _propagate: compute message over edges
    message = jnp.tanh(from_states @ W_msg + e_params) * norm_attn[:, None]
    # _aggregate: scatter-add messages to destination nodes
    aggr = jax.ops.segment_sum(message, dst, num_segments=N)
    # _update_nodes
    new_x = x + jnp.tanh(aggr @ W_upd)
    return new_x

if __name__ == "__main__":
    import jax
    _d = setup_inputs()
    print(jax.jit(kernel)(*tuple(_d.values())))

</pallas_src>

<mosaic_0001>
#map = affine_map<(d0, d1) -> (0, 0)>
#map1 = affine_map<(d0, d1) -> (0)>
module attributes {stable_mosaic.version = 14 : i64} {
  func.func @_sc_edges(%arg0: i32, %arg1: i32, %arg2: memref<10000x128xf32, #tpu.memory_space<hbm>>, %arg3: memref<160000xf32, #tpu.memory_space<hbm>>, %arg4: memref<16x128xf32, #tpu.memory_space<hbm>>, %arg5: memref<320000xi32, #tpu.memory_space<hbm>>, %arg6: memref<320000xi32, #tpu.memory_space<hbm>>, %arg7: memref<320000xi32, #tpu.memory_space<hbm>>, %arg8: memref<320000xf32, #tpu.memory_space<hbm>>, %arg9: memref<625x128xf32, #tpu.memory_space<hbm>>, %arg10: memref<640xf32, #tpu.memory_space<hbm>>, %arg11: memref<20000x128xf32, #tpu.memory_space<hbm>>, %arg12: memref<20480xf32, #tpu.memory_space<hbm>>, %arg13: memref<10000x128xf32, #tpu.memory_space<vmem_shared>>, %arg14: memref<10240xf32, #tpu.memory_space<vmem_shared>>, %arg15: memref<16x128xf32, #tpu.memory_space<vmem>>, %arg16: memref<2000xi32, #tpu.memory_space<vmem>>, %arg17: memref<2000xi32, #tpu.memory_space<vmem>>, %arg18: memref<2000xi32, #tpu.memory_space<vmem>>, %arg19: memref<2000xf32, #tpu.memory_space<vmem>>, %arg20: memref<2000xf32, #tpu.memory_space<vmem>>, %arg21: memref<25x80xi32, #tpu.memory_space<vmem>>, %arg22: memref<25x80xi32, #tpu.memory_space<vmem>>, %arg23: memref<25x80xi32, #tpu.memory_space<vmem>>, %arg24: memref<80x128xf32, #tpu.memory_space<vmem>>, %arg25: memref<80x128xf32, #tpu.memory_space<vmem>>, %arg26: memref<!tpu.dma_semaphore, #tpu.memory_space<semaphore_mem>>, %arg27: memref<!tpu.dma_semaphore, #tpu.memory_space<semaphore_mem>>, %arg28: memref<!tpu.dma_semaphore, #tpu.memory_space<semaphore_mem>>) attributes {dimension_semantics = [#tpu.dimension_semantics<core_parallel>, #tpu.dimension_semantics<subcore_parallel>], iteration_bounds = array<i64: 2, 16>, scalar_prefetch = 0 : i64, scratch_operands = 16 : i64, tpu.core_type = #tpu.core_type<sc_vector_subcore>, window_params = [{transform_indices = #map}, {transform_indices = #map1}, {transform_indices = #map}, {transform_indices = #map1}, {transform_indices = #map1}, {transform_indices = #map1}, {transform_indices = #map1}, {transform_indices = #map}, {transform_indices = #map1}, {transform_indices = #map}, {transform_indices = #map1}]} {
    %mul3A = arith.constant 160000 : i32
    %mul3A_0 = arith.muli %arg0, %mul3A : i32
    %mul3A_1 = arith.constant 10000 : i32
    %mul3A_2 = arith.muli %arg1, %mul3A_1 : i32
    %add3A = arith.addi %mul3A_0, %mul3A_2 : i32
    %iota3A = tpu.iota {dimensions = array<i32: 0>} : vector<16xi32>
    %mul3A_3 = arith.constant 625 : i32
    %mul3A_4 = arith.muli %arg1, %mul3A_3 : i32
    "tpu.region"() ({
      %run_scoped3A = tpu.sem_alloc : memref<!tpu.dma_semaphore, #tpu.memory_space<semaphore_mem>>
      %dma_start3A = arith.constant 0 : i32
      %dma_start3A_26 = tpu.memref_slice %arg13[%mul3A_4, %dma_start3A] : memref<10000x128xf32, #tpu.memory_space<vmem_shared>> -> memref<625x128xf32, #tpu.memory_space<vmem_shared>>
      tpu.enqueue_dma source(%arg9 : memref<625x128xf32, #tpu.memory_space<hbm>>) target(%dma_start3A_26 : memref<625x128xf32, #tpu.memory_space<vmem_shared>>) target_semaphore(%run_scoped3A : memref<!tpu.dma_semaphore, #tpu.memory_space<semaphore_mem>>)
      %dma_wait3A = arith.constant 0 : i32
      %dma_wait3A_27 = tpu.memref_slice %arg13[%mul3A_4, %dma_wait3A] : memref<10000x128xf32, #tpu.memory_space<vmem_shared>> -> memref<625x128xf32, #tpu.memory_space<vmem_shared>>
      tpu.wait_dma2 semaphore(%run_scoped3A : memref<!tpu.dma_semaphore, #tpu.memory_space<semaphore_mem>>) src(%arg9 : memref<625x128xf32, #tpu.memory_space<hbm>>) dst(%dma_wait3A_27 : memref<625x128xf32, #tpu.memory_space<vmem_shared>>)
      tpu.yield
    }) : () -> ()
    %mul3A_5 = arith.constant 640 : i32
    %mul3A_6 = arith.muli %arg1, %mul3A_5 : i32
    "tpu.region"() ({
      %run_scoped3A = tpu.sem_alloc : memref<!tpu.dma_semaphore, #tpu.memory_space<semaphore_mem>>
      %dma_start3A = tpu.memref_slice %arg14[%mul3A_6] : memref<10240xf32, #tpu.memory_space<vmem_shared>> -> memref<640xf32, #tpu.memory_space<vmem_shared>>
      tpu.enqueue_dma source(%arg10 : memref<640xf32, #tpu.memory_space<hbm>>) target(%dma_start3A : memref<640xf32, #tpu.memory_space<vmem_shared>>) target_semaphore(%run_scoped3A : memref<!tpu.dma_semaphore, #tpu.memory_space<semaphore_mem>>)
      %dma_wait3A = tpu.memref_slice %arg14[%mul3A_6] : memref<10240xf32, #tpu.memory_space<vmem_shared>> -> memref<640xf32, #tpu.memory_space<vmem_shared>>
      tpu.wait_dma2 semaphore(%run_scoped3A : memref<!tpu.dma_semaphore, #tpu.memory_space<semaphore_mem>>) src(%arg10 : memref<640xf32, #tpu.memory_space<hbm>>) dst(%dma_wait3A : memref<640xf32, #tpu.memory_space<vmem_shared>>)
      tpu.yield
    }) : () -> ()
    "tpu.region"() ({
      %run_scoped3A = tpu.sem_alloc : memref<!tpu.dma_semaphore, #tpu.memory_space<semaphore_mem>>
      tpu.enqueue_dma source(%arg4 : memref<16x128xf32, #tpu.memory_space<hbm>>) target(%arg15 : memref<16x128xf32, #tpu.memory_space<vmem>>) target_semaphore(%run_scoped3A : memref<!tpu.dma_semaphore, #tpu.memory_space<semaphore_mem>>)
      tpu.wait_dma2 semaphore(%run_scoped3A : memref<!tpu.dma_semaphore, #tpu.memory_space<semaphore_mem>>) src(%arg4 : memref<16x128xf32, #tpu.memory_space<hbm>>) dst(%arg15 : memref<16x128xf32, #tpu.memory_space<vmem>>)
      tpu.yield
    }) : () -> ()
    %barrier3A = arith.constant 0 : index
    tpu.barrier barrier_id(%barrier3A)
    %scan3A = arith.constant 0 : i32
    %scan3A_7 = arith.constant 5 : i32
    %scan3A_8 = arith.addi %scan3A, %scan3A_7 : i32
    %scan3A_9 = arith.constant 1 : i32
    scf.for %scan3A_26 = %scan3A to %scan3A_8 step %scan3A_9  : i32 {
      %mul3A_27 = arith.constant 2000 : i32
      %mul3A_28 = arith.muli %scan3A_26, %mul3A_27 : i32
      %add3A_29 = arith.addi %add3A, %mul3A_28 : i32
      "tpu.region"() ({
        %run_scoped3A = tpu.sem_alloc : memref<!tpu.dma_semaphore, #tpu.memory_space<semaphore_mem>>
        %dma_start3A_96 = tpu.memref_slice %arg5[%add3A_29] : memref<320000xi32, #tpu.memory_space<hbm>> -> memref<2000xi32, #tpu.memory_space<hbm>>
        %dma_start3A_97 = tpu.memref_slice %arg5[%add3A_29] : memref<320000xi32, #tpu.memory_space<hbm>> -> memref<2000xi32, #tpu.memory_space<hbm>>
        tpu.enqueue_dma source(%dma_start3A_97 : memref<2000xi32, #tpu.memory_space<hbm>>) target(%arg16 : memref<2000xi32, #tpu.memory_space<vmem>>) target_semaphore(%run_scoped3A : memref<!tpu.dma_semaphore, #tpu.memory_space<semaphore_mem>>)
        %dma_wait3A_98 = tpu.memref_slice %arg5[%add3A_29] : memref<320000xi32, #tpu.memory_space<hbm>> -> memref<2000xi32, #tpu.memory_space<hbm>>
        %dma_wait3A_99 = tpu.memref_slice %arg5[%add3A_29] : memref<320000xi32, #tpu.memory_space<hbm>> -> memref<2000xi32, #tpu.memory_space<hbm>>
        tpu.wait_dma2 semaphore(%run_scoped3A : memref<!tpu.dma_semaphore, #tpu.memory_space<semaphore_mem>>) src(%dma_wait3A_99 : memref<2000xi32, #tpu.memory_space<hbm>>) dst(%arg16 : memref<2000xi32, #tpu.memory_space<vmem>>)
        tpu.yield
      }) : () -> ()
      "tpu.region"() ({
        %run_scoped3A = tpu.sem_alloc : memref<!tpu.dma_semaphore, #tpu.memory_space<semaphore_mem>>
        %dma_start3A_96 = tpu.memref_slice %arg6[%add3A_29] : memref<320000xi32, #tpu.memory_space<hbm>> -> memref<2000xi32, #tpu.memory_space<hbm>>
        %dma_start3A_97 = tpu.memref_slice %arg6[%add3A_29] : memref<320000xi32, #tpu.memory_space<hbm>> -> memref<2000xi32, #tpu.memory_space<hbm>>
        tpu.enqueue_dma source(%dma_start3A_97 : memref<2000xi32, #tpu.memory_space<hbm>>) target(%arg17 : memref<2000xi32, #tpu.memory_space<vmem>>) target_semaphore(%run_scoped3A : memref<!tpu.dma_semaphore, #tpu.memory_space<semaphore_mem>>)
        %dma_wait3A_98 = tpu.memref_slice %arg6[%add3A_29] : memref<320000xi32, #tpu.memory_space<hbm>> -> memref<2000xi32, #tpu.memory_space<hbm>>
        %dma_wait3A_99 = tpu.memref_slice %arg6[%add3A_29] : memref<320000xi32, #tpu.memory_space<hbm>> -> memref<2000xi32, #tpu.memory_space<hbm>>
        tpu.wait_dma2 semaphore(%run_scoped3A : memref<!tpu.dma_semaphore, #tpu.memory_space<semaphore_mem>>) src(%dma_wait3A_99 : memref<2000xi32, #tpu.memory_space<hbm>>) dst(%arg17 : memref<2000xi32, #tpu.memory_space<vmem>>)
        tpu.yield
      }) : () -> ()
      "tpu.region"() ({
        %run_scoped3A = tpu.sem_alloc : memref<!tpu.dma_semaphore, #tpu.memory_space<semaphore_mem>>
        %dma_start3A_96 = tpu.memref_slice %arg7[%add3A_29] : memref<320000xi32, #tpu.memory_space<hbm>> -> memref<2000xi32, #tpu.memory_space<hbm>>
        %dma_start3A_97 = tpu.memref_slice %arg7[%add3A_29] : memref<320000xi32, #tpu.memory_space<hbm>> -> memref<2000xi32, #tpu.memory_space<hbm>>
        tpu.enqueue_dma source(%dma_start3A_97 : memref<2000xi32, #tpu.memory_space<hbm>>) target(%arg18 : memref<2000xi32, #tpu.memory_space<vmem>>) target_semaphore(%run_scoped3A : memref<!tpu.dma_semaphore, #tpu.memory_space<semaphore_mem>>)
        %dma_wait3A_98 = tpu.memref_slice %arg7[%add3A_29] : memref<320000xi32, #tpu.memory_space<hbm>> -> memref<2000xi32, #tpu.memory_space<hbm>>
        %dma_wait3A_99 = tpu.memref_slice %arg7[%add3A_29] : memref<320000xi32, #tpu.memory_space<hbm>> -> memref<2000xi32, #tpu.memory_space<hbm>>
        tpu.wait_dma2 semaphore(%run_scoped3A : memref<!tpu.dma_semaphore, #tpu.memory_space<semaphore_mem>>) src(%dma_wait3A_99 : memref<2000xi32, #tpu.memory_space<hbm>>) dst(%arg18 : memref<2000xi32, #tpu.memory_space<vmem>>)
        tpu.yield
      }) : () -> ()
      "tpu.region"() ({
        %run_scoped3A = tpu.sem_alloc : memref<!tpu.dma_semaphore, #tpu.memory_space<semaphore_mem>>
        %dma_start3A_96 = tpu.memref_slice %arg8[%add3A_29] : memref<320000xf32, #tpu.memory_space<hbm>> -> memref<2000xf32, #tpu.memory_space<hbm>>
        %dma_start3A_97 = tpu.memref_slice %arg8[%add3A_29] : memref<320000xf32, #tpu.memory_space<hbm>> -> memref<2000xf32, #tpu.memory_space<hbm>>
        tpu.enqueue_dma source(%dma_start3A_97 : memref<2000xf32, #tpu.memory_space<hbm>>) target(%arg19 : memref<2000xf32, #tpu.memory_space<vmem>>) target_semaphore(%run_scoped3A : memref<!tpu.dma_semaphore, #tpu.memory_space<semaphore_mem>>)
        %dma_wait3A_98 = tpu.memref_slice %arg8[%add3A_29] : memref<320000xf32, #tpu.memory_space<hbm>> -> memref<2000xf32, #tpu.memory_space<hbm>>
        %dma_wait3A_99 = tpu.memref_slice %arg8[%add3A_29] : memref<320000xf32, #tpu.memory_space<hbm>> -> memref<2000xf32, #tpu.memory_space<hbm>>
        tpu.wait_dma2 semaphore(%run_scoped3A : memref<!tpu.dma_semaphore, #tpu.memory_space<semaphore_mem>>) src(%dma_wait3A_99 : memref<2000xf32, #tpu.memory_space<hbm>>) dst(%arg19 : memref<2000xf32, #tpu.memory_space<vmem>>)
        tpu.yield
      }) : () -> ()
      %parallel_loop3A = arith.constant 0 : i32
      %parallel_loop3A_30 = arith.constant 25 : i32
      %parallel_loop3A_31 = arith.constant 1 : i32
      scf.for %parallel_loop3A_96 = %parallel_loop3A to %parallel_loop3A_30 step %parallel_loop3A_31  : i32 {
        %parallel_loop3A_97 = arith.constant 80 : i32
        %parallel_loop3A_98 = arith.muli %parallel_loop3A_96, %parallel_loop3A_97 : i32
        %parallel_loop3A_99 = arith.constant 0 : i32
        %parallel_loop3A_100 = arith.addi %parallel_loop3A_98, %parallel_loop3A_99 : i32
        %parallel_loop3A_101 = arith.index_cast %parallel_loop3A_100 : i32 to index
        %parallel_loop3A_102 = tpu.vector_load %arg16[%parallel_loop3A_101] {strides = array<i32>} : memref<2000xi32, #tpu.memory_space<vmem>>, vector<16xi32>,
        %parallel_loop3A_103 = arith.index_cast %parallel_loop3A_100 : i32 to index
        %parallel_loop3A_104 = tpu.vector_load %arg18[%parallel_loop3A_103] {strides = array<i32>} : memref<2000xi32, #tpu.memory_space<vmem>>, vector<16xi32>,
        %parallel_loop3A_105 = arith.constant 16 : i32
        %parallel_loop3A_106 = vector.broadcast %parallel_loop3A_105 : i32 to vector<16xi32>
        %parallel_loop3A_107 = arith.muli %parallel_loop3A_102, %parallel_loop3A_106 : vector<16xi32>
        %parallel_loop3A_108 = arith.addi %parallel_loop3A_107, %parallel_loop3A_104 : vector<16xi32>
        %parallel_loop3A_109 = arith.index_cast %parallel_loop3A_96 : i32 to index
        %parallel_loop3A_110 = arith.constant 0 : index
        %parallel_loop3A_111 = tpu.vector_load %arg21[%parallel_loop3A_109, %parallel_loop3A_110] {strides = array<i32>} : memref<25x80xi32, #tpu.memory_space<vmem>>, vector<16xi32>,
        tpu.vector_store %arg21[%parallel_loop3A_109, %parallel_loop3A_110], %parallel_loop3A_108 {strides = array<i32>} : memref<25x80xi32, #tpu.memory_space<vmem>>, vector<16xi32>,
        %parallel_loop3A_112 = arith.index_cast %parallel_loop3A_96 : i32 to index
        %parallel_loop3A_113 = arith.constant 0 : index
        %parallel_loop3A_114 = tpu.vector_load %arg22[%parallel_loop3A_112, %parallel_loop3A_113] {strides = array<i32>} : memref<25x80xi32, #tpu.memory_space<vmem>>, vector<16xi32>,
        tpu.vector_store %arg22[%parallel_loop3A_112, %parallel_loop3A_113], %parallel_loop3A_102 {strides = array<i32>} : memref<25x80xi32, #tpu.memory_space<vmem>>, vector<16xi32>,
        %parallel_loop3A_115 = arith.index_cast %parallel_loop3A_100 : i32 to index
        %parallel_loop3A_116 = tpu.vector_load %arg17[%parallel_loop3A_115] {strides = array<i32>} : memref<2000xi32, #tpu.memory_space<vmem>>, vector<16xi32>,
        %parallel_loop3A_117 = arith.index_cast %parallel_loop3A_96 : i32 to index
        %parallel_loop3A_118 = arith.constant 0 : index
        %parallel_loop3A_119 = tpu.vector_load %arg23[%parallel_loop3A_117, %parallel_loop3A_118] {strides = array<i32>} : memref<25x80xi32, #tpu.memory_space<vmem>>, vector<16xi32>,
        tpu.vector_store %arg23[%parallel_loop3A_117, %parallel_loop3A_118], %parallel_loop3A_116 {strides = array<i32>} : memref<25x80xi32, #tpu.memory_space<vmem>>, vector<16xi32>,
        %parallel_loop3A_120 = arith.constant 80 : i32
        %parallel_loop3A_121 = arith.muli %parallel_loop3A_96, %parallel_loop3A_120 : i32
        %parallel_loop3A_122 = arith.constant 16 : i32
        %parallel_loop3A_123 = arith.addi %parallel_loop3A_121, %parallel_loop3A_122 : i32
        %parallel_loop3A_124 = arith.index_cast %parallel_loop3A_123 : i32 to index
        %parallel_loop3A_125 = tpu.vector_load %arg16[%parallel_loop3A_124] {strides = array<i32>} : memref<2000xi32, #tpu.memory_space<vmem>>, vector<16xi32>,
        %parallel_loop3A_126 = arith.index_cast %parallel_loop3A_123 : i32 to index
        %parallel_loop3A_127 = tpu.vector_load %arg18[%parallel_loop3A_126] {strides = array<i32>} : memref<2000xi32, #tpu.memory_space<vmem>>, vector<16xi32>,
        %parallel_loop3A_128 = arith.constant 16 : i32
        %parallel_loop3A_129 = vector.broadcast %parallel_loop3A_128 : i32 to vector<16xi32>
        %parallel_loop3A_130 = arith.muli %parallel_loop3A_125, %parallel_loop3A_129 : vector<16xi32>
        %parallel_loop3A_131 = arith.addi %parallel_loop3A_130, %parallel_loop3A_127 : vector<16xi32>
        %parallel_loop3A_132 = arith.index_cast %parallel_loop3A_96 : i32 to index
        %parallel_loop3A_133 = arith.constant 16 : index
        %parallel_loop3A_134 = tpu.vector_load %arg21[%parallel_loop3A_132, %parallel_loop3A_133] {strides = array<i32>} : memref<25x80xi32, #tpu.memory_space<vmem>>, vector<16xi32>,
        tpu.vector_store %arg21[%parallel_loop3A_132, %parallel_loop3A_133], %parallel_loop3A_131 {strides = array<i32>} : memref<25x80xi32, #tpu.memory_space<vmem>>, vector<16xi32>,
        %parallel_loop3A_135 = arith.index_cast %parallel_loop3A_96 : i32 to index
        %parallel_loop3A_136 = arith.constant 16 : index
        %parallel_loop3A_137 = tpu.vector_load %arg22[%parallel_loop3A_135, %parallel_loop3A_136] {strides = array<i32>} : memref<25x80xi32, #tpu.memory_space<vmem>>, vector<16xi32>,
        tpu.vector_store %arg22[%parallel_loop3A_135, %parallel_loop3A_136], %parallel_loop3A_125 {strides = array<i32>} : memref<25x80xi32, #tpu.memory_space<vmem>>, vector<16xi32>,
        %parallel_loop3A_138 = arith.index_cast %parallel_loop3A_123 : i32 to index
        %parallel_loop3A_139 = tpu.vector_load %arg17[%parallel_loop3A_138] {strides = array<i32>} : memref<2000xi32, #tpu.memory_space<vmem>>, vector<16xi32>,
        %parallel_loop3A_140 = arith.index_cast %parallel_loop3A_96 : i32 to index
        %parallel_loop3A_141 = arith.constant 16 : index
        %parallel_loop3A_142 = tpu.vector_load %arg23[%parallel_loop3A_140, %parallel_loop3A_141] {strides = array<i32>} : memref<25x80xi32, #tpu.memory_space<vmem>>, vector<16xi32>,
        tpu.vector_store %arg23[%parallel_loop3A_140, %parallel_loop3A_141], %parallel_loop3A_139 {strides = array<i32>} : memref<25x80xi32, #tpu.memory_space<vmem>>, vector<16xi32>,
        %parallel_loop3A_143 = arith.constant 80 : i32
        %parallel_loop3A_144 = arith.muli %parallel_loop3A_96, %parallel_loop3A_143 : i32
        %parallel_loop3A_145 = arith.constant 32 : i32
        %parallel_loop3A_146 = arith.addi %parallel_loop3A_144, %parallel_loop3A_145 : i32
        %parallel_loop3A_147 = arith.index_cast %parallel_loop3A_146 : i32 to index
        %parallel_loop3A_148 = tpu.vector_load %arg16[%parallel_loop3A_147] {strides = array<i32>} : memref<2000xi32, #tpu.memory_space<vmem>>, vector<16xi32>,
        %parallel_loop3A_149 = arith.index_cast %parallel_loop3A_146 : i32 to index
        %parallel_loop3A_150 = tpu.vector_load %arg18[%parallel_loop3A_149] {strides = array<i32>} : memref<2000xi32, #tpu.memory_space<vmem>>, vector<16xi32>,
        %parallel_loop3A_151 = arith.constant 16 : i32
        %parallel_loop3A_152 = vector.broadcast %parallel_loop3A_151 : i32 to vector<16xi32>
        %parallel_loop3A_153 = arith.muli %parallel_loop3A_148, %parallel_loop3A_152 : vector<16xi32>
        %parallel_loop3A_154 = arith.addi %parallel_loop3A_153, %parallel_loop3A_150 : vector<16xi32>
        %parallel_loop3A_155 = arith.index_cast %parallel_loop3A_96 : i32 to index
        %parallel_loop3A_156 = arith.constant 32 : index
        %parallel_loop3A_157 = tpu.vector_load %arg21[%parallel_loop3A_155, %parallel_loop3A_156] {strides = array<i32>} : memref<25x80xi32, #tpu.memory_space<vmem>>, vector<16xi32>,
        tpu.vector_store %arg21[%parallel_loop3A_155, %parallel_loop3A_156], %parallel_loop3A_154 {strides = array<i32>} : memref<25x80xi32, #tpu.memory_space<vmem>>, vector<16xi32>,
        %parallel_loop3A_158 = arith.index_cast %parallel_loop3A_96 : i32 to index
        %parallel_loop3A_159 = arith.constant 32 : index
        %parallel_loop3A_160 = tpu.vector_load %arg22[%parallel_loop3A_158, %parallel_loop3A_159] {strides = array<i32>} : memref<25x80xi32, #tpu.memory_space<vmem>>, vector<16xi32>,
        tpu.vector_store %arg22[%parallel_loop3A_158, %parallel_loop3A_159], %parallel_loop3A_148 {strides = array<i32>} : memref<25x80xi32, #tpu.memory_space<vmem>>, vector<16xi32>,
        %parallel_loop3A_161 = arith.index_cast %parallel_loop3A_146 : i32 to index
        %parallel_loop3A_162 = tpu.vector_load %arg17[%parallel_loop3A_161] {strides = array<i32>} : memref<2000xi32, #tpu.memory_space<vmem>>, vector<16xi32>,
        %parallel_loop3A_163 = arith.index_cast %parallel_loop3A_96 : i32 to index
        %parallel_loop3A_164 = arith.constant 32 : index
        %parallel_loop3A_165 = tpu.vector_load %arg23[%parallel_loop3A_163, %parallel_loop3A_164] {strides = array<i32>} : memref<25x80xi32, #tpu.memory_space<vmem>>, vector<16xi32>,
        tpu.vector_store %arg23[%parallel_loop3A_163, %parallel_loop3A_164], %parallel_loop3A_162 {strides = array<i32>} : memref<25x80xi32, #tpu.memory_space<vmem>>, vector<16xi32>,
        %parallel_loop3A_166 = arith.constant 80 : i32
        %parallel_loop3A_167 = arith.muli %parallel_loop3A_96, %parallel_loop3A_166 : i32
        %parallel_loop3A_168 = arith.constant 48 : i32
        %parallel_loop3A_169 = arith.addi %parallel_loop3A_167, %parallel_loop3A_168 : i32
        %parallel_loop3A_170 = arith.index_cast %parallel_loop3A_169 : i32 to index
        %parallel_loop3A_171 = tpu.vector_load %arg16[%parallel_loop3A_170] {strides = array<i32>} : memref<2000xi32, #tpu.memory_space<vmem>>, vector<16xi32>,
        %parallel_loop3A_172 = arith.index_cast %parallel_loop3A_169 : i32 to index
        %parallel_loop3A_173 = tpu.vector_load %arg18[%parallel_loop3A_172] {strides = array<i32>} : memref<2000xi32, #tpu.memory_space<vmem>>, vector<16xi32>,
        %parallel_loop3A_174 = arith.constant 16 : i32
        %parallel_loop3A_175 = vector.broadcast %parallel_loop3A_174 : i32 to vector<16xi32>
        %parallel_loop3A_176 = arith.muli %parallel_loop3A_171, %parallel_loop3A_175 : vector<16xi32>
        %parallel_loop3A_177 = arith.addi %parallel_loop3A_176, %parallel_loop3A_173 : vector<16xi32>
        %parallel_loop3A_178 = arith.index_cast %parallel_loop3A_96 : i32 to index
        %parallel_loop3A_179 = arith.constant 48 : index
        %parallel_loop3A_180 = tpu.vector_load %arg21[%parallel_loop3A_178, %parallel_loop3A_179] {strides = array<i32>} : memref<25x80xi32, #tpu.memory_space<vmem>>, vector<16xi32>,
        tpu.vector_store %arg21[%parallel_loop3A_178, %parallel_loop3A_179], %parallel_loop3A_177 {strides = array<i32>} : memref<25x80xi32, #tpu.memory_space<vmem>>, vector<16xi32>,
        %parallel_loop3A_181 = arith.index_cast %parallel_loop3A_96 : i32 to index
        %parallel_loop3A_182 = arith.constant 48 : index
        %parallel_loop3A_183 = tpu.vector_load %arg22[%parallel_loop3A_181, %parallel_loop3A_182] {strides = array<i32>} : memref<25x80xi32, #tpu.memory_space<vmem>>, vector<16xi32>,
        tpu.vector_store %arg22[%parallel_loop3A_181, %parallel_loop3A_182], %parallel_loop3A_171 {strides = array<i32>} : memref<25x80xi32, #tpu.memory_space<vmem>>, vector<16xi32>,
        %parallel_loop3A_184 = arith.index_cast %parallel_loop3A_169 : i32 to index
        %parallel_loop3A_185 = tpu.vector_load %arg17[%parallel_loop3A_184] {strides = array<i32>} : memref<2000xi32, #tpu.memory_space<vmem>>, vector<16xi32>,
        %parallel_loop3A_186 = arith.index_cast %parallel_loop3A_96 : i32 to index
        %parallel_loop3A_187 = arith.constant 48 : index
        %parallel_loop3A_188 = tpu.vector_load %arg23[%parallel_loop3A_186, %parallel_loop3A_187] {strides = array<i32>} : memref<25x80xi32, #tpu.memory_space<vmem>>, vector<16xi32>,
        tpu.vector_store %arg23[%parallel_loop3A_186, %parallel_loop3A_187], %parallel_loop3A_185 {strides = array<i32>} : memref<25x80xi32, #tpu.memory_space<vmem>>, vector<16xi32>,
        %parallel_loop3A_189 = arith.constant 80 : i32
        %parallel_loop3A_190 = arith.muli %parallel_loop3A_96, %parallel_loop3A_189 : i32
        %parallel_loop3A_191 = arith.constant 64 : i32
        %parallel_loop3A_192 = arith.addi %parallel_loop3A_190, %parallel_loop3A_191 : i32
        %parallel_loop3A_193 = arith.index_cast %parallel_loop3A_192 : i32 to index
        %parallel_loop3A_194 = tpu.vector_load %arg16[%parallel_loop3A_193] {strides = array<i32>} : memref<2000xi32, #tpu.memory_space<vmem>>, vector<16xi32>,
        %parallel_loop3A_195 = arith.index_cast %parallel_loop3A_192 : i32 to index
        %parallel_loop3A_196 = tpu.vector_load %arg18[%parallel_loop3A_195] {strides = array<i32>} : memref<2000xi32, #tpu.memory_space<vmem>>, vector<16xi32>,
        %parallel_loop3A_197 = arith.constant 16 : i32
        %parallel_loop3A_198 = vector.broadcast %parallel_loop3A_197 : i32 to vector<16xi32>
        %parallel_loop3A_199 = arith.muli %parallel_loop3A_194, %parallel_loop3A_198 : vector<16xi32>
        %parallel_loop3A_200 = arith.addi %parallel_loop3A_199, %parallel_loop3A_196 : vector<16xi32>
        %parallel_loop3A_201 = arith.index_cast %parallel_loop3A_96 : i32 to index
        %parallel_loop3A_202 = arith.constant 64 : index
        %parallel_loop3A_203 = tpu.vector_load %arg21[%parallel_loop3A_201, %parallel_loop3A_202] {strides = array<i32>} : memref<25x80xi32, #tpu.memory_space<vmem>>, vector<16xi32>,
        tpu.vector_store %arg21[%parallel_loop3A_201, %parallel_loop3A_202], %parallel_loop3A_200 {strides = array<i32>} : memref<25x80xi32, #tpu.memory_space<vmem>>, vector<16xi32>,
        %parallel_loop3A_204 = arith.index_cast %parallel_loop3A_96 : i32 to index
        %parallel_loop3A_205 = arith.constant 64 : index
        %parallel_loop3A_206 = tpu.vector_load %arg22[%parallel_loop3A_204, %parallel_loop3A_205] {strides = array<i32>} : memref<25x80xi32, #tpu.memory_space<vmem>>, vector<16xi32>,
        tpu.vector_store %arg22[%parallel_loop3A_204, %parallel_loop3A_205], %parallel_loop3A_194 {strides = array<i32>} : memref<25x80xi32, #tpu.memory_space<vmem>>, vector<16xi32>,
        %parallel_loop3A_207 = arith.index_cast %parallel_loop3A_192 : i32 to index
        %parallel_loop3A_208 = tpu.vector_load %arg17[%parallel_loop3A_207] {strides = array<i32>} : memref<2000xi32, #tpu.memory_space<vmem>>, vector<16xi32>,
        %parallel_loop3A_209 = arith.index_cast %parallel_loop3A_96 : i32 to index
        %parallel_loop3A_210 = arith.constant 64 : index
        %parallel_loop3A_211 = tpu.vector_load %arg23[%parallel_loop3A_209, %parallel_loop3A_210] {strides = array<i32>} : memref<25x80xi32, #tpu.memory_space<vmem>>, vector<16xi32>,
        tpu.vector_store %arg23[%parallel_loop3A_209, %parallel_loop3A_210], %parallel_loop3A_208 {strides = array<i32>} : memref<25x80xi32, #tpu.memory_space<vmem>>, vector<16xi32>,
      } {sc.loop_unroll_factor = 2 : i64, sc.parallel_access}
      %scan3A_32 = arith.constant 0 : i32
      %scan3A_33 = arith.constant 25 : i32
      %scan3A_34 = arith.addi %scan3A_32, %scan3A_33 : i32
      %scan3A_35 = arith.constant 1 : i32
      scf.for %scan3A_96 = %scan3A_32 to %scan3A_34 step %scan3A_35  : i32 {
        %mul3A_97 = arith.constant 80 : i32
        %mul3A_98 = arith.muli %scan3A_96, %mul3A_97 : i32
        %dma_start3A_99 = tpu.memref_slice %arg20[%mul3A_98] : memref<2000xf32, #tpu.memory_space<vmem>> -> memref<80xf32, #tpu.memory_space<vmem>>
        %dma_start3A_100 = arith.constant 0 : i32
        %dma_start3A_101 = tpu.memref_slice %arg21[%scan3A_96, %dma_start3A_100] : memref<25x80xi32, #tpu.memory_space<vmem>> -> memref<1x80xi32, #tpu.memory_space<vmem>>
        %dma_start3A_102 = tpu.memref_squeeze %dma_start3A_101 : memref<1x80xi32, #tpu.memory_space<vmem>> -> memref<80xi32, #tpu.memory_space<vmem>>
        %dma_start3A_103 = arith.constant 0 : i32
        %dma_start3A_104 = tpu.memref_slice %arg3[%dma_start3A_103] : memref<160000xf32, #tpu.memory_space<hbm>> -> memref<160000xf32, #tpu.memory_space<hbm>>
        tpu.enqueue_indirect_dma source(%dma_start3A_104 : memref<160000xf32, #tpu.memory_space<hbm>>) target(%dma_start3A_99 : memref<80xf32, #tpu.memory_space<vmem>>) offsets(%dma_start3A_102 : memref<80xi32, #tpu.memory_space<vmem>>) semaphore(%arg26 : memref<!tpu.dma_semaphore, #tpu.memory_space<semaphore_mem>>)
      }
      %scan3A_36 = arith.constant 25 : i32
      %scan3A_37 = arith.constant 0 : i32
      %scan3A_38 = arith.constant 25 : i32
      %scan3A_39 = arith.addi %scan3A_37, %scan3A_38 : i32
      %scan3A_40 = arith.constant 1 : i32
      scf.for %scan3A_96 = %scan3A_37 to %scan3A_39 step %scan3A_40  : i32 {
        %dma_wait3A_97 = arith.constant 0 : i32
        %dma_wait3A_98 = arith.constant 0 : i32
        %dma_wait3A_99 = tpu.memref_slice %arg20[%dma_wait3A_98] : memref<2000xf32, #tpu.memory_space<vmem>> -> memref<80xf32, #tpu.memory_space<vmem>>
        %dma_wait3A_100 = arith.constant 0 : i32
        %dma_wait3A_101 = tpu.memref_slice %arg21[%dma_wait3A_97, %dma_wait3A_100] : memref<25x80xi32, #tpu.memory_space<vmem>> -> memref<1x80xi32, #tpu.memory_space<vmem>>
        %dma_wait3A_102 = tpu.memref_squeeze %dma_wait3A_101 : memref<1x80xi32, #tpu.memory_space<vmem>> -> memref<80xi32, #tpu.memory_space<vmem>>
        %dma_wait3A_103 = arith.constant 0 : i32
        %dma_wait3A_104 = tpu.memref_slice %arg3[%dma_wait3A_103] : memref<160000xf32, #tpu.memory_space<hbm>> -> memref<160000xf32, #tpu.memory_space<hbm>>
        tpu.wait_indirect_dma semaphore(%arg26 : memref<!tpu.dma_semaphore, #tpu.memory_space<semaphore_mem>>) src(%dma_wait3A_104 : memref<160000xf32, #tpu.memory_space<hbm>>) dst(%dma_wait3A_99 : memref<80xf32, #tpu.memory_space<vmem>>)
      }
      %scan3A_41 = arith.constant 25 : i32
      %parallel_loop3A_42 = arith.constant 0 : i32
      %parallel_loop3A_43 = arith.constant 125 : i32
      %parallel_loop3A_44 = arith.constant 1 : i32
      scf.for %parallel_loop3A_96 = %parallel_loop3A_42 to %parallel_loop3A_43 step %parallel_loop3A_44  : i32 {
        %parallel_loop3A_97 = arith.constant 16 : i32
        %parallel_loop3A_98 = arith.muli %parallel_loop3A_96, %parallel_loop3A_97 : i32
        %parallel_loop3A_99 = arith.index_cast %parallel_loop3A_98 : i32 to index
        %parallel_loop3A_100 = tpu.vector_load %arg20[%parallel_loop3A_99] {strides = array<i32>} : memref<2000xf32, #tpu.memory_space<vmem>>, vector<16xf32>,
        %parallel_loop3A_101 = math.exp %parallel_loop3A_100 : vector<16xf32>
        %parallel_loop3A_102 = arith.constant 1.000000e+00 : f32
        %parallel_loop3A_103 = vector.broadcast %parallel_loop3A_102 : f32 to vector<16xf32>
        %parallel_loop3A_104 = arith.addf %parallel_loop3A_103, %parallel_loop3A_101 : vector<16xf32>
        %parallel_loop3A_105 = arith.constant 1.000000e+00 : f32
        %parallel_loop3A_106 = vector.broadcast %parallel_loop3A_105 : f32 to vector<16xf32>
        %parallel_loop3A_107 = arith.divf %parallel_loop3A_106, %parallel_loop3A_104 : vector<16xf32>
        %parallel_loop3A_108 = arith.constant 16 : i32
        %parallel_loop3A_109 = arith.muli %parallel_loop3A_96, %parallel_loop3A_108 : i32
        %parallel_loop3A_110 = arith.index_cast %parallel_loop3A_109 : i32 to index
        %parallel_loop3A_111 = tpu.vector_load %arg19[%parallel_loop3A_110] {strides = array<i32>} : memref<2000xf32, #tpu.memory_space<vmem>>, vector<16xf32>,
        %parallel_loop3A_112 = arith.mulf %parallel_loop3A_111, %parallel_loop3A_107 : vector<16xf32>
        %parallel_loop3A_113 = arith.constant 16 : i32
        %parallel_loop3A_114 = arith.muli %parallel_loop3A_96, %parallel_loop3A_113 : i32
        %parallel_loop3A_115 = arith.index_cast %parallel_loop3A_114 : i32 to index
        %parallel_loop3A_116 = tpu.vector_load %arg19[%parallel_loop3A_115] {strides = array<i32>} : memref<2000xf32, #tpu.memory_space<vmem>>, vector<16xf32>,
        tpu.vector_store %arg19[%parallel_loop3A_115], %parallel_loop3A_112 {strides = array<i32>} : memref<2000xf32, #tpu.memory_space<vmem>>, vector<16xf32>,
      } {sc.loop_unroll_factor = 4 : i64, sc.parallel_access}
      %scan3A_45 = arith.constant 0 : i32
      %scan3A_46 = arith.constant 25 : i32
      %scan3A_47 = arith.addi %scan3A_45, %scan3A_46 : i32
      %scan3A_48 = arith.constant 1 : i32
      scf.for %scan3A_96 = %scan3A_45 to %scan3A_47 step %scan3A_48  : i32 {
        %mul3A_97 = arith.constant 80 : i32
        %mul3A_98 = arith.muli %scan3A_96, %mul3A_97 : i32
        %dma_start3A_99 = tpu.memref_slice %arg19[%mul3A_98] : memref<2000xf32, #tpu.memory_space<vmem>> -> memref<80xf32, #tpu.memory_space<vmem>>
        %dma_start3A_100 = arith.constant 0 : i32
        %dma_start3A_101 = tpu.memref_slice %arg23[%scan3A_96, %dma_start3A_100] : memref<25x80xi32, #tpu.memory_space<vmem>> -> memref<1x80xi32, #tpu.memory_space<vmem>>
        %dma_start3A_102 = tpu.memref_squeeze %dma_start3A_101 : memref<1x80xi32, #tpu.memory_space<vmem>> -> memref<80xi32, #tpu.memory_space<vmem>>
        %dma_start3A_103 = arith.constant 0 : i32
        %dma_start3A_104 = tpu.memref_slice %arg14[%dma_start3A_103] : memref<10240xf32, #tpu.memory_space<vmem_shared>> -> memref<10240xf32, #tpu.memory_space<vmem_shared>>
        tpu.enqueue_indirect_dma source(%dma_start3A_99 : memref<80xf32, #tpu.memory_space<vmem>>) target(%dma_start3A_104 : memref<10240xf32, #tpu.memory_space<vmem_shared>>) offsets(%dma_start3A_102 : memref<80xi32, #tpu.memory_space<vmem>>) semaphore(%arg28 : memref<!tpu.dma_semaphore, #tpu.memory_space<semaphore_mem>>) {add = true}
      }
      %scan3A_49 = arith.constant 25 : i32
      %dma_start3A = arith.constant 0 : i32
      %dma_start3A_50 = arith.constant 0 : i32
      %dma_start3A_51 = tpu.memref_slice %arg22[%dma_start3A, %dma_start3A_50] : memref<25x80xi32, #tpu.memory_space<vmem>> -> memref<1x80xi32, #tpu.memory_space<vmem>>
      %dma_start3A_52 = tpu.memref_squeeze %dma_start3A_51 : memref<1x80xi32, #tpu.memory_space<vmem>> -> memref<80xi32, #tpu.memory_space<vmem>>
      %dma_start3A_53 = arith.constant 0 : i32
      %dma_start3A_54 = arith.constant 0 : i32
      %dma_start3A_55 = tpu.memref_slice %arg2[%dma_start3A_53, %dma_start3A_54] : memref<10000x128xf32, #tpu.memory_space<hbm>> -> memref<10000x128xf32, #tpu.memory_space<hbm>>
      tpu.enqueue_indirect_dma source(%dma_start3A_55 : memref<10000x128xf32, #tpu.memory_space<hbm>>) target(%arg24 : memref<80x128xf32, #tpu.memory_space<vmem>>) offsets(%dma_start3A_52 : memref<80xi32, #tpu.memory_space<vmem>>) semaphore(%arg26 : memref<!tpu.dma_semaphore, #tpu.memory_space<semaphore_mem>>)
      %scan3A_56 = arith.constant 0 : i32
      %scan3A_57 = arith.constant 12 : i32
      %scan3A_58 = arith.addi %scan3A_56, %scan3A_57 : i32
      %scan3A_59 = arith.constant 1 : i32
      scf.for %scan3A_96 = %scan3A_56 to %scan3A_58 step %scan3A_59  : i32 {
        %mul3A_97 = arith.constant 2 : i32
        %mul3A_98 = arith.muli %mul3A_97, %scan3A_96 : i32
        %dma_wait3A_99 = arith.constant 0 : i32
        %dma_wait3A_100 = arith.constant 0 : i32
        %dma_wait3A_101 = tpu.memref_slice %arg22[%dma_wait3A_99, %dma_wait3A_100] : memref<25x80xi32, #tpu.memory_space<vmem>> -> memref<1x80xi32, #tpu.memory_space<vmem>>
        %dma_wait3A_102 = tpu.memref_squeeze %dma_wait3A_101 : memref<1x80xi32, #tpu.memory_space<vmem>> -> memref<80xi32, #tpu.memory_space<vmem>>
        %dma_wait3A_103 = arith.constant 0 : i32
        %dma_wait3A_104 = arith.constant 0 : i32
        %dma_wait3A_105 = tpu.memref_slice %arg2[%dma_wait3A_103, %dma_wait3A_104] : memref<10000x128xf32, #tpu.memory_space<hbm>> -> memref<10000x128xf32, #tpu.memory_space<hbm>>
        tpu.wait_indirect_dma semaphore(%arg26 : memref<!tpu.dma_semaphore, #tpu.memory_space<semaphore_mem>>) src(%dma_wait3A_105 : memref<10000x128xf32, #tpu.memory_space<hbm>>) dst(%arg24 : memref<80x128xf32, #tpu.memory_space<vmem>>)
        %gt3A = arith.constant 0 : i32
        %gt3A_106 = arith.cmpi sgt, %scan3A_96, %gt3A : i32
        %convert_element_type3A = arith.extui %gt3A_106 : i1 to i32
        %cond3A = arith.constant 0 : i32
        %cond3A_107 = arith.cmpi ne, %convert_element_type3A, %cond3A : i32
        scf.if %cond3A_107 {
          %dma_wait3A_160 = arith.constant 0 : i32
          %dma_wait3A_161 = arith.constant 0 : i32
          %dma_wait3A_162 = tpu.memref_slice %arg23[%dma_wait3A_160, %dma_wait3A_161] : memref<25x80xi32, #tpu.memory_space<vmem>> -> memref<1x80xi32, #tpu.memory_space<vmem>>
          %dma_wait3A_163 = tpu.memref_squeeze %dma_wait3A_162 : memref<1x80xi32, #tpu.memory_space<vmem>> -> memref<80xi32, #tpu.memory_space<vmem>>
          %dma_wait3A_164 = arith.constant 0 : i32
          %dma_wait3A_165 = arith.constant 0 : i32
          %dma_wait3A_166 = tpu.memref_slice %arg13[%dma_wait3A_164, %dma_wait3A_165] : memref<10000x128xf32, #tpu.memory_space<vmem_shared>> -> memref<10000x128xf32, #tpu.memory_space<vmem_shared>>
          tpu.wait_indirect_dma semaphore(%arg27 : memref<!tpu.dma_semaphore, #tpu.memory_space<semaphore_mem>>) src(%arg25 : memref<80x128xf32, #tpu.memory_space<vmem>>) dst(%dma_wait3A_166 : memref<10000x128xf32, #tpu.memory_space<vmem_shared>>)
        } else {
        }
        %add3A_108 = arith.constant 1 : i32
        %add3A_109 = arith.addi %mul3A_98, %add3A_108 : i32
        %dma_start3A_110 = arith.constant 0 : i32
        %dma_start3A_111 = tpu.memref_slice %arg22[%add3A_109, %dma_start3A_110] : memref<25x80xi32, #tpu.memory_space<vmem>> -> memref<1x80xi32, #tpu.memory_space<vmem>>
        %dma_start3A_112 = tpu.memref_squeeze %dma_start3A_111 : memref<1x80xi32, #tpu.memory_space<vmem>> -> memref<80xi32, #tpu.memory_space<vmem>>
        %dma_start3A_113 = arith.constant 0 : i32
        %dma_start3A_114 = arith.constant 0 : i32
        %dma_start3A_115 = tpu.memref_slice %arg2[%dma_start3A_113, %dma_start3A_114] : memref<10000x128xf32, #tpu.memory_space<hbm>> -> memref<10000x128xf32, #tpu.memory_space<hbm>>
        tpu.enqueue_indirect_dma source(%dma_start3A_115 : memref<10000x128xf32, #tpu.memory_space<hbm>>) target(%arg25 : memref<80x128xf32, #tpu.memory_space<vmem>>) offsets(%dma_start3A_112 : memref<80xi32, #tpu.memory_space<vmem>>) semaphore(%arg26 : memref<!tpu.dma_semaphore, #tpu.memory_space<semaphore_mem>>)
        %parallel_loop3A_116 = arith.constant 0 : i32
        %parallel_loop3A_117 = arith.constant 80 : i32
        %parallel_loop3A_118 = arith.constant 1 : i32
        scf.for %parallel_loop3A_160 = %parallel_loop3A_116 to %parallel_loop3A_117 step %parallel_loop3A_118  : i32 {
          %parallel_loop3A_161 = arith.constant 80 : i32
          %parallel_loop3A_162 = arith.muli %mul3A_98, %parallel_loop3A_161 : i32
          %parallel_loop3A_163 = arith.addi %parallel_loop3A_162, %parallel_loop3A_160 : i32
          %parallel_loop3A_164 = vector.broadcast %parallel_loop3A_163 : i32 to vector<16xi32>
          %parallel_loop3A_165 = tpu.vector_load_idx %arg18[%parallel_loop3A_164] : memref<2000xi32, #tpu.memory_space<vmem>>[vector<16xi32>], vector<16xi32>,
          %parallel_loop3A_166 = tpu.vector_load_idx %arg19[%parallel_loop3A_164] : memref<2000xf32, #tpu.memory_space<vmem>>[vector<16xi32>], vector<16xf32>,
          %parallel_loop3A_167 = arith.constant 0 : i32
          %parallel_loop3A_168 = vector.broadcast %parallel_loop3A_167 : i32 to vector<16xi32>
          %parallel_loop3A_169 = arith.addi %iota3A, %parallel_loop3A_168 : vector<16xi32>
          %parallel_loop3A_170 = tpu.vector_load_idx %arg15[%parallel_loop3A_165, %parallel_loop3A_169] : memref<16x128xf32, #tpu.memory_space<vmem>>[vector<16xi32>, vector<16xi32>], vector<16xf32>,
          %parallel_loop3A_171 = arith.index_cast %parallel_loop3A_160 : i32 to index
          %parallel_loop3A_172 = arith.constant 0 : index
          %parallel_loop3A_173 = tpu.vector_load %arg24[%parallel_loop3A_171, %parallel_loop3A_172] {strides = array<i32>} : memref<80x128xf32, #tpu.memory_space<vmem>>, vector<16xf32>,
          %parallel_loop3A_174 = arith.addf %parallel_loop3A_173, %parallel_loop3A_170 : vector<16xf32>
          %parallel_loop3A_175 = math.exp %parallel_loop3A_174 : vector<16xf32>
          %parallel_loop3A_176 = arith.constant 1.000000e+00 : f32
          %parallel_loop3A_177 = vector.broadcast %parallel_loop3A_176 : f32 to vector<16xf32>
          %parallel_loop3A_178 = arith.addf %parallel_loop3A_175, %parallel_loop3A_177 : vector<16xf32>
          %parallel_loop3A_179 = arith.constant 2.000000e+00 : f32
          %parallel_loop3A_180 = vector.broadcast %parallel_loop3A_179 : f32 to vector<16xf32>
          %parallel_loop3A_181 = arith.divf %parallel_loop3A_180, %parallel_loop3A_178 : vector<16xf32>
          %parallel_loop3A_182 = arith.constant 1.000000e+00 : f32
          %parallel_loop3A_183 = vector.broadcast %parallel_loop3A_182 : f32 to vector<16xf32>
          %parallel_loop3A_184 = arith.subf %parallel_loop3A_183, %parallel_loop3A_181 : vector<16xf32>
          %parallel_loop3A_185 = arith.mulf %parallel_loop3A_184, %parallel_loop3A_166 : vector<16xf32>
          %parallel_loop3A_186 = arith.index_cast %parallel_loop3A_160 : i32 to index
          %parallel_loop3A_187 = arith.constant 0 : index
          %parallel_loop3A_188 = tpu.vector_load %arg24[%parallel_loop3A_186, %parallel_loop3A_187] {strides = array<i32>} : memref<80x128xf32, #tpu.memory_space<vmem>>, vector<16xf32>,
          tpu.vector_store %arg24[%parallel_loop3A_186, %parallel_loop3A_187], %parallel_loop3A_185 {strides = array<i32>} : memref<80x128xf32, #tpu.memory_space<vmem>>, vector<16xf32>,
          %parallel_loop3A_189 = arith.constant 16 : i32
          %parallel_loop3A_190 = vector.broadcast %parallel_loop3A_189 : i32 to vector<16xi32>
          %parallel_loop3A_191 = arith.addi %iota3A, %parallel_loop3A_190 : vector<16xi32>
          %parallel_loop3A_192 = tpu.vector_load_idx %arg15[%parallel_loop3A_165, %parallel_loop3A_191] : memref<16x128xf32, #tpu.memory_space<vmem>>[vector<16xi32>, vector<16xi32>], vector<16xf32>,
          %parallel_loop3A_193 = arith.index_cast %parallel_loop3A_160 : i32 to index
          %parallel_loop3A_194 = arith.constant 16 : index
          %parallel_loop3A_195 = tpu.vector_load %arg24[%parallel_loop3A_193, %parallel_loop3A_194] {strides = array<i32>} : memref<80x128xf32, #tpu.memory_space<vmem>>, vector<16xf32>,
          %parallel_loop3A_196 = arith.addf %parallel_loop3A_195, %parallel_loop3A_192 : vector<16xf32>
          %parallel_loop3A_197 = math.exp %parallel_loop3A_196 : vector<16xf32>
          %parallel_loop3A_198 = arith.constant 1.000000e+00 : f32
          %parallel_loop3A_199 = vector.broadcast %parallel_loop3A_198 : f32 to vector<16xf32>
          %parallel_loop3A_200 = arith.addf %parallel_loop3A_197, %parallel_loop3A_199 : vector<16xf32>
          %parallel_loop3A_201 = arith.constant 2.000000e+00 : f32
          %parallel_loop3A_202 = vector.broadcast %parallel_loop3A_201 : f32 to vector<16xf32>
          %parallel_loop3A_203 = arith.divf %parallel_loop3A_202, %parallel_loop3A_200 : vector<16xf32>
          %parallel_loop3A_204 = arith.constant 1.000000e+00 : f32
          %parallel_loop3A_205 = vector.broadcast %parallel_loop3A_204 : f32 to vector<16xf32>
          %parallel_loop3A_206 = arith.subf %parallel_loop3A_205, %parallel_loop3A_203 : vector<16xf32>
          %parallel_loop3A_207 = arith.mulf %parallel_loop3A_206, %parallel_loop3A_166 : vector<16xf32>
          %parallel_loop3A_208 = arith.index_cast %parallel_loop3A_160 : i32 to index
          %parallel_loop3A_209 = arith.constant 16 : index
          %parallel_loop3A_210 = tpu.vector_load %arg24[%parallel_loop3A_208, %parallel_loop3A_209] {strides = array<i32>} : memref<80x128xf32, #tpu.memory_space<vmem>>, vector<16xf32>,
          tpu.vector_store %arg24[%parallel_loop3A_208, %parallel_loop3A_209], %parallel_loop3A_207 {strides = array<i32>} : memref<80x128xf32, #tpu.memory_space<vmem>>, vector<16xf32>,
          %parallel_loop3A_211 = arith.constant 32 : i32
          %parallel_loop3A_212 = vector.broadcast %parallel_loop3A_211 : i32 to vector<16xi32>
          %parallel_loop3A_213 = arith.addi %iota3A, %parallel_loop3A_212 : vector<16xi32>
          %parallel_loop3A_214 = tpu.vector_load_idx %arg15[%parallel_loop3A_165, %parallel_loop3A_213] : memref<16x128xf32, #tpu.memory_space<vmem>>[vector<16xi32>, vector<16xi32>], vector<16xf32>,
          %parallel_loop3A_215 = arith.index_cast %parallel_loop3A_160 : i32 to index
          %parallel_loop3A_216 = arith.constant 32 : index
          %parallel_loop3A_217 = tpu.vector_load %arg24[%parallel_loop3A_215, %parallel_loop3A_216] {strides = array<i32>} : memref<80x128xf32, #tpu.memory_space<vmem>>, vector<16xf32>,
          %parallel_loop3A_218 = arith.addf %parallel_loop3A_217, %parallel_loop3A_214 : vector<16xf32>
          %parallel_loop3A_219 = math.exp %parallel_loop3A_218 : vector<16xf32>
          %parallel_loop3A_220 = arith.constant 1.000000e+00 : f32
          %parallel_loop3A_221 = vector.broadcast %parallel_loop3A_220 : f32 to vector<16xf32>
          %parallel_loop3A_222 = arith.addf %parallel_loop3A_219, %parallel_loop3A_221 : vector<16xf32>
          %parallel_loop3A_223 = arith.constant 2.000000e+00 : f32
          %parallel_loop3A_224 = vector.broadcast %parallel_loop3A_223 : f32 to vector<16xf32>
          %parallel_loop3A_225 = arith.divf %parallel_loop3A_224, %parallel_loop3A_222 : vector<16xf32>
          %parallel_loop3A_226 = arith.constant 1.000000e+00 : f32
          %parallel_loop3A_227 = vector.broadcast %parallel_loop3A_226 : f32 to vector<16xf32>
          %parallel_loop3A_228 = arith.subf %parallel_loop3A_227, %parallel_loop3A_225 : vector<16xf32>
          %parallel_loop3A_229 = arith.mulf %parallel_loop3A_228, %parallel_loop3A_166 : vector<16xf32>
          %parallel_loop3A_230 = arith.index_cast %parallel_loop3A_160 : i32 to index
          %parallel_loop3A_231 = arith.constant 32 : index
          %parallel_loop3A_232 = tpu.vector_load %arg24[%parallel_loop3A_230, %parallel_loop3A_231] {strides = array<i32>} : memref<80x128xf32, #tpu.memory_space<vmem>>, vector<16xf32>,
          tpu.vector_store %arg24[%parallel_loop3A_230, %parallel_loop3A_231], %parallel_loop3A_229 {strides = array<i32>} : memref<80x128xf32, #tpu.memory_space<vmem>>, vector<16xf32>,
          %parallel_loop3A_233 = arith.constant 48 : i32
          %parallel_loop3A_234 = vector.broadcast %parallel_loop3A_233 : i32 to vector<16xi32>
          %parallel_loop3A_235 = arith.addi %iota3A, %parallel_loop3A_234 : vector<16xi32>
          %parallel_loop3A_236 = tpu.vector_load_idx %arg15[%parallel_loop3A_165, %parallel_loop3A_235] : memref<16x128xf32, #tpu.memory_space<vmem>>[vector<16xi32>, vector<16xi32>], vector<16xf32>,
          %parallel_loop3A_237 = arith.index_cast %parallel_loop3A_160 : i32 to index
          %parallel_loop3A_238 = arith.constant 48 : index
          %parallel_loop3A_239 = tpu.vector_load %arg24[%parallel_loop3A_237, %parallel_loop3A_238] {strides = array<i32>} : memref<80x128xf32, #tpu.memory_space<vmem>>, vector<16xf32>,
          %parallel_loop3A_240 = arith.addf %parallel_loop3A_239, %parallel_loop3A_236 : vector<16xf32>
          %parallel_loop3A_241 = math.exp %parallel_loop3A_240 : vector<16xf32>
          %parallel_loop3A_242 = arith.constant 1.000000e+00 : f32
          %parallel_loop3A_243 = vector.broadcast %parallel_loop3A_242 : f32 to vector<16xf32>
          %parallel_loop3A_244 = arith.addf %parallel_loop3A_241, %parallel_loop3A_243 : vector<16xf32>
          %parallel_loop3A_245 = arith.constant 2.000000e+00 : f32
          %parallel_loop3A_246 = vector.broadcast %parallel_loop3A_245 : f32 to vector<16xf32>
          %parallel_loop3A_247 = arith.divf %parallel_loop3A_246, %parallel_loop3A_244 : vector<16xf32>
          %parallel_loop3A_248 = arith.constant 1.000000e+00 : f32
          %parallel_loop3A_249 = vector.broadcast %parallel_loop3A_248 : f32 to vector<16xf32>
          %parallel_loop3A_250 = arith.subf %parallel_loop3A_249, %parallel_loop3A_247 : vector<16xf32>
          %parallel_loop3A_251 = arith.mulf %parallel_loop3A_250, %parallel_loop3A_166 : vector<16xf32>
          %parallel_loop3A_252 = arith.index_cast %parallel_loop3A_160 : i32 to index
          %parallel_loop3A_253 = arith.constant 48 : index
          %parallel_loop3A_254 = tpu.vector_load %arg24[%parallel_loop3A_252, %parallel_loop3A_253] {strides = array<i32>} : memref<80x128xf32, #tpu.memory_space<vmem>>, vector<16xf32>,
          tpu.vector_store %arg24[%parallel_loop3A_252, %parallel_loop3A_253], %parallel_loop3A_251 {strides = array<i32>} : memref<80x128xf32, #tpu.memory_space<vmem>>, vector<16xf32>,
          %parallel_loop3A_255 = arith.constant 64 : i32
          %parallel_loop3A_256 = vector.broadcast %parallel_loop3A_255 : i32 to vector<16xi32>
          %parallel_loop3A_257 = arith.addi %iota3A, %parallel_loop3A_256 : vector<16xi32>
          %parallel_loop3A_258 = tpu.vector_load_idx %arg15[%parallel_loop3A_165, %parallel_loop3A_257] : memref<16x128xf32, #tpu.memory_space<vmem>>[vector<16xi32>, vector<16xi32>], vector<16xf32>,
          %parallel_loop3A_259 = arith.index_cast %parallel_loop3A_160 : i32 to index
          %parallel_loop3A_260 = arith.constant 64 : index
          %parallel_loop3A_261 = tpu.vector_load %arg24[%parallel_loop3A_259, %parallel_loop3A_260] {strides = array<i32>} : memref<80x128xf32, #tpu.memory_space<vmem>>, vector<16xf32>,
          %parallel_loop3A_262 = arith.addf %parallel_loop3A_261, %parallel_loop3A_258 : vector<16xf32>
          %parallel_loop3A_263 = math.exp %parallel_loop3A_262 : vector<16xf32>
          %parallel_loop3A_264 = arith.constant 1.000000e+00 : f32
          %parallel_loop3A_265 = vector.broadcast %parallel_loop3A_264 : f32 to vector<16xf32>
          %parallel_loop3A_266 = arith.addf %parallel_loop3A_263, %parallel_loop3A_265 : vector<16xf32>
          %parallel_loop3A_267 = arith.constant 2.000000e+00 : f32
          %parallel_loop3A_268 = vector.broadcast %parallel_loop3A_267 : f32 to vector<16xf32>
          %parallel_loop3A_269 = arith.divf %parallel_loop3A_268, %parallel_loop3A_266 : vector<16xf32>
          %parallel_loop3A_270 = arith.constant 1.000000e+00 : f32
          %parallel_loop3A_271 = vector.broadcast %parallel_loop3A_270 : f32 to vector<16xf32>
          %parallel_loop3A_272 = arith.subf %parallel_loop3A_271, %parallel_loop3A_269 : vector<16xf32>
          %parallel_loop3A_273 = arith.mulf %parallel_loop3A_272, %parallel_loop3A_166 : vector<16xf32>
          %parallel_loop3A_274 = arith.index_cast %parallel_loop3A_160 : i32 to index
          %parallel_loop3A_275 = arith.constant 64 : index
          %parallel_loop3A_276 = tpu.vector_load %arg24[%parallel_loop3A_274, %parallel_loop3A_275] {strides = array<i32>} : memref<80x128xf32, #tpu.memory_space<vmem>>, vector<16xf32>,
          tpu.vector_store %arg24[%parallel_loop3A_274, %parallel_loop3A_275], %parallel_loop3A_273 {strides = array<i32>} : memref<80x128xf32, #tpu.memory_space<vmem>>, vector<16xf32>,
          %parallel_loop3A_277 = arith.constant 80 : i32
          %parallel_loop3A_278 = vector.broadcast %parallel_loop3A_277 : i32 to vector<16xi32>
          %parallel_loop3A_279 = arith.addi %iota3A, %parallel_loop3A_278 : vector<16xi32>
          %parallel_loop3A_280 = tpu.vector_load_idx %arg15[%parallel_loop3A_165, %parallel_loop3A_279] : memref<16x128xf32, #tpu.memory_space<vmem>>[vector<16xi32>, vector<16xi32>], vector<16xf32>,
          %parallel_loop3A_281 = arith.index_cast %parallel_loop3A_160 : i32 to index
          %parallel_loop3A_282 = arith.constant 80 : index
          %parallel_loop3A_283 = tpu.vector_load %arg24[%parallel_loop3A_281, %parallel_loop3A_282] {strides = array<i32>} : memref<80x128xf32, #tpu.memory_space<vmem>>, vector<16xf32>,
          %parallel_loop3A_284 = arith.addf %parallel_loop3A_283, %parallel_loop3A_280 : vector<16xf32>
          %parallel_loop3A_285 = math.exp %parallel_loop3A_284 : vector<16xf32>
          %parallel_loop3A_286 = arith.constant 1.000000e+00 : f32
          %parallel_loop3A_287 = vector.broadcast %parallel_loop3A_286 : f32 to vector<16xf32>
          %parallel_loop3A_288 = arith.addf %parallel_loop3A_285, %parallel_loop3A_287 : vector<16xf32>
          %parallel_loop3A_289 = arith.constant 2.000000e+00 : f32
          %parallel_loop3A_290 = vector.broadcast %parallel_loop3A_289 : f32 to vector<16xf32>
          %parallel_loop3A_291 = arith.divf %parallel_loop3A_290, %parallel_loop3A_288 : vector<16xf32>
          %parallel_loop3A_292 = arith.constant 1.000000e+00 : f32
          %parallel_loop3A_293 = vector.broadcast %parallel_loop3A_292 : f32 to vector<16xf32>
          %parallel_loop3A_294 = arith.subf %parallel_loop3A_293, %parallel_loop3A_291 : vector<16xf32>
          %parallel_loop3A_295 = arith.mulf %parallel_loop3A_294, %parallel_loop3A_166 : vector<16xf32>
          %parallel_loop3A_296 = arith.index_cast %parallel_loop3A_160 : i32 to index
          %parallel_loop3A_297 = arith.constant 80 : index
          %parallel_loop3A_298 = tpu.vector_load %arg24[%parallel_loop3A_296, %parallel_loop3A_297] {strides = array<i32>} : memref<80x128xf32, #tpu.memory_space<vmem>>, vector<16xf32>,
          tpu.vector_store %arg24[%parallel_loop3A_296, %parallel_loop3A_297], %parallel_loop3A_295 {strides = array<i32>} : memref<80x128xf32, #tpu.memory_space<vmem>>, vector<16xf32>,
          %parallel_loop3A_299 = arith.constant 96 : i32
          %parallel_loop3A_300 = vector.broadcast %parallel_loop3A_299 : i32 to vector<16xi32>
          %parallel_loop3A_301 = arith.addi %iota3A, %parallel_loop3A_300 : vector<16xi32>
          %parallel_loop3A_302 = tpu.vector_load_idx %arg15[%parallel_loop3A_165, %parallel_loop3A_301] : memref<16x128xf32, #tpu.memory_space<vmem>>[vector<16xi32>, vector<16xi32>], vector<16xf32>,
          %parallel_loop3A_303 = arith.index_cast %parallel_loop3A_160 : i32 to index
          %parallel_loop3A_304 = arith.constant 96 : index
          %parallel_loop3A_305 = tpu.vector_load %arg24[%parallel_loop3A_303, %parallel_loop3A_304] {strides = array<i32>} : memref<80x128xf32, #tpu.memory_space<vmem>>, vector<16xf32>,
          %parallel_loop3A_306 = arith.addf %parallel_loop3A_305, %parallel_loop3A_302 : vector<16xf32>
          %parallel_loop3A_307 = math.exp %parallel_loop3A_306 : vector<16xf32>
          %parallel_loop3A_308 = arith.constant 1.000000e+00 : f32
          %parallel_loop3A_309 = vector.broadcast %parallel_loop3A_308 : f32 to vector<16xf32>
          %parallel_loop3A_310 = arith.addf %parallel_loop3A_307, %parallel_loop3A_309 : vector<16xf32>
          %parallel_loop3A_311 = arith.constant 2.000000e+00 : f32
          %parallel_loop3A_312 = vector.broadcast %parallel_loop3A_311 : f32 to vector<16xf32>
          %parallel_loop3A_313 = arith.divf %parallel_loop3A_312, %parallel_loop3A_310 : vector<16xf32>
          %parallel_loop3A_314 = arith.constant 1.000000e+00 : f32
          %parallel_loop3A_315 = vector.broadcast %parallel_loop3A_314 : f32 to vector<16xf32>
          %parallel_loop3A_316 = arith.subf %parallel_loop3A_315, %parallel_loop3A_313 : vector<16xf32>
          %parallel_loop3A_317 = arith.mulf %parallel_loop3A_316, %parallel_loop3A_166 : vector<16xf32>
          %parallel_loop3A_318 = arith.index_cast %parallel_loop3A_160 : i32 to index
          %parallel_loop3A_319 = arith.constant 96 : index
          %parallel_loop3A_320 = tpu.vector_load %arg24[%parallel_loop3A_318, %parallel_loop3A_319] {strides = array<i32>} : memref<80x128xf32, #tpu.memory_space<vmem>>, vector<16xf32>,
          tpu.vector_store %arg24[%parallel_loop3A_318, %parallel_loop3A_319], %parallel_loop3A_317 {strides = array<i32>} : memref<80x128xf32, #tpu.memory_space<vmem>>, vector<16xf32>,
          %parallel_loop3A_321 = arith.constant 112 : i32
          %parallel_loop3A_322 = vector.broadcast %parallel_loop3A_321 : i32 to vector<16xi32>
          %parallel_loop3A_323 = arith.addi %iota3A, %parallel_loop3A_322 : vector<16xi32>
          %parallel_loop3A_324 = tpu.vector_load_idx %arg15[%parallel_loop3A_165, %parallel_loop3A_323] : memref<16x128xf32, #tpu.memory_space<vmem>>[vector<16xi32>, vector<16xi32>], vector<16xf32>,
          %parallel_loop3A_325 = arith.index_cast %parallel_loop3A_160 : i32 to index
          %parallel_loop3A_326 = arith.constant 112 : index
          %parallel_loop3A_327 = tpu.vector_load %arg24[%parallel_loop3A_325, %parallel_loop3A_326] {strides = array<i32>} : memref<80x128xf32, #tpu.memory_space<vmem>>, vector<16xf32>,
          %parallel_loop3A_328 = arith.addf %parallel_loop3A_327, %parallel_loop3A_324 : vector<16xf32>
          %parallel_loop3A_329 = math.exp %parallel_loop3A_328 : vector<16xf32>
          %parallel_loop3A_330 = arith.constant 1.000000e+00 : f32
          %parallel_loop3A_331 = vector.broadcast %parallel_loop3A_330 : f32 to vector<16xf32>
          %parallel_loop3A_332 = arith.addf %parallel_loop3A_329, %parallel_loop3A_331 : vector<16xf32>
          %parallel_loop3A_333 = arith.constant 2.000000e+00 : f32
          %parallel_loop3A_334 = vector.broadcast %parallel_loop3A_333 : f32 to vector<16xf32>
          %parallel_loop3A_335 = arith.divf %parallel_loop3A_334, %parallel_loop3A_332 : vector<16xf32>
          %parallel_loop3A_336 = arith.constant 1.000000e+00 : f32
          %parallel_loop3A_337 = vector.broadcast %parallel_loop3A_336 : f32 to vector<16xf32>
          %parallel_loop3A_338 = arith.subf %parallel_loop3A_337, %parallel_loop3A_335 : vector<16xf32>
          %parallel_loop3A_339 = arith.mulf %parallel_loop3A_338, %parallel_loop3A_166 : vector<16xf32>
          %parallel_loop3A_340 = arith.index_cast %parallel_loop3A_160 : i32 to index
          %parallel_loop3A_341 = arith.constant 112 : index
          %parallel_loop3A_342 = tpu.vector_load %arg24[%parallel_loop3A_340, %parallel_loop3A_341] {strides = array<i32>} : memref<80x128xf32, #tpu.memory_space<vmem>>, vector<16xf32>,
          tpu.vector_store %arg24[%parallel_loop3A_340, %parallel_loop3A_341], %parallel_loop3A_339 {strides = array<i32>} : memref<80x128xf32, #tpu.memory_space<vmem>>, vector<16xf32>,
        } {sc.loop_unroll_factor = 2 : i64, sc.parallel_access}
        %dma_start3A_119 = arith.constant 0 : i32
        %dma_start3A_120 = tpu.memref_slice %arg23[%mul3A_98, %dma_start3A_119] : memref<25x80xi32, #tpu.memory_space<vmem>> -> memref<1x80xi32, #tpu.memory_space<vmem>>
        %dma_start3A_121 = tpu.memref_squeeze %dma_start3A_120 : memref<1x80xi32, #tpu.memory_space<vmem>> -> memref<80xi32, #tpu.memory_space<vmem>>
        %dma_start3A_122 = arith.constant 0 : i32
        %dma_start3A_123 = arith.constant 0 : i32
        %dma_start3A_124 = tpu.memref_slice %arg13[%dma_start3A_122, %dma_start3A_123] : memref<10000x128xf32, #tpu.memory_space<vmem_shared>> -> memref<10000x128xf32, #tpu.memory_space<vmem_shared>>
        tpu.enqueue_indirect_dma source(%arg24 : memref<80x128xf32, #tpu.memory_space<vmem>>) target(%dma_start3A_124 : memref<10000x128xf32, #tpu.memory_space<vmem_shared>>) offsets(%dma_start3A_121 : memref<80xi32, #tpu.memory_space<vmem>>) semaphore(%arg27 : memref<!tpu.dma_semaphore, #tpu.memory_space<semaphore_mem>>) {add = true}
        %dma_wait3A_125 = arith.constant 0 : i32
        %dma_wait3A_126 = arith.constant 0 : i32
        %dma_wait3A_127 = tpu.memref_slice %arg22[%dma_wait3A_125, %dma_wait3A_126] : memref<25x80xi32, #tpu.memory_space<vmem>> -> memref<1x80xi32, #tpu.memory_space<vmem>>
        %dma_wait3A_128 = tpu.memref_squeeze %dma_wait3A_127 : memref<1x80xi32, #tpu.memory_space<vmem>> -> memref<80xi32, #tpu.memory_space<vmem>>
        %dma_wait3A_129 = arith.constant 0 : i32
        %dma_wait3A_130 = arith.constant 0 : i32
        %dma_wait3A_131 = tpu.memref_slice %arg2[%dma_wait3A_129, %dma_wait3A_130] : memref<10000x128xf32, #tpu.memory_space<hbm>> -> memref<10000x128xf32, #tpu.memory_space<hbm>>
        tpu.wait_indirect_dma semaphore(%arg26 : memref<!tpu.dma_semaphore, #tpu.memory_space<semaphore_mem>>) src(%dma_wait3A_131 : memref<10000x128xf32, #tpu.memory_space<hbm>>) dst(%arg25 : memref<80x128xf32, #tpu.memory_space<vmem>>)
        %dma_wait3A_132 = arith.constant 0 : i32
        %dma_wait3A_133 = arith.constant 0 : i32
        %dma_wait3A_134 = tpu.memref_slice %arg23[%dma_wait3A_132, %dma_wait3A_133] : memref<25x80xi32, #tpu.memory_space<vmem>> -> memref<1x80xi32, #tpu.memory_space<vmem>>
        %dma_wait3A_135 = tpu.memref_squeeze %dma_wait3A_134 : memref<1x80xi32, #tpu.memory_space<vmem>> -> memref<80xi32, #tpu.memory_space<vmem>>
        %dma_wait3A_136 = arith.constant 0 : i32
        %dma_wait3A_137 = arith.constant 0 : i32
        %dma_wait3A_138 = tpu.memref_slice %arg13[%dma_wait3A_136, %dma_wait3A_137] : memref<10000x128xf32, #tpu.memory_space<vmem_shared>> -> memref<10000x128xf32, #tpu.memory_space<vmem_shared>>
        tpu.wait_indirect_dma semaphore(%arg27 : memref<!tpu.dma_semaphore, #tpu.memory_space<semaphore_mem>>) src(%arg24 : memref<80x128xf32, #tpu.memory_space<vmem>>) dst(%dma_wait3A_138 : memref<10000x128xf32, #tpu.memory_space<vmem_shared>>)
        %add3A_139 = arith.constant 2 : i32
        %add3A_140 = arith.addi %mul3A_98, %add3A_139 : i32
        %dma_start3A_141 = arith.constant 0 : i32
        %dma_start3A_142 = tpu.memref_slice %arg22[%add3A_140, %dma_start3A_141] : memref<25x80xi32, #tpu.memory_space<vmem>> -> memref<1x80xi32, #tpu.memory_space<vmem>>
        %dma_start3A_143 = tpu.memref_squeeze %dma_start3A_142 : memref<1x80xi32, #tpu.memory_space<vmem>> -> memref<80xi32, #tpu.memory_space<vmem>>
        %dma_start3A_144 = arith.constant 0 : i32
        %dma_start3A_145 = arith.constant 0 : i32
        %dma_start3A_146 = tpu.memref_slice %arg2[%dma_start3A_144, %dma_start3A_145] : memref<10000x128xf32, #tpu.memory_space<hbm>> -> memref<10000x128xf32, #tpu.memory_space<hbm>>
        tpu.enqueue_indirect_dma source(%dma_start3A_146 : memref<10000x128xf32, #tpu.memory_space<hbm>>) target(%arg24 : memref<80x128xf32, #tpu.memory_space<vmem>>) offsets(%dma_start3A_143 : memref<80xi32, #tpu.memory_space<vmem>>) semaphore(%arg26 : memref<!tpu.dma_semaphore, #tpu.memory_space<semaphore_mem>>)
        %add3A_147 = arith.constant 1 : i32
        %add3A_148 = arith.addi %mul3A_98, %add3A_147 : i32
        %parallel_loop3A_149 = arith.constant 0 : i32
        %parallel_loop3A_150 = arith.constant 80 : i32
        %parallel_loop3A_151 = arith.constant 1 : i32
        scf.for %parallel_loop3A_160 = %parallel_loop3A_149 to %parallel_loop3A_150 step %parallel_loop3A_151  : i32 {
          %parallel_loop3A_161 = arith.constant 80 : i32
          %parallel_loop3A_162 = arith.muli %add3A_148, %parallel_loop3A_161 : i32
          %parallel_loop3A_163 = arith.addi %parallel_loop3A_162, %parallel_loop3A_160 : i32
          %parallel_loop3A_164 = vector.broadcast %parallel_loop3A_163 : i32 to vector<16xi32>
          %parallel_loop3A_165 = tpu.vector_load_idx %arg18[%parallel_loop3A_164] : memref<2000xi32, #tpu.memory_space<vmem>>[vector<16xi32>], vector<16xi32>,
          %parallel_loop3A_166 = tpu.vector_load_idx %arg19[%parallel_loop3A_164] : memref<2000xf32, #tpu.memory_space<vmem>>[vector<16xi32>], vector<16xf32>,
          %parallel_loop3A_167 = arith.constant 0 : i32
          %parallel_loop3A_168 = vector.broadcast %parallel_loop3A_167 : i32 to vector<16xi32>
          %parallel_loop3A_169 = arith.addi %iota3A, %parallel_loop3A_168 : vector<16xi32>
          %parallel_loop3A_170 = tpu.vector_load_idx %arg15[%parallel_loop3A_165, %parallel_loop3A_169] : memref<16x128xf32, #tpu.memory_space<vmem>>[vector<16xi32>, vector<16xi32>], vector<16xf32>,
          %parallel_loop3A_171 = arith.index_cast %parallel_loop3A_160 : i32 to index
          %parallel_loop3A_172 = arith.constant 0 : index
          %parallel_loop3A_173 = tpu.vector_load %arg25[%parallel_loop3A_171, %parallel_loop3A_172] {strides = array<i32>} : memref<80x128xf32, #tpu.memory_space<vmem>>, vector<16xf32>,
          %parallel_loop3A_174 = arith.addf %parallel_loop3A_173, %parallel_loop3A_170 : vector<16xf32>
          %parallel_loop3A_175 = math.exp %parallel_loop3A_174 : vector<16xf32>
          %parallel_loop3A_176 = arith.constant 1.000000e+00 : f32
          %parallel_loop3A_177 = vector.broadcast %parallel_loop3A_176 : f32 to vector<16xf32>
          %parallel_loop3A_178 = arith.addf %parallel_loop3A_175, %parallel_loop3A_177 : vector<16xf32>
          %parallel_loop3A_179 = arith.constant 2.000000e+00 : f32
          %parallel_loop3A_180 = vector.broadcast %parallel_loop3A_179 : f32 to vector<16xf32>
          %parallel_loop3A_181 = arith.divf %parallel_loop3A_180, %parallel_loop3A_178 : vector<16xf32>
          %parallel_loop3A_182 = arith.constant 1.000000e+00 : f32
          %parallel_loop3A_183 = vector.broadcast %parallel_loop3A_182 : f32 to vector<16xf32>
          %parallel_loop3A_184 = arith.subf %parallel_loop3A_183, %parallel_loop3A_181 : vector<16xf32>
          %parallel_loop3A_185 = arith.mulf %parallel_loop3A_184, %parallel_loop3A_166 : vector<16xf32>
          %parallel_loop3A_186 = arith.index_cast %parallel_loop3A_160 : i32 to index
          %parallel_loop3A_187 = arith.constant 0 : index
          %parallel_loop3A_188 = tpu.vector_load %arg25[%parallel_loop3A_186, %parallel_loop3A_187] {strides = array<i32>} : memref<80x128xf32, #tpu.memory_space<vmem>>, vector<16xf32>,
          tpu.vector_store %arg25[%parallel_loop3A_186, %parallel_loop3A_187], %parallel_loop3A_185 {strides = array<i32>} : memref<80x128xf32, #tpu.memory_space<vmem>>, vector<16xf32>,
          %parallel_loop3A_189 = arith.constant 16 : i32
          %parallel_loop3A_190 = vector.broadcast %parallel_loop3A_189 : i32 to vector<16xi32>
          %parallel_loop3A_191 = arith.addi %iota3A, %parallel_loop3A_190 : vector<16xi32>
          %parallel_loop3A_192 = tpu.vector_load_idx %arg15[%parallel_loop3A_165, %parallel_loop3A_191] : memref<16x128xf32, #tpu.memory_space<vmem>>[vector<16xi32>, vector<16xi32>], vector<16xf32>,
          %parallel_loop3A_193 = arith.index_cast %parallel_loop3A_160 : i32 to index
          %parallel_loop3A_194 = arith.constant 16 : index
          %parallel_loop3A_195 = tpu.vector_load %arg25[%parallel_loop3A_193, %parallel_loop3A_194] {strides = array<i32>} : memref<80x128xf32, #tpu.memory_space<vmem>>, vector<16xf32>,
          %parallel_loop3A_196 = arith.addf %parallel_loop3A_195, %parallel_loop3A_192 : vector<16xf32>
          %parallel_loop3A_197 = math.exp %parallel_loop3A_196 : vector<16xf32>
          %parallel_loop3A_198 = arith.constant 1.000000e+00 : f32
          %parallel_loop3A_199 = vector.broadcast %parallel_loop3A_198 : f32 to vector<16xf32>
          %parallel_loop3A_200 = arith.addf %parallel_loop3A_197, %parallel_loop3A_199 : vector<16xf32>
          %parallel_loop3A_201 = arith.constant 2.000000e+00 : f32
          %parallel_loop3A_202 = vector.broadcast %parallel_loop3A_201 : f32 to vector<16xf32>
          %parallel_loop3A_203 = arith.divf %parallel_loop3A_202, %parallel_loop3A_200 : vector<16xf32>
          %parallel_loop3A_204 = arith.constant 1.000000e+00 : f32
          %parallel_loop3A_205 = vector.broadcast %parallel_loop3A_204 : f32 to vector<16xf32>
          %parallel_loop3A_206 = arith.subf %parallel_loop3A_205, %parallel_loop3A_203 : vector<16xf32>
          %parallel_loop3A_207 = arith.mulf %parallel_loop3A_206, %parallel_loop3A_166 : vector<16xf32>
          %parallel_loop3A_208 = arith.index_cast %parallel_loop3A_160 : i32 to index
          %parallel_loop3A_209 = arith.constant 16 : index
          %parallel_loop3A_210 = tpu.vector_load %arg25[%parallel_loop3A_208, %parallel_loop3A_209] {strides = array<i32>} : memref<80x128xf32, #tpu.memory_space<vmem>>, vector<16xf32>,
          tpu.vector_store %arg25[%parallel_loop3A_208, %parallel_loop3A_209], %parallel_loop3A_207 {strides = array<i32>} : memref<80x128xf32, #tpu.memory_space<vmem>>, vector<16xf32>,
          %parallel_loop3A_211 = arith.constant 32 : i32
          %parallel_loop3A_212 = vector.broadcast %parallel_loop3A_211 : i32 to vector<16xi32>
          %parallel_loop3A_213 = arith.addi %iota3A, %parallel_loop3A_212 : vector<16xi32>
          %parallel_loop3A_214 = tpu.vector_load_idx %arg15[%parallel_loop3A_165, %parallel_loop3A_213] : memref<16x128xf32, #tpu.memory_space<vmem>>[vector<16xi32>, vector<16xi32>], vector<16xf32>,
          %parallel_loop3A_215 = arith.index_cast %parallel_loop3A_160 : i32 to index
          %parallel_loop3A_216 = arith.constant 32 : index
          %parallel_loop3A_217 = tpu.vector_load %arg25[%parallel_loop3A_215, %parallel_loop3A_216] {strides = array<i32>} : memref<80x128xf32, #tpu.memory_space<vmem>>, vector<16xf32>,
          %parallel_loop3A_218 = arith.addf %parallel_loop3A_217, %parallel_loop3A_214 : vector<16xf32>
          %parallel_loop3A_219 = math.exp %parallel_loop3A_218 : vector<16xf32>
          %parallel_loop3A_220 = arith.constant 1.000000e+00 : f32
          %parallel_loop3A_221 = vector.broadcast %parallel_loop3A_220 : f32 to vector<16xf32>
          %parallel_loop3A_222 = arith.addf %parallel_loop3A_219, %parallel_loop3A_221 : vector<16xf32>
          %parallel_loop3A_223 = arith.constant 2.000000e+00 : f32
          %parallel_loop3A_224 = vector.broadcast %parallel_loop3A_223 : f32 to vector<16xf32>
          %parallel_loop3A_225 = arith.divf %parallel_loop3A_224, %parallel_loop3A_222 : vector<16xf32>
          %parallel_loop3A_226 = arith.constant 1.000000e+00 : f32
          %parallel_loop3A_227 = vector.broadcast %parallel_loop3A_226 : f32 to vector<16xf32>
          %parallel_loop3A_228 = arith.subf %parallel_loop3A_227, %parallel_loop3A_225 : vector<16xf32>
          %parallel_loop3A_229 = arith.mulf %parallel_loop3A_228, %parallel_loop3A_166 : vector<16xf32>
          %parallel_loop3A_230 = arith.index_cast %parallel_loop3A_160 : i32 to index
          %parallel_loop3A_231 = arith.constant 32 : index
          %parallel_loop3A_232 = tpu.vector_load %arg25[%parallel_loop3A_230, %parallel_loop3A_231] {strides = array<i32>} : memref<80x128xf32, #tpu.memory_space<vmem>>, vector<16xf32>,
          tpu.vector_store %arg25[%parallel_loop3A_230, %parallel_loop3A_231], %parallel_loop3A_229 {strides = array<i32>} : memref<80x128xf32, #tpu.memory_space<vmem>>, vector<16xf32>,
          %parallel_loop3A_233 = arith.constant 48 : i32
          %parallel_loop3A_234 = vector.broadcast %parallel_loop3A_233 : i32 to vector<16xi32>
          %parallel_loop3A_235 = arith.addi %iota3A, %parallel_loop3A_234 : vector<16xi32>
          %parallel_loop3A_236 = tpu.vector_load_idx %arg15[%parallel_loop3A_165, %parallel_loop3A_235] : memref<16x128xf32, #tpu.memory_space<vmem>>[vector<16xi32>, vector<16xi32>], vector<16xf32>,
          %parallel_loop3A_237 = arith.index_cast %parallel_loop3A_160 : i32 to index
          %parallel_loop3A_238 = arith.constant 48 : index
          %parallel_loop3A_239 = tpu.vector_load %arg25[%parallel_loop3A_237, %parallel_loop3A_238] {strides = array<i32>} : memref<80x128xf32, #tpu.memory_space<vmem>>, vector<16xf32>,
          %parallel_loop3A_240 = arith.addf %parallel_loop3A_239, %parallel_loop3A_236 : vector<16xf32>
          %parallel_loop3A_241 = math.exp %parallel_loop3A_240 : vector<16xf32>
          %parallel_loop3A_242 = arith.constant 1.000000e+00 : f32
          %parallel_loop3A_243 = vector.broadcast %parallel_loop3A_242 : f32 to vector<16xf32>
          %parallel_loop3A_244 = arith.addf %parallel_loop3A_241, %parallel_loop3A_243 : vector<16xf32>
          %parallel_loop3A_245 = arith.constant 2.000000e+00 : f32
          %parallel_loop3A_246 = vector.broadcast %parallel_loop3A_245 : f32 to vector<16xf32>
          %parallel_loop3A_247 = arith.divf %parallel_loop3A_246, %parallel_loop3A_244 : vector<16xf32>
          %parallel_loop3A_248 = arith.constant 1.000000e+00 : f32
          %parallel_loop3A_249 = vector.broadcast %parallel_loop3A_248 : f32 to vector<16xf32>
          %parallel_loop3A_250 = arith.subf %parallel_loop3A_249, %parallel_loop3A_247 : vector<16xf32>
          %parallel_loop3A_251 = arith.mulf %parallel_loop3A_250, %parallel_loop3A_166 : vector<16xf32>
          %parallel_loop3A_252 = arith.index_cast %parallel_loop3A_160 : i32 to index
          %parallel_loop3A_253 = arith.constant 48 : index
          %parallel_loop3A_254 = tpu.vector_load %arg25[%parallel_loop3A_252, %parallel_loop3A_253] {strides = array<i32>} : memref<80x128xf32, #tpu.memory_space<vmem>>, vector<16xf32>,
          tpu.vector_store %arg25[%parallel_loop3A_252, %parallel_loop3A_253], %parallel_loop3A_251 {strides = array<i32>} : memref<80x128xf32, #tpu.memory_space<vmem>>, vector<16xf32>,
          %parallel_loop3A_255 = arith.constant 64 : i32
          %parallel_loop3A_256 = vector.broadcast %parallel_loop3A_255 : i32 to vector<16xi32>
          %parallel_loop3A_257 = arith.addi %iota3A, %parallel_loop3A_256 : vector<16xi32>
          %parallel_loop3A_258 = tpu.vector_load_idx %arg15[%parallel_loop3A_165, %parallel_loop3A_257] : memref<16x128xf32, #tpu.memory_space<vmem>>[vector<16xi32>, vector<16xi32>], vector<16xf32>,
          %parallel_loop3A_259 = arith.index_cast %parallel_loop3A_160 : i32 to index
          %parallel_loop3A_260 = arith.constant 64 : index
          %parallel_loop3A_261 = tpu.vector_load %arg25[%parallel_loop3A_259, %parallel_loop3A_260] {strides = array<i32>} : memref<80x128xf32, #tpu.memory_space<vmem>>, vector<16xf32>,
          %parallel_loop3A_262 = arith.addf %parallel_loop3A_261, %parallel_loop3A_258 : vector<16xf32>
          %parallel_loop3A_263 = math.exp %parallel_loop3A_262 : vector<16xf32>
          %parallel_loop3A_264 = arith.constant 1.000000e+00 : f32
          %parallel_loop3A_265 = vector.broadcast %parallel_loop3A_264 : f32 to vector<16xf32>
          %parallel_loop3A_266 = arith.addf %parallel_loop3A_263, %parallel_loop3A_265 : vector<16xf32>
          %parallel_loop3A_267 = arith.constant 2.000000e+00 : f32
          %parallel_loop3A_268 = vector.broadcast %parallel_loop3A_267 : f32 to vector<16xf32>
          %parallel_loop3A_269 = arith.divf %parallel_loop3A_268, %parallel_loop3A_266 : vector<16xf32>
          %parallel_loop3A_270 = arith.constant 1.000000e+00 : f32
          %parallel_loop3A_271 = vector.broadcast %parallel_loop3A_270 : f32 to vector<16xf32>
          %parallel_loop3A_272 = arith.subf %parallel_loop3A_271, %parallel_loop3A_269 : vector<16xf32>
          %parallel_loop3A_273 = arith.mulf %parallel_loop3A_272, %parallel_loop3A_166 : vector<16xf32>
          %parallel_loop3A_274 = arith.index_cast %parallel_loop3A_160 : i32 to index
          %parallel_loop3A_275 = arith.constant 64 : index
          %parallel_loop3A_276 = tpu.vector_load %arg25[%parallel_loop3A_274, %parallel_loop3A_275] {strides = array<i32>} : memref<80x128xf32, #tpu.memory_space<vmem>>, vector<16xf32>,
          tpu.vector_store %arg25[%parallel_loop3A_274, %parallel_loop3A_275], %parallel_loop3A_273 {strides = array<i32>} : memref<80x128xf32, #tpu.memory_space<vmem>>, vector<16xf32>,
          %parallel_loop3A_277 = arith.constant 80 : i32
          %parallel_loop3A_278 = vector.broadcast %parallel_loop3A_277 : i32 to vector<16xi32>
          %parallel_loop3A_279 = arith.addi %iota3A, %parallel_loop3A_278 : vector<16xi32>
          %parallel_loop3A_280 = tpu.vector_load_idx %arg15[%parallel_loop3A_165, %parallel_loop3A_279] : memref<16x128xf32, #tpu.memory_space<vmem>>[vector<16xi32>, vector<16xi32>], vector<16xf32>,
          %parallel_loop3A_281 = arith.index_cast %parallel_loop3A_160 : i32 to index
          %parallel_loop3A_282 = arith.constant 80 : index
          %parallel_loop3A_283 = tpu.vector_load %arg25[%parallel_loop3A_281, %parallel_loop3A_282] {strides = array<i32>} : memref<80x128xf32, #tpu.memory_space<vmem>>, vector<16xf32>,
          %parallel_loop3A_284 = arith.addf %parallel_loop3A_283, %parallel_loop3A_280 : vector<16xf32>
          %parallel_loop3A_285 = math.exp %parallel_loop3A_284 : vector<16xf32>
          %parallel_loop3A_286 = arith.constant 1.000000e+00 : f32
          %parallel_loop3A_287 = vector.broadcast %parallel_loop3A_286 : f32 to vector<16xf32>
          %parallel_loop3A_288 = arith.addf %parallel_loop3A_285, %parallel_loop3A_287 : vector<16xf32>
          %parallel_loop3A_289 = arith.constant 2.000000e+00 : f32
          %parallel_loop3A_290 = vector.broadcast %parallel_loop3A_289 : f32 to vector<16xf32>
          %parallel_loop3A_291 = arith.divf %parallel_loop3A_290, %parallel_loop3A_288 : vector<16xf32>
          %parallel_loop3A_292 = arith.constant 1.000000e+00 : f32
          %parallel_loop3A_293 = vector.broadcast %parallel_loop3A_292 : f32 to vector<16xf32>
          %parallel_loop3A_294 = arith.subf %parallel_loop3A_293, %parallel_loop3A_291 : vector<16xf32>
          %parallel_loop3A_295 = arith.mulf %parallel_loop3A_294, %parallel_loop3A_166 : vector<16xf32>
          %parallel_loop3A_296 = arith.index_cast %parallel_loop3A_160 : i32 to index
          %parallel_loop3A_297 = arith.constant 80 : index
          %parallel_loop3A_298 = tpu.vector_load %arg25[%parallel_loop3A_296, %parallel_loop3A_297] {strides = array<i32>} : memref<80x128xf32, #tpu.memory_space<vmem>>, vector<16xf32>,
          tpu.vector_store %arg25[%parallel_loop3A_296, %parallel_loop3A_297], %parallel_loop3A_295 {strides = array<i32>} : memref<80x128xf32, #tpu.memory_space<vmem>>, vector<16xf32>,
          %parallel_loop3A_299 = arith.constant 96 : i32
          %parallel_loop3A_300 = vector.broadcast %parallel_loop3A_299 : i32 to vector<16xi32>
          %parallel_loop3A_301 = arith.addi %iota3A, %parallel_loop3A_300 : vector<16xi32>
          %parallel_loop3A_302 = tpu.vector_load_idx %arg15[%parallel_loop3A_165, %parallel_loop3A_301] : memref<16x128xf32, #tpu.memory_space<vmem>>[vector<16xi32>, vector<16xi32>], vector<16xf32>,
          %parallel_loop3A_303 = arith.index_cast %parallel_loop3A_160 : i32 to index
          %parallel_loop3A_304 = arith.constant 96 : index
          %parallel_loop3A_305 = tpu.vector_load %arg25[%parallel_loop3A_303, %parallel_loop3A_304] {strides = array<i32>} : memref<80x128xf32, #tpu.memory_space<vmem>>, vector<16xf32>,
          %parallel_loop3A_306 = arith.addf %parallel_loop3A_305, %parallel_loop3A_302 : vector<16xf32>
          %parallel_loop3A_307 = math.exp %parallel_loop3A_306 : vector<16xf32>
          %parallel_loop3A_308 = arith.constant 1.000000e+00 : f32
          %parallel_loop3A_309 = vector.broadcast %parallel_loop3A_308 : f32 to vector<16xf32>
          %parallel_loop3A_310 = arith.addf %parallel_loop3A_307, %parallel_loop3A_309 : vector<16xf32>
          %parallel_loop3A_311 = arith.constant 2.000000e+00 : f32
          %parallel_loop3A_312 = vector.broadcast %parallel_loop3A_311 : f32 to vector<16xf32>
          %parallel_loop3A_313 = arith.divf %parallel_loop3A_312, %parallel_loop3A_310 : vector<16xf32>
          %parallel_loop3A_314 = arith.constant 1.000000e+00 : f32
          %parallel_loop3A_315 = vector.broadcast %parallel_loop3A_314 : f32 to vector<16xf32>
          %parallel_loop3A_316 = arith.subf %parallel_loop3A_315, %parallel_loop3A_313 : vector<16xf32>
          %parallel_loop3A_317 = arith.mulf %parallel_loop3A_316, %parallel_loop3A_166 : vector<16xf32>
          %parallel_loop3A_318 = arith.index_cast %parallel_loop3A_160 : i32 to index
          %parallel_loop3A_319 = arith.constant 96 : index
          %parallel_loop3A_320 = tpu.vector_load %arg25[%parallel_loop3A_318, %parallel_loop3A_319] {strides = array<i32>} : memref<80x128xf32, #tpu.memory_space<vmem>>, vector<16xf32>,
          tpu.vector_store %arg25[%parallel_loop3A_318, %parallel_loop3A_319], %parallel_loop3A_317 {strides = array<i32>} : memref<80x128xf32, #tpu.memory_space<vmem>>, vector<16xf32>,
          %parallel_loop3A_321 = arith.constant 112 : i32
          %parallel_loop3A_322 = vector.broadcast %parallel_loop3A_321 : i32 to vector<16xi32>
          %parallel_loop3A_323 = arith.addi %iota3A, %parallel_loop3A_322 : vector<16xi32>
          %parallel_loop3A_324 = tpu.vector_load_idx %arg15[%parallel_loop3A_165, %parallel_loop3A_323] : memref<16x128xf32, #tpu.memory_space<vmem>>[vector<16xi32>, vector<16xi32>], vector<16xf32>,
          %parallel_loop3A_325 = arith.index_cast %parallel_loop3A_160 : i32 to index
          %parallel_loop3A_326 = arith.constant 112 : index
          %parallel_loop3A_327 = tpu.vector_load %arg25[%parallel_loop3A_325, %parallel_loop3A_326] {strides = array<i32>} : memref<80x128xf32, #tpu.memory_space<vmem>>, vector<16xf32>,
          %parallel_loop3A_328 = arith.addf %parallel_loop3A_327, %parallel_loop3A_324 : vector<16xf32>
          %parallel_loop3A_329 = math.exp %parallel_loop3A_328 : vector<16xf32>
          %parallel_loop3A_330 = arith.constant 1.000000e+00 : f32
          %parallel_loop3A_331 = vector.broadcast %parallel_loop3A_330 : f32 to vector<16xf32>
          %parallel_loop3A_332 = arith.addf %parallel_loop3A_329, %parallel_loop3A_331 : vector<16xf32>
          %parallel_loop3A_333 = arith.constant 2.000000e+00 : f32
          %parallel_loop3A_334 = vector.broadcast %parallel_loop3A_333 : f32 to vector<16xf32>
          %parallel_loop3A_335 = arith.divf %parallel_loop3A_334, %parallel_loop3A_332 : vector<16xf32>
          %parallel_loop3A_336 = arith.constant 1.000000e+00 : f32
          %parallel_loop3A_337 = vector.broadcast %parallel_loop3A_336 : f32 to vector<16xf32>
          %parallel_loop3A_338 = arith.subf %parallel_loop3A_337, %parallel_loop3A_335 : vector<16xf32>
          %parallel_loop3A_339 = arith.mulf %parallel_loop3A_338, %parallel_loop3A_166 : vector<16xf32>
          %parallel_loop3A_340 = arith.index_cast %parallel_loop3A_160 : i32 to index
          %parallel_loop3A_341 = arith.constant 112 : index
          %parallel_loop3A_342 = tpu.vector_load %arg25[%parallel_loop3A_340, %parallel_loop3A_341] {strides = array<i32>} : memref<80x128xf32, #tpu.memory_space<vmem>>, vector<16xf32>,
          tpu.vector_store %arg25[%parallel_loop3A_340, %parallel_loop3A_341], %parallel_loop3A_339 {strides = array<i32>} : memref<80x128xf32, #tpu.memory_space<vmem>>, vector<16xf32>,
        } {sc.loop_unroll_factor = 2 : i64, sc.parallel_access}
        %add3A_152 = arith.constant 1 : i32
        %add3A_153 = arith.addi %mul3A_98, %add3A_152 : i32
        %dma_start3A_154 = arith.constant 0 : i32
        %dma_start3A_155 = tpu.memref_slice %arg23[%add3A_153, %dma_start3A_154] : memref<25x80xi32, #tpu.memory_space<vmem>> -> memref<1x80xi32, #tpu.memory_space<vmem>>
        %dma_start3A_156 = tpu.memref_squeeze %dma_start3A_155 : memref<1x80xi32, #tpu.memory_space<vmem>> -> memref<80xi32, #tpu.memory_space<vmem>>
        %dma_start3A_157 = arith.constant 0 : i32
        %dma_start3A_158 = arith.constant 0 : i32
        %dma_start3A_159 = tpu.memref_slice %arg13[%dma_start3A_157, %dma_start3A_158] : memref<10000x128xf32, #tpu.memory_space<vmem_shared>> -> memref<10000x128xf32, #tpu.memory_space<vmem_shared>>
        tpu.enqueue_indirect_dma source(%arg25 : memref<80x128xf32, #tpu.memory_space<vmem>>) target(%dma_start3A_159 : memref<10000x128xf32, #tpu.memory_space<vmem_shared>>) offsets(%dma_start3A_156 : memref<80xi32, #tpu.memory_space<vmem>>) semaphore(%arg27 : memref<!tpu.dma_semaphore, #tpu.memory_space<semaphore_mem>>) {add = true}
      }
      %scan3A_60 = arith.constant 12 : i32
      %dma_wait3A = arith.constant 0 : i32
      %dma_wait3A_61 = arith.constant 0 : i32
      %dma_wait3A_62 = tpu.memref_slice %arg22[%dma_wait3A, %dma_wait3A_61] : memref<25x80xi32, #tpu.memory_space<vmem>> -> memref<1x80xi32, #tpu.memory_space<vmem>>
      %dma_wait3A_63 = tpu.memref_squeeze %dma_wait3A_62 : memref<1x80xi32, #tpu.memory_space<vmem>> -> memref<80xi32, #tpu.memory_space<vmem>>
      %dma_wait3A_64 = arith.constant 0 : i32
      %dma_wait3A_65 = arith.constant 0 : i32
      %dma_wait3A_66 = tpu.memref_slice %arg2[%dma_wait3A_64, %dma_wait3A_65] : memref<10000x128xf32, #tpu.memory_space<hbm>> -> memref<10000x128xf32, #tpu.memory_space<hbm>>
      tpu.wait_indirect_dma semaphore(%arg26 : memref<!tpu.dma_semaphore, #tpu.memory_space<semaphore_mem>>) src(%dma_wait3A_66 : memref<10000x128xf32, #tpu.memory_space<hbm>>) dst(%arg24 : memref<80x128xf32, #tpu.memory_space<vmem>>)
      %dma_wait3A_67 = arith.constant 0 : i32
      %dma_wait3A_68 = arith.constant 0 : i32
      %dma_wait3A_69 = tpu.memref_slice %arg23[%dma_wait3A_67, %dma_wait3A_68] : memref<25x80xi32, #tpu.memory_space<vmem>> -> memref<1x80xi32, #tpu.memory_space<vmem>>
      %dma_wait3A_70 = tpu.memref_squeeze %dma_wait3A_69 : memref<1x80xi32, #tpu.memory_space<vmem>> -> memref<80xi32, #tpu.memory_space<vmem>>
      %dma_wait3A_71 = arith.constant 0 : i32
      %dma_wait3A_72 = arith.constant 0 : i32
      %dma_wait3A_73 = tpu.memref_slice %arg13[%dma_wait3A_71, %dma_wait3A_72] : memref<10000x128xf32, #tpu.memory_space<vmem_shared>> -> memref<10000x128xf32, #tpu.memory_space<vmem_shared>>
      tpu.wait_indirect_dma semaphore(%arg27 : memref<!tpu.dma_semaphore, #tpu.memory_space<semaphore_mem>>) src(%arg25 : memref<80x128xf32, #tpu.memory_space<vmem>>) dst(%dma_wait3A_73 : memref<10000x128xf32, #tpu.memory_space<vmem_shared>>)
      %parallel_loop3A_74 = arith.constant 0 : i32
      %parallel_loop3A_75 = arith.constant 80 : i32
      %parallel_loop3A_76 = arith.constant 1 : i32
      scf.for %parallel_loop3A_96 = %parallel_loop3A_74 to %parallel_loop3A_75 step %parallel_loop3A_76  : i32 {
        %parallel_loop3A_97 = arith.constant 1920 : i32
        %parallel_loop3A_98 = arith.addi %parallel_loop3A_97, %parallel_loop3A_96 : i32
        %parallel_loop3A_99 = vector.broadcast %parallel_loop3A_98 : i32 to vector<16xi32>
        %parallel_loop3A_100 = tpu.vector_load_idx %arg18[%parallel_loop3A_99] : memref<2000xi32, #tpu.memory_space<vmem>>[vector<16xi32>], vector<16xi32>,
        %parallel_loop3A_101 = tpu.vector_load_idx %arg19[%parallel_loop3A_99] : memref<2000xf32, #tpu.memory_space<vmem>>[vector<16xi32>], vector<16xf32>,
        %parallel_loop3A_102 = arith.constant 0 : i32
        %parallel_loop3A_103 = vector.broadcast %parallel_loop3A_102 : i32 to vector<16xi32>
        %parallel_loop3A_104 = arith.addi %iota3A, %parallel_loop3A_103 : vector<16xi32>
        %parallel_loop3A_105 = tpu.vector_load_idx %arg15[%parallel_loop3A_100, %parallel_loop3A_104] : memref<16x128xf32, #tpu.memory_space<vmem>>[vector<16xi32>, vector<16xi32>], vector<16xf32>,
        %parallel_loop3A_106 = arith.index_cast %parallel_loop3A_96 : i32 to index
        %parallel_loop3A_107 = arith.constant 0 : index
        %parallel_loop3A_108 = tpu.vector_load %arg24[%parallel_loop3A_106, %parallel_loop3A_107] {strides = array<i32>} : memref<80x128xf32, #tpu.memory_space<vmem>>, vector<16xf32>,
        %parallel_loop3A_109 = arith.addf %parallel_loop3A_108, %parallel_loop3A_105 : vector<16xf32>
        %parallel_loop3A_110 = math.exp %parallel_loop3A_109 : vector<16xf32>
        %parallel_loop3A_111 = arith.constant 1.000000e+00 : f32
        %parallel_loop3A_112 = vector.broadcast %parallel_loop3A_111 : f32 to vector<16xf32>
        %parallel_loop3A_113 = arith.addf %parallel_loop3A_110, %parallel_loop3A_112 : vector<16xf32>
        %parallel_loop3A_114 = arith.constant 2.000000e+00 : f32
        %parallel_loop3A_115 = vector.broadcast %parallel_loop3A_114 : f32 to vector<16xf32>
        %parallel_loop3A_116 = arith.divf %parallel_loop3A_115, %parallel_loop3A_113 : vector<16xf32>
        %parallel_loop3A_117 = arith.constant 1.000000e+00 : f32
        %parallel_loop3A_118 = vector.broadcast %parallel_loop3A_117 : f32 to vector<16xf32>
        %parallel_loop3A_119 = arith.subf %parallel_loop3A_118, %parallel_loop3A_116 : vector<16xf32>
        %parallel_loop3A_120 = arith.mulf %parallel_loop3A_119, %parallel_loop3A_101 : vector<16xf32>
        %parallel_loop3A_121 = arith.index_cast %parallel_loop3A_96 : i32 to index
        %parallel_loop3A_122 = arith.constant 0 : index
        %parallel_loop3A_123 = tpu.vector_load %arg24[%parallel_loop3A_121, %parallel_loop3A_122] {strides = array<i32>} : memref<80x128xf32, #tpu.memory_space<vmem>>, vector<16xf32>,
        tpu.vector_store %arg24[%parallel_loop3A_121, %parallel_loop3A_122], %parallel_loop3A_120 {strides = array<i32>} : memref<80x128xf32, #tpu.memory_space<vmem>>, vector<16xf32>,
        %parallel_loop3A_124 = arith.constant 16 : i32
        %parallel_loop3A_125 = vector.broadcast %parallel_loop3A_124 : i32 to vector<16xi32>
        %parallel_loop3A_126 = arith.addi %iota3A, %parallel_loop3A_125 : vector<16xi32>
        %parallel_loop3A_127 = tpu.vector_load_idx %arg15[%parallel_loop3A_100, %parallel_loop3A_126] : memref<16x128xf32, #tpu.memory_space<vmem>>[vector<16xi32>, vector<16xi32>], vector<16xf32>,
        %parallel_loop3A_128 = arith.index_cast %parallel_loop3A_96 : i32 to index
        %parallel_loop3A_129 = arith.constant 16 : index
        %parallel_loop3A_130 = tpu.vector_load %arg24[%parallel_loop3A_128, %parallel_loop3A_129] {strides = array<i32>} : memref<80x128xf32, #tpu.memory_space<vmem>>, vector<16xf32>,
        %parallel_loop3A_131 = arith.addf %parallel_loop3A_130, %parallel_loop3A_127 : vector<16xf32>
        %parallel_loop3A_132 = math.exp %parallel_loop3A_131 : vector<16xf32>
        %parallel_loop3A_133 = arith.constant 1.000000e+00 : f32
        %parallel_loop3A_134 = vector.broadcast %parallel_loop3A_133 : f32 to vector<16xf32>
        %parallel_loop3A_135 = arith.addf %parallel_loop3A_132, %parallel_loop3A_134 : vector<16xf32>
        %parallel_loop3A_136 = arith.constant 2.000000e+00 : f32
        %parallel_loop3A_137 = vector.broadcast %parallel_loop3A_136 : f32 to vector<16xf32>
        %parallel_loop3A_138 = arith.divf %parallel_loop3A_137, %parallel_loop3A_135 : vector<16xf32>
        %parallel_loop3A_139 = arith.constant 1.000000e+00 : f32
        %parallel_loop3A_140 = vector.broadcast %parallel_loop3A_139 : f32 to vector<16xf32>
        %parallel_loop3A_141 = arith.subf %parallel_loop3A_140, %parallel_loop3A_138 : vector<16xf32>
        %parallel_loop3A_142 = arith.mulf %parallel_loop3A_141, %parallel_loop3A_101 : vector<16xf32>
        %parallel_loop3A_143 = arith.index_cast %parallel_loop3A_96 : i32 to index
        %parallel_loop3A_144 = arith.constant 16 : index
        %parallel_loop3A_145 = tpu.vector_load %arg24[%parallel_loop3A_143, %parallel_loop3A_144] {strides = array<i32>} : memref<80x128xf32, #tpu.memory_space<vmem>>, vector<16xf32>,
        tpu.vector_store %arg24[%parallel_loop3A_143, %parallel_loop3A_144], %parallel_loop3A_142 {strides = array<i32>} : memref<80x128xf32, #tpu.memory_space<vmem>>, vector<16xf32>,
        %parallel_loop3A_146 = arith.constant 32 : i32
        %parallel_loop3A_147 = vector.broadcast %parallel_loop3A_146 : i32 to vector<16xi32>
        %parallel_loop3A_148 = arith.addi %iota3A, %parallel_loop3A_147 : vector<16xi32>
        %parallel_loop3A_149 = tpu.vector_load_idx %arg15[%parallel_loop3A_100, %parallel_loop3A_148] : memref<16x128xf32, #tpu.memory_space<vmem>>[vector<16xi32>, vector<16xi32>], vector<16xf32>,
        %parallel_loop3A_150 = arith.index_cast %parallel_loop3A_96 : i32 to index
        %parallel_loop3A_151 = arith.constant 32 : index
        %parallel_loop3A_152 = tpu.vector_load %arg24[%parallel_loop3A_150, %parallel_loop3A_151] {strides = array<i32>} : memref<80x128xf32, #tpu.memory_space<vmem>>, vector<16xf32>,
        %parallel_loop3A_153 = arith.addf %parallel_loop3A_152, %parallel_loop3A_149 : vector<16xf32>
        %parallel_loop3A_154 = math.exp %parallel_loop3A_153 : vector<16xf32>
        %parallel_loop3A_155 = arith.constant 1.000000e+00 : f32
        %parallel_loop3A_156 = vector.broadcast %parallel_loop3A_155 : f32 to vector<16xf32>
        %parallel_loop3A_157 = arith.addf %parallel_loop3A_154, %parallel_loop3A_156 : vector<16xf32>
        %parallel_loop3A_158 = arith.constant 2.000000e+00 : f32
        %parallel_loop3A_159 = vector.broadcast %parallel_loop3A_158 : f32 to vector<16xf32>
        %parallel_loop3A_160 = arith.divf %parallel_loop3A_159, %parallel_loop3A_157 : vector<16xf32>
        %parallel_loop3A_161 = arith.constant 1.000000e+00 : f32
        %parallel_loop3A_162 = vector.broadcast %parallel_loop3A_161 : f32 to vector<16xf32>
        %parallel_loop3A_163 = arith.subf %parallel_loop3A_162, %parallel_loop3A_160 : vector<16xf32>
        %parallel_loop3A_164 = arith.mulf %parallel_loop3A_163, %parallel_loop3A_101 : vector<16xf32>
        %parallel_loop3A_165 = arith.index_cast %parallel_loop3A_96 : i32 to index
        %parallel_loop3A_166 = arith.constant 32 : index
        %parallel_loop3A_167 = tpu.vector_load %arg24[%parallel_loop3A_165, %parallel_loop3A_166] {strides = array<i32>} : memref<80x128xf32, #tpu.memory_space<vmem>>, vector<16xf32>,
        tpu.vector_store %arg24[%parallel_loop3A_165, %parallel_loop3A_166], %parallel_loop3A_164 {strides = array<i32>} : memref<80x128xf32, #tpu.memory_space<vmem>>, vector<16xf32>,
        %parallel_loop3A_168 = arith.constant 48 : i32
        %parallel_loop3A_169 = vector.broadcast %parallel_loop3A_168 : i32 to vector<16xi32>
        %parallel_loop3A_170 = arith.addi %iota3A, %parallel_loop3A_169 : vector<16xi32>
        %parallel_loop3A_171 = tpu.vector_load_idx %arg15[%parallel_loop3A_100, %parallel_loop3A_170] : memref<16x128xf32, #tpu.memory_space<vmem>>[vector<16xi32>, vector<16xi32>], vector<16xf32>,
        %parallel_loop3A_172 = arith.index_cast %parallel_loop3A_96 : i32 to index
        %parallel_loop3A_173 = arith.constant 48 : index
        %parallel_loop3A_174 = tpu.vector_load %arg24[%parallel_loop3A_172, %parallel_loop3A_173] {strides = array<i32>} : memref<80x128xf32, #tpu.memory_space<vmem>>, vector<16xf32>,
        %parallel_loop3A_175 = arith.addf %parallel_loop3A_174, %parallel_loop3A_171 : vector<16xf32>
        %parallel_loop3A_176 = math.exp %parallel_loop3A_175 : vector<16xf32>
        %parallel_loop3A_177 = arith.constant 1.000000e+00 : f32
        %parallel_loop3A_178 = vector.broadcast %parallel_loop3A_177 : f32 to vector<16xf32>
        %parallel_loop3A_179 = arith.addf %parallel_loop3A_176, %parallel_loop3A_178 : vector<16xf32>
        %parallel_loop3A_180 = arith.constant 2.000000e+00 : f32
        %parallel_loop3A_181 = vector.broadcast %parallel_loop3A_180 : f32 to vector<16xf32>
        %parallel_loop3A_182 = arith.divf %parallel_loop3A_181, %parallel_loop3A_179 : vector<16xf32>
        %parallel_loop3A_183 = arith.constant 1.000000e+00 : f32
        %parallel_loop3A_184 = vector.broadcast %parallel_loop3A_183 : f32 to vector<16xf32>
        %parallel_loop3A_185 = arith.subf %parallel_loop3A_184, %parallel_loop3A_182 : vector<16xf32>
        %parallel_loop3A_186 = arith.mulf %parallel_loop3A_185, %parallel_loop3A_101 : vector<16xf32>
        %parallel_loop3A_187 = arith.index_cast %parallel_loop3A_96 : i32 to index
        %parallel_loop3A_188 = arith.constant 48 : index
        %parallel_loop3A_189 = tpu.vector_load %arg24[%parallel_loop3A_187, %parallel_loop3A_188] {strides = array<i32>} : memref<80x128xf32, #tpu.memory_space<vmem>>, vector<16xf32>,
        tpu.vector_store %arg24[%parallel_loop3A_187, %parallel_loop3A_188], %parallel_loop3A_186 {strides = array<i32>} : memref<80x128xf32, #tpu.memory_space<vmem>>, vector<16xf32>,
        %parallel_loop3A_190 = arith.constant 64 : i32
        %parallel_loop3A_191 = vector.broadcast %parallel_loop3A_190 : i32 to vector<16xi32>
        %parallel_loop3A_192 = arith.addi %iota3A, %parallel_loop3A_191 : vector<16xi32>
        %parallel_loop3A_193 = tpu.vector_load_idx %arg15[%parallel_loop3A_100, %parallel_loop3A_192] : memref<16x128xf32, #tpu.memory_space<vmem>>[vector<16xi32>, vector<16xi32>], vector<16xf32>,
        %parallel_loop3A_194 = arith.index_cast %parallel_loop3A_96 : i32 to index
        %parallel_loop3A_195 = arith.constant 64 : index
        %parallel_loop3A_196 = tpu.vector_load %arg24[%parallel_loop3A_194, %parallel_loop3A_195] {strides = array<i32>} : memref<80x128xf32, #tpu.memory_space<vmem>>, vector<16xf32>,
        %parallel_loop3A_197 = arith.addf %parallel_loop3A_196, %parallel_loop3A_193 : vector<16xf32>
        %parallel_loop3A_198 = math.exp %parallel_loop3A_197 : vector<16xf32>
        %parallel_loop3A_199 = arith.constant 1.000000e+00 : f32
        %parallel_loop3A_200 = vector.broadcast %parallel_loop3A_199 : f32 to vector<16xf32>
        %parallel_loop3A_201 = arith.addf %parallel_loop3A_198, %parallel_loop3A_200 : vector<16xf32>
        %parallel_loop3A_202 = arith.constant 2.000000e+00 : f32
        %parallel_loop3A_203 = vector.broadcast %parallel_loop3A_202 : f32 to vector<16xf32>
        %parallel_loop3A_204 = arith.divf %parallel_loop3A_203, %parallel_loop3A_201 : vector<16xf32>
        %parallel_loop3A_205 = arith.constant 1.000000e+00 : f32
        %parallel_loop3A_206 = vector.broadcast %parallel_loop3A_205 : f32 to vector<16xf32>
        %parallel_loop3A_207 = arith.subf %parallel_loop3A_206, %parallel_loop3A_204 : vector<16xf32>
        %parallel_loop3A_208 = arith.mulf %parallel_loop3A_207, %parallel_loop3A_101 : vector<16xf32>
        %parallel_loop3A_209 = arith.index_cast %parallel_loop3A_96 : i32 to index
        %parallel_loop3A_210 = arith.constant 64 : index
        %parallel_loop3A_211 = tpu.vector_load %arg24[%parallel_loop3A_209, %parallel_loop3A_210] {strides = array<i32>} : memref<80x128xf32, #tpu.memory_space<vmem>>, vector<16xf32>,
        tpu.vector_store %arg24[%parallel_loop3A_209, %parallel_loop3A_210], %parallel_loop3A_208 {strides = array<i32>} : memref<80x128xf32, #tpu.memory_space<vmem>>, vector<16xf32>,
        %parallel_loop3A_212 = arith.constant 80 : i32
        %parallel_loop3A_213 = vector.broadcast %parallel_loop3A_212 : i32 to vector<16xi32>
        %parallel_loop3A_214 = arith.addi %iota3A, %parallel_loop3A_213 : vector<16xi32>
        %parallel_loop3A_215 = tpu.vector_load_idx %arg15[%parallel_loop3A_100, %parallel_loop3A_214] : memref<16x128xf32, #tpu.memory_space<vmem>>[vector<16xi32>, vector<16xi32>], vector<16xf32>,
        %parallel_loop3A_216 = arith.index_cast %parallel_loop3A_96 : i32 to index
        %parallel_loop3A_217 = arith.constant 80 : index
        %parallel_loop3A_218 = tpu.vector_load %arg24[%parallel_loop3A_216, %parallel_loop3A_217] {strides = array<i32>} : memref<80x128xf32, #tpu.memory_space<vmem>>, vector<16xf32>,
        %parallel_loop3A_219 = arith.addf %parallel_loop3A_218, %parallel_loop3A_215 : vector<16xf32>
        %parallel_loop3A_220 = math.exp %parallel_loop3A_219 : vector<16xf32>
        %parallel_loop3A_221 = arith.constant 1.000000e+00 : f32
        %parallel_loop3A_222 = vector.broadcast %parallel_loop3A_221 : f32 to vector<16xf32>
        %parallel_loop3A_223 = arith.addf %parallel_loop3A_220, %parallel_loop3A_222 : vector<16xf32>
        %parallel_loop3A_224 = arith.constant 2.000000e+00 : f32
        %parallel_loop3A_225 = vector.broadcast %parallel_loop3A_224 : f32 to vector<16xf32>
        %parallel_loop3A_226 = arith.divf %parallel_loop3A_225, %parallel_loop3A_223 : vector<16xf32>
        %parallel_loop3A_227 = arith.constant 1.000000e+00 : f32
        %parallel_loop3A_228 = vector.broadcast %parallel_loop3A_227 : f32 to vector<16xf32>
        %parallel_loop3A_229 = arith.subf %parallel_loop3A_228, %parallel_loop3A_226 : vector<16xf32>
        %parallel_loop3A_230 = arith.mulf %parallel_loop3A_229, %parallel_loop3A_101 : vector<16xf32>
        %parallel_loop3A_231 = arith.index_cast %parallel_loop3A_96 : i32 to index
        %parallel_loop3A_232 = arith.constant 80 : index
        %parallel_loop3A_233 = tpu.vector_load %arg24[%parallel_loop3A_231, %parallel_loop3A_232] {strides = array<i32>} : memref<80x128xf32, #tpu.memory_space<vmem>>, vector<16xf32>,
        tpu.vector_store %arg24[%parallel_loop3A_231, %parallel_loop3A_232], %parallel_loop3A_230 {strides = array<i32>} : memref<80x128xf32, #tpu.memory_space<vmem>>, vector<16xf32>,
        %parallel_loop3A_234 = arith.constant 96 : i32
        %parallel_loop3A_235 = vector.broadcast %parallel_loop3A_234 : i32 to vector<16xi32>
        %parallel_loop3A_236 = arith.addi %iota3A, %parallel_loop3A_235 : vector<16xi32>
        %parallel_loop3A_237 = tpu.vector_load_idx %arg15[%parallel_loop3A_100, %parallel_loop3A_236] : memref<16x128xf32, #tpu.memory_space<vmem>>[vector<16xi32>, vector<16xi32>], vector<16xf32>,
        %parallel_loop3A_238 = arith.index_cast %parallel_loop3A_96 : i32 to index
        %parallel_loop3A_239 = arith.constant 96 : index
        %parallel_loop3A_240 = tpu.vector_load %arg24[%parallel_loop3A_238, %parallel_loop3A_239] {strides = array<i32>} : memref<80x128xf32, #tpu.memory_space<vmem>>, vector<16xf32>,
        %parallel_loop3A_241 = arith.addf %parallel_loop3A_240, %parallel_loop3A_237 : vector<16xf32>
        %parallel_loop3A_242 = math.exp %parallel_loop3A_241 : vector<16xf32>
        %parallel_loop3A_243 = arith.constant 1.000000e+00 : f32
        %parallel_loop3A_244 = vector.broadcast %parallel_loop3A_243 : f32 to vector<16xf32>
        %parallel_loop3A_245 = arith.addf %parallel_loop3A_242, %parallel_loop3A_244 : vector<16xf32>
        %parallel_loop3A_246 = arith.constant 2.000000e+00 : f32
        %parallel_loop3A_247 = vector.broadcast %parallel_loop3A_246 : f32 to vector<16xf32>
        %parallel_loop3A_248 = arith.divf %parallel_loop3A_247, %parallel_loop3A_245 : vector<16xf32>
        %parallel_loop3A_249 = arith.constant 1.000000e+00 : f32
        %parallel_loop3A_250 = vector.broadcast %parallel_loop3A_249 : f32 to vector<16xf32>
        %parallel_loop3A_251 = arith.subf %parallel_loop3A_250, %parallel_loop3A_248 : vector<16xf32>
        %parallel_loop3A_252 = arith.mulf %parallel_loop3A_251, %parallel_loop3A_101 : vector<16xf32>
        %parallel_loop3A_253 = arith.index_cast %parallel_loop3A_96 : i32 to index
        %parallel_loop3A_254 = arith.constant 96 : index
        %parallel_loop3A_255 = tpu.vector_load %arg24[%parallel_loop3A_253, %parallel_loop3A_254] {strides = array<i32>} : memref<80x128xf32, #tpu.memory_space<vmem>>, vector<16xf32>,
        tpu.vector_store %arg24[%parallel_loop3A_253, %parallel_loop3A_254], %parallel_loop3A_252 {strides = array<i32>} : memref<80x128xf32, #tpu.memory_space<vmem>>, vector<16xf32>,
        %parallel_loop3A_256 = arith.constant 112 : i32
        %parallel_loop3A_257 = vector.broadcast %parallel_loop3A_256 : i32 to vector<16xi32>
        %parallel_loop3A_258 = arith.addi %iota3A, %parallel_loop3A_257 : vector<16xi32>
        %parallel_loop3A_259 = tpu.vector_load_idx %arg15[%parallel_loop3A_100, %parallel_loop3A_258] : memref<16x128xf32, #tpu.memory_space<vmem>>[vector<16xi32>, vector<16xi32>], vector<16xf32>,
        %parallel_loop3A_260 = arith.index_cast %parallel_loop3A_96 : i32 to index
        %parallel_loop3A_261 = arith.constant 112 : index
        %parallel_loop3A_262 = tpu.vector_load %arg24[%parallel_loop3A_260, %parallel_loop3A_261] {strides = array<i32>} : memref<80x128xf32, #tpu.memory_space<vmem>>, vector<16xf32>,
        %parallel_loop3A_263 = arith.addf %parallel_loop3A_262, %parallel_loop3A_259 : vector<16xf32>
        %parallel_loop3A_264 = math.exp %parallel_loop3A_263 : vector<16xf32>
        %parallel_loop3A_265 = arith.constant 1.000000e+00 : f32
        %parallel_loop3A_266 = vector.broadcast %parallel_loop3A_265 : f32 to vector<16xf32>
        %parallel_loop3A_267 = arith.addf %parallel_loop3A_264, %parallel_loop3A_266 : vector<16xf32>
        %parallel_loop3A_268 = arith.constant 2.000000e+00 : f32
        %parallel_loop3A_269 = vector.broadcast %parallel_loop3A_268 : f32 to vector<16xf32>
        %parallel_loop3A_270 = arith.divf %parallel_loop3A_269, %parallel_loop3A_267 : vector<16xf32>
        %parallel_loop3A_271 = arith.constant 1.000000e+00 : f32
        %parallel_loop3A_272 = vector.broadcast %parallel_loop3A_271 : f32 to vector<16xf32>
        %parallel_loop3A_273 = arith.subf %parallel_loop3A_272, %parallel_loop3A_270 : vector<16xf32>
        %parallel_loop3A_274 = arith.mulf %parallel_loop3A_273, %parallel_loop3A_101 : vector<16xf32>
        %parallel_loop3A_275 = arith.index_cast %parallel_loop3A_96 : i32 to index
        %parallel_loop3A_276 = arith.constant 112 : index
        %parallel_loop3A_277 = tpu.vector_load %arg24[%parallel_loop3A_275, %parallel_loop3A_276] {strides = array<i32>} : memref<80x128xf32, #tpu.memory_space<vmem>>, vector<16xf32>,
        tpu.vector_store %arg24[%parallel_loop3A_275, %parallel_loop3A_276], %parallel_loop3A_274 {strides = array<i32>} : memref<80x128xf32, #tpu.memory_space<vmem>>, vector<16xf32>,
      } {sc.loop_unroll_factor = 2 : i64, sc.parallel_access}
      %dma_start3A_77 = arith.constant 24 : i32
      %dma_start3A_78 = arith.constant 0 : i32
      %dma_start3A_79 = tpu.memref_slice %arg23[%dma_start3A_77, %dma_start3A_78] : memref<25x80xi32, #tpu.memory_space<vmem>> -> memref<1x80xi32, #tpu.memory_space<vmem>>
      %dma_start3A_80 = tpu.memref_squeeze %dma_start3A_79 : memref<1x80xi32, #tpu.memory_space<vmem>> -> memref<80xi32, #tpu.memory_space<vmem>>
      %dma_start3A_81 = arith.constant 0 : i32
      %dma_start3A_82 = arith.constant 0 : i32
      %dma_start3A_83 = tpu.memref_slice %arg13[%dma_start3A_81, %dma_start3A_82] : memref<10000x128xf32, #tpu.memory_space<vmem_shared>> -> memref<10000x128xf32, #tpu.memory_space<vmem_shared>>
      tpu.enqueue_indirect_dma source(%arg24 : memref<80x128xf32, #tpu.memory_space<vmem>>) target(%dma_start3A_83 : memref<10000x128xf32, #tpu.memory_space<vmem_shared>>) offsets(%dma_start3A_80 : memref<80xi32, #tpu.memory_space<vmem>>) semaphore(%arg27 : memref<!tpu.dma_semaphore, #tpu.memory_space<semaphore_mem>>) {add = true}
      %dma_wait3A_84 = arith.constant 0 : i32
      %dma_wait3A_85 = arith.constant 0 : i32
      %dma_wait3A_86 = tpu.memref_slice %arg23[%dma_wait3A_84, %dma_wait3A_85] : memref<25x80xi32, #tpu.memory_space<vmem>> -> memref<1x80xi32, #tpu.memory_space<vmem>>
      %dma_wait3A_87 = tpu.memref_squeeze %dma_wait3A_86 : memref<1x80xi32, #tpu.memory_space<vmem>> -> memref<80xi32, #tpu.memory_space<vmem>>
      %dma_wait3A_88 = arith.constant 0 : i32
      %dma_wait3A_89 = arith.constant 0 : i32
      %dma_wait3A_90 = tpu.memref_slice %arg13[%dma_wait3A_88, %dma_wait3A_89] : memref<10000x128xf32, #tpu.memory_space<vmem_shared>> -> memref<10000x128xf32, #tpu.memory_space<vmem_shared>>
      tpu.wait_indirect_dma semaphore(%arg27 : memref<!tpu.dma_semaphore, #tpu.memory_space<semaphore_mem>>) src(%arg24 : memref<80x128xf32, #tpu.memory_space<vmem>>) dst(%dma_wait3A_90 : memref<10000x128xf32, #tpu.memory_space<vmem_shared>>)
      %scan3A_91 = arith.constant 0 : i32
      %scan3A_92 = arith.constant 25 : i32
      %scan3A_93 = arith.addi %scan3A_91, %scan3A_92 : i32
      %scan3A_94 = arith.constant 1 : i32
      scf.for %scan3A_96 = %scan3A_91 to %scan3A_93 step %scan3A_94  : i32 {
        %dma_wait3A_97 = arith.constant 0 : i32
        %dma_wait3A_98 = arith.constant 0 : i32
        %dma_wait3A_99 = tpu.memref_slice %arg19[%dma_wait3A_98] : memref<2000xf32, #tpu.memory_space<vmem>> -> memref<80xf32, #tpu.memory_space<vmem>>
        %dma_wait3A_100 = arith.constant 0 : i32
        %dma_wait3A_101 = tpu.memref_slice %arg23[%dma_wait3A_97, %dma_wait3A_100] : memref<25x80xi32, #tpu.memory_space<vmem>> -> memref<1x80xi32, #tpu.memory_space<vmem>>
        %dma_wait3A_102 = tpu.memref_squeeze %dma_wait3A_101 : memref<1x80xi32, #tpu.memory_space<vmem>> -> memref<80xi32, #tpu.memory_space<vmem>>
        %dma_wait3A_103 = arith.constant 0 : i32
        %dma_wait3A_104 = tpu.memref_slice %arg14[%dma_wait3A_103] : memref<10240xf32, #tpu.memory_space<vmem_shared>> -> memref<10240xf32, #tpu.memory_space<vmem_shared>>
        tpu.wait_indirect_dma semaphore(%arg28 : memref<!tpu.dma_semaphore, #tpu.memory_space<semaphore_mem>>) src(%dma_wait3A_99 : memref<80xf32, #tpu.memory_space<vmem>>) dst(%dma_wait3A_104 : memref<10240xf32, #tpu.memory_space<vmem_shared>>)
      }
      %scan3A_95 = arith.constant 25 : i32
    }
    %scan3A_10 = arith.constant 5 : i32
    %barrier3A_11 = arith.constant 0 : index
    tpu.barrier barrier_id(%barrier3A_11)
    %mul3A_12 = arith.constant 625 : i32
    %mul3A_13 = arith.muli %arg1, %mul3A_12 : i32
    %mul3A_14 = arith.constant 10000 : i32
    %mul3A_15 = arith.muli %arg0, %mul3A_14 : i32
    %mul3A_16 = arith.constant 625 : i32
    %mul3A_17 = arith.muli %arg1, %mul3A_16 : i32
    %add3A_18 = arith.addi %mul3A_15, %mul3A_17 : i32
    "tpu.region"() ({
      %run_scoped3A = tpu.sem_alloc : memref<!tpu.dma_semaphore, #tpu.memory_space<semaphore_mem>>
      %dma_start3A = arith.constant 0 : i32
      %dma_start3A_26 = tpu.memref_slice %arg11[%add3A_18, %dma_start3A] : memref<20000x128xf32, #tpu.memory_space<hbm>> -> memref<625x128xf32, #tpu.memory_space<hbm>>
      %dma_start3A_27 = arith.constant 0 : i32
      %dma_start3A_28 = tpu.memref_slice %arg13[%mul3A_13, %dma_start3A_27] : memref<10000x128xf32, #tpu.memory_space<vmem_shared>> -> memref<625x128xf32, #tpu.memory_space<vmem_shared>>
      tpu.enqueue_dma source(%dma_start3A_28 : memref<625x128xf32, #tpu.memory_space<vmem_shared>>) target(%dma_start3A_26 : memref<625x128xf32, #tpu.memory_space<hbm>>) target_semaphore(%run_scoped3A : memref<!tpu.dma_semaphore, #tpu.memory_space<semaphore_mem>>)
      %dma_wait3A = arith.constant 0 : i32
      %dma_wait3A_29 = tpu.memref_slice %arg11[%add3A_18, %dma_wait3A] : memref<20000x128xf32, #tpu.memory_space<hbm>> -> memref<625x128xf32, #tpu.memory_space<hbm>>
      %dma_wait3A_30 = arith.constant 0 : i32
      %dma_wait3A_31 = tpu.memref_slice %arg13[%mul3A_13, %dma_wait3A_30] : memref<10000x128xf32, #tpu.memory_space<vmem_shared>> -> memref<625x128xf32, #tpu.memory_space<vmem_shared>>
      tpu.wait_dma2 semaphore(%run_scoped3A : memref<!tpu.dma_semaphore, #tpu.memory_space<semaphore_mem>>) src(%dma_wait3A_31 : memref<625x128xf32, #tpu.memory_space<vmem_shared>>) dst(%dma_wait3A_29 : memref<625x128xf32, #tpu.memory_space<hbm>>)
      tpu.yield
    }) : () -> ()
    %mul3A_19 = arith.constant 640 : i32
    %mul3A_20 = arith.muli %arg1, %mul3A_19 : i32
    %mul3A_21 = arith.constant 10240 : i32
    %mul3A_22 = arith.muli %arg0, %mul3A_21 : i32
    %mul3A_23 = arith.constant 640 : i32
    %mul3A_24 = arith.muli %arg1, %mul3A_23 : i32
    %add3A_25 = arith.addi %mul3A_22, %mul3A_24 : i32
    "tpu.region"() ({
      %run_scoped3A = tpu.sem_alloc : memref<!tpu.dma_semaphore, #tpu.memory_space<semaphore_mem>>
      %dma_start3A = tpu.memref_slice %arg12[%add3A_25] : memref<20480xf32, #tpu.memory_space<hbm>> -> memref<640xf32, #tpu.memory_space<hbm>>
      %dma_start3A_26 = tpu.memref_slice %arg14[%mul3A_20] : memref<10240xf32, #tpu.memory_space<vmem_shared>> -> memref<640xf32, #tpu.memory_space<vmem_shared>>
      tpu.enqueue_dma source(%dma_start3A_26 : memref<640xf32, #tpu.memory_space<vmem_shared>>) target(%dma_start3A : memref<640xf32, #tpu.memory_space<hbm>>) target_semaphore(%run_scoped3A : memref<!tpu.dma_semaphore, #tpu.memory_space<semaphore_mem>>)
      %dma_wait3A = tpu.memref_slice %arg12[%add3A_25] : memref<20480xf32, #tpu.memory_space<hbm>> -> memref<640xf32, #tpu.memory_space<hbm>>
      %dma_wait3A_27 = tpu.memref_slice %arg14[%mul3A_20] : memref<10240xf32, #tpu.memory_space<vmem_shared>> -> memref<640xf32, #tpu.memory_space<vmem_shared>>
      tpu.wait_dma2 semaphore(%run_scoped3A : memref<!tpu.dma_semaphore, #tpu.memory_space<semaphore_mem>>) src(%dma_wait3A_27 : memref<640xf32, #tpu.memory_space<vmem_shared>>) dst(%dma_wait3A : memref<640xf32, #tpu.memory_space<hbm>>)
      tpu.yield
    }) : () -> ()
    return
  }
}

module attributes {stable_mosaic.version = 14 : i64} {
  func.func @_pre_body(%arg0: i32, %arg1: memref<1000x128xf32, #tpu.memory_space<vmem>>, %arg2: memref<128x128xf32, #tpu.memory_space<vmem>>, %arg3: memref<16x128xf32, #tpu.memory_space<vmem>>, %arg4: memref<1000x128xf32, #tpu.memory_space<vmem>>, %arg5: memref<1000x16xf32, #tpu.memory_space<vmem>>) attributes {dimension_semantics = [#tpu.dimension_semantics<arbitrary>], iteration_bounds = array<i64: 10>, scalar_prefetch = 0 : i64, scratch_operands = 0 : i64, tpu.core_type = #tpu.core_type<tc>, window_params = [{transform_indices = @transform_0, window_bounds = array<i64: 1000, 128>}, {pipeline_mode = #tpu.pipeline_mode<synchronous>, transform_indices = @transform_1, window_bounds = array<i64: 128, 128>}, {pipeline_mode = #tpu.pipeline_mode<synchronous>, transform_indices = @transform_2, window_bounds = array<i64: 16, 128>}, {transform_indices = @transform_3, window_bounds = array<i64: 1000, 128>}, {transform_indices = @transform_4, window_bounds = array<i64: 1000, 16>}]} {
    %get3A = arith.constant 0 : index
    %get3A_0 = arith.constant 0 : index
    %get3A_1 = vector.load %arg1[%get3A, %get3A_0] : memref<1000x128xf32, #tpu.memory_space<vmem>>, vector<1000x128xf32>
    %get3A_2 = arith.constant 0 : index
    %get3A_3 = arith.constant 0 : index
    %get3A_4 = vector.load %arg2[%get3A_2, %get3A_3] : memref<128x128xf32, #tpu.memory_space<vmem>>, vector<128x128xf32>
    %dot_general3A = arith.constant dense<0.000000e+00> : vector<1000x128xf32>
    %dot_general3A_5 = tpu.matmul %get3A_1, %get3A_4, %dot_general3A {dimension_numbers = #tpu.dot_dimension_numbers<[1], [0], [0], [1], [0, 0, 1, 1], [], []>, transpose_lhs_hint = false} : vector<1000x128xf32>, vector<128x128xf32>, vector<1000x128xf32> -> vector<1000x128xf32>
    %mul3A = arith.constant 2.000000e+00 : f32
    %mul3A_6 = vector.broadcast %mul3A : f32 to vector<1000x128xf32>
    %mul3A_7 = arith.mulf %dot_general3A_5, %mul3A_6 : vector<1000x128xf32>
    %swap3A = arith.constant 0 : index
    %swap3A_8 = arith.constant 0 : index
    %swap3A_9 = vector.load %arg4[%swap3A, %swap3A_8] : memref<1000x128xf32, #tpu.memory_space<vmem>>, vector<1000x128xf32>
    tpu.vector_store %arg4[%swap3A, %swap3A_8], %mul3A_7 {strides = array<i32>} : memref<1000x128xf32, #tpu.memory_space<vmem>>, vector<1000x128xf32>,
    %get3A_10 = arith.constant 0 : index
    %get3A_11 = arith.constant 0 : index
    %get3A_12 = vector.load %arg3[%get3A_10, %get3A_11] : memref<16x128xf32, #tpu.memory_space<vmem>>, vector<16x128xf32>
    %transpose3A = tpu.transpose %get3A_12, [1, 0] : vector<16x128xf32> -> vector<128x16xf32>
    %dot_general3A_13 = arith.constant dense<0.000000e+00> : vector<1000x16xf32>
    %dot_general3A_14 = tpu.matmul %get3A_1, %transpose3A, %dot_general3A_13 {dimension_numbers = #tpu.dot_dimension_numbers<[1], [0], [0], [1], [0, 0, 1, 1], [], []>, transpose_lhs_hint = false} : vector<1000x128xf32>, vector<128x16xf32>, vector<1000x16xf32> -> vector<1000x16xf32>
    %mul3A_15 = arith.constant -0.0883883461 : f32
    %mul3A_16 = vector.broadcast %mul3A_15 : f32 to vector<1000x16xf32>
    %mul3A_17 = arith.mulf %dot_general3A_14, %mul3A_16 : vector<1000x16xf32>
    %swap3A_18 = arith.constant 0 : index
    %swap3A_19 = arith.constant 0 : index
    %swap3A_20 = vector.load %arg5[%swap3A_18, %swap3A_19] : memref<1000x16xf32, #tpu.memory_space<vmem>>, vector<1000x16xf32>
    tpu.vector_store %arg5[%swap3A_18, %swap3A_19], %mul3A_17 {strides = array<i32>} : memref<1000x16xf32, #tpu.memory_space<vmem>>, vector<1000x16xf32>,
    return
  }
  func.func @transform_0(%arg0: i32) -> (i32, i32) {
    %c0_i32 = arith.constant 0 : i32
    %c0_i32_0 = arith.constant 0 : i32
    return %arg0, %c0_i32 : i32, i32
  }
  func.func @transform_1(%arg0: i32) -> (i32, i32) {
    %c0_i32 = arith.constant 0 : i32
    %c0_i32_0 = arith.constant 0 : i32
    %c0_i32_1 = arith.constant 0 : i32
    return %c0_i32, %c0_i32_0 : i32, i32
  }
  func.func @transform_2(%arg0: i32) -> (i32, i32) {
    %c0_i32 = arith.constant 0 : i32
    %c0_i32_0 = arith.constant 0 : i32
    %c0_i32_1 = arith.constant 0 : i32
    return %c0_i32, %c0_i32_0 : i32, i32
  }
  func.func @transform_3(%arg0: i32) -> (i32, i32) {
    %c0_i32 = arith.constant 0 : i32
    %c0_i32_0 = arith.constant 0 : i32
    return %arg0, %c0_i32 : i32, i32
  }
  func.func @transform_4(%arg0: i32) -> (i32, i32) {
    %c0_i32 = arith.constant 0 : i32
    %c0_i32_0 = arith.constant 0 : i32
    return %arg0, %c0_i32 : i32, i32
  }
}

module attributes {stable_mosaic.version = 14 : i64} {
  func.func @_post_body(%arg0: i32, %arg1: memref<1000x128xf32, #tpu.memory_space<vmem>>, %arg2: memref<1000x128xf32, #tpu.memory_space<vmem>>, %arg3: memref<1000x128xf32, #tpu.memory_space<vmem>>, %arg4: memref<1000x1xf32, #tpu.memory_space<vmem>>, %arg5: memref<1000x1xf32, #tpu.memory_space<vmem>>, %arg6: memref<128x128xf32, #tpu.memory_space<vmem>>, %arg7: memref<1000x128xf32, #tpu.memory_space<vmem>>) attributes {dimension_semantics = [#tpu.dimension_semantics<arbitrary>], iteration_bounds = array<i64: 10>, scalar_prefetch = 0 : i64, scratch_operands = 0 : i64, tpu.core_type = #tpu.core_type<tc>, window_params = [{transform_indices = @transform_0, window_bounds = array<i64: 1000, 128>}, {transform_indices = @transform_1, window_bounds = array<i64: 1000, 128>}, {transform_indices = @transform_2, window_bounds = array<i64: 1000, 128>}, {transform_indices = @transform_3, window_bounds = array<i64: 1000, 1>}, {transform_indices = @transform_4, window_bounds = array<i64: 1000, 1>}, {pipeline_mode = #tpu.pipeline_mode<synchronous>, transform_indices = @transform_5, window_bounds = array<i64: 128, 128>}, {transform_indices = @transform_6, window_bounds = array<i64: 1000, 128>}]} {
    %get3A = arith.constant 0 : index
    %get3A_0 = arith.constant 0 : index
    %get3A_1 = vector.load %arg4[%get3A, %get3A_0] : memref<1000x1xf32, #tpu.memory_space<vmem>>, vector<1000x1xf32>
    %get3A_2 = arith.constant 0 : index
    %get3A_3 = arith.constant 0 : index
    %get3A_4 = vector.load %arg5[%get3A_2, %get3A_3] : memref<1000x1xf32, #tpu.memory_space<vmem>>, vector<1000x1xf32>
    %add3A = arith.addf %get3A_1, %get3A_4 : vector<1000x1xf32>
    %add3A_5 = arith.constant 9.99999971E-10 : f32
    %add3A_6 = vector.broadcast %add3A_5 : f32 to vector<1000x1xf32>
    %add3A_7 = arith.addf %add3A, %add3A_6 : vector<1000x1xf32>
    %div3A = arith.constant 1.000000e+00 : f32
    %div3A_8 = vector.broadcast %div3A : f32 to vector<1000x1xf32>
    %div3A_9 = arith.divf %div3A_8, %add3A_7 : vector<1000x1xf32>
    %get3A_10 = arith.constant 0 : index
    %get3A_11 = arith.constant 0 : index
    %get3A_12 = vector.load %arg2[%get3A_10, %get3A_11] : memref<1000x128xf32, #tpu.memory_space<vmem>>, vector<1000x128xf32>
    %get3A_13 = arith.constant 0 : index
    %get3A_14 = arith.constant 0 : index
    %get3A_15 = vector.load %arg3[%get3A_13, %get3A_14] : memref<1000x128xf32, #tpu.memory_space<vmem>>, vector<1000x128xf32>
    %add3A_16 = arith.addf %get3A_12, %get3A_15 : vector<1000x128xf32>
    %mul3A = vector.broadcast %div3A_9 : vector<1000x1xf32> to vector<1000x128xf32>
    %mul3A_17 = arith.mulf %add3A_16, %mul3A : vector<1000x128xf32>
    %get3A_18 = arith.constant 0 : index
    %get3A_19 = arith.constant 0 : index
    %get3A_20 = vector.load %arg1[%get3A_18, %get3A_19] : memref<1000x128xf32, #tpu.memory_space<vmem>>, vector<1000x128xf32>
    %get3A_21 = arith.constant 0 : index
    %get3A_22 = arith.constant 0 : index
    %get3A_23 = vector.load %arg6[%get3A_21, %get3A_22] : memref<128x128xf32, #tpu.memory_space<vmem>>, vector<128x128xf32>
    %dot_general3A = arith.constant dense<0.000000e+00> : vector<1000x128xf32>
    %dot_general3A_24 = tpu.matmul %mul3A_17, %get3A_23, %dot_general3A {dimension_numbers = #tpu.dot_dimension_numbers<[1], [0], [0], [1], [0, 0, 1, 1], [], []>, transpose_lhs_hint = false} : vector<1000x128xf32>, vector<128x128xf32>, vector<1000x128xf32> -> vector<1000x128xf32>
    %tanh3A = math.tanh %dot_general3A_24 : vector<1000x128xf32>
    %add3A_25 = arith.addf %get3A_20, %tanh3A : vector<1000x128xf32>
    %swap3A = arith.constant 0 : index
    %swap3A_26 = arith.constant 0 : index
    %swap3A_27 = vector.load %arg7[%swap3A, %swap3A_26] : memref<1000x128xf32, #tpu.memory_space<vmem>>, vector<1000x128xf32>
    tpu.vector_store %arg7[%swap3A, %swap3A_26], %add3A_25 {strides = array<i32>} : memref<1000x128xf32, #tpu.memory_space<vmem>>, vector<1000x128xf32>,
    return
  }
  func.func @transform_0(%arg0: i32) -> (i32, i32) {
    %c0_i32 = arith.constant 0 : i32
    %c0_i32_0 = arith.constant 0 : i32
    return %arg0, %c0_i32 : i32, i32
  }
  func.func @transform_1(%arg0: i32) -> (i32, i32) {
    %c0_i32 = arith.constant 0 : i32
    %c0_i32_0 = arith.constant 0 : i32
    return %arg0, %c0_i32 : i32, i32
  }
  func.func @transform_2(%arg0: i32) -> (i32, i32) {
    %add3A = arith.constant 10 : i32
    %add3A_0 = arith.addi %arg0, %add3A : i32
    %c0_i32 = arith.constant 0 : i32
    %c0_i32_1 = arith.constant 0 : i32
    return %add3A_0, %c0_i32 : i32, i32
  }
  func.func @transform_3(%arg0: i32) -> (i32, i32) {
    %c0_i32 = arith.constant 0 : i32
    %c0_i32_0 = arith.constant 0 : i32
    return %arg0, %c0_i32 : i32, i32
  }
  func.func @transform_4(%arg0: i32) -> (i32, i32) {
    %c0_i32 = arith.constant 0 : i32
    %c0_i32_0 = arith.constant 0 : i32
    return %arg0, %c0_i32 : i32, i32
  }
  func.func @transform_5(%arg0: i32) -> (i32, i32) {
    %c0_i32 = arith.constant 0 : i32
    %c0_i32_0 = arith.constant 0 : i32
    %c0_i32_1 = arith.constant 0 : i32
    return %c0_i32, %c0_i32_0 : i32, i32
  }
  func.func @transform_6(%arg0: i32) -> (i32, i32) {
    %c0_i32 = arith.constant 0 : i32
    %c0_i32_0 = arith.constant 0 : i32
    return %arg0, %c0_i32 : i32, i32
  }
}

</mosaic_0001>

<sc_bundles>
// kernel: kernel.5.cloned.1.call-start
scs
__scs_entry_jumppad:
0x0: {  	(pc) =	sbr.rel $0x88, $3  }
0x1: {  	(tag) =	ssettag $0x0;
	lr =	simm.s32 $0x1  }
0x2: {  	[smem:$0x3F9A] =	sst lr;
	_ =	strace $0xD0000000  }
0x3: {  	_ = 	snop  }
0x4: {  	_ = 	snop  }
0x5: {  	_ = 	snop  }
0x6: {  	_ = 	snop  }
0x7: {  	_ = 	snop  }
__scs_overlays_trampoline_lowered:
0x8: {  	[smem:$0x3FA9] =	sst s0  }
0x9: {  	[smem:$0x3FAA] =	sst s1  }
0xa: {  	[smem:$0x3FAB] =	sst s2  }
0xb: {  	[smem:$0x3FAC] =	sst s3  }
0xc: {  	[smem:$0x3FAD] =	sst s4  }
0xd: {  	[smem:$0x3FAE] =	sst s5  }
0xe: {  	[smem:$0x3FAF] =	sst s6  }
0xf: {  	[smem:$0x3FB0] =	sst s7  }
0x10: {  	[smem:$0x3FB1] =	sst s8  }
0x11: {  	[smem:$0x3FB2] =	sst s9;
	s0 =	simm.s32 @!p0 $0x0  }
0x12: {  	s1 =	sld [smem:$0x3F98];
	s0 =	simm.s32 @p0 $0x1  }
0x13: {  	[smem:$0x3FB3] =	sst s0;
	s0 =	simm.s32 @!p1 $0x0  }
0x14: {  	s2 =	sld [smem:$0x3F97];
	s0 =	simm.s32 @p1 $0x1  }
0x15: {  	[smem:$0x3FB4] =	sst s0;
	s0 =	simm.s32 @!p2 $0x0  }
0x16: {  	s3 =	sld [smem:$0x3FDB];
	s0 =	simm.s32 @p2 $0x1  }
0x17: {  	s4 =	simm.s32 $0x1BF5;
	[smem:$0x3FB6] =	sst s0  }
0x18: {  	s0 =	sld [smem:$0x3F99];
	_ =	swait.ge [sflag:s4], $0x0  }
0x19: {  	s7 =	sld [smem:$0x3F9A]  }
0x1a: {  	s8 =	sadd.s32 $0xFFFFE003, lr  }
0x1b: {  	s9 =	sadd.s32 $0xFFFFFEF7, lr;
	s5 =	simm.s32 $0xFFFFFFFF;
	p2 =	slt.u32 s8, $0xFFFFF086  }
0x1c: {  	p1 =	slt.u32 s9, $0xF7A;
	s5 =	simm.s32 @!p2 $0x0  }
0x1d: {  	s5 =	simm.s32 @p1 $0x1;
	p0 =	seq.s32 s7, s2  }
0x1e: {  	s7 =	smul.u32 @!p0 $0xF7A, s2;
	p2 =	seq.s32 @!p0 s5, $0x0  }
0x1f: {  	s9 =	smul.u32 $0xF7A, s1;
	s8 =	simm.s32 @!p0 $0x1BF5;
	p2 =	por !p2, p0  }
0x20: {  	[sflag:s8] =	ssyncset.s32 @!p0 $0xFFFFF086;
	s6 =	sadd.s32 @!p0 s3, s7;
	s7 =	simm.s32 @!p0 $0x108  }
0x21: {  	s3 =	sadd.s32 s3, s9;
	s6 =	sadd.s32 @!p0 $0x88, s6;
	s7 =	simm.s32 @p2 $0x1082  }
0x22: {  	[simem:s7], [sflag:s8] =	dma.local @!p0 [hbm:s6], $0xF7A  }
0x23: {  	s9 =	sor.u32 $0xD0000000, s2;
	s6 =	simm.s32 $0x108;
	_ =	swait.ge @!p0 [sflag:s8], $0x0  }
0x24: {  	s3 =	sadd.s32 $0x88, s3;
	s6 =	simm.s32 @!p1 $0x1082;
	[sflag:s4] =	ssyncset.s32 $0xFFFFF086  }
0x25: {  	[simem:s6], [sflag:s4] =	dma.local [hbm:s3], $0xF7A  }
0x26: {  	[smem:$0x3F9A] =	sst s1;
	(tag) =	ssettag s2;
	_ =	strace s9  }
0x27: {  	s1 =	sld [smem:$0x3FAA]  }
0x28: {  	s2 =	sld [smem:$0x3FAB]  }
0x29: {  	s4 =	sld [smem:$0x3FAD]  }
0x2a: {  	p0 =	seq.s32 s5, $0x0;
	s5 =	sld [smem:$0x3FAE]  }
0x2b: {  	s6 =	sld [smem:$0x3FAF]  }
0x2c: {  	s7 =	sld [smem:$0x3FB0]  }
0x2d: {  	s3 =	simm.s32 $0x108;
	s8 =	sld [smem:$0x3FB1]  }
0x2e: {  	s3 =	simm.s32 @!p0 $0x1082;
	s9 =	sld [smem:$0x3FB2]  }
0x2f: {  	lr =	sadd.s32 s0, s3;
	s0 =	sld [smem:$0x3FA9]  }
0x30: {  	s3 =	sld [smem:$0x3FAC]  }
0x31: {  	[smem:$0x3FB5] =	sst s10  }
0x32: {  	s10 =	sld [smem:$0x3FB3];
	_ =	sdelay $0x3  }
0x33: {  	p0 =	seq.s32 s10, $0x1;
	s10 =	sld [smem:$0x3FB5];
	_ =	sdelay $0x3  }
0x34: {  	[smem:$0x3FB5] =	sst s10  }
0x35: {  	s10 =	sld [smem:$0x3FB4];
	_ =	sdelay $0x3  }
0x36: {  	p1 =	seq.s32 s10, $0x1;
	s10 =	sld [smem:$0x3FB5];
	_ =	sdelay $0x3  }
0x37: {  	[smem:$0x3FB5] =	sst s10  }
0x38: {  	s10 =	sld [smem:$0x3FB6]  }
0x39: {  	_ = 	snop;
	(pc) =	sbr.ind lr, $3  }
0x3a: {  	_ = 	snop  }
0x3b: {  	_ = 	snop  }
0x3c: {  	p2 =	seq.s32 s10, $0x1;
	s10 =	sld [smem:$0x3FB5]  }
0x3d: {  	_ =	shalt  }
0x3e: {  	_ =	shalt  }
0x3f: {  	_ =	shalt  }
0x40: {  	_ =	shalt  }
0x41: {  	_ =	shalt  }
0x42: {  	_ =	shalt  }
0x43: {  	_ =	shalt  }
0x44: {  	_ =	shalt  }
0x45: {  	_ =	shalt  }
0x46: {  	_ =	shalt  }
0x47: {  	_ =	shalt  }
0x48: {  	_ =	shalt  }
0x49: {  	_ =	shalt  }
0x4a: {  	_ =	shalt  }
0x4b: {  	_ =	shalt  }
0x4c: {  	_ =	shalt  }
0x4d: {  	_ =	shalt  }
0x4e: {  	_ =	shalt  }
0x4f: {  	_ =	shalt  }
0x50: {  	_ =	shalt  }
0x51: {  	_ =	shalt  }
0x52: {  	_ =	shalt  }
0x53: {  	_ =	shalt  }
0x54: {  	_ =	shalt  }
0x55: {  	_ =	shalt  }
0x56: {  	_ =	shalt  }
0x57: {  	_ =	shalt  }
0x58: {  	_ =	shalt  }
0x59: {  	_ =	shalt  }
0x5a: {  	_ =	shalt  }
0x5b: {  	_ =	shalt  }
0x5c: {  	_ =	shalt  }
0x5d: {  	_ =	shalt  }
0x5e: {  	_ =	shalt  }
0x5f: {  	_ =	shalt  }
0x60: {  	_ =	shalt  }
0x61: {  	_ =	shalt  }
0x62: {  	_ =	shalt  }
0x63: {  	_ =	shalt  }
0x64: {  	_ =	shalt  }
0x65: {  	_ =	shalt  }
0x66: {  	_ =	shalt  }
0x67: {  	_ =	shalt  }
0x68: {  	_ =	shalt  }
0x69: {  	_ =	shalt  }
0x6a: {  	_ =	shalt  }
0x6b: {  	_ =	shalt  }
0x6c: {  	_ =	shalt  }
0x6d: {  	_ =	shalt  }
0x6e: {  	_ =	shalt  }
0x6f: {  	_ =	shalt  }
0x70: {  	_ =	shalt  }
0x71: {  	_ =	shalt  }
0x72: {  	_ =	shalt  }
0x73: {  	_ =	shalt  }
0x74: {  	_ =	shalt  }
0x75: {  	_ =	shalt  }
0x76: {  	_ =	shalt  }
0x77: {  	_ =	shalt  }
0x78: {  	_ =	shalt  }
0x79: {  	_ =	shalt  }
0x7a: {  	_ =	shalt  }
0x7b: {  	_ =	shalt  }
0x7c: {  	_ =	shalt  }
0x7d: {  	_ =	shalt  }
0x7e: {  	_ =	shalt  }
0x7f: {  	_ =	shalt  }
0x80: {  	_ =	shalt  }
0x81: {  	_ =	shalt  }
0x82: {  	_ =	shalt  }
0x83: {  	_ =	shalt  }
0x84: {  	_ =	shalt  }
0x85: {  	_ =	shalt  }
0x86: {  	_ =	shalt  }
0x87: {  	_ =	shalt  }
.Lfunc_end0:
.L_simem_size_0:
called_computation_lowered:
.L_overlay_start_0:
0x88: {  	s2 =	sld [smem:$0x3FD9]  }
0x89: {  	s3 =	sld [smem:$0x3FFE];
	_ =	sdelay $0x1  }
0x8a: {  	s1 =	srdreg.scid  }
0x8b: {  	s0 =	sand.u32 $0x1, s1  }
0x8c: {  	s17 =	sshll.u32 s0, $0xA;
	s2 =	sadd.s32 s3, s2  }
0x8d: {  	s2 =	sadd.s32 s2, s17  }
0x8e: {  	[smem:$0x3FC1] =	sst s2  }
0x8f: {  	_ = 	snop  }
0x90: {  	s2 =	sld [smem:$0x3FC8]  }
0x91: {  	s18 =	sld [smem:$0x3FC3]  }
0x92: {  	s4 =	sld [smem:$0x3FD0];
	(tm) =	ssettm $0x1  }
0x93: {  	s5 =	sld [smem:$0x3FFB];
	_ =	sdelay $0x3  }
0x94: {  	_ =	strace s5  }
0x95: {  	s5 =	sld [smem:$0x3FFC];
	_ =	sdelay $0x3  }
0x96: {  	_ =	strace s5  }
0x97: {  	s5 =	sld [smem:$0x3FFD];
	_ =	sdelay $0x3  }
0x98: {  	_ =	strace s5  }
0x99: {  	_ =	strace $0x8FFFFFFF  }
0x9a: {  	s19 =	sld [smem:$0x3FDB];
	_ =	sdelay $0x1  }
0x9b: {  	s6 =	simm.s32 $_scs_section_size  }
0x9c: {  	s7 =	simm.s32 $_size__tile_overlayer_lowered;
	s8 =	simm.s32 $_tile_overlayer_lowered  }
0x9d: {  	s22 =	simm.s32 $0x1BFF;
	s21 =	sshll.u32 s8, $0x1;
	s5 =	sadd.s32 s6, s19  }
0x9e: {  	s9 =	simm.s32 $0x0;
	s20 =	sshll.u32 s7, $0x1;
	s7 =	sadd.s32 s21, s5  }
0x9f: {  	[timem:s9], [sflag:s22] =	dma.local [hbm:s7], s20  }
0xa0: {  	_ =	swait.ge [sflag:s22], s20  }
0xa1: {  	s6 =	ssub.s32 $0x0, s20;
	[sflag:s22] =	ssyncset.done $0x0  }
0xa2: {  	[sflag:s22] =	ssyncadd.s32 s6;
	_ =	sdelay $0x1  }
0xa3: {  	s23 =	simm.s32 $0x1B8B  }
0xa4: {  	_ =	swait.ge [sflag:s23], $0x1  }
0xa5: {  	[sflag:s23] =	ssyncset.done $0x0  }
0xa6: {  	s25 =	simm.s32 $0x1B8E;
	s24 =	sld [smem:$0x3FFE];
	[sflag:s23] =	ssyncadd.s32 $0xFFFFFFFF  }
0xa7: {  	s26 =	simm.s32 $execute0_lowered;
	[smem:$0x3FD2] =	sst s25  }
0xa8: {  	s7 =	sshll.u32 s26, $0x1;
	_ =	strace $0x80000046;
	[dreg:$0x1] =	wrdreg $0xFFFFFFFF  }
0xa9: {  	s28 =	simm.s32 $_size_execute0_lowered;
	s5 =	sadd.s32 s5, s7;
	[dreg:$0x0] =	wrdreg $0x0  }
0xaa: {  	s7 =	sshll.u32 s28, $0x1;
	[dreg:$0x2] =	wrdreg s5  }
0xab: {  	[dreg:$0x3] =	wrdreg s7  }
0xac: {  	[dreg:$0x4] =	wrdreg $0xC0  }
0xad: {  	_ =	task [dreg:s9], $0x5FFFF  }
0xae: {  	[dreg:$0x1] =	wrdreg $0xFFFFFFFF  }
0xaf: {  	[dreg:$0x0] =	wrdreg $0x60  }
0xb0: {  	[dreg:$0x2] =	wrdreg s4  }
0xb1: {  	[dreg:$0x3] =	wrdreg s24  }
0xb2: {  	[dreg:$0x4] =	wrdreg s18  }
0xb3: {  	[dreg:$0x5] =	wrdreg s2  }
0xb4: {  	[dreg:$0x6] =	wrdreg $0x0  }
0xb5: {  	[dreg:$0x7] =	wrdreg $0x138800  }
0xb6: {  	[dreg:$0x8] =	wrdreg $0x9  }
0xb7: {  	_ =	task.clear_ibuf [dreg:s9], $0x9FFFF;
	_ =	strace $0x90000046  }
0xb8: {  	s29 =	simm.s32 $0x9;
	_ =	strace $0x80000048  }
0xb9: {  	_ =	swait.ge [sflag:s29], $0x1  }
0xba: {  	[sflag:s29] =	ssyncadd.s32 $0xFFFFFFFF  }
0xbb: {  	_ =	strace $0x90000048  }
0xbc: {  	_ =	sfence  }
0xbd: {  	s30 =	sld [smem:$0x0];
	_ =	sdelay $0x2  }
0xbe: {  	s31 =	sshll.u32 s1, $0xD;
	s1 =	sshrl.u32 s1, $0x2  }
0xbf: {  	s3 =	sand.u32 $0x4000, s31;
	s1 =	sadd.s32 s1, s30  }
0xc0: {  	s0 =	sor.u32 s3, s0;
	s1 =	sshll.u32 s1, $0x11  }
0xc1: {  	s0 =	sor.u32 s1, s0  }
0xc2: {  	s0 =	sadd.s32 $0x8F2B, s0  }
0xc3: {  	[sflag:s0] =	ssyncadd.remote.s32 $0x1  }
0xc4: {  	_ =	sfence.sel $0xFFFF  }
0xc5: {  	[dreg:$0x0] =	wrdreg $0xFFFFFFFF;
	(pc) =	sbr.abs _section_cstart, $3  }
0xc6: {  	[dreg:$0x1] =	wrdreg $0xFFFFFFFF  }
0xc7: {  	_ =	task.clear_ibuf [dreg:s9], $0x2FFFF;
	_ =	strace $0x9FFFFFFF  }
0xc8: {  	(tm) =	ssettm $0x7FFFFFFF  }
0xc9: {  	_ =	shalt  }
tec
execute0_lowered:
.L_overlay_start_1:
0x0: {  	(tag) =	ssettag $0x1  }
0x1: {  	s0 =	rddreg [dreg:$0x1]  }
0x2: {  	s6 =	rddreg [dreg:$0x4]  }
0x3: {  	s7 =	rddreg [dreg:$0x5]  }
0x4: {  	s1 =	srdreg.scid;
	s8 =	stileid.u32  }
0x5: {  	s3 =	simm.s32 $0x0;
	s1 =	sand.u32 $0x1, s1;
	s15 =	smul.u32 $0x2710, s8  }
0x6: {  	[smem:$0x7FF] =	sst s3;
	s4 =	sadd.s32 $0x14C00, s0;
	s16 =	smul.u32 $0x280, s8  }
0x7: {  	s5 =	sadd.s32 $0xE00, s0;
	_ =	strace $0x80000047;
	[dreg:$0x9] =	wrdreg s4  }
0x8: {  	s17 =	sadd.s32 $0xAE00, s0;
	s9 =	sadd.s32 $0x1000, s0;
	[dreg:$0xa] =	wrdreg s5  }
0x9: {  	s19 =	sadd.s32 $0x19E00, s0;
	s23 =	smul.u32 $0x4E200, s8;
	[dreg:$0xb] =	wrdreg s17  }
0xa: {  	s20 =	sadd.s32 $0x19C00, s0;
	s2 =	smul.u32 $0x27100, s1;
	[dreg:$0xc] =	wrdreg s9  }
0xb: {  	s28 =	sshll.u32 s8, $0x6;
	s18 =	smul.u32 $0x2800, s1;
	[dreg:$0xd] =	wrdreg s19  }
0xc: {  	[dreg:$0xe] =	wrdreg s20;
	s1 =	ssub.s32 $0x2, s1;
	s4 =	simm.s32 $0x4  }
0xd: {  	s25 =	sshrl.u32 s1, $0x1;
	s3 =	sshrl.u32 s23, $0x2;
	s29 =	sadd.s32 s16, s7  }
0xe: {  	s23 =	simm.s32 $0x152A0;
	s21 =	sadd.s32 s15, s2;
	s1 =	ssub.s32 s1, s25  }
0xf: {  	s26 =	sadd.s32 s3, s6;
	s6 =	sor.u32 $0x1C04, s28;
	[dreg:$0xf] =	wrdreg s21  }
0x10: {  	s22 =	sadd.s32 s16, s18;
	s31 =	smax.u32 s1, $0x1;
	[dreg:$0x10] =	wrdreg s6  }
0x11: {  	s24 =	sadd.s32 s21, s0;
	s1 =	sshrl.u32 s26, $0x3;
	[dreg:$0x13] =	wrdreg s31  }
0x12: {  	v0 =	vlaneseq.u32;
	s2 =	sshrl.u32 s22, $0x3;
	s30 =	sadd.s32 $0x1D000, s24;
	[dreg:$0x14] =	wrdreg s1  }
0x13: {  	v1 =	vor.u32 $0x10, v0;
	s0 =	sadd.s32 s2, s0;
	s2 =	sshrl.u32 s29, $0x3;
	[dreg:$0x11] =	wrdreg s30  }
0x14: {  	v2 =	vor.u32 $0x20, v0;
	v3 =	vor.u32 $0x30, v0;
	v4 =	vor.u32 $0x40, v0;
	s3 =	simm.s32 $0x0;
	s0 =	sadd.s32 $0x1C600, s0;
	[dreg:$0x15] =	wrdreg s2  }
0x15: {  	v5 =	vor.u32 $0x50, v0;
	v6 =	vor.u32 $0x60, v0;
	v7 =	vor.u32 $0x70, v0;
	s22 =	simm.s32 $0x13B00;
	s24 =	simm.s32 $0x15A70;
	[dreg:$0x12] =	wrdreg s0  }
.LBB2_1:
0x16: {  	[dreg:$0x16] =	wrdreg s3  }
0x17: {  	s0 =	rddreg [dreg:$0xd]  }
0x18: {  	[spmem:s1], [sflag:s6] =	dma.local [hbm:s0], $0x2710  }
0x19: {  	_ =	swait.ge [sflag:s4], $0x2710  }
0x1a: {  	[sflag:s4] =	ssyncset.done $0x0  }
0x1b: {  	s29 =	rddreg [dreg:$0xe];
	[sflag:s4] =	ssyncadd.s32 $0xFFFFD8F0  }
0x1c: {  	[spmem:s2], [sflag:s6] =	dma.local [hbm:s29], $0x50  }
0x1d: {  	_ =	swait.ge [sflag:s4], $0x50  }
0x1e: {  	[sflag:s4] =	ssyncset.done $0x0  }
0x1f: {  	s30 =	simm.s32 $0x0;
	s31 =	rddreg [dreg:$0xa];
	[sflag:s4] =	ssyncadd.s32 $0xFFFFFFB0  }
0x20: {  	[tilespmem:s22], [sflag:$0x4] =	stream.linear.gather [hbm4b:s31+s30], $0x800, $0x38;
	[tilespmem:$0x1D180] =	vst v63  }
0x21: {  	_ =	swait.ge [sflag:s4], $0x800  }
0x22: {  	[sflag:s4] =	ssyncset.done $0x0  }
0x23: {  	[sflag:s4] =	ssyncadd.s32 $0xFFFFF800  }
0x24: {  	s1 =	simm.s32 $0x0;
	[bflag:$0x0] =	sbarrier.arrive $0xFFFF  }
.LBB2_2:
0x25: {  	s0 =	smul.u32 $0x7D0, s1  }
0x26: {  	s17 =	rddreg [dreg:$0xf]  }
0x27: {  	[dreg:$0x17] =	wrdreg s1;
	s0 =	sadd.s32 s0, s17  }
0x28: {  	s18 =	rddreg [dreg:$0xb];
	s0 =	sshrl.u32 s0, $0x3  }
0x29: {  	s2 =	simm.s32 $0x0;
	s3 =	simm.s32 $0x14300;
	s1 =	sadd.s32 s18, s0  }
0x2a: {  	[tilespmem:s3], [sflag:$0x4] =	stream.linear.gather [hbm4b:s1+s2], $0x7D0, $0x38;
	[tilespmem:$0x1D180] =	vst v63  }
0x2b: {  	_ =	swait.ge [sflag:s4], $0x7D0  }
0x2c: {  	[sflag:s4] =	ssyncset.done $0x0;
	s19 =	rddreg [dreg:$0xc]  }
0x2d: {  	s20 =	simm.s32 $0x14AD0;
	[sflag:s4] =	ssyncadd.s32 $0xFFFFF830;
	s1 =	sadd.s32 s19, s0  }
0x2e: {  	[tilespmem:s20], [sflag:$0x4] =	stream.linear.gather [hbm4b:s1+s2], $0x7D0, $0x38;
	[tilespmem:$0x1D180] =	vst v63  }
0x2f: {  	_ =	swait.ge [sflag:s4], $0x7D0  }
0x30: {  	[sflag:s4] =	ssyncset.done $0x0  }
0x31: {  	[sflag:s4] =	ssyncadd.s32 $0xFFFFF830  }
0x32: {  	s21 =	rddreg [dreg:$0x2]  }
0x33: {  	s1 =	sadd.s32 s21, s0  }
0x34: {  	[tilespmem:s23], [sflag:$0x4] =	stream.linear.gather [hbm4b:s1+s2], $0x7D0, $0x38;
	[tilespmem:$0x1D180] =	vst v63  }
0x35: {  	_ =	swait.ge [sflag:s4], $0x7D0  }
0x36: {  	[sflag:s4] =	ssyncset.done $0x0  }
0x37: {  	[sflag:s4] =	ssyncadd.s32 $0xFFFFF830  }
0x38: {  	s23 =	rddreg [dreg:$0x3]  }
0x39: {  	s0 =	sadd.s32 s23, s0  }
0x3a: {  	[tilespmem:s24], [sflag:$0x4] =	stream.linear.gather [hbm4b:s0+s2], $0x7D0, $0x38;
	[tilespmem:$0x1D180] =	vst v63  }
0x3b: {  	_ =	swait.ge [sflag:s4], $0x7D0  }
0x3c: {  	[sflag:s4] =	ssyncset.done $0x0  }
0x3d: {  	s5 =	simm.s32 $0x14350;
	[sflag:s4] =	ssyncadd.s32 $0xFFFFF830  }
0x3e: {  	s8 =	simm.s32 $0x152F0;
	v8 =	vld [tilespmem:s5+$0x0]  }
0x3f: {  	v9 =	vld [tilespmem:s8+$0x0];
	_ =	sdelay $0x3  }
0x40: {  	v10 =	vshll.u32 v8, $0x4  }
0x41: {  	s15 =	simm.s32 $0x16A60;
	v9 =	vadd.s32 v9, v10  }
0x42: {  	s3 =	simm.s32 $0x17230;
	[tilespmem:s15+$0x0] =	vst v9  }
0x43: {  	s9 =	simm.s32 $0x14B20;
	[tilespmem:s3+$0x0] =	vst v8  }
0x44: {  	v8 =	vld [tilespmem:s9+$0x0];
	_ =	sdelay $0x3  }
0x45: {  	s19 =	simm.s32 $0x17A00  }
0x46: {  	[tilespmem:s19+$0x0] =	vst v8  }
0x47: {  	v8 =	vld [tilespmem:s5+$0x10]  }
0x48: {  	v9 =	vld [tilespmem:s8+$0x10]  }
0x49: {  	v10 =	vld [tilespmem:s5+$0xFFFFFFB0]  }
0x4a: {  	v12 =	vld [tilespmem:s8+$0xFFFFFFB0];
	_ =	sdelay $0x1  }
0x4b: {  	v11 =	vshll.u32 v8, $0x4  }
0x4c: {  	s4 =	simm.s32 $0x143F0;
	v9 =	vadd.s32 v9, v11  }
0x4d: {  	s0 =	simm.s32 $0x15390;
	v11 =	vld [tilespmem:s4+$0x0];
	[tilespmem:s15+$0x10] =	vst v9;
	v9 =	vshll.u32 v10, $0x4  }
0x4e: {  	[tilespmem:s3+$0x10] =	vst v8;
	v9 =	vadd.s32 v12, v9;
	v12 =	vld [tilespmem:s0+$0x0]  }
0x4f: {  	v8 =	vld [tilespmem:s9+$0x10];
	_ =	sdelay $0x2  }
0x50: {  	[tilespmem:s15+$0xFFFFFFB0] =	vst v9  }
0x51: {  	[tilespmem:s3+$0xFFFFFFB0] =	vst v10;
	v10 =	vshll.u32 v11, $0x4  }
0x52: {  	s12 =	simm.s32 $0x16B00;
	v9 =	vld [tilespmem:s9+$0xFFFFFFB0];
	v10 =	vadd.s32 v12, v10;
	[tilespmem:s19+$0x10] =	vst v8  }
0x53: {  	s10 =	simm.s32 $0x172D0;
	[tilespmem:s12+$0x0] =	vst v10;
	v8 =	vld [tilespmem:s5+$0x20]  }
0x54: {  	s2 =	simm.s32 $0x14BC0;
	v13 =	vld [tilespmem:s8+$0x20];
	[tilespmem:s10+$0x0] =	vst v11  }
0x55: {  	v10 =	vld [tilespmem:s2+$0x0];
	_ =	sdelay $0x2  }
0x56: {  	v11 =	vld [tilespmem:s4+$0xFFFFFFB0]  }
0x57: {  	s6 =	simm.s32 $0x17AA0;
	[tilespmem:s19+$0xFFFFFFB0] =	vst v9;
	v9 =	vld [tilespmem:s0+$0xFFFFFFB0];
	v12 =	vshll.u32 v8, $0x4  }
0x58: {  	v12 =	vadd.s32 v13, v12;
	v13 =	vld [tilespmem:s5+$0xFFFFFFC0];
	[tilespmem:s6+$0x0] =	vst v10  }
0x59: {  	[tilespmem:s15+$0x20] =	vst v12;
	v12 =	vld [tilespmem:s8+$0xFFFFFFC0]  }
0x5a: {  	v14 =	vld [tilespmem:s4+$0x10];
	[tilespmem:s3+$0x20] =	vst v8  }
0x5b: {  	v10 =	vshll.u32 v11, $0x4;
	v8 =	vld [tilespmem:s9+$0x20]  }
0x5c: {  	v9 =	vadd.s32 v9, v10;
	v10 =	vld [tilespmem:s0+$0x10]  }
0x5d: {  	[tilespmem:s12+$0xFFFFFFB0] =	vst v9;
	v9 =	vshll.u32 v13, $0x4  }
0x5e: {  	[tilespmem:s10+$0xFFFFFFB0] =	vst v11;
	v9 =	vadd.s32 v12, v9  }
0x5f: {  	[tilespmem:s15+$0xFFFFFFC0] =	vst v9  }
0x60: {  	v11 =	vld [tilespmem:s2+$0xFFFFFFB0];
	v9 =	vshll.u32 v14, $0x4;
	[tilespmem:s19+$0x20] =	vst v8  }
0x61: {  	v9 =	vadd.s32 v10, v9;
	v8 =	vld [tilespmem:s5+$0x30]  }
0x62: {  	v12 =	vld [tilespmem:s8+$0x30];
	[tilespmem:s12+$0x10] =	vst v9  }
0x63: {  	[tilespmem:s10+$0x10] =	vst v14  }
0x64: {  	[tilespmem:s3+$0xFFFFFFC0] =	vst v13;
	v10 =	vld [tilespmem:s2+$0x10]  }
0x65: {  	v9 =	vld [tilespmem:s9+$0xFFFFFFC0];
	[tilespmem:s6+$0xFFFFFFB0] =	vst v11  }
0x66: {  	v11 =	vld [tilespmem:s4+$0xFFFFFFC0];
	v13 =	vshll.u32 v8, $0x4  }
0x67: {  	v14 =	vld [tilespmem:s0+$0xFFFFFFC0];
	v12 =	vadd.s32 v12, v13  }
0x68: {  	s31 =	simm.s32 $0x14490;
	[tilespmem:s15+$0x30] =	vst v12  }
0x69: {  	s1 =	simm.s32 $0x15430;
	v12 =	vld [tilespmem:s31+$0x0];
	[tilespmem:s6+$0x10] =	vst v10  }
0x6a: {  	[tilespmem:s3+$0x30] =	vst v8;
	v8 =	vld [tilespmem:s1+$0x0]  }
0x6b: {  	v10 =	vshll.u32 v11, $0x4;
	v15 =	vld [tilespmem:s4+$0x20]  }
0x6c: {  	[tilespmem:s19+$0xFFFFFFC0] =	vst v9;
	v9 =	vadd.s32 v14, v10;
	v10 =	vld [tilespmem:s0+$0x20]  }
0x6d: {  	v13 =	vld [tilespmem:s9+$0x30]  }
0x6e: {  	v14 =	vld [tilespmem:s31+$0xFFFFFFB0];
	[tilespmem:s12+$0xFFFFFFC0] =	vst v9;
	v9 =	vshll.u32 v12, $0x4  }
0x6f: {  	s21 =	simm.s32 $0x16BA0;
	[tilespmem:s10+$0xFFFFFFC0] =	vst v11;
	v8 =	vadd.s32 v8, v9;
	v9 =	vld [tilespmem:s1+$0xFFFFFFB0]  }
0x70: {  	s17 =	simm.s32 $0x17370;
	v11 =	vld [tilespmem:s5+$0xFFFFFFD0];
	[tilespmem:s21+$0x0] =	vst v8  }
0x71: {  	s16 =	simm.s32 $0x14C60;
	v16 =	vshll.u32 v15, $0x4;
	v8 =	vld [tilespmem:s8+$0xFFFFFFD0];
	[tilespmem:s17+$0x0] =	vst v12  }
0x72: {  	[tilespmem:s19+$0x30] =	vst v13;
	v10 =	vadd.s32 v10, v16;
	v12 =	vld [tilespmem:s16+$0x0]  }
0x73: {  	v13 =	vld [tilespmem:s5+$0x40];
	[tilespmem:s12+$0x20] =	vst v10;
	v10 =	vshll.u32 v14, $0x4  }
0x74: {  	v16 =	vld [tilespmem:s8+$0x40];
	[tilespmem:s10+$0x20] =	vst v15;
	v9 =	vadd.s32 v9, v10  }
0x75: {  	v10 =	vld [tilespmem:s2+$0x20];
	[tilespmem:s21+$0xFFFFFFB0] =	vst v9  }
0x76: {  	s13 =	simm.s32 $0x17B40;
	v15 =	vld [tilespmem:s2+$0xFFFFFFC0];
	v9 =	vshll.u32 v11, $0x4;
	[tilespmem:s17+$0xFFFFFFB0] =	vst v14  }
0x77: {  	v8 =	vadd.s32 v8, v9;
	v9 =	vld [tilespmem:s16+$0xFFFFFFB0];
	[tilespmem:s13+$0x0] =	vst v12  }
0x78: {  	[tilespmem:s15+$0xFFFFFFD0] =	vst v8;
	v8 =	vld [tilespmem:s31+$0x10]  }
0x79: {  	[tilespmem:s3+$0xFFFFFFD0] =	vst v11;
	v11 =	vld [tilespmem:s1+$0x10]  }
0x7a: {  	v12 =	vld [tilespmem:s9+$0xFFFFFFD0];
	[tilespmem:s6+$0x20] =	vst v10  }
0x7b: {  	v10 =	vshll.u32 v13, $0x4;
	v14 =	vld [tilespmem:s4+$0x30]  }
0x7c: {  	v10 =	vadd.s32 v16, v10;
	[tilespmem:s13+$0xFFFFFFB0] =	vst v9;
	v9 =	vld [tilespmem:s0+$0x30]  }
0x7d: {  	[tilespmem:s15+$0x40] =	vst v10;
	v10 =	vld [tilespmem:s31+$0xFFFFFFC0];
	v16 =	vshll.u32 v8, $0x4  }
0x7e: {  	[tilespmem:s6+$0xFFFFFFC0] =	vst v15;
	v15 =	vld [tilespmem:s1+$0xFFFFFFC0];
	v11 =	vadd.s32 v11, v16  }
0x7f: {  	v16 =	vld [tilespmem:s4+$0xFFFFFFD0];
	[tilespmem:s21+$0x10] =	vst v11  }
0x80: {  	v11 =	vld [tilespmem:s0+$0xFFFFFFD0];
	v17 =	vshll.u32 v14, $0x4;
	[tilespmem:s17+$0x10] =	vst v8  }
0x81: {  	[tilespmem:s19+$0xFFFFFFD0] =	vst v12;
	v8 =	vadd.s32 v9, v17;
	v9 =	vld [tilespmem:s16+$0x10]  }
0x82: {  	v12 =	vld [tilespmem:s5+$0xFFFFFFE0];
	v17 =	vshll.u32 v10, $0x4;
	[tilespmem:s12+$0x30] =	vst v8  }
0x83: {  	v8 =	vld [tilespmem:s8+$0xFFFFFFE0];
	v15 =	vadd.s32 v15, v17;
	[tilespmem:s10+$0x30] =	vst v14  }
0x84: {  	s11 =	simm.s32 $0x14530;
	[tilespmem:s21+$0xFFFFFFC0] =	vst v15;
	v14 =	vld [tilespmem:s2+$0x30]  }
0x85: {  	s14 =	simm.s32 $0x154D0;
	v15 =	vshll.u32 v16, $0x4;
	[tilespmem:s17+$0xFFFFFFC0] =	vst v10;
	v10 =	vld [tilespmem:s11+$0x0]  }
0x86: {  	v11 =	vadd.s32 v11, v15;
	v15 =	vld [tilespmem:s14+$0x0];
	[tilespmem:s13+$0x10] =	vst v9  }
0x87: {  	[tilespmem:s12+$0xFFFFFFD0] =	vst v11;
	v11 =	vshll.u32 v12, $0x4;
	v9 =	vld [tilespmem:s31+$0x20]  }
0x88: {  	[tilespmem:s10+$0xFFFFFFD0] =	vst v16;
	v16 =	vld [tilespmem:s1+$0x20];
	v8 =	vadd.s32 v8, v11  }
0x89: {  	v11 =	vld [tilespmem:s11+$0xFFFFFFB0];
	[tilespmem:s15+$0xFFFFFFE0] =	vst v8  }
0x8a: {  	[tilespmem:s6+$0x30] =	vst v14;
	v14 =	vld [tilespmem:s14+$0xFFFFFFB0];
	v8 =	vshll.u32 v10, $0x4  }
0x8b: {  	s20 =	simm.s32 $0x16C40;
	[tilespmem:s3+$0xFFFFFFE0] =	vst v12;
	v17 =	vld [tilespmem:s4+$0x40];
	v8 =	vadd.s32 v15, v8  }
0x8c: {  	s18 =	simm.s32 $0x17410;
	v12 =	vld [tilespmem:s0+$0x40];
	[tilespmem:s20+$0x0] =	vst v8;
	v8 =	vshll.u32 v9, $0x4  }
0x8d: {  	s7 =	simm.s32 $0x14D00;
	[tilespmem:s18+$0x0] =	vst v10;
	v10 =	vld [tilespmem:s16+$0xFFFFFFC0];
	v8 =	vadd.s32 v16, v8  }
0x8e: {  	[tilespmem:s21+$0x20] =	vst v8;
	v8 =	vshll.u32 v11, $0x4;
	v15 =	vld [tilespmem:s7+$0x0]  }
0x8f: {  	v16 =	vld [tilespmem:s2+$0xFFFFFFD0];
	[tilespmem:s17+$0x20] =	vst v9;
	v8 =	vadd.s32 v14, v8  }
0x90: {  	v9 =	vld [tilespmem:s16+$0x20];
	[tilespmem:s20+$0xFFFFFFB0] =	vst v8  }
0x91: {  	v8 =	vld [tilespmem:s9+$0xFFFFFFE0];
	[tilespmem:s18+$0xFFFFFFB0] =	vst v11  }
0x92: {  	s29 =	simm.s32 $0x17BE0;
	v11 =	vld [tilespmem:s7+$0xFFFFFFB0];
	[tilespmem:s13+$0xFFFFFFC0] =	vst v10  }
0x93: {  	[tilespmem:s29+$0x0] =	vst v15;
	v10 =	vld [tilespmem:s31+$0xFFFFFFD0]  }
0x94: {  	[tilespmem:s3+$0x40] =	vst v13;
	v13 =	vshll.u32 v17, $0x4;
	v14 =	vld [tilespmem:s11+$0x10]  }
0x95: {  	v12 =	vadd.s32 v12, v13;
	[tilespmem:s13+$0x20] =	vst v9;
	v9 =	vld [tilespmem:s14+$0x10]  }
0x96: {  	[tilespmem:s12+$0x40] =	vst v12;
	v12 =	vld [tilespmem:s31+$0x30]  }
0x97: {  	[tilespmem:s29+$0xFFFFFFB0] =	vst v11;
	v11 =	vld [tilespmem:s1+$0x30]  }
0x98: {  	[tilespmem:s10+$0x40] =	vst v17;
	v13 =	vld [tilespmem:s11+$0xFFFFFFC0]  }
0x99: {  	[tilespmem:s6+$0xFFFFFFD0] =	vst v16;
	v15 =	vld [tilespmem:s14+$0xFFFFFFC0];
	v16 =	vshll.u32 v14, $0x4  }
0x9a: {  	[tilespmem:s19+$0xFFFFFFE0] =	vst v8;
	v8 =	vadd.s32 v9, v16;
	v9 =	vld [tilespmem:s1+$0xFFFFFFD0]  }
0x9b: {  	v16 =	vld [tilespmem:s4+$0xFFFFFFE0];
	[tilespmem:s20+$0x10] =	vst v8;
	v8 =	vshll.u32 v12, $0x4  }
0x9c: {  	[tilespmem:s18+$0x10] =	vst v14;
	v8 =	vadd.s32 v11, v8;
	v11 =	vld [tilespmem:s0+$0xFFFFFFE0]  }
0x9d: {  	v14 =	vshll.u32 v13, $0x4;
	v17 =	vld [tilespmem:s7+$0x10];
	[tilespmem:s21+$0x30] =	vst v8  }
0x9e: {  	v8 =	vadd.s32 v15, v14;
	[tilespmem:s17+$0x30] =	vst v12;
	v12 =	vld [tilespmem:s5+$0xFFFFFFF0]  }
0x9f: {  	v14 =	vshll.u32 v10, $0x4;
	s5 =	simm.s32 $0x145D0;
	[tilespmem:s20+$0xFFFFFFC0] =	vst v8;
	v8 =	vld [tilespmem:s16+$0x30]  }
0xa0: {  	v9 =	vadd.s32 v9, v14;
	v14 =	vld [tilespmem:s5+$0x0];
	[tilespmem:s18+$0xFFFFFFC0] =	vst v13  }
0xa1: {  	v13 =	vld [tilespmem:s8+$0xFFFFFFF0];
	s8 =	simm.s32 $0x15570;
	[tilespmem:s21+$0xFFFFFFD0] =	vst v9  }
0xa2: {  	v9 =	vld [tilespmem:s8+$0x0];
	[tilespmem:s29+$0x10] =	vst v17  }
0xa3: {  	v15 =	vshll.u32 v16, $0x4;
	[tilespmem:s17+$0xFFFFFFD0] =	vst v10;
	v17 =	vld [tilespmem:s11+$0x20]  }
0xa4: {  	v10 =	vadd.s32 v11, v15;
	v11 =	vld [tilespmem:s14+$0x20];
	[tilespmem:s13+$0x30] =	vst v8  }
0xa5: {  	s25 =	simm.s32 $0x172D0;
	[tilespmem:s12+$0xFFFFFFE0] =	vst v10;
	v8 =	vshll.u32 v12, $0x4;
	v15 =	vld [tilespmem:s31+$0x40]  }
0xa6: {  	v8 =	vadd.s32 v13, v8;
	v13 =	vld [tilespmem:s1+$0x40];
	[dreg:$0x8] =	wrdreg s25  }
0xa7: {  	v10 =	vshll.u32 v14, $0x4;
	[tilespmem:s10+$0xFFFFFFE0] =	vst v16  }
0xa8: {  	s24 =	simm.s32 $0x16CE0;
	v9 =	vadd.s32 v9, v10;
	[tilespmem:s15+$0xFFFFFFF0] =	vst v8  }
0xa9: {  	s23 =	simm.s32 $0x174B0;
	v16 =	vld [tilespmem:s5+$0xFFFFFFB0];
	[tilespmem:s24+$0x0] =	vst v9;
	v9 =	vshll.u32 v17, $0x4  }
0xaa: {  	v8 =	vld [tilespmem:s8+$0xFFFFFFB0];
	[tilespmem:s23+$0x0] =	vst v14;
	v9 =	vadd.s32 v11, v9  }
0xab: {  	v10 =	vld [tilespmem:s9+$0x40];
	[tilespmem:s20+$0x20] =	vst v9;
	v9 =	vshll.u32 v15, $0x4  }
0xac: {  	v14 =	vld [tilespmem:s7+$0xFFFFFFC0];
	[tilespmem:s18+$0x20] =	vst v17;
	v9 =	vadd.s32 v13, v9  }
0xad: {  	v11 =	vld [tilespmem:s2+$0x40];
	[tilespmem:s21+$0x40] =	vst v9  }
0xae: {  	s28 =	simm.s32 $0x14DA0;
	s26 =	simm.s32 $0x14BC0;
	v13 =	vld [tilespmem:s16+$0xFFFFFFD0];
	v17 =	vshll.u32 v16, $0x4;
	[tilespmem:s17+$0x40] =	vst v15  }
0xaf: {  	v9 =	vld [tilespmem:s28+$0x0];
	v8 =	vadd.s32 v8, v17;
	[dreg:$0x7] =	wrdreg s26  }
0xb0: {  	v15 =	vld [tilespmem:s2+$0xFFFFFFE0];
	[tilespmem:s24+$0xFFFFFFB0] =	vst v8  }
0xb1: {  	v8 =	vld [tilespmem:s7+$0x20];
	[tilespmem:s29+$0xFFFFFFC0] =	vst v14  }
0xb2: {  	[tilespmem:s23+$0xFFFFFFB0] =	vst v16;
	v16 =	vld [tilespmem:s16+$0x40]  }
0xb3: {  	[tilespmem:s3+$0xFFFFFFF0] =	vst v12;
	s2 =	simm.s32 $0x17C80;
	v14 =	vld [tilespmem:s28+$0xFFFFFFB0]  }
0xb4: {  	[tilespmem:s2+$0x0] =	vst v9;
	v9 =	vld [tilespmem:s11+$0xFFFFFFD0]  }
0xb5: {  	[tilespmem:s19+$0x40] =	vst v10;
	v12 =	vld [tilespmem:s5+$0x10]  }
0xb6: {  	[tilespmem:s29+$0x20] =	vst v8;
	v8 =	vld [tilespmem:s8+$0x10]  }
0xb7: {  	[tilespmem:s6+$0x40] =	vst v11;
	v11 =	vld [tilespmem:s11+$0x30]  }
0xb8: {  	[tilespmem:s2+$0xFFFFFFB0] =	vst v14;
	v14 =	vld [tilespmem:s14+$0x30]  }
0xb9: {  	[tilespmem:s13+$0x40] =	vst v16;
	v16 =	vld [tilespmem:s5+$0xFFFFFFC0]  }
0xba: {  	[tilespmem:s13+$0xFFFFFFD0] =	vst v13;
	v17 =	vld [tilespmem:s8+$0xFFFFFFC0];
	v10 =	vshll.u32 v12, $0x4  }
0xbb: {  	[tilespmem:s6+$0xFFFFFFE0] =	vst v15;
	v15 =	vld [tilespmem:s14+$0xFFFFFFD0];
	v8 =	vadd.s32 v8, v10  }
0xbc: {  	s30 =	simm.s32 $0x16B00;
	v10 =	vld [tilespmem:s31+$0xFFFFFFE0];
	[tilespmem:s24+$0x10] =	vst v8;
	v8 =	vshll.u32 v11, $0x4  }
0xbd: {  	s12 =	simm.s32 $0x16BA0;
	s25 =	simm.s32 $0x14B20;
	s10 =	simm.s32 $0x17A00;
	v13 =	vld [tilespmem:s1+$0xFFFFFFE0];
	[tilespmem:s23+$0x10] =	vst v12;
	v8 =	vadd.s32 v14, v8  }
0xbe: {  	s15 =	simm.s32 $0x174B0;
	s21 =	simm.s32 $0x17370;
	s17 =	simm.s32 $0x14C60;
	v12 =	vshll.u32 v16, $0x4;
	v14 =	vld [tilespmem:s28+$0x10];
	[tilespmem:s20+$0x30] =	vst v8  }
0xbf: {  	s19 =	simm.s32 $0x17B40;
	s3 =	simm.s32 $0x16CE0;
	s16 =	simm.s32 $0x14490;
	v8 =	vld [tilespmem:s4+$0xFFFFFFF0];
	v12 =	vadd.s32 v17, v12;
	[tilespmem:s18+$0x30] =	vst v11;
	v11 =	vshll.u32 v9, $0x4  }
0xc0: {  	s1 =	simm.s32 $0x8;
	s6 =	simm.s32 $0x14670;
	s13 =	simm.s32 $0x17AA0;
	[tilespmem:s24+$0xFFFFFFC0] =	vst v12;
	v15 =	vadd.s32 v15, v11;
	v11 =	vld [tilespmem:s7+$0x30]  }
0xc1: {  	s31 =	simm.s32 $0x15430;
	s4 =	simm.s32 $0x14DA0;
	v12 =	vld [tilespmem:s0+$0xFFFFFFF0];
	s0 =	simm.s32 $0x17C80;
	[tilespmem:s23+$0xFFFFFFC0] =	vst v16;
	v16 =	vshll.u32 v10, $0x4  }
.LBB2_3:
0xc2: {  	v17 =	vld [tilespmem:s6+$0x0];
	[tilespmem:s20+$0xFFFFFFD0] =	vst v15;
	s9 =	smov.u32 s8;
	s8 =	sadd.s32 $0xA0, s8  }
0xc3: {  	v15 =	vld [tilespmem:s8+$0x0];
	[tilespmem:s2+$0x10] =	vst v14  }
0xc4: {  	[tilespmem:s18+$0xFFFFFFD0] =	vst v9;
	v14 =	vld [tilespmem:s5+$0x20]  }
0xc5: {  	v13 =	vadd.s32 v13, v16;
	v16 =	vld [tilespmem:s9+$0x20];
	[tilespmem:s29+$0x30] =	vst v11  }
0xc6: {  	v9 =	vshll.u32 v8, $0x4;
	[tilespmem:s12+$0xFFFFFFE0] =	vst v13;
	v11 =	vld [tilespmem:s11+$0x40]  }
0xc7: {  	v9 =	vadd.s32 v12, v9;
	[tilespmem:s21+$0xFFFFFFE0] =	vst v10;
	v12 =	vshll.u32 v17, $0x4;
	v13 =	vld [tilespmem:s14+$0x40]  }
0xc8: {  	s24 =	sadd.s32 $0xA0, s24;
	v10 =	vld [tilespmem:s6+$0xFFFFFFB0];
	[tilespmem:s30+$0xFFFFFFF0] =	vst v9;
	v12 =	vadd.s32 v15, v12  }
0xc9: {  	s23 =	sadd.s32 $0xA0, s23;
	v9 =	vld [tilespmem:s8+$0xFFFFFFB0];
	[tilespmem:s24+$0x0] =	vst v12;
	v12 =	vshll.u32 v14, $0x4  }
0xca: {  	s26 =	smov.u32 s20;
	s20 =	smov.u32 s3;
	[tilespmem:s23+$0x0] =	vst v17;
	v12 =	vadd.s32 v16, v12  }
0xcb: {  	v15 =	vld [tilespmem:s28+$0xFFFFFFC0];
	[tilespmem:s20+$0x20] =	vst v12;
	v16 =	vshll.u32 v11, $0x4  }
0xcc: {  	s28 =	sadd.s32 $0xA0, s28;
	v12 =	vld [tilespmem:s7+$0xFFFFFFD0];
	[tilespmem:s15+$0x20] =	vst v14;
	v13 =	vadd.s32 v13, v16  }
0xcd: {  	v16 =	vshll.u32 v10, $0x4;
	v17 =	vld [tilespmem:s28+$0x0];
	[tilespmem:s26+$0x40] =	vst v13  }
0xce: {  	v9 =	vadd.s32 v9, v16;
	v13 =	vld [tilespmem:s4+$0x20];
	[tilespmem:s18+$0x40] =	vst v11  }
0xcf: {  	v14 =	vld [tilespmem:s17+$0xFFFFFFE0];
	[tilespmem:s24+$0xFFFFFFB0] =	vst v9  }
0xd0: {  	v11 =	vld [tilespmem:s7+$0x40];
	[tilespmem:s23+$0xFFFFFFB0] =	vst v10  }
0xd1: {  	v10 =	vld [tilespmem:s25+$0xFFFFFFF0]  }
0xd2: {  	s2 =	sadd.s32 $0xA0, s2;
	v16 =	vld [tilespmem:s28+$0xFFFFFFB0];
	[tilespmem:s0+$0xFFFFFFC0] =	vst v15  }
0xd3: {  	v9 =	vld [tilespmem:s5+$0xFFFFFFD0];
	[tilespmem:s2+$0x0] =	vst v17  }
0xd4: {  	v15 =	vld [tilespmem:s6+$0x10];
	[tilespmem:s0+$0x20] =	vst v13  }
0xd5: {  	s30 =	smov.u32 s12;
	s12 =	smov.u32 s26;
	s26 =	rddreg [dreg:$0x7];
	v13 =	vld [tilespmem:s8+$0x10];
	[tilespmem:s29+$0x40] =	vst v11  }
0xd6: {  	s25 =	smov.u32 s26;
	s26 =	smov.u32 s17;
	[tilespmem:s29+$0xFFFFFFD0] =	vst v12;
	v11 =	vld [tilespmem:s5+$0x30]  }
0xd7: {  	[dreg:$0x7] =	wrdreg s26;
	[tilespmem:s2+$0xFFFFFFB0] =	vst v16;
	v12 =	vld [tilespmem:s9+$0x30]  }
0xd8: {  	s26 =	rddreg [dreg:$0x8];
	v16 =	vld [tilespmem:s6+$0xFFFFFFC0];
	[tilespmem:s19+$0xFFFFFFE0] =	vst v14  }
0xd9: {  	v18 =	vld [tilespmem:s8+$0xFFFFFFC0];
	[tilespmem:s26+$0xFFFFFFF0] =	vst v8;
	v14 =	vshll.u32 v15, $0x4  }
0xda: {  	s1 =	sadd.s32 $0x2, s1;
	s3 =	smov.u32 s24;
	v19 =	vld [tilespmem:s9+$0xFFFFFFD0];
	[tilespmem:s10+$0xFFFFFFF0] =	vst v10;
	v8 =	vadd.s32 v13, v14  }
0xdb: {  	p0 =	slt.u32 s1, $0x16;
	s17 =	smov.u32 s7;
	s7 =	smov.u32 s4;
	[tilespmem:s24+$0x10] =	vst v8;
	v8 =	vshll.u32 v11, $0x4  }
0xdc: {  	s4 =	smov.u32 s28;
	s26 =	smov.u32 s21;
	s21 =	smov.u32 s18;
	v10 =	vld [tilespmem:s11+$0xFFFFFFE0];
	[tilespmem:s23+$0x10] =	vst v15;
	v8 =	vadd.s32 v12, v8  }
.Ltmp0:
0xdd: {  	s18 =	smov.u32 s15;
	s15 =	smov.u32 s23;
	v12 =	vshll.u32 v16, $0x4;
	v14 =	vld [tilespmem:s28+$0x10];
	[tilespmem:s20+$0x30] =	vst v8;
	(pc) =	sbr.rel @p0 .LBB2_3-.Ltmp0, $4  }
0xde: {  	[dreg:$0x8] =	wrdreg s26;
	s10 =	smov.u32 s13;
	s13 =	smov.u32 s19;
	v13 =	vld [tilespmem:s14+$0xFFFFFFE0];
	v12 =	vadd.s32 v18, v12;
	[tilespmem:s18+$0x30] =	vst v11  }
0xdf: {  	s19 =	smov.u32 s29;
	s29 =	smov.u32 s0;
	s0 =	smov.u32 s2;
	v8 =	vld [tilespmem:s16+$0xFFFFFFF0];
	[tilespmem:s24+$0xFFFFFFC0] =	vst v12  }
0xe0: {  	v17 =	vshll.u32 v9, $0x4;
	s16 =	smov.u32 s11;
	s11 =	smov.u32 s5;
	s5 =	smov.u32 s6;
	v11 =	vld [tilespmem:s7+$0x30];
	[tilespmem:s23+$0xFFFFFFC0] =	vst v16  }
0xe1: {  	s6 =	sadd.s32 $0xA0, s6;
	v15 =	vadd.s32 v19, v17;
	v16 =	vshll.u32 v10, $0x4;
	v12 =	vld [tilespmem:s31+$0xFFFFFFF0];
	s31 =	smov.u32 s14;
	s14 =	smov.u32 s9  }
0xe2: {  	v17 =	vld [tilespmem:s28+$0xFFFFFFC0];
	[tilespmem:s2+$0x10] =	vst v14  }
0xe3: {  	v14 =	vld [tilespmem:s5+$0x20]  }
0xe4: {  	v18 =	vld [tilespmem:s8+$0x20];
	_ =	sdelay $0x2  }
0xe5: {  	[tilespmem:s0+$0xFFFFFFC0] =	vst v17  }
0xe6: {  	v17 =	vld [tilespmem:s5+$0xFFFFFFD0];
	v19 =	vshll.u32 v14, $0x4  }
0xe7: {  	[tilespmem:s20+$0xFFFFFFD0] =	vst v15;
	v20 =	vld [tilespmem:s8+$0xFFFFFFD0];
	v15 =	vadd.s32 v18, v19  }
0xe8: {  	[tilespmem:s3+$0x20] =	vst v15  }
0xe9: {  	[tilespmem:s15+$0x20] =	vst v14  }
0xea: {  	v13 =	vadd.s32 v13, v16;
	[tilespmem:s18+$0xFFFFFFD0] =	vst v9;
	v9 =	vld [tilespmem:s4+$0x20]  }
0xeb: {  	[tilespmem:s12+$0xFFFFFFE0] =	vst v13;
	v14 =	vshll.u32 v17, $0x4  }
0xec: {  	[tilespmem:s21+$0xFFFFFFE0] =	vst v10;
	v13 =	vadd.s32 v20, v14;
	v14 =	vld [tilespmem:s7+$0xFFFFFFD0]  }
0xed: {  	[tilespmem:s3+$0xFFFFFFD0] =	vst v13  }
0xee: {  	v13 =	vld [tilespmem:s17+$0xFFFFFFE0];
	[tilespmem:s15+$0xFFFFFFD0] =	vst v17  }
0xef: {  	v10 =	vld [tilespmem:s4+$0xFFFFFFD0];
	[tilespmem:s0+$0x20] =	vst v9  }
0xf0: {  	v9 =	vld [tilespmem:s5+$0x30]  }
0xf1: {  	[tilespmem:s29+$0xFFFFFFD0] =	vst v14;
	v14 =	vld [tilespmem:s8+$0x30];
	_ =	sdelay $0x1  }
0xf2: {  	[tilespmem:s29+$0x30] =	vst v11;
	v15 =	vshll.u32 v8, $0x4;
	v16 =	vld [tilespmem:s11+$0xFFFFFFE0]  }
0xf3: {  	v12 =	vadd.s32 v12, v15;
	v15 =	vld [tilespmem:s14+$0xFFFFFFE0];
	[tilespmem:s0+$0xFFFFFFD0] =	vst v10  }
0xf4: {  	[tilespmem:s30+$0xFFFFFFF0] =	vst v12;
	v10 =	vld [tilespmem:s5+$0xFFFFFFE0];
	v11 =	vshll.u32 v9, $0x4  }
0xf5: {  	[tilespmem:s19+$0xFFFFFFE0] =	vst v13;
	v12 =	vld [tilespmem:s8+$0xFFFFFFE0];
	v11 =	vadd.s32 v14, v11  }
0xf6: {  	[tilespmem:s3+$0x30] =	vst v11  }
0xf7: {  	v13 =	vld [tilespmem:s25+$0xFFFFFFF0];
	v11 =	vshll.u32 v16, $0x4;
	[tilespmem:s15+$0x30] =	vst v9  }
0xf8: {  	v9 =	vadd.s32 v15, v11;
	v11 =	vld [tilespmem:s4+$0x30]  }
0xf9: {  	v14 =	vld [tilespmem:s16+$0xFFFFFFF0];
	[tilespmem:s20+$0xFFFFFFE0] =	vst v9;
	v9 =	vshll.u32 v10, $0x4  }
0xfa: {  	v15 =	vld [tilespmem:s31+$0xFFFFFFF0];
	[tilespmem:s18+$0xFFFFFFE0] =	vst v16;
	v9 =	vadd.s32 v12, v9  }
0xfb: {  	v12 =	vld [tilespmem:s7+$0xFFFFFFE0];
	[tilespmem:s3+$0xFFFFFFE0] =	vst v9  }
0xfc: {  	v9 =	vld [tilespmem:s11+$0x40];
	[tilespmem:s15+$0xFFFFFFE0] =	vst v10  }
0xfd: {  	v10 =	vld [tilespmem:s14+$0x40];
	s1 =	rddreg [dreg:$0x8];
	[tilespmem:s0+$0x30] =	vst v11  }
0xfe: {  	[tilespmem:s1+$0xFFFFFFF0] =	vst v8;
	v8 =	vld [tilespmem:s4+$0xFFFFFFE0]  }
0xff: {  	[tilespmem:s10+$0xFFFFFFF0] =	vst v13;
	v11 =	vshll.u32 v14, $0x4;
	v13 =	vld [tilespmem:s5+$0x40]  }
0x100: {  	v11 =	vadd.s32 v15, v11;
	v15 =	vld [tilespmem:s8+$0x40];
	[tilespmem:s29+$0xFFFFFFE0] =	vst v12  }
0x101: {  	[tilespmem:s12+$0xFFFFFFF0] =	vst v11;
	v11 =	vld [tilespmem:s11+$0xFFFFFFF0]  }
0x102: {  	v12 =	vld [tilespmem:s14+$0xFFFFFFF0];
	v16 =	vshll.u32 v9, $0x4;
	[tilespmem:s21+$0xFFFFFFF0] =	vst v14  }
0x103: {  	v10 =	vadd.s32 v10, v16;
	[tilespmem:s0+$0xFFFFFFE0] =	vst v8  }
0x104: {  	[tilespmem:s20+$0x40] =	vst v10;
	v10 =	vshll.u32 v13, $0x4;
	v8 =	vld [tilespmem:s5+$0xFFFFFFF0]  }
0x105: {  	[tilespmem:s18+$0x40] =	vst v9;
	v14 =	vld [tilespmem:s8+$0xFFFFFFF0];
	v9 =	vadd.s32 v15, v10  }
0x106: {  	[tilespmem:s3+$0x40] =	vst v9;
	v9 =	vshll.u32 v11, $0x4  }
0x107: {  	[tilespmem:s15+$0x40] =	vst v13;
	v9 =	vadd.s32 v12, v9  }
0x108: {  	v10 =	vld [tilespmem:s7+$0x40];
	[tilespmem:s20+$0xFFFFFFF0] =	vst v9  }
0x109: {  	v9 =	vld [tilespmem:s4+$0x40];
	s1 =	rddreg [dreg:$0x7];
	v12 =	vshll.u32 v8, $0x4  }
0x10a: {  	[tilespmem:s18+$0xFFFFFFF0] =	vst v11;
	v13 =	vld [tilespmem:s1+$0xFFFFFFF0];
	v11 =	vadd.s32 v14, v12  }
0x10b: {  	v12 =	vld [tilespmem:s17+$0xFFFFFFF0];
	[tilespmem:s3+$0xFFFFFFF0] =	vst v11  }
0x10c: {  	v11 =	vld [tilespmem:s7+$0xFFFFFFF0];
	[tilespmem:s15+$0xFFFFFFF0] =	vst v8  }
0x10d: {  	[tilespmem:s29+$0x40] =	vst v10;
	v8 =	vld [tilespmem:s4+$0xFFFFFFF0]  }
0x10e: {  	[tilespmem:s0+$0x40] =	vst v9  }
0x10f: {  	[tilespmem:s13+$0xFFFFFFF0] =	vst v13  }
0x110: {  	[tilespmem:s19+$0xFFFFFFF0] =	vst v12  }
0x111: {  	[tilespmem:s29+$0xFFFFFFF0] =	vst v11  }
0x112: {  	[tilespmem:s0+$0xFFFFFFF0] =	vst v8  }
0x113: {  	v8 =	vld [tilespmem:$0x14A80]  }
0x114: {  	v9 =	vld [tilespmem:$0x15A20]  }
0x115: {  	v10 =	vld [tilespmem:$0x15250]  }
0x116: {  	v11 =	vld [tilespmem:$0x14A90]  }
0x117: {  	v12 =	vld [tilespmem:$0x15A30];
	_ =	sdelay $0x1  }
0x118: {  	v14 =	vld [tilespmem:$0x15260]  }
0x119: {  	v13 =	vshll.u32 v8, $0x4;
	[tilespmem:$0x18130] =	vst v10;
	v10 =	vld [tilespmem:$0x14AB0]  }
0x11a: {  	[tilespmem:$0x17960] =	vst v8;
	v8 =	vshll.u32 v11, $0x4;
	v9 =	vadd.s32 v9, v13;
	v13 =	vld [tilespmem:$0x14AA0]  }
0x11b: {  	v8 =	vadd.s32 v12, v8;
	[tilespmem:$0x17190] =	vst v9;
	v9 =	vld [tilespmem:$0x15A40]  }
0x11c: {  	[tilespmem:$0x171A0] =	vst v8;
	v8 =	vld [tilespmem:$0x15A50];
	_ =	sdelay $0x1  }
0x11d: {  	v15 =	vld [tilespmem:$0x15270];
	[tilespmem:$0x17970] =	vst v11  }
0x11e: {  	[tilespmem:$0x18140] =	vst v14;
	v12 =	vld [tilespmem:$0x15280];
	v11 =	vshll.u32 v13, $0x4  }
0x11f: {  	[tilespmem:$0x17980] =	vst v13;
	v13 =	vshll.u32 v10, $0x4;
	v9 =	vadd.s32 v9, v11;
	v11 =	vld [tilespmem:$0x14AC0]  }
0x120: {  	v8 =	vadd.s32 v8, v13;
	[tilespmem:$0x171B0] =	vst v9;
	v9 =	vld [tilespmem:$0x15A60]  }
0x121: {  	[tilespmem:$0x171C0] =	vst v8;
	v8 =	vld [tilespmem:$0x15290]  }
0x122: {  	[tilespmem:$0x18150] =	vst v15  }
0x123: {  	[tilespmem:$0x17990] =	vst v10  }
0x124: {  	[tilespmem:$0x18160] =	vst v12  }
0x125: {  	v10 =	vshll.u32 v11, $0x4;
	[tilespmem:$0x179A0] =	vst v11  }
0x126: {  	s30 =	simm.s32 $0x16A10;
	v9 =	vadd.s32 v9, v10;
	[tilespmem:$0x18170] =	vst v8  }
0x127: {  	s31 =	simm.s32 $0x16240;
	s8 =	simm.s32 $0x50;
	s0 =	rddreg [dreg:$0x9];
	[tilespmem:$0x171D0] =	vst v9  }
0x128: {  	[tilespmem:s31], [sflag:$0x1] =	stream.indirect.gather [hbm4b:s0+s8], $0x1, s30, s8, $0xb8;
	[tilespmem:$0x1D180] =	vst v63  }
0x129: {  	s3 =	simm.s32 $0x16A60;
	s4 =	simm.s32 $0x16290  }
0x12a: {  	[tilespmem:s4], [sflag:$0x1] =	stream.indirect.gather [hbm4b:s0+s8], $0x1, s3, s8, $0xb8;
	[tilespmem:$0x1D180] =	vst v63  }
0x12b: {  	s6 =	simm.s32 $0x162E0;
	s5 =	simm.s32 $0x16AB0  }
0x12c: {  	[tilespmem:s6], [sflag:$0x1] =	stream.indirect.gather [hbm4b:s0+s8], $0x1, s5, s8, $0xb8;
	[tilespmem:$0x1D180] =	vst v63  }
0x12d: {  	s9 =	simm.s32 $0x16330;
	s7 =	simm.s32 $0x16B00  }
0x12e: {  	[tilespmem:s9], [sflag:$0x1] =	stream.indirect.gather [hbm4b:s0+s8], $0x1, s7, s8, $0xb8;
	[tilespmem:$0x1D180] =	vst v63  }
0x12f: {  	s10 =	simm.s32 $0x16B50;
	s11 =	simm.s32 $0x16380  }
0x130: {  	[tilespmem:s11], [sflag:$0x1] =	stream.indirect.gather [hbm4b:s0+s8], $0x1, s10, s8, $0xb8;
	[tilespmem:$0x1D180] =	vst v63  }
0x131: {  	s12 =	simm.s32 $0x16BA0;
	s13 =	simm.s32 $0x163D0  }
0x132: {  	[tilespmem:s13], [sflag:$0x1] =	stream.indirect.gather [hbm4b:s0+s8], $0x1, s12, s8, $0xb8;
	[tilespmem:$0x1D180] =	vst v63  }
0x133: {  	s14 =	simm.s32 $0x16BF0;
	s15 =	simm.s32 $0x16420  }
0x134: {  	[tilespmem:s15], [sflag:$0x1] =	stream.indirect.gather [hbm4b:s0+s8], $0x1, s14, s8, $0xb8;
	[tilespmem:$0x1D180] =	vst v63  }
0x135: {  	s16 =	simm.s32 $0x16C40;
	s17 =	simm.s32 $0x16470  }
0x136: {  	[tilespmem:s17], [sflag:$0x1] =	stream.indirect.gather [hbm4b:s0+s8], $0x1, s16, s8, $0xb8;
	[tilespmem:$0x1D180] =	vst v63  }
0x137: {  	s18 =	simm.s32 $0x16C90;
	s19 =	simm.s32 $0x164C0  }
0x138: {  	[tilespmem:s19], [sflag:$0x1] =	stream.indirect.gather [hbm4b:s0+s8], $0x1, s18, s8, $0xb8;
	[tilespmem:$0x1D180] =	vst v63  }
0x139: {  	s21 =	simm.s32 $0x16510;
	s20 =	simm.s32 $0x16CE0  }
0x13a: {  	[tilespmem:s21], [sflag:$0x1] =	stream.indirect.gather [hbm4b:s0+s8], $0x1, s20, s8, $0xb8;
	[tilespmem:$0x1D180] =	vst v63  }
0x13b: {  	s23 =	simm.s32 $0x16D30;
	s24 =	simm.s32 $0x16560  }
0x13c: {  	[tilespmem:s24], [sflag:$0x1] =	stream.indirect.gather [hbm4b:s0+s8], $0x1, s23, s8, $0xb8;
	[tilespmem:$0x1D180] =	vst v63  }
0x13d: {  	s26 =	simm.s32 $0x165B0;
	s25 =	simm.s32 $0x16D80  }
0x13e: {  	[tilespmem:s26], [sflag:$0x1] =	stream.indirect.gather [hbm4b:s0+s8], $0x1, s25, s8, $0xb8;
	[tilespmem:$0x1D180] =	vst v63  }
0x13f: {  	s28 =	simm.s32 $0x16DD0;
	s29 =	simm.s32 $0x16600  }
0x140: {  	[tilespmem:s29], [sflag:$0x1] =	stream.indirect.gather [hbm4b:s0+s8], $0x1, s28, s8, $0xb8;
	[tilespmem:$0x1D180] =	vst v63  }
0x141: {  	s30 =	simm.s32 $0x16E20;
	s31 =	simm.s32 $0x16650  }
0x142: {  	[tilespmem:s31], [sflag:$0x1] =	stream.indirect.gather [hbm4b:s0+s8], $0x1, s30, s8, $0xb8;
	[tilespmem:$0x1D180] =	vst v63  }
0x143: {  	s2 =	simm.s32 $0x16E70;
	s3 =	simm.s32 $0x166A0  }
0x144: {  	[tilespmem:s3], [sflag:$0x1] =	stream.indirect.gather [hbm4b:s0+s8], $0x1, s2, s8, $0xb8;
	[tilespmem:$0x1D180] =	vst v63  }
0x145: {  	s4 =	simm.s32 $0x16EC0;
	s5 =	simm.s32 $0x166F0  }
0x146: {  	[tilespmem:s5], [sflag:$0x1] =	stream.indirect.gather [hbm4b:s0+s8], $0x1, s4, s8, $0xb8;
	[tilespmem:$0x1D180] =	vst v63  }
0x147: {  	s6 =	simm.s32 $0x16F10;
	s7 =	simm.s32 $0x16740  }
0x148: {  	[tilespmem:s7], [sflag:$0x1] =	stream.indirect.gather [hbm4b:s0+s8], $0x1, s6, s8, $0xb8;
	[tilespmem:$0x1D180] =	vst v63  }
0x149: {  	s9 =	simm.s32 $0x16F60;
	s10 =	simm.s32 $0x16790  }
0x14a: {  	[tilespmem:s10], [sflag:$0x1] =	stream.indirect.gather [hbm4b:s0+s8], $0x1, s9, s8, $0xb8;
	[tilespmem:$0x1D180] =	vst v63  }
0x14b: {  	s11 =	simm.s32 $0x16FB0;
	s12 =	simm.s32 $0x167E0  }
0x14c: {  	[tilespmem:s12], [sflag:$0x1] =	stream.indirect.gather [hbm4b:s0+s8], $0x1, s11, s8, $0xb8;
	[tilespmem:$0x1D180] =	vst v63  }
0x14d: {  	s13 =	simm.s32 $0x17000;
	s14 =	simm.s32 $0x16830  }
0x14e: {  	[tilespmem:s14], [sflag:$0x1] =	stream.indirect.gather [hbm4b:s0+s8], $0x1, s13, s8, $0xb8;
	[tilespmem:$0x1D180] =	vst v63  }
0x14f: {  	s15 =	simm.s32 $0x17050;
	s16 =	simm.s32 $0x16880  }
0x150: {  	[tilespmem:s16], [sflag:$0x1] =	stream.indirect.gather [hbm4b:s0+s8], $0x1, s15, s8, $0xb8;
	[tilespmem:$0x1D180] =	vst v63  }
0x151: {  	s17 =	simm.s32 $0x170A0;
	s18 =	simm.s32 $0x168D0  }
0x152: {  	[tilespmem:s18], [sflag:$0x1] =	stream.indirect.gather [hbm4b:s0+s8], $0x1, s17, s8, $0xb8;
	[tilespmem:$0x1D180] =	vst v63  }
0x153: {  	s19 =	simm.s32 $0x170F0;
	s20 =	simm.s32 $0x16920  }
0x154: {  	[tilespmem:s20], [sflag:$0x1] =	stream.indirect.gather [hbm4b:s0+s8], $0x1, s19, s8, $0xb8;
	[tilespmem:$0x1D180] =	vst v63  }
0x155: {  	s21 =	simm.s32 $0x17140;
	s23 =	simm.s32 $0x16970  }
0x156: {  	[tilespmem:s23], [sflag:$0x1] =	stream.indirect.gather [hbm4b:s0+s8], $0x1, s21, s8, $0xb8;
	[tilespmem:$0x1D180] =	vst v63  }
0x157: {  	s24 =	simm.s32 $0x17190;
	s25 =	simm.s32 $0x169C0;
	s11 =	simm.s32 $0x1  }
0x158: {  	[tilespmem:s25], [sflag:$0x1] =	stream.indirect.gather [hbm4b:s0+s8], $0x1, s24, s8, $0xb8;
	[tilespmem:$0x1D180] =	vst v63  }
0x159: {  	_ =	swait.ge [sflag:s11], $0x50  }
0x15a: {  	[sflag:s11] =	ssyncset.done $0x0  }
0x15b: {  	[sflag:s11] =	ssyncadd.s32 $0xFFFFFFB0  }
0x15c: {  	_ =	swait.ge [sflag:s11], $0x50  }
0x15d: {  	[sflag:s11] =	ssyncset.done $0x0  }
0x15e: {  	[sflag:s11] =	ssyncadd.s32 $0xFFFFFFB0  }
0x15f: {  	_ =	swait.ge [sflag:s11], $0x50  }
0x160: {  	[sflag:s11] =	ssyncset.done $0x0  }
0x161: {  	[sflag:s11] =	ssyncadd.s32 $0xFFFFFFB0  }
0x162: {  	_ =	swait.ge [sflag:s11], $0x50  }
0x163: {  	[sflag:s11] =	ssyncset.done $0x0  }
0x164: {  	[sflag:s11] =	ssyncadd.s32 $0xFFFFFFB0  }
0x165: {  	_ =	swait.ge [sflag:s11], $0x50  }
0x166: {  	[sflag:s11] =	ssyncset.done $0x0  }
0x167: {  	[sflag:s11] =	ssyncadd.s32 $0xFFFFFFB0  }
0x168: {  	_ =	swait.ge [sflag:s11], $0x50  }
0x169: {  	[sflag:s11] =	ssyncset.done $0x0  }
0x16a: {  	[sflag:s11] =	ssyncadd.s32 $0xFFFFFFB0  }
0x16b: {  	_ =	swait.ge [sflag:s11], $0x50  }
0x16c: {  	[sflag:s11] =	ssyncset.done $0x0  }
0x16d: {  	[sflag:s11] =	ssyncadd.s32 $0xFFFFFFB0  }
0x16e: {  	_ =	swait.ge [sflag:s11], $0x50  }
0x16f: {  	[sflag:s11] =	ssyncset.done $0x0  }
0x170: {  	[sflag:s11] =	ssyncadd.s32 $0xFFFFFFB0  }
0x171: {  	_ =	swait.ge [sflag:s11], $0x50  }
0x172: {  	[sflag:s11] =	ssyncset.done $0x0  }
0x173: {  	[sflag:s11] =	ssyncadd.s32 $0xFFFFFFB0  }
0x174: {  	_ =	swait.ge [sflag:s11], $0x50  }
0x175: {  	[sflag:s11] =	ssyncset.done $0x0  }
0x176: {  	[sflag:s11] =	ssyncadd.s32 $0xFFFFFFB0  }
0x177: {  	_ =	swait.ge [sflag:s11], $0x50  }
0x178: {  	[sflag:s11] =	ssyncset.done $0x0  }
0x179: {  	[sflag:s11] =	ssyncadd.s32 $0xFFFFFFB0  }
0x17a: {  	_ =	swait.ge [sflag:s11], $0x50  }
0x17b: {  	[sflag:s11] =	ssyncset.done $0x0  }
0x17c: {  	[sflag:s11] =	ssyncadd.s32 $0xFFFFFFB0  }
0x17d: {  	_ =	swait.ge [sflag:s11], $0x50  }
0x17e: {  	[sflag:s11] =	ssyncset.done $0x0  }
0x17f: {  	[sflag:s11] =	ssyncadd.s32 $0xFFFFFFB0  }
0x180: {  	_ =	swait.ge [sflag:s11], $0x50  }
0x181: {  	[sflag:s11] =	ssyncset.done $0x0  }
0x182: {  	[sflag:s11] =	ssyncadd.s32 $0xFFFFFFB0  }
0x183: {  	_ =	swait.ge [sflag:s11], $0x50  }
0x184: {  	[sflag:s11] =	ssyncset.done $0x0  }
0x185: {  	[sflag:s11] =	ssyncadd.s32 $0xFFFFFFB0  }
0x186: {  	_ =	swait.ge [sflag:s11], $0x50  }
0x187: {  	[sflag:s11] =	ssyncset.done $0x0  }
0x188: {  	[sflag:s11] =	ssyncadd.s32 $0xFFFFFFB0  }
0x189: {  	_ =	swait.ge [sflag:s11], $0x50  }
0x18a: {  	[sflag:s11] =	ssyncset.done $0x0  }
0x18b: {  	[sflag:s11] =	ssyncadd.s32 $0xFFFFFFB0  }
0x18c: {  	_ =	swait.ge [sflag:s11], $0x50  }
0x18d: {  	[sflag:s11] =	ssyncset.done $0x0  }
0x18e: {  	[sflag:s11] =	ssyncadd.s32 $0xFFFFFFB0  }
0x18f: {  	_ =	swait.ge [sflag:s11], $0x50  }
0x190: {  	[sflag:s11] =	ssyncset.done $0x0  }
0x191: {  	[sflag:s11] =	ssyncadd.s32 $0xFFFFFFB0  }
0x192: {  	_ =	swait.ge [sflag:s11], $0x50  }
0x193: {  	[sflag:s11] =	ssyncset.done $0x0  }
0x194: {  	[sflag:s11] =	ssyncadd.s32 $0xFFFFFFB0  }
0x195: {  	_ =	swait.ge [sflag:s11], $0x50  }
0x196: {  	[sflag:s11] =	ssyncset.done $0x0  }
0x197: {  	[sflag:s11] =	ssyncadd.s32 $0xFFFFFFB0  }
0x198: {  	_ =	swait.ge [sflag:s11], $0x50  }
0x199: {  	[sflag:s11] =	ssyncset.done $0x0  }
0x19a: {  	[sflag:s11] =	ssyncadd.s32 $0xFFFFFFB0  }
0x19b: {  	_ =	swait.ge [sflag:s11], $0x50  }
0x19c: {  	[sflag:s11] =	ssyncset.done $0x0  }
0x19d: {  	[sflag:s11] =	ssyncadd.s32 $0xFFFFFFB0  }
0x19e: {  	_ =	swait.ge [sflag:s11], $0x50  }
0x19f: {  	[sflag:s11] =	ssyncset.done $0x0  }
0x1a0: {  	[sflag:s11] =	ssyncadd.s32 $0xFFFFFFB0  }
0x1a1: {  	_ =	swait.ge [sflag:s11], $0x50  }
0x1a2: {  	[sflag:s11] =	ssyncset.done $0x0  }
0x1a3: {  	s26 =	simm.s32 $0x16260;
	[sflag:s11] =	ssyncadd.s32 $0xFFFFFFB0  }
0x1a4: {  	v8 =	vld [tilespmem:s26+$0x10]  }
0x1a5: {  	v9 =	vld [tilespmem:s26+$0xFFFFFFE0];
	_ =	sdelay $0x3  }
0x1a6: {  	v8 =	vmul.f32 $1.442695020e+00, v8  }
0x1a7: {  	v10 =	vld [tilespmem:s26+$0x0];
	v9 =	vmul.f32 $1.442695020e+00, v9  }
0x1a8: {  	s28 =	simm.s32 $0x162A0;
	v11 =	vld [tilespmem:s26+$0xFFFFFFF0];
	(erf) = vpow2.f32 v8  }
0x1a9: {  	v8 =	vld [tilespmem:s28+$0x10];
	(erf) = vpow2.f32 v9  }
0x1aa: {  	v9 =	vld [tilespmem:s28+$0xFFFFFFE0];
	_ =	sdelay $0x1  }
0x1ab: {  	v12 =	vld [tilespmem:s28+$0x0];
	v10 =	vmul.f32 $1.442695020e+00, v10  }
0x1ac: {  	s29 =	simm.s32 $0x162E0;
	v13 =	vld [tilespmem:s28+$0xFFFFFFF0];
	v11 =	vmul.f32 $1.442695020e+00, v11  }
0x1ad: {  	(erf) = vpow2.f32 v10;
	v10 =	vld [tilespmem:s29+$0x10];
	v8 =	vmul.f32 $1.442695020e+00, v8  }
0x1ae: {  	(erf) = vpow2.f32 v11;
	v9 =	vmul.f32 $1.442695020e+00, v9  }
0x1af: {  	v11 =	vld [tilespmem:s29+$0xFFFFFFE0];
	(erf) = vpow2.f32 v8  }
0x1b0: {  	v8 =	vmul.f32 $1.442695020e+00, v12;
	(erf) = vpow2.f32 v9;
	v9 =	vld [tilespmem:s29+$0x0];
	v12 =	vpop (erf)  }
0x1b1: {  	v13 =	vmul.f32 $1.442695020e+00, v13;
	v14 =	vpop (erf)  }
0x1b2: {  	v10 =	vmul.f32 $1.442695020e+00, v10;
	(erf) = vpow2.f32 v8;
	v8 =	vadd.f32 $1.000000000e+00, v14  }
0x1b3: {  	s30 =	simm.s32 $0x16320;
	v15 =	vld [tilespmem:s29+$0xFFFFFFF0];
	(erf) = vpow2.f32 v13  }
0x1b4: {  	v16 =	vld [tilespmem:s30+$0xFFFFFFE0];
	v12 =	vadd.f32 $1.000000000e+00, v12;
	(erf) = vrcp.f32 v8;
	v8 =	vmul.f32 $1.442695020e+00, v11  }
0x1b5: {  	v17 =	vld [tilespmem:s30+$0xFFFFFFF0];
	v9 =	vmul.f32 $1.442695020e+00, v9;
	(erf) = vpow2.f32 v10  }
0x1b6: {  	v18 =	vld [tilespmem:s30+$0x10];
	v10 =	vpop (erf);
	(erf) = vrcp.f32 v12  }
0x1b7: {  	s0 =	simm.s32 $0x15A90;
	v14 =	vld [tilespmem:s30+$0x0];
	v10 =	vadd.f32 $1.000000000e+00, v10;
	v11 =	vpop (erf);
	(erf) = vpow2.f32 v8  }
0x1b8: {  	s31 =	simm.s32 $0x16360;
	v19 =	vld [tilespmem:s0+$0xFFFFFFE0];
	v8 =	vmul.f32 $1.442695020e+00, v15;
	v12 =	vadd.f32 $1.000000000e+00, v11;
	v15 =	vpop (erf);
	(erf) = vpow2.f32 v9  }
0x1b9: {  	v20 =	vld [tilespmem:s31+$0x0];
	v9 =	vpop (erf);
	(erf) = vrcp.f32 v10  }
0x1ba: {  	v21 =	vld [tilespmem:s31+$0xFFFFFFE0];
	v23 =	vmul.f32 $1.442695020e+00, v16;
	v9 =	vadd.f32 $1.000000000e+00, v9;
	(erf) = vrcp.f32 v12  }
0x1bb: {  	v16 =	vmul.f32 $1.442695020e+00, v18;
	v11 =	vld [tilespmem:s31+$0xFFFFFFF0];
	(erf) = vpow2.f32 v8  }
0x1bc: {  	v13 =	vmul.f32 $1.442695020e+00, v14;
	v14 =	vld [tilespmem:s31+$0x10];
	v10 =	vpop (erf);
	v8 =	vadd.f32 $1.000000000e+00, v15;
	(erf) = vrcp.f32 v9  }
0x1bd: {  	v12 =	vld [tilespmem:s0+$0x10];
	v22 =	vpop (erf);
	(erf) = vpow2.f32 v16  }
0x1be: {  	v15 =	vmul.f32 $1.442695020e+00, v20;
	v20 =	vadd.f32 $1.000000000e+00, v10;
	v10 =	vld [tilespmem:s0+$0xFFFFFFF0];
	v24 =	vpop (erf);
	(erf) = vrcp.f32 v8  }
0x1bf: {  	s2 =	simm.s32 $0x15AD0;
	v17 =	vmul.f32 $1.442695020e+00, v17;
	v9 =	vld [tilespmem:s0+$0x0];
	v18 =	vpop (erf);
	(erf) = vpow2.f32 v23  }
0x1c0: {  	s1 =	simm.s32 $0x15B10;
	s3 =	simm.s32 $0x10;
	s4 =	simm.s32 $0x163A0;
	v22 =	vadd.f32 $1.000000000e+00, v22;
	v16 =	vmul.f32 $1.442695020e+00, v21;
	v8 =	vld [tilespmem:s2+$0xFFFFFFE0];
	v19 =	vmul.f32 v24, v19;
	v21 =	vpop (erf)  }
.LBB2_5:
0x1c1: {  	v23 =	vld [tilespmem:s4+$0x0];
	s3 =	sadd.s32 $0x4, s3;
	v24 =	vmul.f32 $1.442695020e+00, v11;
	(erf) = vpow2.f32 v13;
	v11 =	vpop (erf);
	v13 =	vmov v15  }
0x1c2: {  	v25 =	vld [tilespmem:s4+$0xFFFFFFE0];
	p0 =	slt.u32 s3, $0x78;
	v15 =	vadd.f32 $1.000000000e+00, v11;
	v26 =	vpop (erf);
	[tilespmem:s0+$0xFFFFFFE0] =	vst v19;
	v12 =	vmul.f32 v21, v12;
	(erf) = vrcp.f32 v20  }
0x1c3: {  	v27 =	vmul.f32 $1.442695020e+00, v14;
	v21 =	vmov v16;
	v11 =	vld [tilespmem:s4+$0xFFFFFFF0];
	(erf) = vrcp.f32 v22;
	v20 =	vpop (erf)  }
.Ltmp1:
0x1c4: {  	v28 =	vadd.f32 $1.000000000e+00, v18;
	v14 =	vld [tilespmem:s4+$0x10];
	(erf) = vpow2.f32 v17;
	v16 =	vmul.f32 v20, v9;
	[tilespmem:s0+$0x10] =	vst v12;
	v9 =	vpop (erf);
	(pc) =	sbr.rel @p0 .LBB2_5-.Ltmp1, $4  }
0x1c5: {  	v20 =	vadd.f32 $1.000000000e+00, v26;
	(erf) = vrcp.f32 v15;
	v18 =	vpop (erf);
	v12 =	vld [tilespmem:s2+$0x10];
	v26 =	vmul.f32 v9, v10  }
0x1c6: {  	v15 =	vmul.f32 $1.442695020e+00, v23;
	(erf) = vpow2.f32 v27;
	v22 =	vadd.f32 $1.000000000e+00, v18;
	v9 =	vld [tilespmem:s2+$0x0];
	v19 =	vpop (erf);
	[tilespmem:s0+$0x0] =	vst v16  }
0x1c7: {  	v17 =	vmov v24;
	v16 =	vmul.f32 $1.442695020e+00, v25;
	v18 =	vpop (erf);
	(erf) = vrcp.f32 v28;
	v10 =	vld [tilespmem:s2+$0xFFFFFFF0];
	[tilespmem:s0+$0xFFFFFFF0] =	vst v26;
	s0 =	smov.u32 s2;
	s2 =	smov.u32 s1  }
0x1c8: {  	s4 =	sadd.s32 $0x40, s4;
	s1 =	sadd.s32 $0x40, s1;
	v19 =	vmul.f32 v19, v8;
	(erf) = vpow2.f32 v21;
	v8 =	vld [tilespmem:s2+$0xFFFFFFE0];
	v21 =	vpop (erf)  }
0x1c9: {  	(erf) = vpow2.f32 v13;
	v48 =	vpop (erf)  }
0x1ca: {  	v23 =	vpop (erf);
	(erf) = vrcp.f32 v20  }
0x1cb: {  	v13 =	vadd.f32 $1.000000000e+00, v48;
	(erf) = vrcp.f32 v22;
	v49 =	vpop (erf)  }
0x1cc: {  	v14 =	vmul.f32 $1.442695020e+00, v14;
	(erf) = vpow2.f32 v17;
	v50 =	vpop (erf)  }
0x1cd: {  	v18 =	vadd.f32 $1.000000000e+00, v18;
	(erf) = vrcp.f32 v13;
	v51 =	vpop (erf)  }
0x1ce: {  	(erf) = vpow2.f32 v14;
	v52 =	vpop (erf)  }
0x1cf: {  	v53 =	vpop (erf);
	(erf) = vrcp.f32 v18  }
0x1d0: {  	v54 =	vadd.f32 $1.000000000e+00, v23;
	(erf) = vpow2.f32 v16;
	v55 =	vpop (erf)  }
0x1d1: {  	v13 =	vadd.f32 $1.000000000e+00, v51;
	(erf) = vpow2.f32 v15;
	v56 =	vpop (erf)  }
0x1d2: {  	v11 =	vmul.f32 $1.442695020e+00, v11;
	v57 =	vpop (erf);
	(erf) = vrcp.f32 v54  }
0x1d3: {  	(erf) = vrcp.f32 v13;
	v58 =	vpop (erf)  }
0x1d4: {  	(erf) = vpow2.f32 v11;
	v59 =	vpop (erf)  }
0x1d5: {  	v60 =	vpop (erf)  }
0x1d6: {  	v24 =	vpop (erf)  }
0x1d7: {  	v25 =	vld [tilespmem:s2+$0x10];
	v15 =	vadd.f32 $1.000000000e+00, v56;
	v26 =	vpop (erf)  }
0x1d8: {  	v61 =	vld [tilespmem:s2+$0x0];
	v12 =	vmul.f32 v21, v12;
	v22 =	vadd.f32 $1.000000000e+00, v53;
	v27 =	vpop (erf)  }
0x1d9: {  	v62 =	vld [tilespmem:s2+$0xFFFFFFF0];
	[tilespmem:s0+$0xFFFFFFE0] =	vst v19;
	v9 =	vmul.f32 v49, v9;
	v63 =	vadd.f32 $1.000000000e+00, v57;
	(erf) = vrcp.f32 v15;
	v28 =	vpop (erf)  }
0x1da: {  	v29 =	vld [tilespmem:s1+$0xFFFFFFE0];
	[tilespmem:s0+$0x10] =	vst v12;
	v10 =	vmul.f32 v50, v10;
	v30 =	vadd.f32 $1.000000000e+00, v60;
	(erf) = vrcp.f32 v22;
	v31 =	vpop (erf)  }
0x1db: {  	v32 =	vld [tilespmem:s1+$0x10];
	[tilespmem:s0+$0x0] =	vst v9;
	v8 =	vmul.f32 v52, v8;
	(erf) = vrcp.f32 v63;
	v33 =	vadd.f32 $1.000000000e+00, v28;
	v34 =	vpop (erf)  }
0x1dc: {  	v36 =	vld [tilespmem:s1+$0x0];
	[tilespmem:s0+$0xFFFFFFF0] =	vst v10;
	v35 =	vmul.f32 v55, v25;
	(erf) = vrcp.f32 v30;
	v37 =	vadd.f32 $1.000000000e+00, v26;
	v38 =	vpop (erf)  }
0x1dd: {  	s20 =	sadd.s32 $0x40, s1;
	v39 =	vld [tilespmem:s1+$0xFFFFFFF0];
	[tilespmem:s2+$0xFFFFFFE0] =	vst v8;
	v8 =	vmul.f32 v58, v61;
	v18 =	vadd.f32 $1.000000000e+00, v31;
	(erf) = vrcp.f32 v33;
	v40 =	vpop (erf)  }
0x1de: {  	v42 =	vld [tilespmem:s20+$0xFFFFFFE0];
	[tilespmem:s2+$0x10] =	vst v35;
	v41 =	vmul.f32 v59, v62;
	(erf) = vrcp.f32 v37;
	v14 =	vadd.f32 $1.000000000e+00, v40  }
0x1df: {  	v43 =	vld [tilespmem:s20+$0x10];
	[tilespmem:s2+$0x0] =	vst v8;
	v8 =	vmul.f32 v24, v29;
	(erf) = vrcp.f32 v18  }
0x1e0: {  	v44 =	vld [tilespmem:s20+$0x0];
	[tilespmem:s2+$0xFFFFFFF0] =	vst v41;
	v9 =	vmul.f32 v27, v32;
	(erf) = vrcp.f32 v14  }
0x1e1: {  	s21 =	sadd.s32 $0x40, s20;
	v45 =	vld [tilespmem:s20+$0xFFFFFFF0];
	[tilespmem:s1+$0xFFFFFFE0] =	vst v8;
	v8 =	vmul.f32 v34, v36  }
0x1e2: {  	v48 =	vld [tilespmem:s21+$0xFFFFFFE0];
	[tilespmem:s1+$0x10] =	vst v9;
	v46 =	vmul.f32 v38, v39;
	v47 =	vpop (erf)  }
0x1e3: {  	v50 =	vld [tilespmem:s21+$0x10];
	[tilespmem:s1+$0x0] =	vst v8;
	v8 =	vmul.f32 v47, v42;
	v49 =	vpop (erf)  }
0x1e4: {  	v53 =	vld [tilespmem:s21+$0x0];
	[tilespmem:s1+$0xFFFFFFF0] =	vst v46;
	v51 =	vmul.f32 v49, v43;
	v52 =	vpop (erf)  }
0x1e5: {  	v55 =	vld [tilespmem:s21+$0xFFFFFFF0];
	[tilespmem:s20+$0xFFFFFFE0] =	vst v8;
	v8 =	vmul.f32 v52, v44;
	v54 =	vpop (erf)  }
0x1e6: {  	[tilespmem:s20+$0x10] =	vst v51;
	v56 =	vmul.f32 v54, v45;
	v57 =	vpop (erf)  }
0x1e7: {  	[tilespmem:s20+$0x0] =	vst v8;
	v8 =	vmul.f32 v57, v48;
	v58 =	vpop (erf)  }
0x1e8: {  	[tilespmem:s20+$0xFFFFFFF0] =	vst v56;
	v59 =	vmul.f32 v58, v50;
	v60 =	vpop (erf)  }
0x1e9: {  	[tilespmem:s21+$0xFFFFFFE0] =	vst v8;
	v8 =	vmul.f32 v60, v53;
	v61 =	vpop (erf)  }
0x1ea: {  	[tilespmem:s21+$0x10] =	vst v59;
	v62 =	vmul.f32 v61, v55  }
0x1eb: {  	[tilespmem:s21+$0x0] =	vst v8  }
0x1ec: {  	[tilespmem:s21+$0xFFFFFFF0] =	vst v62  }
0x1ed: {  	v8 =	vld [tilespmem:$0x16A00];
	_ =	sdelay $0x4  }
0x1ee: {  	v8 =	vmul.f32 $1.442695020e+00, v8;
	_ =	sdelay $0x1  }
0x1ef: {  	(erf) = vpow2.f32 v8;
	_ =	sdelay $0x8  }
0x1f0: {  	v8 =	vpop (erf)  }
0x1f1: {  	v8 =	vadd.f32 $1.000000000e+00, v8;
	_ =	sdelay $0x1  }
0x1f2: {  	(erf) = vrcp.f32 v8;
	_ =	sdelay $0x4  }
0x1f3: {  	v8 =	vld [tilespmem:$0x16230];
	_ =	sdelay $0x3  }
0x1f4: {  	v63 =	vpop (erf)  }
0x1f5: {  	v8 =	vmul.f32 v63, v8;
	_ =	sdelay $0x1  }
0x1f6: {  	s23 =	simm.s32 $0x179B0;
	s24 =	simm.s32 $0x15A70;
	s0 =	rddreg [dreg:$0x5];
	[tilespmem:$0x16230] =	vst v8  }
0x1f7: {  	[spmem:s0] =	stream.indirect.scatter.add.f32 [tilespmem:s24], [sflag:$0x3], $0x1, s23, s8, $0xb8;
	[tilespmem:$0x1D180] =	vst v63  }
0x1f8: {  	s25 =	simm.s32 $0x17A00;
	s26 =	simm.s32 $0x15AC0  }
0x1f9: {  	[spmem:s0] =	stream.indirect.scatter.add.f32 [tilespmem:s26], [sflag:$0x3], $0x1, s25, s8, $0xb8;
	[tilespmem:$0x1D180] =	vst v63  }
0x1fa: {  	s28 =	simm.s32 $0x17A50;
	s29 =	simm.s32 $0x15B10  }
0x1fb: {  	[spmem:s0] =	stream.indirect.scatter.add.f32 [tilespmem:s29], [sflag:$0x3], $0x1, s28, s8, $0xb8;
	[tilespmem:$0x1D180] =	vst v63  }
0x1fc: {  	s3 =	simm.s32 $0x17AA0;
	s4 =	simm.s32 $0x15B60  }
0x1fd: {  	[spmem:s0] =	stream.indirect.scatter.add.f32 [tilespmem:s4], [sflag:$0x3], $0x1, s3, s8, $0xb8;
	[tilespmem:$0x1D180] =	vst v63  }
0x1fe: {  	s5 =	simm.s32 $0x17AF0;
	s6 =	simm.s32 $0x15BB0  }
0x1ff: {  	[spmem:s0] =	stream.indirect.scatter.add.f32 [tilespmem:s6], [sflag:$0x3], $0x1, s5, s8, $0xb8;
	[tilespmem:$0x1D180] =	vst v63  }
0x200: {  	s7 =	simm.s32 $0x17B40;
	s9 =	simm.s32 $0x15C00  }
0x201: {  	[spmem:s0] =	stream.indirect.scatter.add.f32 [tilespmem:s9], [sflag:$0x3], $0x1, s7, s8, $0xb8;
	[tilespmem:$0x1D180] =	vst v63  }
0x202: {  	s10 =	simm.s32 $0x17B90;
	s12 =	simm.s32 $0x15C50  }
0x203: {  	[spmem:s0] =	stream.indirect.scatter.add.f32 [tilespmem:s12], [sflag:$0x3], $0x1, s10, s8, $0xb8;
	[tilespmem:$0x1D180] =	vst v63  }
0x204: {  	s13 =	simm.s32 $0x17BE0;
	s14 =	simm.s32 $0x15CA0  }
0x205: {  	[spmem:s0] =	stream.indirect.scatter.add.f32 [tilespmem:s14], [sflag:$0x3], $0x1, s13, s8, $0xb8;
	[tilespmem:$0x1D180] =	vst v63  }
0x206: {  	s15 =	simm.s32 $0x17C30;
	s16 =	simm.s32 $0x15CF0  }
0x207: {  	[spmem:s0] =	stream.indirect.scatter.add.f32 [tilespmem:s16], [sflag:$0x3], $0x1, s15, s8, $0xb8;
	[tilespmem:$0x1D180] =	vst v63  }
0x208: {  	s17 =	simm.s32 $0x17C80;
	s18 =	simm.s32 $0x15D40  }
0x209: {  	[spmem:s0] =	stream.indirect.scatter.add.f32 [tilespmem:s18], [sflag:$0x3], $0x1, s17, s8, $0xb8;
	[tilespmem:$0x1D180] =	vst v63  }
0x20a: {  	s19 =	simm.s32 $0x17CD0;
	s20 =	simm.s32 $0x15D90  }
0x20b: {  	[spmem:s0] =	stream.indirect.scatter.add.f32 [tilespmem:s20], [sflag:$0x3], $0x1, s19, s8, $0xb8;
	[tilespmem:$0x1D180] =	vst v63  }
0x20c: {  	s21 =	simm.s32 $0x17D20;
	s23 =	simm.s32 $0x15DE0  }
0x20d: {  	[spmem:s0] =	stream.indirect.scatter.add.f32 [tilespmem:s23], [sflag:$0x3], $0x1, s21, s8, $0xb8;
	[tilespmem:$0x1D180] =	vst v63  }
0x20e: {  	s25 =	simm.s32 $0x17D70;
	s26 =	simm.s32 $0x15E30  }
0x20f: {  	[spmem:s0] =	stream.indirect.scatter.add.f32 [tilespmem:s26], [sflag:$0x3], $0x1, s25, s8, $0xb8;
	[tilespmem:$0x1D180] =	vst v63  }
0x210: {  	s28 =	simm.s32 $0x17DC0;
	s29 =	simm.s32 $0x15E80  }
0x211: {  	[spmem:s0] =	stream.indirect.scatter.add.f32 [tilespmem:s29], [sflag:$0x3], $0x1, s28, s8, $0xb8;
	[tilespmem:$0x1D180] =	vst v63  }
0x212: {  	s3 =	simm.s32 $0x17E10;
	s4 =	simm.s32 $0x15ED0  }
0x213: {  	[spmem:s0] =	stream.indirect.scatter.add.f32 [tilespmem:s4], [sflag:$0x3], $0x1, s3, s8, $0xb8;
	[tilespmem:$0x1D180] =	vst v63  }
0x214: {  	s5 =	simm.s32 $0x17E60;
	s6 =	simm.s32 $0x15F20  }
0x215: {  	[spmem:s0] =	stream.indirect.scatter.add.f32 [tilespmem:s6], [sflag:$0x3], $0x1, s5, s8, $0xb8;
	[tilespmem:$0x1D180] =	vst v63  }
0x216: {  	s7 =	simm.s32 $0x17EB0;
	s9 =	simm.s32 $0x15F70  }
0x217: {  	[spmem:s0] =	stream.indirect.scatter.add.f32 [tilespmem:s9], [sflag:$0x3], $0x1, s7, s8, $0xb8;
	[tilespmem:$0x1D180] =	vst v63  }
0x218: {  	s10 =	simm.s32 $0x17F00;
	s12 =	simm.s32 $0x15FC0  }
0x219: {  	[spmem:s0] =	stream.indirect.scatter.add.f32 [tilespmem:s12], [sflag:$0x3], $0x1, s10, s8, $0xb8;
	[tilespmem:$0x1D180] =	vst v63  }
0x21a: {  	s13 =	simm.s32 $0x17F50;
	s14 =	simm.s32 $0x16010  }
0x21b: {  	[spmem:s0] =	stream.indirect.scatter.add.f32 [tilespmem:s14], [sflag:$0x3], $0x1, s13, s8, $0xb8;
	[tilespmem:$0x1D180] =	vst v63  }
0x21c: {  	s30 =	simm.s32 $0x0;
	s15 =	simm.s32 $0x17FA0;
	s16 =	simm.s32 $0x16060  }
0x21d: {  	[spmem:s0] =	stream.indirect.scatter.add.f32 [tilespmem:s16], [sflag:$0x3], $0x1, s15, s8, $0xb8;
	[tilespmem:$0x1D180] =	vst v63  }
0x21e: {  	s31 =	simm.s32 $0x0;
	s17 =	simm.s32 $0x17FF0;
	s18 =	simm.s32 $0x160B0  }
0x21f: {  	[spmem:s0] =	stream.indirect.scatter.add.f32 [tilespmem:s18], [sflag:$0x3], $0x1, s17, s8, $0xb8;
	[tilespmem:$0x1D180] =	vst v63  }
0x220: {  	s19 =	simm.s32 $0x18040;
	s20 =	simm.s32 $0x16100;
	s21 =	simm.s32 $0x18090  }
0x221: {  	[spmem:s0] =	stream.indirect.scatter.add.f32 [tilespmem:s20], [sflag:$0x3], $0x1, s19, s8, $0xb8;
	[tilespmem:$0x1D180] =	vst v63  }
0x222: {  	s23 =	simm.s32 $0x16150;
	s25 =	simm.s32 $0x180E0;
	s26 =	simm.s32 $0x161A0  }
0x223: {  	[spmem:s0] =	stream.indirect.scatter.add.f32 [tilespmem:s23], [sflag:$0x3], $0x1, s21, s8, $0xb8;
	[tilespmem:$0x1D180] =	vst v63  }
0x224: {  	s28 =	simm.s32 $0x161F0;
	s29 =	simm.s32 $0x171E0;
	s4 =	rddreg [dreg:$0x0]  }
0x225: {  	[spmem:s0] =	stream.indirect.scatter.add.f32 [tilespmem:s26], [sflag:$0x3], $0x1, s25, s8, $0xb8;
	[tilespmem:$0x1D180] =	vst v63  }
0x226: {  	s5 =	rddreg [dreg:$0x4];
	s14 =	simm.s32 $0x18130;
	s15 =	simm.s32 $0x18180  }
0x227: {  	[spmem:s0] =	stream.indirect.scatter.add.f32 [tilespmem:s28], [sflag:$0x3], $0x1, s14, s8, $0xb8;
	[tilespmem:$0x1D180] =	vst v63  }
0x228: {  	s18 =	simm.s32 $0x1A980;
	s20 =	simm.s32 $0x2;
	s23 =	simm.s32 $0x152A0  }
0x229: {  	[tilespmem:s15], [sflag:$0x1] =	stream.indirect.gather [hbm4b:s4+s8], $0x80, s29, s8, $0xb8;
	[tilespmem:$0x1D180] =	vst v63  }
.LBB2_7:
0x22a: {  	_ =	swait.ge [sflag:s11], $0x2800;
	s0 =	sadd.s32 $0xFFFFFFFE, s30  }
0x22b: {  	p0 =	seq.s32 s31, $0x0;
	[sflag:s11] =	ssyncset.done $0x0;
	s1 =	sadd.s32 $0x3, s0  }
0x22c: {  	s2 =	simm.s32 @!p0 $0x2;
	[sflag:s11] =	ssyncadd.s32 $0xFFFFD800;
	v8 =	vmov s1  }
0x22d: {  	s1 =	smul.u32 $0xA0, s31;
	_ =	swait.ge @!p0 [sflag:s2], $0x2800  }
0x22e: {  	s0 =	sadd.s32 $0x2, s0;
	[sflag:s2] =	ssyncset.done @!p0 $0x0  }
0x22f: {  	v9 =	vmov s0;
	s26 =	sadd.s32 $0x17230, s1;
	[sflag:s2] =	ssyncadd.s32 @!p0 $0xFFFFD800  }
0x230: {  	v9 =	vand.u32 $0xFFFFFFFE, v9;
	[tilespmem:s18], [sflag:$0x1] =	stream.indirect.gather [hbm4b:s4+s8], $0x80, s26, s8, $0xb8;
	[tilespmem:$0x1D180] =	vst v63  }
0x231: {  	v9 =	vbroadcast v9, $0x0;
	v10 =	vld.idx.msk [tilespmem:v8+s23+$0x0], $0xffff;
	_ =	sdelay $0x4  }
0x232: {  	v30 =	vshll.u32 v10, $0x7  }
0x233: {  	v11 =	vld.idx.msk [tilespmem:v9+s23+$0x0], $0xffff;
	v10 =	vor.u32 v0, v30;
	_ =	sdelay $0x2  }
0x234: {  	s6 =	simm.s32 $0x18200  }
0x235: {  	v12 =	vld [tilespmem:s6+$0x0]  }
0x236: {  	v33 =	vshll.u32 v11, $0x7;
	v10 =	vld.idx.msk [tilespmem:v10+s22+$0x0], $0xffff  }
0x237: {  	v11 =	vor.u32 v0, v33;
	_ =	sdelay $0x3  }
0x238: {  	v10 =	vadd.f32 v12, v10  }
0x239: {  	v11 =	vld.idx.msk [tilespmem:v11+s22+$0x0], $0xffff  }
0x23a: {  	v12 =	vld [tilespmem:s6+$0xFFFFFF80];
	v10 =	vmul.f32 $1.442695020e+00, v10;
	_ =	sdelay $0x1  }
0x23b: {  	v14 =	vld [tilespmem:s6+$0xFFFFFFB0];
	(erf) = vpow2.f32 v10;
	_ =	sdelay $0x2  }
0x23c: {  	v10 =	vadd.f32 v12, v11;
	_ =	sdelay $0x1  }
0x23d: {  	v10 =	vmul.f32 $1.442695020e+00, v10;
	_ =	sdelay $0x1  }
0x23e: {  	(erf) = vpow2.f32 v10;
	_ =	sdelay $0x1  }
0x23f: {  	v10 =	vpop (erf)  }
0x240: {  	v10 =	vadd.f32 $1.000000000e+00, v10;
	_ =	sdelay $0x1  }
0x241: {  	(erf) = vrcp.f32 v10;
	_ =	sdelay $0x3  }
0x242: {  	v10 =	vpop (erf)  }
0x243: {  	v10 =	vadd.f32 $1.000000000e+00, v10;
	_ =	sdelay $0x3  }
0x244: {  	v8 =	vld.idx.msk [tilespmem:v8+s24+$0x0], $0xffff;
	(erf) = vrcp.f32 v10;
	v10 =	vpop (erf)  }
0x245: {  	s28 =	sadd.s32 $0x0, s30;
	v10 =	vadd.f32 v10, v10  }
0x246: {  	s29 =	sadd.s32 $0x3, s28  }
0x247: {  	s0 =	sadd.s32 $0x2, s28;
	v11 =	vmov s29;
	v10 =	vsub.f32 $1.000000000e+00, v10  }
0x248: {  	v13 =	vmov s0  }
0x249: {  	v13 =	vand.u32 $0xFFFFFFFE, v13;
	v12 =	vor.u32 v1, v30;
	v10 =	vmul.f32 v10, v8  }
0x24a: {  	v13 =	vbroadcast v13, $0x0  }
0x24b: {  	v9 =	vld.idx.msk [tilespmem:v9+s24+$0x0], $0xffff  }
0x24c: {  	v15 =	vld.idx.msk [tilespmem:v11+s23+$0x0], $0xffff  }
0x24d: {  	v16 =	vld [tilespmem:s6+$0x10];
	[tilespmem:s6+$0x0] =	vst v10;
	v10 =	vpop (erf)  }
0x24e: {  	v12 =	vld.idx.msk [tilespmem:v12+s22+$0x0], $0xffff;
	v10 =	vadd.f32 v10, v10;
	_ =	sdelay $0x1  }
0x24f: {  	v17 =	vor.u32 v1, v33;
	v18 =	vld.idx.msk [tilespmem:v13+s23+$0x0], $0xffff;
	v10 =	vsub.f32 $1.000000000e+00, v10  }
0x250: {  	v37 =	vshll.u32 v15, $0x7  }
0x251: {  	v15 =	vor.u32 v0, v37;
	v10 =	vmul.f32 v10, v9  }
0x252: {  	v12 =	vadd.f32 v16, v12  }
0x253: {  	v16 =	vld [tilespmem:s6+$0xFFFFFF90];
	[tilespmem:s6+$0xFFFFFF80] =	vst v10  }
0x254: {  	s9 =	simm.s32 $0x18300;
	v28 =	vshll.u32 v18, $0x7;
	v12 =	vmul.f32 $1.442695020e+00, v12;
	v10 =	vld.idx.msk [tilespmem:v17+s22+$0x0], $0xffff  }
0x255: {  	v18 =	vld [tilespmem:s9+$0x0];
	v17 =	vor.u32 v0, v28  }
0x256: {  	(erf) = vpow2.f32 v12;
	v12 =	vld.idx.msk [tilespmem:v15+s22+$0x0], $0xffff;
	_ =	sdelay $0x2  }
0x257: {  	v10 =	vadd.f32 v16, v10  }
0x258: {  	v15 =	vld.idx.msk [tilespmem:v17+s22+$0x0], $0xffff  }
0x259: {  	v16 =	vld [tilespmem:s9+$0xFFFFFF80];
	v12 =	vadd.f32 v18, v12;
	v10 =	vmul.f32 $1.442695020e+00, v10;
	_ =	sdelay $0x1  }
0x25a: {  	v12 =	vmul.f32 $1.442695020e+00, v12;
	(erf) = vpow2.f32 v10;
	_ =	sdelay $0x1  }
0x25b: {  	(erf) = vpow2.f32 v12;
	v10 =	vpop (erf)  }
0x25c: {  	v12 =	vadd.f32 v16, v15;
	v10 =	vadd.f32 $1.000000000e+00, v10;
	_ =	sdelay $0x1  }
0x25d: {  	(erf) = vrcp.f32 v10;
	v10 =	vmul.f32 $1.442695020e+00, v12;
	_ =	sdelay $0x2  }
0x25e: {  	(erf) = vpow2.f32 v10  }
0x25f: {  	v10 =	vpop (erf)  }
0x260: {  	v10 =	vadd.f32 $1.000000000e+00, v10  }
0x261: {  	v12 =	vpop (erf)  }
0x262: {  	v12 =	vadd.f32 $1.000000000e+00, v12  }
0x263: {  	(erf) = vrcp.f32 v10  }
0x264: {  	(erf) = vrcp.f32 v12;
	v10 =	vpop (erf)  }
0x265: {  	v10 =	vadd.f32 v10, v10;
	_ =	sdelay $0x1  }
0x266: {  	v12 =	vpop (erf);
	v10 =	vsub.f32 $1.000000000e+00, v10  }
0x267: {  	v15 =	vor.u32 v2, v30;
	v12 =	vadd.f32 $1.000000000e+00, v12  }
0x268: {  	v10 =	vmul.f32 v10, v8  }
0x269: {  	(erf) = vrcp.f32 v12  }
0x26a: {  	v11 =	vld.idx.msk [tilespmem:v11+s24+$0x0], $0xffff  }
0x26b: {  	v12 =	vld [tilespmem:s6+$0x20];
	[tilespmem:s6+$0x10] =	vst v10;
	v16 =	vpop (erf)  }
0x26c: {  	s3 =	sadd.s32 $0x2, s30;
	v15 =	vld.idx.msk [tilespmem:v15+s22+$0x0], $0xffff;
	v10 =	vpop (erf)  }
0x26d: {  	s7 =	sadd.s32 $0x3, s3;
	s0 =	sadd.s32 $0x2, s3;
	v10 =	vadd.f32 v10, v10  }
0x26e: {  	v18 =	vmov s7;
	v17 =	vmov s0  }
0x26f: {  	v19 =	vor.u32 v1, v37;
	v17 =	vand.u32 $0xFFFFFFFE, v17;
	v20 =	vsub.f32 $1.000000000e+00, v10;
	_ =	sdelay $0x1  }
0x270: {  	v22 =	vld [tilespmem:s9+$0x10];
	v12 =	vadd.f32 v12, v15;
	v15 =	vmul.f32 v20, v11  }
0x271: {  	v10 =	vld.idx.msk [tilespmem:v13+s24+$0x0], $0xffff;
	v13 =	vbroadcast v17, $0x0;
	v17 =	vpop (erf)  }
0x272: {  	v21 =	vld.idx.msk [tilespmem:v18+s23+$0x0], $0xffff;
	v17 =	vadd.f32 v17, v17;
	[tilespmem:s9+$0x0] =	vst v15  }
0x273: {  	v12 =	vmul.f32 $1.442695020e+00, v12;
	v19 =	vld.idx.msk [tilespmem:v19+s22+$0x0], $0xffff  }
0x274: {  	v15 =	vor.u32 v1, v28;
	v20 =	vsub.f32 $1.000000000e+00, v17  }
0x275: {  	(erf) = vpow2.f32 v12  }
0x276: {  	v12 =	vmul.f32 v20, v10;
	_ =	sdelay $0x1  }
0x277: {  	v27 =	vshll.u32 v21, $0x7;
	v20 =	vld.idx.msk [tilespmem:v13+s23+$0x0], $0xffff;
	[tilespmem:s9+$0xFFFFFF80] =	vst v12;
	v19 =	vadd.f32 v22, v19  }
0x278: {  	v23 =	vor.u32 v0, v27;
	v12 =	vld.idx.msk [tilespmem:v15+s22+$0x0], $0xffff  }
0x279: {  	v15 =	vld [tilespmem:s9+$0xFFFFFF90];
	v19 =	vmul.f32 $1.442695020e+00, v19;
	_ =	sdelay $0x1  }
0x27a: {  	s12 =	simm.s32 $0x18400;
	(erf) = vpow2.f32 v19  }
0x27b: {  	v22 =	vld [tilespmem:s12+$0x0]  }
0x27c: {  	v21 =	vshll.u32 v20, $0x7;
	v20 =	vld.idx.msk [tilespmem:v23+s22+$0x0], $0xffff;
	v19 =	vpop (erf)  }
0x27d: {  	v23 =	vor.u32 v0, v21;
	v12 =	vadd.f32 v15, v12;
	v19 =	vadd.f32 $1.000000000e+00, v19;
	_ =	sdelay $0x1  }
0x27e: {  	v12 =	vmul.f32 $1.442695020e+00, v12;
	(erf) = vrcp.f32 v19;
	_ =	sdelay $0x1  }
0x27f: {  	v15 =	vadd.f32 v22, v20;
	v20 =	vld [tilespmem:s12+$0xFFFFFF80]  }
0x280: {  	v19 =	vld.idx.msk [tilespmem:v23+s22+$0x0], $0xffff  }
0x281: {  	v15 =	vmul.f32 $1.442695020e+00, v15;
	(erf) = vpow2.f32 v12;
	v12 =	vpop (erf)  }
0x282: {  	v12 =	vadd.f32 $1.000000000e+00, v12  }
0x283: {  	(erf) = vpow2.f32 v15;
	_ =	sdelay $0x1  }
0x284: {  	v15 =	vadd.f32 v20, v19  }
0x285: {  	(erf) = vrcp.f32 v12;
	v12 =	vpop (erf)  }
0x286: {  	v15 =	vmul.f32 $1.442695020e+00, v15;
	v12 =	vadd.f32 v12, v12;
	_ =	sdelay $0x1  }
0x287: {  	(erf) = vpow2.f32 v15;
	v15 =	vor.u32 v3, v30;
	v12 =	vsub.f32 $1.000000000e+00, v12  }
0x288: {  	v19 =	vpop (erf)  }
0x289: {  	v19 =	vadd.f32 $1.000000000e+00, v19;
	v12 =	vmul.f32 v12, v8  }
0x28a: {  	v20 =	vpop (erf)  }
0x28b: {  	v20 =	vadd.f32 $1.000000000e+00, v20;
	(erf) = vrcp.f32 v19;
	v19 =	vld [tilespmem:s6+$0x30];
	[tilespmem:s6+$0x20] =	vst v12  }
0x28c: {  	v12 =	vld.idx.msk [tilespmem:v15+s22+$0x0], $0xffff  }
0x28d: {  	(erf) = vrcp.f32 v20;
	v15 =	vpop (erf)  }
0x28e: {  	v15 =	vadd.f32 v15, v15;
	_ =	sdelay $0x1  }
0x28f: {  	v16 =	vadd.f32 v16, v16;
	v20 =	vpop (erf);
	v15 =	vsub.f32 $1.000000000e+00, v15  }
0x290: {  	v22 =	vor.u32 v2, v37;
	v20 =	vadd.f32 $1.000000000e+00, v20;
	v12 =	vadd.f32 v19, v12  }
0x291: {  	v16 =	vsub.f32 $1.000000000e+00, v16;
	v15 =	vmul.f32 v15, v11  }
0x292: {  	v23 =	vor.u32 v2, v33;
	(erf) = vrcp.f32 v20;
	v20 =	vmul.f32 $1.442695020e+00, v12  }
0x293: {  	s10 =	sadd.s32 $0x4, s30;
	v12 =	vld.idx.msk [tilespmem:v18+s24+$0x0], $0xffff  }
0x294: {  	s13 =	sadd.s32 $0x3, s10;
	v16 =	vmul.f32 v16, v9;
	v19 =	vpop (erf);
	[tilespmem:s9+$0x10] =	vst v15;
	v18 =	vld [tilespmem:s9+$0x20];
	(erf) = vpow2.f32 v20  }
0x295: {  	v25 =	vmov s13;
	v15 =	vpop (erf);
	v20 =	vld.idx.msk [tilespmem:v22+s22+$0x0], $0xffff  }
0x296: {  	[tilespmem:s6+$0xFFFFFF90] =	vst v16;
	v15 =	vadd.f32 v15, v15  }
0x297: {  	s0 =	sadd.s32 $0x2, s10;
	v16 =	vld.idx.msk [tilespmem:v23+s22+$0x0], $0xffff  }
0x298: {  	v24 =	vmov s0;
	v23 =	vld [tilespmem:s6+$0xFFFFFFA0];
	v22 =	vor.u32 v1, v27;
	v15 =	vsub.f32 $1.000000000e+00, v15  }
0x299: {  	v24 =	vand.u32 $0xFFFFFFFE, v24  }
0x29a: {  	v26 =	vld.idx.msk [tilespmem:v25+s23+$0x0], $0xffff;
	v29 =	vbroadcast v24, $0x0;
	v15 =	vmul.f32 v15, v12;
	v18 =	vadd.f32 v18, v20  }
0x29b: {  	v13 =	vld.idx.msk [tilespmem:v13+s24+$0x0], $0xffff;
	v20 =	vpop (erf)  }
0x29c: {  	v31 =	vld [tilespmem:s12+$0x10];
	[tilespmem:s12+$0x0] =	vst v15;
	v15 =	vadd.f32 v20, v20;
	v18 =	vmul.f32 $1.442695020e+00, v18  }
0x29d: {  	v32 =	vor.u32 v1, v21;
	v16 =	vadd.f32 v23, v16;
	v20 =	vld.idx.msk [tilespmem:v22+s22+$0x0], $0xffff;
	v22 =	vpop (erf)  }
0x29e: {  	v15 =	vsub.f32 $1.000000000e+00, v15;
	(erf) = vpow2.f32 v18;
	v18 =	vadd.f32 $1.000000000e+00, v22  }
0x29f: {  	v24 =	vshll.u32 v26, $0x7;
	v16 =	vmul.f32 $1.442695020e+00, v16  }
0x2a0: {  	v23 =	vor.u32 v0, v24;
	v15 =	vmul.f32 v15, v13;
	(erf) = vrcp.f32 v18;
	v18 =	vld.idx.msk [tilespmem:v29+s23+$0x0], $0xffff  }
0x2a1: {  	(erf) = vpow2.f32 v16  }
0x2a2: {  	[tilespmem:s12+$0xFFFFFF80] =	vst v15;
	v15 =	vadd.f32 v31, v20;
	v20 =	vld [tilespmem:s12+$0xFFFFFF90]  }
0x2a3: {  	s13 =	simm.s32 $0x18500;
	v16 =	vld.idx.msk [tilespmem:v32+s22+$0x0], $0xffff  }
0x2a4: {  	v26 =	vld [tilespmem:s13+$0x0];
	v15 =	vmul.f32 $1.442695020e+00, v15  }
0x2a5: {  	v23 =	vld.idx.msk [tilespmem:v23+s22+$0x0], $0xffff;
	v18 =	vshll.u32 v18, $0x7  }
0x2a6: {  	(erf) = vpow2.f32 v15;
	v15 =	vor.u32 v0, v18;
	_ =	sdelay $0x1  }
0x2a7: {  	v31 =	vpop (erf);
	v16 =	vadd.f32 v20, v16  }
0x2a8: {  	v20 =	vadd.f32 $1.000000000e+00, v31;
	v31 =	vpop (erf)  }
0x2a9: {  	v23 =	vadd.f32 v26, v23;
	v16 =	vmul.f32 $1.442695020e+00, v16;
	v26 =	vpop (erf)  }
0x2aa: {  	(erf) = vrcp.f32 v20;
	v20 =	vadd.f32 $1.000000000e+00, v26;
	v15 =	vld.idx.msk [tilespmem:v15+s22+$0x0], $0xffff  }
0x2ab: {  	(erf) = vpow2.f32 v16;
	v16 =	vld [tilespmem:s13+$0xFFFFFF80];
	_ =	sdelay $0x1  }
0x2ac: {  	v23 =	vmul.f32 $1.442695020e+00, v23;
	(erf) = vrcp.f32 v20  }
0x2ad: {  	v20 =	vpop (erf)  }
0x2ae: {  	(erf) = vpow2.f32 v23;
	v23 =	vadd.f32 v31, v31;
	v20 =	vadd.f32 $1.000000000e+00, v20  }
0x2af: {  	v15 =	vadd.f32 v16, v15  }
0x2b0: {  	v26 =	vor.u32 v4, v30;
	v23 =	vsub.f32 $1.000000000e+00, v23;
	(erf) = vrcp.f32 v20  }
0x2b1: {  	v15 =	vmul.f32 $1.442695020e+00, v15  }
0x2b2: {  	v16 =	vmul.f32 v23, v8  }
0x2b3: {  	v20 =	vpop (erf)  }
0x2b4: {  	v31 =	vld [tilespmem:s6+$0x40];
	[tilespmem:s6+$0x30] =	vst v16;
	v16 =	vadd.f32 v20, v20;
	v20 =	vpop (erf)  }
0x2b5: {  	(erf) = vpow2.f32 v15;
	v23 =	vld.idx.msk [tilespmem:v26+s22+$0x0], $0xffff;
	v15 =	vpop (erf)  }
0x2b6: {  	v26 =	vor.u32 v3, v37;
	v16 =	vsub.f32 $1.000000000e+00, v16;
	v15 =	vadd.f32 v15, v15  }
0x2b7: {  	v20 =	vadd.f32 $1.000000000e+00, v20  }
0x2b8: {  	v51 =	vpop (erf);
	v16 =	vmul.f32 v16, v11;
	v15 =	vsub.f32 $1.000000000e+00, v15  }
0x2b9: {  	v34 =	vor.u32 v3, v33;
	(erf) = vrcp.f32 v20;
	v32 =	vadd.f32 $1.000000000e+00, v51;
	v35 =	vpop (erf)  }
0x2ba: {  	v20 =	vld [tilespmem:s9+$0x30];
	[tilespmem:s9+$0x20] =	vst v16;
	v23 =	vadd.f32 v31, v23;
	v15 =	vmul.f32 v15, v9;
	v16 =	vadd.f32 v35, v35  }
0x2bb: {  	(erf) = vrcp.f32 v32;
	v26 =	vld.idx.msk [tilespmem:v26+s22+$0x0], $0xffff  }
0x2bc: {  	v23 =	vmul.f32 $1.442695020e+00, v23;
	v16 =	vsub.f32 $1.000000000e+00, v16  }
0x2bd: {  	v19 =	vadd.f32 v19, v19  }
0x2be: {  	v31 =	vor.u32 v2, v27;
	[tilespmem:s6+$0xFFFFFFA0] =	vst v15;
	v15 =	vpop (erf);
	(erf) = vpow2.f32 v23;
	v16 =	vmul.f32 v16, v12  }
0x2bf: {  	v52 =	vld.idx.msk [tilespmem:v34+s22+$0x0], $0xffff;
	v15 =	vadd.f32 $1.000000000e+00, v15  }
0x2c0: {  	v19 =	vsub.f32 $1.000000000e+00, v19;
	[tilespmem:s12+$0x10] =	vst v16;
	v16 =	vadd.f32 v20, v26  }
0x2c1: {  	s16 =	sadd.s32 $0x6, s30;
	v23 =	vld [tilespmem:s12+$0x20];
	(erf) = vrcp.f32 v15  }
0x2c2: {  	s0 =	sadd.s32 $0x2, s16;
	v19 =	vmul.f32 v19, v10;
	v15 =	vld.idx.msk [tilespmem:v25+s24+$0x0], $0xffff;
	v25 =	vor.u32 v2, v28  }
0x2c3: {  	v55 =	vmov s0;
	v20 =	vpop (erf);
	v31 =	vld.idx.msk [tilespmem:v31+s22+$0x0], $0xffff;
	v26 =	vmul.f32 $1.442695020e+00, v16  }
0x2c4: {  	[tilespmem:s9+$0xFFFFFF90] =	vst v19;
	v19 =	vand.u32 $0xFFFFFFFE, v55;
	v14 =	vadd.f32 v14, v52;
	v16 =	vpop (erf)  }
0x2c5: {  	s17 =	sadd.s32 $0x3, s16;
	(erf) = vpow2.f32 v26;
	v53 =	vadd.f32 v16, v16  }
0x2c6: {  	v54 =	vmul.f32 $1.442695020e+00, v14;
	v14 =	vld.idx.msk [tilespmem:v29+s24+$0x0], $0xffff;
	v16 =	vmov s17  }
0x2c7: {  	v26 =	vor.u32 v1, v24;
	v29 =	vld.idx.msk [tilespmem:v25+s22+$0x0], $0xffff;
	v25 =	vbroadcast v19, $0x0;
	v19 =	vpop (erf);
	v32 =	vsub.f32 $1.000000000e+00, v53  }
0x2c8: {  	(erf) = vpow2.f32 v54;
	v23 =	vadd.f32 v23, v31;
	v19 =	vadd.f32 $1.000000000e+00, v19  }
0x2c9: {  	v31 =	vld [tilespmem:s9+$0xFFFFFFA0];
	v32 =	vmul.f32 v32, v15  }
0x2ca: {  	v23 =	vmul.f32 $1.442695020e+00, v23;
	v57 =	vpop (erf);
	(erf) = vrcp.f32 v19;
	v19 =	vld [tilespmem:s13+$0x10]  }
0x2cb: {  	v56 =	vld.idx.msk [tilespmem:v16+s23+$0x0], $0xffff;
	[tilespmem:s13+$0x0] =	vst v32;
	v32 =	vadd.f32 v57, v57  }
0x2cc: {  	v26 =	vld.idx.msk [tilespmem:v26+s22+$0x0], $0xffff  }
0x2cd: {  	v58 =	vor.u32 v1, v18;
	v32 =	vsub.f32 $1.000000000e+00, v32  }
0x2ce: {  	(erf) = vpow2.f32 v23;
	v29 =	vadd.f32 v31, v29;
	v23 =	vpop (erf)  }
0x2cf: {  	v38 =	vadd.f32 $1.000000000e+00, v23;
	v32 =	vmul.f32 v32, v14  }
0x2d0: {  	v36 =	vld.idx.msk [tilespmem:v25+s23+$0x0], $0xffff;
	v29 =	vmul.f32 $1.442695020e+00, v29  }
0x2d1: {  	v60 =	vld [tilespmem:s13+$0xFFFFFF90];
	v23 =	vshll.u32 v56, $0x7;
	(erf) = vrcp.f32 v38;
	v19 =	vadd.f32 v19, v26;
	v26 =	vpop (erf);
	[tilespmem:s13+$0xFFFFFF80] =	vst v32  }
0x2d2: {  	v34 =	vor.u32 v0, v23;
	(erf) = vpow2.f32 v29;
	v26 =	vadd.f32 $1.000000000e+00, v26;
	v29 =	vld.idx.msk [tilespmem:v58+s22+$0x0], $0xffff  }
0x2d3: {  	v59 =	vmul.f32 $1.442695020e+00, v19  }
0x2d4: {  	(erf) = vrcp.f32 v26  }
0x2d5: {  	s16 =	simm.s32 $0x18600;
	v62 =	vpop (erf);
	v19 =	vshll.u32 v36, $0x7;
	(erf) = vpow2.f32 v59  }
0x2d6: {  	v61 =	vld [tilespmem:s16+$0x0];
	v26 =	vor.u32 v0, v19  }
0x2d7: {  	v41 =	vpop (erf);
	v63 =	vld.idx.msk [tilespmem:v34+s22+$0x0], $0xffff;
	v29 =	vadd.f32 v60, v29  }
0x2d8: {  	v34 =	vadd.f32 $1.000000000e+00, v41  }
0x2d9: {  	v29 =	vmul.f32 $1.442695020e+00, v29  }
0x2da: {  	v39 =	vld [tilespmem:s16+$0xFFFFFF80];
	(erf) = vrcp.f32 v34;
	v43 =	vpop (erf)  }
0x2db: {  	v38 =	vadd.f32 v62, v62;
	v26 =	vld.idx.msk [tilespmem:v26+s22+$0x0], $0xffff;
	v45 =	vpop (erf)  }
0x2dc: {  	v44 =	vor.u32 v5, v30;
	v32 =	vadd.f32 v61, v63;
	v36 =	vadd.f32 $1.000000000e+00, v45  }
0x2dd: {  	v42 =	vsub.f32 $1.000000000e+00, v38;
	v35 =	vadd.f32 v43, v43;
	(erf) = vpow2.f32 v29;
	v29 =	vpop (erf)  }
0x2de: {  	v40 =	vor.u32 v4, v37;
	v32 =	vmul.f32 $1.442695020e+00, v32;
	(erf) = vrcp.f32 v36;
	v41 =	vpop (erf)  }
0x2df: {  	v34 =	vmul.f32 v42, v8;
	v35 =	vsub.f32 $1.000000000e+00, v35;
	v46 =	vadd.f32 $1.000000000e+00, v41  }
0x2e0: {  	(erf) = vpow2.f32 v32;
	v26 =	vadd.f32 v39, v26  }
0x2e1: {  	v48 =	vld [tilespmem:s6+$0x50];
	[tilespmem:s6+$0x40] =	vst v34;
	v35 =	vmul.f32 v35, v11;
	(erf) = vrcp.f32 v46  }
0x2e2: {  	v47 =	vld.idx.msk [tilespmem:v44+s22+$0x0], $0xffff;
	v26 =	vmul.f32 $1.442695020e+00, v26  }
0x2e3: {  	v50 =	vld [tilespmem:s9+$0x40];
	[tilespmem:s9+$0x30] =	vst v35;
	v49 =	vpop (erf)  }
0x2e4: {  	v35 =	vld.idx.msk [tilespmem:v40+s22+$0x0], $0xffff;
	v34 =	vadd.f32 v49, v49;
	(erf) = vpow2.f32 v26  }
0x2e5: {  	v29 =	vadd.f32 v29, v29  }
0x2e6: {  	v52 =	vor.u32 v4, v33;
	v26 =	vor.u32 v3, v27;
	v34 =	vsub.f32 $1.000000000e+00, v34;
	v51 =	vpop (erf)  }
0x2e7: {  	v56 =	vor.u32 v3, v28;
	v32 =	vadd.f32 v48, v47;
	v29 =	vsub.f32 $1.000000000e+00, v29;
	v53 =	vpop (erf)  }
0x2e8: {  	v36 =	vadd.f32 $1.000000000e+00, v51;
	v34 =	vmul.f32 v34, v12;
	v40 =	vadd.f32 v53, v53  }
0x2e9: {  	v32 =	vmul.f32 $1.442695020e+00, v32;
	v29 =	vmul.f32 v29, v9;
	v35 =	vadd.f32 v50, v35;
	v54 =	vpop (erf)  }
0x2ea: {  	v42 =	vld [tilespmem:s12+$0x30];
	(erf) = vrcp.f32 v36;
	[tilespmem:s12+$0x20] =	vst v34;
	v55 =	vadd.f32 $1.000000000e+00, v54;
	v40 =	vsub.f32 $1.000000000e+00, v40;
	v57 =	vpop (erf)  }
0x2eb: {  	v26 =	vld.idx.msk [tilespmem:v26+s22+$0x0], $0xffff;
	(erf) = vpow2.f32 v32;
	v35 =	vmul.f32 $1.442695020e+00, v35;
	v58 =	vadd.f32 v57, v57  }
0x2ec: {  	(erf) = vrcp.f32 v55;
	v59 =	vmul.f32 v40, v10  }
0x2ed: {  	v17 =	vld [tilespmem:s9+$0xFFFFFFB0];
	v61 =	vor.u32 v2, v24;
	[tilespmem:s6+$0xFFFFFFB0] =	vst v29;
	v29 =	vpop (erf);
	v32 =	vsub.f32 $1.000000000e+00, v58  }
0x2ee: {  	v60 =	vld [tilespmem:s6+$0xFFFFFFC0];
	(erf) = vpow2.f32 v35;
	v29 =	vadd.f32 $1.000000000e+00, v29;
	[tilespmem:s9+$0xFFFFFFA0] =	vst v59  }
0x2ef: {  	v20 =	vadd.f32 v20, v20;
	v34 =	vld.idx.msk [tilespmem:v56+s22+$0x0], $0xffff;
	v32 =	vmul.f32 v32, v15  }
0x2f0: {  	v62 =	vld.idx.msk [tilespmem:v52+s22+$0x0], $0xffff;
	v26 =	vadd.f32 v42, v26;
	(erf) = vrcp.f32 v29  }
0x2f1: {  	v20 =	vsub.f32 $1.000000000e+00, v20;
	v45 =	vld [tilespmem:s13+$0x20];
	[tilespmem:s13+$0x10] =	vst v32  }
0x2f2: {  	s19 =	sadd.s32 $0x8, s30;
	v26 =	vmul.f32 $1.442695020e+00, v26;
	v35 =	vld.idx.msk [tilespmem:v61+s22+$0x0], $0xffff  }
0x2f3: {  	s21 =	sadd.s32 $0x2, s19;
	v63 =	vor.u32 v2, v21;
	v29 =	vmul.f32 v20, v13;
	v32 =	vpop (erf)  }
0x2f4: {  	s0 =	sadd.s32 $0x3, s19;
	(erf) = vpow2.f32 v26;
	v26 =	vmov s21;
	v17 =	vadd.f32 v17, v34;
	v46 =	vpop (erf)  }
0x2f5: {  	v16 =	vld.idx.msk [tilespmem:v16+s24+$0x0], $0xffff;
	v48 =	vadd.f32 v60, v62;
	v20 =	vmov s0;
	v26 =	vand.u32 $0xFFFFFFFE, v26;
	v47 =	vpop (erf)  }
0x2f6: {  	[tilespmem:s12+$0xFFFFFF90] =	vst v29;
	v29 =	vbroadcast v26, $0x0;
	v26 =	vmul.f32 $1.442695020e+00, v17;
	v49 =	vadd.f32 v47, v47  }
0x2f7: {  	v43 =	vld [tilespmem:s12+$0xFFFFFFA0];
	v52 =	vor.u32 v1, v23;
	v34 =	vmul.f32 $1.442695020e+00, v48;
	v51 =	vpop (erf);
	v35 =	vadd.f32 v45, v35  }
0x2f8: {  	v17 =	vld.idx.msk [tilespmem:v25+s24+$0x0], $0xffff;
	v25 =	vadd.f32 $1.000000000e+00, v51;
	(erf) = vpow2.f32 v26;
	v36 =	vsub.f32 $1.000000000e+00, v49  }
0x2f9: {  	v50 =	vld.idx.msk [tilespmem:v63+s22+$0x0], $0xffff;
	v26 =	vadd.f32 $1.000000000e+00, v46;
	v54 =	vpop (erf);
	(erf) = vpow2.f32 v34;
	v35 =	vmul.f32 $1.442695020e+00, v35  }
0x2fa: {  	v55 =	vadd.f32 v54, v54;
	(erf) = vrcp.f32 v25;
	v36 =	vmul.f32 v36, v16  }
0x2fb: {  	v53 =	vld.idx.msk [tilespmem:v20+s23+$0x0], $0xffff;
	(erf) = vrcp.f32 v26  }
0x2fc: {  	v58 =	vld [tilespmem:s16+$0x10];
	v25 =	vor.u32 v1, v19;
	v34 =	vsub.f32 $1.000000000e+00, v55;
	(erf) = vpow2.f32 v35;
	[tilespmem:s16+$0x0] =	vst v36  }
0x2fd: {  	v56 =	vld.idx.msk [tilespmem:v52+s22+$0x0], $0xffff  }
0x2fe: {  	v57 =	vadd.f32 v43, v50;
	v26 =	vpop (erf);
	v34 =	vmul.f32 v34, v17  }
0x2ff: {  	v59 =	vadd.f32 $1.000000000e+00, v26  }
0x300: {  	v60 =	vld.idx.msk [tilespmem:v29+s23+$0x0], $0xffff;
	v35 =	vmul.f32 $1.442695020e+00, v57;
	v26 =	vshll.u32 v53, $0x7;
	[tilespmem:s16+$0xFFFFFF80] =	vst v34  }
0x301: {  	v61 =	vor.u32 v0, v26;
	(erf) = vrcp.f32 v59;
	v34 =	vld.idx.msk [tilespmem:v25+s22+$0x0], $0xffff;
	v25 =	vpop (erf)  }
0x302: {  	(erf) = vpow2.f32 v35;
	v63 =	vpop (erf);
	v38 =	vadd.f32 v58, v56  }
0x303: {  	v49 =	vadd.f32 $1.000000000e+00, v25;
	v44 =	vpop (erf)  }
0x304: {  	s17 =	simm.s32 $0x18700;
	v62 =	vld [tilespmem:s16+$0xFFFFFF90];
	v51 =	vpop (erf);
	v38 =	vmul.f32 $1.442695020e+00, v38  }
0x305: {  	v48 =	vld [tilespmem:s17+$0x0];
	v40 =	vadd.f32 $1.000000000e+00, v63;
	(erf) = vrcp.f32 v49;
	v52 =	vpop (erf)  }
0x306: {  	v25 =	vshll.u32 v60, $0x7;
	v50 =	vld.idx.msk [tilespmem:v61+s22+$0x0], $0xffff;
	v53 =	vadd.f32 $1.000000000e+00, v52;
	(erf) = vpow2.f32 v38  }
0x307: {  	v45 =	vor.u32 v0, v25;
	(erf) = vrcp.f32 v40  }
0x308: {  	v44 =	vadd.f32 v44, v44;
	(erf) = vrcp.f32 v53  }
0x309: {  	v34 =	vadd.f32 v62, v34  }
0x30a: {  	v54 =	vsub.f32 $1.000000000e+00, v44;
	v55 =	vpop (erf)  }
0x30b: {  	v59 =	vld [tilespmem:s17+$0xFFFFFF80];
	v56 =	vor.u32 v5, v37;
	v34 =	vmul.f32 $1.442695020e+00, v34;
	v39 =	vadd.f32 v48, v50;
	v57 =	vpop (erf)  }
0x30c: {  	v58 =	vld.idx.msk [tilespmem:v45+s22+$0x0], $0xffff;
	v35 =	vmul.f32 v54, v11;
	v38 =	vadd.f32 v55, v55;
	v41 =	vadd.f32 $1.000000000e+00, v57  }
0x30d: {  	v39 =	vmul.f32 $1.442695020e+00, v39;
	(erf) = vpow2.f32 v34  }
0x30e: {  	v48 =	vor.u32 v4, v27;
	v38 =	vsub.f32 $1.000000000e+00, v38;
	(erf) = vrcp.f32 v41;
	v63 =	vpop (erf)  }
0x30f: {  	v60 =	vadd.f32 v51, v51;
	(erf) = vpow2.f32 v39;
	v49 =	vpop (erf)  }
0x310: {  	v50 =	vld [tilespmem:s9+$0x50];
	[tilespmem:s9+$0x40] =	vst v35;
	v38 =	vmul.f32 v38, v12;
	v42 =	vadd.f32 $1.000000000e+00, v49;
	v51 =	vpop (erf)  }
0x311: {  	v61 =	vor.u32 v6, v30;
	v34 =	vsub.f32 $1.000000000e+00, v60;
	v62 =	vld.idx.msk [tilespmem:v56+s22+$0x0], $0xffff;
	v43 =	vadd.f32 v59, v58;
	v46 =	vpop (erf)  }
0x312: {  	v59 =	vld [tilespmem:s12+$0x40];
	[tilespmem:s12+$0x30] =	vst v38;
	(erf) = vrcp.f32 v42;
	v53 =	vadd.f32 v46, v46  }
0x313: {  	v34 =	vmul.f32 v34, v8;
	v52 =	vmul.f32 $1.442695020e+00, v43;
	v38 =	vld.idx.msk [tilespmem:v48+s22+$0x0], $0xffff  }
0x314: {  	v58 =	vor.u32 v3, v24;
	v40 =	vadd.f32 v63, v63;
	v56 =	vsub.f32 $1.000000000e+00, v53  }
0x315: {  	v47 =	vld [tilespmem:s6+$0x60];
	v57 =	vor.u32 v5, v33;
	[tilespmem:s6+$0x50] =	vst v34;
	v44 =	vadd.f32 v51, v51;
	(erf) = vpow2.f32 v52  }
0x316: {  	v35 =	vld.idx.msk [tilespmem:v61+s22+$0x0], $0xffff;
	v54 =	vadd.f32 v50, v62;
	v40 =	vsub.f32 $1.000000000e+00, v40;
	v55 =	vpop (erf);
	v41 =	vmul.f32 v56, v15  }
0x317: {  	v63 =	vor.u32 v3, v21;
	v39 =	vadd.f32 $1.000000000e+00, v55;
	v44 =	vsub.f32 $1.000000000e+00, v44;
	v60 =	vpop (erf)  }
0x318: {  	v62 =	vld [tilespmem:s13+$0x30];
	v34 =	vmul.f32 $1.442695020e+00, v54;
	v38 =	vadd.f32 v59, v38;
	v48 =	vpop (erf);
	v46 =	vadd.f32 v60, v60;
	[tilespmem:s13+$0x20] =	vst v41  }
0x319: {  	v53 =	vor.u32 v4, v28;
	(erf) = vrcp.f32 v39;
	v61 =	vadd.f32 $1.000000000e+00, v48;
	v43 =	vld.idx.msk [tilespmem:v58+s22+$0x0], $0xffff  }
0x31a: {  	v22 =	vld [tilespmem:s12+$0xFFFFFFB0];
	v50 =	vmul.f32 v44, v9;
	(erf) = vpow2.f32 v34;
	v49 =	vsub.f32 $1.000000000e+00, v46  }
0x31b: {  	v51 =	vld [tilespmem:s6+$0xFFFFFFD0];
	v40 =	vmul.f32 v40, v10;
	v35 =	vadd.f32 v47, v35;
	(erf) = vrcp.f32 v61;
	v52 =	vpop (erf)  }
0x31c: {  	v59 =	vld [tilespmem:s9+$0xFFFFFFC0];
	v38 =	vmul.f32 $1.442695020e+00, v38;
	[tilespmem:s6+$0xFFFFFFC0] =	vst v50;
	v41 =	vmul.f32 v49, v13;
	v54 =	vadd.f32 v52, v52  }
0x31d: {  	v32 =	vadd.f32 v32, v32;
	[tilespmem:s9+$0xFFFFFFB0] =	vst v40;
	v35 =	vmul.f32 $1.442695020e+00, v35;
	v42 =	vld.idx.msk [tilespmem:v57+s22+$0x0], $0xffff;
	v57 =	vor.u32 v2, v23  }
0x31e: {  	v60 =	vld.idx.msk [tilespmem:v53+s22+$0x0], $0xffff;
	[tilespmem:s12+$0xFFFFFFA0] =	vst v41;
	(erf) = vpow2.f32 v38;
	v55 =	vpop (erf);
	v39 =	vsub.f32 $1.000000000e+00, v54;
	v58 =	vadd.f32 v62, v43  }
0x31f: {  	v32 =	vsub.f32 $1.000000000e+00, v32;
	v34 =	vld.idx.msk [tilespmem:v63+s22+$0x0], $0xffff;
	(erf) = vpow2.f32 v35;
	v56 =	vadd.f32 $1.000000000e+00, v55  }
0x320: {  	v61 =	vor.u32 v2, v18;
	v39 =	vmul.f32 v39, v16;
	v35 =	vmul.f32 $1.442695020e+00, v58  }
0x321: {  	v31 =	vld [tilespmem:s13+$0xFFFFFFB0];
	(erf) = vrcp.f32 v56  }
0x322: {  	s25 =	sadd.s32 $0xA, s30;
	v32 =	vmul.f32 v32, v14;
	v48 =	vld [tilespmem:s16+$0x20];
	v43 =	vpop (erf);
	[tilespmem:s16+$0x10] =	vst v39;
	(erf) = vpow2.f32 v35  }
0x323: {  	s26 =	sadd.s32 $0x3, s25;
	s0 =	sadd.s32 $0x2, s25;
	v42 =	vadd.f32 v51, v42;
	v53 =	vadd.f32 v59, v60;
	v62 =	vpop (erf);
	v50 =	vld.idx.msk [tilespmem:v57+s22+$0x0], $0xffff  }
0x324: {  	v20 =	vld.idx.msk [tilespmem:v20+s24+$0x0], $0xffff;
	[tilespmem:s13+$0xFFFFFF90] =	vst v32;
	v54 =	vmov s0;
	v63 =	vpop (erf);
	v22 =	vadd.f32 v22, v34;
	v34 =	vmov s26  }
0x325: {  	v55 =	vld.idx.msk [tilespmem:v61+s22+$0x0], $0xffff;
	v51 =	vmul.f32 $1.442695020e+00, v42;
	v38 =	vand.u32 $0xFFFFFFFE, v54;
	v49 =	vadd.f32 v63, v63  }
0x326: {  	v52 =	vor.u32 v1, v26;
	v38 =	vbroadcast v38, $0x0;
	v22 =	vmul.f32 $1.442695020e+00, v22;
	v57 =	vld [tilespmem:s13+$0xFFFFFFA0]  }
0x327: {  	v32 =	vmul.f32 $1.442695020e+00, v53;
	(erf) = vpow2.f32 v51;
	v35 =	vsub.f32 $1.000000000e+00, v49;
	v56 =	vpop (erf)  }
0x328: {  	(erf) = vpow2.f32 v22;
	v22 =	vld.idx.msk [tilespmem:v29+s24+$0x0], $0xffff;
	v40 =	vadd.f32 $1.000000000e+00, v56;
	v39 =	vadd.f32 v48, v50  }
0x329: {  	v60 =	vadd.f32 $1.000000000e+00, v62;
	v29 =	vpop (erf);
	v35 =	vmul.f32 v35, v20;
	v58 =	vld.idx.msk [tilespmem:v34+s23+$0x0], $0xffff;
	(erf) = vpow2.f32 v32  }
0x32a: {  	(erf) = vrcp.f32 v40;
	v59 =	vpop (erf);
	v62 =	vmul.f32 $1.442695020e+00, v39  }
0x32b: {  	v63 =	vld [tilespmem:s17+$0x10];
	[tilespmem:s17+$0x0] =	vst v35;
	(erf) = vrcp.f32 v60;
	v41 =	vadd.f32 v57, v55;
	v44 =	vadd.f32 v59, v59;
	v51 =	vpop (erf)  }
0x32c: {  	v42 =	vld.idx.msk [tilespmem:v52+s22+$0x0], $0xffff;
	(erf) = vpow2.f32 v62;
	v52 =	vadd.f32 $1.000000000e+00, v51  }
0x32d: {  	v61 =	vor.u32 v1, v25;
	v41 =	vmul.f32 $1.442695020e+00, v41;
	v50 =	vsub.f32 $1.000000000e+00, v44  }
0x32e: {  	v53 =	vld.idx.msk [tilespmem:v38+s23+$0x0], $0xffff;
	v32 =	vshll.u32 v58, $0x7;
	(erf) = vrcp.f32 v52  }
0x32f: {  	v47 =	vor.u32 v0, v32;
	v40 =	vmul.f32 v50, v22;
	(erf) = vpow2.f32 v41  }
0x330: {  	v54 =	vpop (erf)  }
0x331: {  	v29 =	vadd.f32 $1.000000000e+00, v29;
	v57 =	vld [tilespmem:s17+$0xFFFFFF90];
	v39 =	vadd.f32 v63, v42;
	v55 =	vpop (erf);
	[tilespmem:s17+$0xFFFFFF80] =	vst v40  }
0x332: {  	s19 =	simm.s32 $0x18800;
	v40 =	vadd.f32 $1.000000000e+00, v55;
	v60 =	vpop (erf);
	v56 =	vld.idx.msk [tilespmem:v61+s22+$0x0], $0xffff  }
0x333: {  	v58 =	vld [tilespmem:s19+$0x0];
	v39 =	vmul.f32 $1.442695020e+00, v39;
	(erf) = vrcp.f32 v29;
	v29 =	vshll.u32 v53, $0x7;
	v62 =	vpop (erf)  }
0x334: {  	v45 =	vadd.f32 $1.000000000e+00, v60;
	(erf) = vrcp.f32 v40;
	v59 =	vor.u32 v0, v29;
	v61 =	vld.idx.msk [tilespmem:v47+s22+$0x0], $0xffff;
	v49 =	vpop (erf)  }
0x335: {  	v48 =	vadd.f32 $1.000000000e+00, v54;
	(erf) = vpow2.f32 v39;
	v39 =	vadd.f32 v43, v43;
	v50 =	vpop (erf)  }
0x336: {  	v43 =	vadd.f32 v62, v62;
	(erf) = vrcp.f32 v45;
	v63 =	vadd.f32 $1.000000000e+00, v50  }
0x337: {  	v41 =	vadd.f32 v57, v56;
	v52 =	vpop (erf);
	(erf) = vrcp.f32 v48  }
0x338: {  	v30 =	vor.u32 v7, v30;
	v54 =	vld [tilespmem:s19+$0xFFFFFF80];
	v43 =	vsub.f32 $1.000000000e+00, v43;
	v53 =	vpop (erf);
	(erf) = vrcp.f32 v63  }
0x339: {  	v42 =	vor.u32 v5, v27;
	v40 =	vld.idx.msk [tilespmem:v59+s22+$0x0], $0xffff;
	v44 =	vadd.f32 v58, v61;
	v41 =	vmul.f32 $1.442695020e+00, v41  }
0x33a: {  	v49 =	vadd.f32 v49, v49;
	v43 =	vmul.f32 v43, v12;
	v55 =	vadd.f32 $1.000000000e+00, v53  }
0x33b: {  	v44 =	vmul.f32 $1.442695020e+00, v44;
	v56 =	vadd.f32 v52, v52;
	(erf) = vpow2.f32 v41  }
0x33c: {  	v49 =	vsub.f32 $1.000000000e+00, v49;
	v58 =	vor.u32 v6, v37;
	v57 =	vpop (erf);
	(erf) = vrcp.f32 v55  }
0x33d: {  	v59 =	vor.u32 v4, v24;
	[tilespmem:s12+$0x40] =	vst v43;
	v63 =	vld [tilespmem:s12+$0x50];
	v51 =	vpop (erf);
	v60 =	vsub.f32 $1.000000000e+00, v56;
	(erf) = vpow2.f32 v44  }
0x33e: {  	v62 =	vmul.f32 v49, v11;
	v42 =	vld.idx.msk [tilespmem:v42+s22+$0x0], $0xffff;
	v41 =	vadd.f32 v57, v57;
	v61 =	vpop (erf);
	v40 =	vadd.f32 v54, v40  }
0x33f: {  	v49 =	vor.u32 v5, v28;
	v56 =	vadd.f32 v51, v51;
	v46 =	vadd.f32 $1.000000000e+00, v61;
	v57 =	vpop (erf)  }
0x340: {  	[tilespmem:s9+$0x50] =	vst v62;
	v51 =	vor.u32 v3, v23;
	v43 =	vmul.f32 v60, v15;
	v41 =	vsub.f32 $1.000000000e+00, v41;
	v52 =	vpop (erf)  }
0x341: {  	v50 =	vld.idx.msk [tilespmem:v58+s22+$0x0], $0xffff;
	v40 =	vmul.f32 $1.442695020e+00, v40;
	v44 =	vsub.f32 $1.000000000e+00, v56;
	(erf) = vrcp.f32 v46;
	v53 =	vpop (erf)  }
0x342: {  	v54 =	vld [tilespmem:s13+$0x40];
	[tilespmem:s13+$0x30] =	vst v43;
	v41 =	vmul.f32 v41, v8;
	v58 =	vadd.f32 v57, v57;
	v53 =	vadd.f32 v53, v53  }
0x343: {  	v42 =	vadd.f32 v63, v42;
	v45 =	vld.idx.msk [tilespmem:v59+s22+$0x0], $0xffff;
	v52 =	vadd.f32 v52, v52;
	(erf) = vpow2.f32 v40  }
0x344: {  	v55 =	vld [tilespmem:s9+$0x60];
	v46 =	vor.u32 v4, v21;
	v43 =	vsub.f32 $1.000000000e+00, v58;
	v59 =	vpop (erf);
	v60 =	vsub.f32 $1.000000000e+00, v53  }
0x345: {  	v44 =	vmul.f32 v44, v13;
	[tilespmem:s6+$0x60] =	vst v41;
	v42 =	vmul.f32 $1.442695020e+00, v42;
	v40 =	vld [tilespmem:s6+$0x70];
	v48 =	vadd.f32 $1.000000000e+00, v59;
	v56 =	vpop (erf)  }
0x346: {  	v30 =	vld.idx.msk [tilespmem:v30+s22+$0x0], $0xffff;
	v43 =	vmul.f32 v43, v10;
	v41 =	vsub.f32 $1.000000000e+00, v52;
	v61 =	vpop (erf);
	v52 =	vmul.f32 v60, v16  }
0x347: {  	v57 =	vld [tilespmem:s9+$0xFFFFFFD0];
	[tilespmem:s12+$0xFFFFFFB0] =	vst v44;
	v62 =	vadd.f32 v56, v56;
	(erf) = vrcp.f32 v48;
	v63 =	vadd.f32 $1.000000000e+00, v61  }
0x348: {  	v45 =	vadd.f32 v54, v45;
	v54 =	vor.u32 v3, v18;
	(erf) = vpow2.f32 v42;
	v42 =	vld [tilespmem:s16+$0x30];
	[tilespmem:s16+$0x20] =	vst v52  }
0x349: {  	[tilespmem:s9+$0xFFFFFFC0] =	vst v43;
	v61 =	vadd.f32 v55, v50;
	v44 =	vsub.f32 $1.000000000e+00, v62;
	(erf) = vrcp.f32 v63;
	v55 =	vld.idx.msk [tilespmem:v51+s22+$0x0], $0xffff  }
0x34a: {  	v47 =	vor.u32 v6, v33;
	v39 =	vsub.f32 $1.000000000e+00, v39;
	v59 =	vor.u32 v2, v26;
	v49 =	vld.idx.msk [tilespmem:v49+s22+$0x0], $0xffff  }
0x34b: {  	v30 =	vadd.f32 v40, v30;
	v60 =	vpop (erf);
	v63 =	vmul.f32 $1.442695020e+00, v45;
	v44 =	vmul.f32 v44, v14  }
0x34c: {  	v46 =	vld.idx.msk [tilespmem:v46+s22+$0x0], $0xffff;
	v41 =	vmul.f32 v41, v9;
	v48 =	vmul.f32 $1.442695020e+00, v61;
	v62 =	vadd.f32 v60, v60;
	v56 =	vpop (erf)  }
0x34d: {  	v53 =	vld [tilespmem:s12+$0xFFFFFFC0];
	v51 =	vmul.f32 $1.442695020e+00, v30;
	(erf) = vpow2.f32 v63;
	v58 =	vadd.f32 $1.000000000e+00, v56;
	[tilespmem:s13+$0xFFFFFFA0] =	vst v44  }
0x34e: {  	s28 =	sadd.s32 $0xC, s30;
	[tilespmem:s6+$0xFFFFFFD0] =	vst v41;
	v50 =	vsub.f32 $1.000000000e+00, v62;
	(erf) = vpow2.f32 v48;
	v61 =	vld.idx.msk [tilespmem:v54+s22+$0x0], $0xffff;
	v30 =	vadd.f32 v42, v55  }
0x34f: {  	s29 =	sadd.s32 $0x2, s28;
	v40 =	vor.u32 v7, v33;
	v47 =	vld.idx.msk [tilespmem:v47+s22+$0x0], $0xffff;
	v63 =	vadd.f32 v57, v49;
	(erf) = vrcp.f32 v58  }
0x350: {  	s0 =	sadd.s32 $0x3, s28;
	v56 =	vmov s29;
	v44 =	vld [tilespmem:s17+$0x20];
	v60 =	vmul.f32 v50, v20;
	v62 =	vpop (erf);
	v57 =	vmul.f32 $1.442695020e+00, v30  }
0x351: {  	v49 =	vld [tilespmem:s6+$0xFFFFFFE0];
	v41 =	vand.u32 $0xFFFFFFFE, v56;
	v50 =	vmul.f32 v39, v17;
	v39 =	vmov s0;
	v45 =	vpop (erf)  }
0x352: {  	v46 =	vadd.f32 v53, v46;
	v41 =	vbroadcast v41, $0x0;
	[tilespmem:s17+$0x10] =	vst v60;
	v30 =	vld.idx.msk [tilespmem:v34+s24+$0x0], $0xffff;
	v58 =	vpop (erf);
	(erf) = vpow2.f32 v57  }
0x353: {  	v34 =	vor.u32 v2, v19;
	v53 =	vld.idx.msk [tilespmem:v59+s22+$0x0], $0xffff;
	v59 =	vadd.f32 v31, v61;
	v60 =	vadd.f32 v58, v58  }
0x354: {  	v36 =	vld [tilespmem:s16+$0xFFFFFFB0];
	v46 =	vmul.f32 $1.442695020e+00, v46;
	v42 =	vmul.f32 $1.442695020e+00, v63;
	v61 =	vadd.f32 v62, v62  }
0x355: {  	v45 =	vadd.f32 $1.000000000e+00, v45;
	v31 =	vld.idx.msk [tilespmem:v38+s24+$0x0], $0xffff;
	v43 =	vmul.f32 $1.442695020e+00, v59;
	v48 =	vsub.f32 $1.000000000e+00, v60  }
0x356: {  	v38 =	vor.u32 v1, v32;
	v54 =	vld.idx.msk [tilespmem:v39+s23+$0x0], $0xffff;
	v62 =	vpop (erf);
	(erf) = vpow2.f32 v42;
	v63 =	vsub.f32 $1.000000000e+00, v61  }
0x357: {  	[tilespmem:s16+$0xFFFFFF90] =	vst v50;
	v57 =	vpop (erf);
	v33 =	vadd.f32 $1.000000000e+00, v62;
	v60 =	vld [tilespmem:s16+$0xFFFFFFA0];
	(erf) = vpow2.f32 v43;
	v58 =	vmul.f32 v48, v30  }
0x358: {  	v62 =	vadd.f32 v49, v47;
	v52 =	vld.idx.msk [tilespmem:v34+s22+$0x0], $0xffff;
	v44 =	vadd.f32 v44, v53;
	v59 =	vpop (erf)  }
0x359: {  	v55 =	vld.idx.msk [tilespmem:v41+s23+$0x0], $0xffff;
	v42 =	vmul.f32 v63, v22;
	(erf) = vpow2.f32 v46;
	v48 =	vadd.f32 v59, v59  }
0x35a: {  	v63 =	vld [tilespmem:s19+$0x10];
	v46 =	vor.u32 v1, v29;
	v61 =	vmul.f32 $1.442695020e+00, v44;
	(erf) = vrcp.f32 v33;
	[tilespmem:s19+$0x0] =	vst v58  }
0x35b: {  	v33 =	vmul.f32 $1.442695020e+00, v62;
	(erf) = vrcp.f32 v45;
	v44 =	vld.idx.msk [tilespmem:v38+s22+$0x0], $0xffff;
	v56 =	vsub.f32 $1.000000000e+00, v48;
	v58 =	vpop (erf)  }
0x35c: {  	(erf) = vpow2.f32 v61;
	v48 =	vadd.f32 $1.000000000e+00, v58  }
0x35d: {  	v59 =	vadd.f32 v60, v52;
	(erf) = vpow2.f32 v33;
	v60 =	vmul.f32 v56, v31  }
0x35e: {  	v50 =	vor.u32 v5, v21;
	v34 =	vshll.u32 v54, $0x7;
	(erf) = vrcp.f32 v48  }
0x35f: {  	v47 =	vor.u32 v6, v27;
	v61 =	vor.u32 v0, v34;
	v49 =	vmul.f32 $1.442695020e+00, v59;
	v53 =	vpop (erf);
	[tilespmem:s19+$0xFFFFFF80] =	vst v60  }
0x360: {  	v57 =	vadd.f32 $1.000000000e+00, v57;
	v33 =	vshll.u32 v55, $0x7;
	v44 =	vadd.f32 v63, v44;
	v62 =	vpop (erf);
	v46 =	vld.idx.msk [tilespmem:v46+s22+$0x0], $0xffff  }
0x361: {  	v48 =	vor.u32 v0, v33;
	(erf) = vpow2.f32 v49;
	v45 =	vadd.f32 $1.000000000e+00, v62;
	v49 =	vld [tilespmem:s19+$0xFFFFFF90]  }
0x362: {  	v43 =	vor.u32 v6, v28;
	v63 =	vpop (erf);
	v44 =	vmul.f32 $1.442695020e+00, v44;
	(erf) = vrcp.f32 v57  }
0x363: {  	v52 =	vor.u32 v7, v37;
	v53 =	vadd.f32 $1.000000000e+00, v53;
	v60 =	vpop (erf);
	(erf) = vrcp.f32 v45  }
0x364: {  	s10 =	simm.s32 $0x18900;
	v37 =	vld.idx.msk [tilespmem:v61+s22+$0x0], $0xffff;
	v61 =	vadd.f32 $1.000000000e+00, v63;
	v58 =	vpop (erf);
	v62 =	vadd.f32 v60, v60;
	(erf) = vpow2.f32 v44  }
0x365: {  	v55 =	vld [tilespmem:s10+$0x0];
	v45 =	vor.u32 v5, v24;
	v63 =	vpop (erf);
	v60 =	vadd.f32 v58, v58;
	(erf) = vpow2.f32 v51  }
0x366: {  	v48 =	vld.idx.msk [tilespmem:v48+s22+$0x0], $0xffff;
	v62 =	vsub.f32 $1.000000000e+00, v62;
	v58 =	vpop (erf);
	(erf) = vrcp.f32 v61;
	v61 =	vadd.f32 v49, v46  }
0x367: {  	v57 =	vadd.f32 $1.000000000e+00, v63;
	v63 =	vld [tilespmem:s10+$0xFFFFFF80];
	v51 =	vsub.f32 $1.000000000e+00, v60;
	(erf) = vrcp.f32 v53;
	v59 =	vpop (erf)  }
0x368: {  	v53 =	vadd.f32 $1.000000000e+00, v58;
	v46 =	vmul.f32 v62, v15;
	v60 =	vadd.f32 v59, v59  }
0x369: {  	v54 =	vor.u32 v4, v23;
	(erf) = vrcp.f32 v57;
	v44 =	vmul.f32 $1.442695020e+00, v61  }
0x36a: {  	v55 =	vadd.f32 v55, v37;
	(erf) = vrcp.f32 v53;
	[tilespmem:s13+$0x40] =	vst v46;
	v53 =	vld [tilespmem:s13+$0x50];
	v61 =	vpop (erf);
	v60 =	vsub.f32 $1.000000000e+00, v60  }
0x36b: {  	v56 =	vor.u32 v4, v18;
	(erf) = vpow2.f32 v44;
	v45 =	vld.idx.msk [tilespmem:v45+s22+$0x0], $0xffff;
	v44 =	vadd.f32 $1.000000000e+00, v61;
	v62 =	vpop (erf)  }
0x36c: {  	v35 =	vld [tilespmem:s17+$0xFFFFFFB0];
	v55 =	vmul.f32 $1.442695020e+00, v55;
	v51 =	vmul.f32 v51, v12;
	v63 =	vadd.f32 v63, v48;
	v49 =	vpop (erf)  }
0x36d: {  	v38 =	vld [tilespmem:s19+$0xFFFFFFB0];
	v62 =	vadd.f32 v62, v62;
	v61 =	vpop (erf);
	(erf) = vrcp.f32 v44;
	v48 =	vmul.f32 v60, v16  }
0x36e: {  	[tilespmem:s12+$0x50] =	vst v51;
	v51 =	vld [tilespmem:s12+$0x60];
	v46 =	vmul.f32 $1.442695020e+00, v63;
	v49 =	vadd.f32 v49, v49;
	v63 =	vadd.f32 $1.000000000e+00, v61;
	v60 =	vpop (erf)  }
0x36f: {  	v47 =	vld.idx.msk [tilespmem:v47+s22+$0x0], $0xffff;
	(erf) = vpow2.f32 v55;
	v44 =	vsub.f32 $1.000000000e+00, v62;
	[tilespmem:s16+$0x30] =	vst v48;
	v58 =	vadd.f32 $1.000000000e+00, v60  }
0x370: {  	v49 =	vsub.f32 $1.000000000e+00, v49;
	v45 =	vadd.f32 v53, v45;
	(erf) = vrcp.f32 v63;
	v61 =	vpop (erf);
	v54 =	vld.idx.msk [tilespmem:v54+s22+$0x0], $0xffff  }
0x371: {  	v44 =	vmul.f32 v44, v11;
	v60 =	vld [tilespmem:s16+$0x40];
	v48 =	vadd.f32 v61, v61;
	v62 =	vpop (erf);
	(erf) = vrcp.f32 v58  }
0x372: {  	v37 =	vld [tilespmem:s10+$0xFFFFFFB0];
	v59 =	vpop (erf);
	v55 =	vadd.f32 v62, v62;
	(erf) = vpow2.f32 v46;
	v46 =	vmul.f32 v49, v14  }
0x373: {  	v57 =	vor.u32 v3, v26;
	[tilespmem:s9+$0x60] =	vst v44;
	v58 =	vld [tilespmem:s9+$0x70];
	v59 =	vadd.f32 v59, v59;
	v48 =	vsub.f32 $1.000000000e+00, v48  }
0x374: {  	v51 =	vadd.f32 v51, v47;
	v45 =	vmul.f32 $1.442695020e+00, v45;
	v61 =	vld.idx.msk [tilespmem:v52+s22+$0x0], $0xffff;
	v63 =	vpop (erf);
	v55 =	vsub.f32 $1.000000000e+00, v55  }
0x375: {  	v62 =	vld [tilespmem:s13+$0xFFFFFFC0];
	v44 =	vpop (erf);
	v53 =	vadd.f32 v63, v63;
	v48 =	vmul.f32 v48, v13;
	v52 =	vsub.f32 $1.000000000e+00, v59  }
0x376: {  	v49 =	vld [tilespmem:s12+$0xFFFFFFD0];
	v44 =	vadd.f32 $1.000000000e+00, v44;
	[tilespmem:s13+$0xFFFFFFB0] =	vst v46;
	v54 =	vadd.f32 v60, v54;
	v47 =	vmul.f32 v55, v10;
	v46 =	vpop (erf)  }
0x377: {  	v59 =	vld.idx.msk [tilespmem:v56+s22+$0x0], $0xffff;
	v53 =	vsub.f32 $1.000000000e+00, v53;
	[tilespmem:s12+$0xFFFFFFC0] =	vst v48;
	v52 =	vmul.f32 v52, v20;
	v46 =	vadd.f32 v46, v46  }
0x378: {  	(erf) = vrcp.f32 v44;
	v44 =	vor.u32 v3, v19;
	v54 =	vmul.f32 $1.442695020e+00, v54;
	v48 =	vld.idx.msk [tilespmem:v50+s22+$0x0], $0xffff;
	v60 =	vpop (erf)  }
0x379: {  	v53 =	vmul.f32 v53, v9;
	v50 =	vld [tilespmem:s17+$0x30];
	[tilespmem:s9+$0xFFFFFFD0] =	vst v47;
	v55 =	vadd.f32 $1.000000000e+00, v60;
	v63 =	vpop (erf);
	v46 =	vsub.f32 $1.000000000e+00, v46  }
0x37a: {  	(erf) = vpow2.f32 v45;
	[tilespmem:s17+$0x20] =	vst v52;
	v47 =	vld.idx.msk [tilespmem:v43+s22+$0x0], $0xffff;
	v60 =	vmul.f32 $1.442695020e+00, v51;
	v43 =	vadd.f32 v63, v63  }
0x37b: {  	v58 =	vadd.f32 v58, v61;
	v52 =	vld.idx.msk [tilespmem:v57+s22+$0x0], $0xffff;
	[tilespmem:s6+$0xFFFFFFE0] =	vst v53;
	(erf) = vrcp.f32 v55;
	v46 =	vmul.f32 v46, v17  }
0x37c: {  	v61 =	vpop (erf);
	v53 =	vld.idx.msk [tilespmem:v40+s22+$0x0], $0xffff;
	v51 =	vadd.f32 v62, v59;
	v43 =	vsub.f32 $1.000000000e+00, v43;
	(erf) = vpow2.f32 v54  }
0x37d: {  	v55 =	vld [tilespmem:s6+$0xFFFFFFF0];
	v63 =	vpop (erf);
	v40 =	vadd.f32 v61, v61;
	v54 =	vor.u32 v2, v32;
	(erf) = vpow2.f32 v60;
	[tilespmem:s16+$0xFFFFFFA0] =	vst v46  }
0x37e: {  	s1 =	sadd.s32 $0x50, s1;
	s7 =	simm.s32 $0xE;
	s21 =	simm.s32 $0x18900;
	v56 =	vadd.f32 $1.000000000e+00, v63;
	v57 =	vmul.f32 v43, v30;
	v46 =	vmul.f32 $1.442695020e+00, v58;
	v45 =	vld.idx.msk [tilespmem:v44+s22+$0x0], $0xffff  }
.LBB2_8:
0x37f: {  	v48 =	vadd.f32 v49, v48;
	v44 =	vor.u32 v7, v28;
	v58 =	vsub.f32 $1.000000000e+00, v40;
	v43 =	vmovc v34;
	v28 =	vmovc v21  }
0x380: {  	s0 =	sadd.s32 s7, s30;
	s7 =	sadd.s32 $0x2, s7;
	v21 =	vmovc v18;
	v18 =	vmovc v19;
	v19 =	vmov v25;
	v25 =	vmov v29;
	v29 =	vmov v33  }
0x381: {  	v33 =	vadd.f32 v50, v52;
	s2 =	sadd.s32 $0x2, s0;
	s0 =	sadd.s32 $0x3, s0;
	p0 =	slt.u32 s7, $0x4E;
	(erf) = vrcp.f32 v56;
	[tilespmem:s19+$0x10] =	vst v57;
	v40 =	vor.u32 v6, v28  }
0x382: {  	v34 =	vmov s2;
	v50 =	vmov s0;
	v52 =	vld [tilespmem:s19+$0x20];
	v49 =	vpop (erf);
	v53 =	vadd.f32 v55, v53  }
0x383: {  	v33 =	vmul.f32 $1.442695020e+00, v33;
	v34 =	vand.u32 $0xFFFFFFFE, v34;
	v55 =	vadd.f32 v49, v49;
	v54 =	vld.idx.msk [tilespmem:v54+s22+$0x0], $0xffff  }
0x384: {  	v56 =	vor.u32 v2, v19;
	v34 =	vbroadcast v34, $0x0;
	v49 =	vld.idx.msk [tilespmem:v39+s24+$0x0], $0xffff;
	v39 =	vpop (erf);
	v53 =	vmul.f32 $1.442695020e+00, v53  }
0x385: {  	v57 =	vpop (erf);
	v55 =	vsub.f32 $1.000000000e+00, v55  }
0x386: {  	(erf) = vpow2.f32 v33;
	v33 =	vadd.f32 v36, v45;
	v36 =	vadd.f32 v57, v57  }
0x387: {  	v59 =	vadd.f32 $1.000000000e+00, v39;
	v57 =	vpop (erf);
	v60 =	vld [tilespmem:s9+$0xFFFFFFE0];
	(erf) = vpow2.f32 v53  }
0x388: {  	v48 =	vmul.f32 $1.442695020e+00, v48;
	v53 =	vor.u32 v1, v43;
	v45 =	vld.idx.msk [tilespmem:v41+s24+$0x0], $0xffff;
	v55 =	vmul.f32 v55, v31;
	v61 =	vpop (erf)  }
0x389: {  	v39 =	vmovc v50;
	v33 =	vmul.f32 $1.442695020e+00, v33;
	v57 =	vadd.f32 $1.000000000e+00, v57;
	v41 =	vmovc v34;
	v62 =	vld.idx.msk [tilespmem:v50+s23+$0x0], $0xffff;
	v63 =	vsub.f32 $1.000000000e+00, v36;
	[tilespmem:s17+$0xFFFFFF90] =	vst v42  }
0x38a: {  	v51 =	vmul.f32 $1.442695020e+00, v51;
	v50 =	vadd.f32 v52, v54;
	v52 =	vld.idx.msk [tilespmem:v56+s22+$0x0], $0xffff;
	(erf) = vpow2.f32 v48;
	v42 =	vmovc v55;
	v36 =	vmovc v35  }
0x38b: {  	v55 =	vadd.f32 $1.000000000e+00, v61;
	v54 =	vld.idx.msk [tilespmem:v34+s23+$0x0], $0xffff;
	v34 =	vmul.f32 v63, v49;
	v35 =	vpop (erf);
	(erf) = vpow2.f32 v33  }
0x38c: {  	v56 =	vor.u32 v1, v29;
	v33 =	vadd.f32 v35, v35;
	v61 =	vld [tilespmem:s17+$0xFFFFFFA0];
	(erf) = vpow2.f32 v51;
	v35 =	vmovc v38;
	v38 =	vmovc v37  }
0x38d: {  	v48 =	vor.u32 v7, v27;
	v27 =	vmovc v24;
	v24 =	vmovc v23;
	[tilespmem:s10+$0x0] =	vst v34;
	v34 =	vmul.f32 $1.442695020e+00, v50;
	(erf) = vrcp.f32 v57  }
0x38e: {  	v23 =	vmovc v26;
	v26 =	vmovc v32;
	v47 =	vadd.f32 v60, v47;
	v57 =	vsub.f32 $1.000000000e+00, v33;
	v37 =	vld.idx.msk [tilespmem:v53+s22+$0x0], $0xffff;
	(erf) = vrcp.f32 v59  }
0x38f: {  	v32 =	vor.u32 v5, v21;
	v59 =	vmul.f32 v58, v8;
	v50 =	vld [tilespmem:s10+$0x10];
	(erf) = vpow2.f32 v34;
	v51 =	vpop (erf)  }
0x390: {  	v47 =	vmul.f32 $1.442695020e+00, v47;
	v34 =	vshll.u32 v62, $0x7;
	v53 =	vmul.f32 v57, v45;
	v33 =	vpop (erf)  }
0x391: {  	v8 =	vmovc v11;
	v57 =	vor.u32 v0, v34;
	v60 =	vadd.f32 v61, v52;
	v58 =	vadd.f32 $1.000000000e+00, v33;
	[tilespmem:s6+$0x70] =	vst v59  }
0x392: {  	v11 =	vmovc v12;
	v12 =	vmovc v15;
	v51 =	vadd.f32 $1.000000000e+00, v51;
	v33 =	vshll.u32 v54, $0x7;
	[tilespmem:s10+$0xFFFFFF80] =	vst v53;
	(erf) = vpow2.f32 v47  }
0x393: {  	v53 =	vor.u32 v0, v33;
	v15 =	vld.idx.msk [tilespmem:v56+s22+$0x0], $0xffff;
	v47 =	vmul.f32 $1.442695020e+00, v60;
	v52 =	vpop (erf);
	(erf) = vrcp.f32 v58  }
0x394: {  	s10 =	sadd.s32 $0x100, s10;
	v54 =	vld [tilespmem:s21+$0xFFFFFF90];
	v37 =	vadd.f32 v50, v37;
	(erf) = vrcp.f32 v51;
	v50 =	vpop (erf);
	v51 =	vor.u32 v6, v27  }
0x395: {  	v56 =	vld [tilespmem:s10+$0x0];
	(erf) = vpow2.f32 v47;
	v62 =	vadd.f32 $1.000000000e+00, v50;
	v47 =	vor.u32 v4, v18;
	v58 =	vpop (erf)  }
0x396: {  	v60 =	vor.u32 v5, v24;
	v57 =	vld.idx.msk [tilespmem:v57+s22+$0x0], $0xffff;
	v63 =	vmul.f32 $1.442695020e+00, v37;
	v61 =	vpop (erf);
	(erf) = vrcp.f32 v55  }
0x397: {  	v52 =	vadd.f32 $1.000000000e+00, v52;
	v37 =	vld [tilespmem:s10+$0xFFFFFFB0];
	v55 =	vadd.f32 v61, v61;
	(erf) = vrcp.f32 v62;
	v50 =	vpop (erf)  }
0x398: {  	v58 =	vadd.f32 $1.000000000e+00, v58;
	(erf) = vpow2.f32 v63;
	v59 =	vpop (erf);
	v50 =	vadd.f32 v50, v50  }
0x399: {  	v54 =	vadd.f32 v54, v15;
	v59 =	vadd.f32 $1.000000000e+00, v59;
	(erf) = vpow2.f32 v46;
	v15 =	vmovc v16;
	v16 =	vmovc v20  }
0x39a: {  	v20 =	vmovc v30;
	v30 =	vmovc v49;
	v46 =	vld.idx.msk [tilespmem:v53+s22+$0x0], $0xffff;
	v53 =	vsub.f32 $1.000000000e+00, v55;
	v50 =	vsub.f32 $1.000000000e+00, v50;
	(erf) = vrcp.f32 v58  }
0x39b: {  	v55 =	vor.u32 v4, v23;
	v49 =	vld [tilespmem:s10+$0xFFFFFF80];
	v54 =	vmul.f32 $1.442695020e+00, v54;
	(erf) = vrcp.f32 v52;
	v52 =	vpop (erf)  }
0x39c: {  	v56 =	vadd.f32 v56, v57;
	(erf) = vrcp.f32 v59;
	v52 =	vadd.f32 $1.000000000e+00, v52;
	v57 =	vpop (erf)  }
0x39d: {  	v61 =	vmul.f32 v53, v15;
	v50 =	vmul.f32 v50, v12;
	v58 =	vpop (erf);
	v57 =	vadd.f32 v57, v57  }
0x39e: {  	v56 =	vmul.f32 $1.442695020e+00, v56;
	v58 =	vadd.f32 v58, v58;
	v59 =	vpop (erf);
	(erf) = vrcp.f32 v52  }
0x39f: {  	(erf) = vpow2.f32 v54;
	v52 =	vadd.f32 $1.000000000e+00, v59;
	[tilespmem:s16+$0x40] =	vst v61;
	v53 =	vpop (erf);
	v61 =	vsub.f32 $1.000000000e+00, v57  }
0x3a0: {  	v57 =	vor.u32 v3, v26;
	v46 =	vadd.f32 v49, v46;
	v49 =	vsub.f32 $1.000000000e+00, v58;
	v58 =	vld.idx.msk [tilespmem:v60+s22+$0x0], $0xffff;
	v59 =	vpop (erf);
	[tilespmem:s13+$0x50] =	vst v50  }
0x3a1: {  	v50 =	vpop (erf);
	(erf) = vrcp.f32 v52;
	v51 =	vld.idx.msk [tilespmem:v51+s22+$0x0], $0xffff;
	v52 =	vadd.f32 v53, v53;
	v9 =	vmul.f32 v61, v9  }
0x3a2: {  	v46 =	vmul.f32 $1.442695020e+00, v46;
	v50 =	vadd.f32 $1.000000000e+00, v50;
	v61 =	vmul.f32 v49, v16;
	v53 =	vld [tilespmem:s16+$0x50];
	v54 =	vpop (erf)  }
0x3a3: {  	(erf) = vpow2.f32 v56;
	v56 =	vadd.f32 v59, v59;
	v59 =	vpop (erf)  }
0x3a4: {  	v52 =	vsub.f32 $1.000000000e+00, v52;
	[tilespmem:s6+$0xFFFFFFF0] =	vst v9;
	v9 =	vadd.f32 v59, v59  }
0x3a5: {  	v60 =	vld [tilespmem:s12+$0x70];
	s6 =	smov.u32 s9;
	s9 =	smov.u32 s12;
	s12 =	smov.u32 s13;
	v54 =	vadd.f32 $1.000000000e+00, v54  }
0x3a6: {  	s13 =	smov.u32 s16;
	s16 =	smov.u32 s17;
	(erf) = vrcp.f32 v50;
	[tilespmem:s17+$0x30] =	vst v61;
	v50 =	vld [tilespmem:s12+$0x60];
	v49 =	vpop (erf);
	s17 =	smov.u32 s19;
	v56 =	vsub.f32 $1.000000000e+00, v56;
	v52 =	vmul.f32 v52, v11  }
0x3a7: {  	v59 =	vpop (erf);
	v55 =	vld.idx.msk [tilespmem:v55+s22+$0x0], $0xffff  }
0x3a8: {  	s19 =	smov.u32 s21;
	s21 =	smov.u32 s10;
	v61 =	vadd.f32 v49, v49;
	v63 =	vsub.f32 $1.000000000e+00, v9;
	v9 =	vmovc v10;
	v10 =	vmovc v13;
	v13 =	vmul.f32 v56, v17  }
0x3a9: {  	v59 =	vadd.f32 v59, v59;
	v62 =	vld [tilespmem:s16+$0x40];
	(erf) = vrcp.f32 v54  }
0x3aa: {  	(erf) = vpow2.f32 v46;
	v46 =	vadd.f32 v53, v58;
	v49 =	vld [tilespmem:s12+$0xFFFFFFD0];
	[tilespmem:s9+$0x60] =	vst v52;
	v52 =	vpop (erf)  }
0x3ab: {  	v54 =	vmul.f32 v63, v14;
	v56 =	vsub.f32 $1.000000000e+00, v61;
	v53 =	vpop (erf);
	v58 =	vld.idx.msk [tilespmem:v48+s22+$0x0], $0xffff;
	v48 =	vadd.f32 v52, v52  }
0x3ac: {  	v52 =	vadd.f32 $1.000000000e+00, v53;
	v53 =	vsub.f32 $1.000000000e+00, v59;
	[tilespmem:s13+$0xFFFFFFB0] =	vst v13;
	v59 =	vld [tilespmem:s13+$0xFFFFFFC0];
	v46 =	vmul.f32 $1.442695020e+00, v46;
	v13 =	vmovc v14;
	v14 =	vmovc v17  }
0x3ad: {  	v51 =	vadd.f32 v50, v51;
	v17 =	vpop (erf);
	v61 =	vld.idx.msk [tilespmem:v47+s22+$0x0], $0xffff;
	[tilespmem:s12+$0xFFFFFFC0] =	vst v54;
	v47 =	vmul.f32 v56, v10;
	v54 =	vsub.f32 $1.000000000e+00, v48  }
0x3ae: {  	v55 =	vadd.f32 v62, v55;
	v53 =	vmul.f32 v53, v20;
	v56 =	vadd.f32 v17, v17;
	v48 =	vld.idx.msk [tilespmem:v32+s22+$0x0], $0xffff  }
0x3af: {  	v62 =	vor.u32 v3, v19;
	v32 =	vpop (erf);
	(erf) = vrcp.f32 v52;
	v50 =	vld [tilespmem:s17+$0x30];
	[tilespmem:s9+$0xFFFFFFD0] =	vst v47;
	v54 =	vmul.f32 v54, v9  }
0x3b0: {  	v55 =	vmul.f32 $1.442695020e+00, v55;
	v32 =	vadd.f32 $1.000000000e+00, v32;
	v52 =	vpop (erf);
	[tilespmem:s17+$0x20] =	vst v53;
	v53 =	vsub.f32 $1.000000000e+00, v56;
	v47 =	vld.idx.msk [tilespmem:v40+s22+$0x0], $0xffff  }
.Ltmp2:
0x3b1: {  	v17 =	vmovc v22;
	v40 =	vadd.f32 v52, v52;
	v52 =	vld.idx.msk [tilespmem:v57+s22+$0x0], $0xffff;
	(erf) = vpow2.f32 v46;
	v46 =	vmul.f32 $1.442695020e+00, v51;
	[tilespmem:s6+$0xFFFFFFE0] =	vst v54;
	(pc) =	sbr.rel @p0 .LBB2_8-.Ltmp2, $4  }
0x3b2: {  	v58 =	vadd.f32 v60, v58;
	(erf) = vrcp.f32 v32;
	v63 =	vmul.f32 v53, v17;
	v53 =	vld.idx.msk [tilespmem:v44+s22+$0x0], $0xffff;
	v44 =	vpop (erf)  }
0x3b3: {  	v51 =	vpop (erf);
	v57 =	vsub.f32 $1.000000000e+00, v40;
	(erf) = vpow2.f32 v55;
	v55 =	vld [tilespmem:s6+$0xFFFFFFF0];
	v40 =	vadd.f32 v44, v44  }
0x3b4: {  	v22 =	vmovc v31;
	v31 =	vmovc v45;
	v54 =	vor.u32 v2, v43;
	v56 =	vadd.f32 $1.000000000e+00, v51;
	[tilespmem:s16+$0xFFFFFFA0] =	vst v63;
	(erf) = vpow2.f32 v46  }
0x3b5: {  	v51 =	vadd.f32 v59, v61;
	v46 =	vmul.f32 $1.442695020e+00, v58;
	v32 =	vmovc v43;
	v57 =	vmul.f32 v57, v30;
	v45 =	vld.idx.msk [tilespmem:v62+s22+$0x0], $0xffff  }
0x3b6: {  	_ = 	snop  }
0x3b7: {  	v44 =	vadd.f32 v50, v52  }
0x3b8: {  	v63 =	vadd.f32 v55, v53  }
0x3b9: {  	v43 =	vpop (erf);
	v44 =	vmul.f32 $1.442695020e+00, v44  }
0x3ba: {  	(erf) = vrcp.f32 v56;
	v53 =	vpop (erf);
	v50 =	vmul.f32 $1.442695020e+00, v63  }
0x3bb: {  	v52 =	vld [tilespmem:s19+$0x20];
	v48 =	vadd.f32 v49, v48;
	[tilespmem:s19+$0x10] =	vst v57;
	v57 =	vor.u32 v2, v25;
	v58 =	vpop (erf);
	(erf) = vpow2.f32 v44  }
0x3bc: {  	v39 =	vld.idx.msk [tilespmem:v39+s24+$0x0], $0xffff;
	(erf) = vpow2.f32 v50  }
0x3bd: {  	v59 =	vld.idx.msk [tilespmem:v54+s22+$0x0], $0xffff;
	v48 =	vmul.f32 $1.442695020e+00, v48;
	v36 =	vadd.f32 v36, v45  }
0x3be: {  	v61 =	vld [tilespmem:s9+$0xFFFFFFE0];
	v60 =	vadd.f32 v58, v58  }
0x3bf: {  	[tilespmem:s17+$0xFFFFFF90] =	vst v42;
	v36 =	vmul.f32 $1.442695020e+00, v36;
	(erf) = vpow2.f32 v48  }
0x3c0: {  	v62 =	vor.u32 v1, v34;
	v49 =	vld.idx.msk [tilespmem:v57+s22+$0x0], $0xffff;
	v45 =	vsub.f32 $1.000000000e+00, v60  }
0x3c1: {  	v63 =	vmul.f32 $1.442695020e+00, v51;
	v56 =	vpop (erf);
	v57 =	vld [tilespmem:s17+$0xFFFFFFA0];
	(erf) = vpow2.f32 v36  }
0x3c2: {  	v48 =	vadd.f32 $1.000000000e+00, v56;
	v44 =	vadd.f32 v52, v59;
	v59 =	vpop (erf);
	v45 =	vmul.f32 v45, v39  }
0x3c3: {  	v58 =	vadd.f32 $1.000000000e+00, v53;
	v36 =	vld.idx.msk [tilespmem:v41+s24+$0x0], $0xffff;
	v60 =	vadd.f32 v61, v47;
	(erf) = vpow2.f32 v63;
	v61 =	vpop (erf)  }
0x3c4: {  	v55 =	vor.u32 v1, v33;
	v44 =	vmul.f32 $1.442695020e+00, v44;
	v63 =	vld [tilespmem:s10+$0x10];
	(erf) = vrcp.f32 v48;
	[tilespmem:s10+$0x0] =	vst v45;
	v53 =	vpop (erf)  }
0x3c5: {  	v42 =	vmul.f32 $1.442695020e+00, v60;
	(erf) = vrcp.f32 v58;
	v45 =	vadd.f32 v61, v61;
	v62 =	vld.idx.msk [tilespmem:v62+s22+$0x0], $0xffff;
	v54 =	vpop (erf)  }
0x3c6: {  	v49 =	vadd.f32 v57, v49;
	(erf) = vpow2.f32 v44;
	v44 =	vadd.f32 $1.000000000e+00, v54  }
0x3c7: {  	(erf) = vpow2.f32 v42;
	v45 =	vsub.f32 $1.000000000e+00, v45;
	v50 =	vadd.f32 $1.000000000e+00, v53  }
0x3c8: {  	v49 =	vmul.f32 $1.442695020e+00, v49;
	v56 =	vpop (erf);
	(erf) = vrcp.f32 v44  }
0x3c9: {  	v57 =	vmul.f32 v45, v36;
	(erf) = vrcp.f32 v50  }
0x3ca: {  	v41 =	vadd.f32 $1.000000000e+00, v59;
	v59 =	vpop (erf);
	v58 =	vadd.f32 v63, v62;
	(erf) = vpow2.f32 v49  }
0x3cb: {  	v47 =	vadd.f32 $1.000000000e+00, v59;
	[tilespmem:s10+$0xFFFFFF80] =	vst v57  }
0x3cc: {  	v60 =	vpop (erf);
	v42 =	vld.idx.msk [tilespmem:v55+s22+$0x0], $0xffff;
	v45 =	vmul.f32 $1.442695020e+00, v58;
	(erf) = vrcp.f32 v41  }
0x3cd: {  	v61 =	vpop (erf);
	v62 =	vld [tilespmem:s21+$0xFFFFFF90];
	(erf) = vrcp.f32 v47  }
0x3ce: {  	v52 =	vadd.f32 $1.000000000e+00, v60;
	v63 =	vpop (erf);
	(erf) = vpow2.f32 v45  }
0x3cf: {  	v53 =	vadd.f32 $1.000000000e+00, v56;
	v54 =	vpop (erf);
	(erf) = vpow2.f32 v46  }
0x3d0: {  	v55 =	vpop (erf);
	v45 =	vadd.f32 $1.000000000e+00, v54;
	(erf) = vrcp.f32 v52  }
0x3d1: {  	v56 =	vadd.f32 $1.000000000e+00, v55;
	(erf) = vrcp.f32 v53;
	v41 =	vpop (erf)  }
0x3d2: {  	v42 =	vadd.f32 v62, v42;
	(erf) = vrcp.f32 v45;
	v57 =	vpop (erf)  }
0x3d3: {  	(erf) = vrcp.f32 v56;
	v58 =	vpop (erf)  }
0x3d4: {  	v49 =	vadd.f32 v63, v63;
	v42 =	vmul.f32 $1.442695020e+00, v42;
	v44 =	vadd.f32 $1.000000000e+00, v58  }
0x3d5: {  	v59 =	vadd.f32 v61, v61;
	v47 =	vpop (erf)  }
0x3d6: {  	v60 =	vor.u32 v5, v23;
	v49 =	vsub.f32 $1.000000000e+00, v49;
	(erf) = vpow2.f32 v42;
	v50 =	vpop (erf)  }
0x3d7: {  	v46 =	vsub.f32 $1.000000000e+00, v59;
	v45 =	vadd.f32 v57, v57;
	v61 =	vpop (erf);
	(erf) = vrcp.f32 v44  }
0x3d8: {  	v51 =	vor.u32 v4, v26;
	v49 =	vmul.f32 v49, v15;
	v44 =	vpop (erf)  }
0x3d9: {  	v46 =	vmul.f32 v46, v16;
	v45 =	vsub.f32 $1.000000000e+00, v45;
	v42 =	vadd.f32 $1.000000000e+00, v61;
	v62 =	vpop (erf)  }
0x3da: {  	v63 =	vor.u32 v6, v24;
	[tilespmem:s13+$0x50] =	vst v49;
	v54 =	vpop (erf)  }
0x3db: {  	v43 =	vadd.f32 v43, v43;
	v49 =	vld [tilespmem:s17+$0x40];
	[tilespmem:s16+$0x40] =	vst v46;
	v45 =	vmul.f32 v45, v20;
	(erf) = vrcp.f32 v42;
	v59 =	vpop (erf)  }
0x3dc: {  	v48 =	vld.idx.msk [tilespmem:v60+s22+$0x0], $0xffff;
	v44 =	vadd.f32 $1.000000000e+00, v44;
	v42 =	vadd.f32 v59, v59;
	v60 =	vpop (erf)  }
0x3dd: {  	v28 =	vor.u32 v7, v28;
	v56 =	vld [tilespmem:s16+$0x50];
	v50 =	vadd.f32 v50, v50;
	[tilespmem:s17+$0x30] =	vst v45;
	v61 =	vadd.f32 v60, v60  }
0x3de: {  	v55 =	vor.u32 v3, v32;
	v52 =	vadd.f32 v62, v62;
	v51 =	vld.idx.msk [tilespmem:v51+s22+$0x0], $0xffff;
	v42 =	vsub.f32 $1.000000000e+00, v42  }
0x3df: {  	v53 =	vld.idx.msk [tilespmem:v63+s22+$0x0], $0xffff;
	v57 =	vor.u32 v5, v18;
	v50 =	vsub.f32 $1.000000000e+00, v50;
	v59 =	vpop (erf);
	v45 =	vsub.f32 $1.000000000e+00, v61  }
0x3e0: {  	(erf) = vrcp.f32 v44;
	v52 =	vsub.f32 $1.000000000e+00, v52;
	v60 =	vld [tilespmem:s19+$0x30];
	v44 =	vpop (erf);
	v42 =	vmul.f32 v42, v30  }
0x3e1: {  	v50 =	vmul.f32 v50, v17;
	v61 =	vld [tilespmem:s13+$0x60];
	v44 =	vadd.f32 v44, v44;
	v45 =	vmul.f32 v45, v10  }
0x3e2: {  	v62 =	vadd.f32 $1.000000000e+00, v59;
	[tilespmem:s19+$0x20] =	vst v42;
	v42 =	vadd.f32 v56, v48;
	v48 =	vmul.f32 v52, v14;
	v52 =	vld [tilespmem:s9+$0xFFFFFFF0]  }
0x3e3: {  	v63 =	vadd.f32 v49, v51;
	v49 =	vor.u32 v3, v25;
	v44 =	vsub.f32 $1.000000000e+00, v44;
	v55 =	vld.idx.msk [tilespmem:v55+s22+$0x0], $0xffff;
	[tilespmem:s9+$0xFFFFFFE0] =	vst v45  }
0x3e4: {  	v58 =	vor.u32 v4, v19;
	(erf) = vrcp.f32 v62;
	v56 =	vpop (erf);
	v28 =	vld.idx.msk [tilespmem:v28+s22+$0x0], $0xffff;
	v42 =	vmul.f32 $1.442695020e+00, v42  }
0x3e5: {  	[tilespmem:s16+$0xFFFFFFB0] =	vst v50;
	v50 =	vld [tilespmem:s16+$0xFFFFFFC0];
	v51 =	vadd.f32 v56, v56;
	v45 =	vmul.f32 $1.442695020e+00, v63;
	v44 =	vmul.f32 v44, v22  }
0x3e6: {  	v54 =	vadd.f32 v54, v54;
	v56 =	vld [tilespmem:s13+$0xFFFFFFD0];
	[tilespmem:s13+$0xFFFFFFC0] =	vst v48;
	v48 =	vadd.f32 v61, v53;
	(erf) = vpow2.f32 v42  }
0x3e7: {  	v63 =	vor.u32 v2, v34;
	v59 =	vsub.f32 $1.000000000e+00, v51;
	v62 =	vld.idx.msk [tilespmem:v57+s22+$0x0], $0xffff;
	[tilespmem:s17+$0xFFFFFFA0] =	vst v44;
	(erf) = vpow2.f32 v45  }
0x3e8: {  	v46 =	vor.u32 v6, v21;
	v54 =	vsub.f32 $1.000000000e+00, v54;
	v48 =	vmul.f32 $1.442695020e+00, v48;
	v44 =	vld.idx.msk [tilespmem:v49+s22+$0x0], $0xffff  }
0x3e9: {  	v42 =	vmul.f32 v59, v39;
	v59 =	vld.idx.msk [tilespmem:v58+s22+$0x0], $0xffff;
	v57 =	vadd.f32 v60, v55;
	v28 =	vadd.f32 v52, v28  }
0x3ea: {  	v61 =	vmul.f32 v54, v13  }
0x3eb: {  	v43 =	vsub.f32 $1.000000000e+00, v43;
	(erf) = vpow2.f32 v48;
	v48 =	vld [tilespmem:s21+$0x20];
	[tilespmem:s21+$0x10] =	vst v42;
	v60 =	vmul.f32 $1.442695020e+00, v57  }
0x3ec: {  	v47 =	vadd.f32 v47, v47;
	[tilespmem:s12+$0xFFFFFFD0] =	vst v61;
	v62 =	vadd.f32 v56, v62;
	v45 =	vld.idx.msk [tilespmem:v63+s22+$0x0], $0xffff;
	v61 =	vmul.f32 $1.442695020e+00, v28  }
0x3ed: {  	v63 =	vor.u32 v2, v29;
	(erf) = vpow2.f32 v60;
	v44 =	vadd.f32 v35, v44;
	v28 =	vpop (erf)  }
0x3ee: {  	v46 =	vld.idx.msk [tilespmem:v46+s22+$0x0], $0xffff;
	v56 =	vadd.f32 v50, v59;
	v57 =	vmul.f32 $1.442695020e+00, v62;
	(erf) = vpow2.f32 v61;
	v35 =	vpop (erf)  }
0x3ef: {  	v43 =	vmul.f32 v43, v31;
	v55 =	vsub.f32 $1.000000000e+00, v47;
	v47 =	vld [tilespmem:s12+$0xFFFFFFE0];
	v44 =	vmul.f32 $1.442695020e+00, v44;
	v58 =	vpop (erf)  }
0x3f0: {  	v27 =	vor.u32 v7, v27;
	v60 =	vmul.f32 $1.442695020e+00, v56;
	(erf) = vpow2.f32 v57;
	v59 =	vpop (erf)  }
0x3f1: {  	[tilespmem:s19+$0xFFFFFF90] =	vst v43;
	v45 =	vadd.f32 v48, v45;
	(erf) = vpow2.f32 v44;
	v61 =	vadd.f32 $1.000000000e+00, v59  }
0x3f2: {  	v42 =	vmul.f32 v55, v12;
	v62 =	vld.idx.msk [tilespmem:v63+s22+$0x0], $0xffff;
	v63 =	vadd.f32 $1.000000000e+00, v58;
	(erf) = vpow2.f32 v60  }
0x3f3: {  	v52 =	vld [tilespmem:s19+$0xFFFFFFA0];
	v45 =	vmul.f32 $1.442695020e+00, v45;
	(erf) = vrcp.f32 v61  }
0x3f4: {  	v53 =	vadd.f32 v47, v46;
	(erf) = vrcp.f32 v63  }
0x3f5: {  	v54 =	vld [tilespmem:s12+$0x70];
	[tilespmem:s12+$0x60] =	vst v42;
	v55 =	vpop (erf);
	(erf) = vpow2.f32 v45  }
0x3f6: {  	v27 =	vld.idx.msk [tilespmem:v27+s22+$0x0], $0xffff;
	v43 =	vmul.f32 $1.442695020e+00, v53;
	v56 =	vpop (erf)  }
0x3f7: {  	v57 =	vpop (erf)  }
0x3f8: {  	v58 =	vadd.f32 v52, v62;
	(erf) = vpow2.f32 v43;
	v45 =	vadd.f32 $1.000000000e+00, v57  }
0x3f9: {  	v44 =	vadd.f32 $1.000000000e+00, v56;
	v59 =	vpop (erf)  }
0x3fa: {  	v43 =	vmul.f32 $1.442695020e+00, v58;
	(erf) = vrcp.f32 v45;
	v60 =	vpop (erf)  }
0x3fb: {  	v27 =	vadd.f32 v54, v27;
	v42 =	vadd.f32 $1.000000000e+00, v55;
	(erf) = vrcp.f32 v44;
	v62 =	vpop (erf)  }
0x3fc: {  	v61 =	vadd.f32 $1.000000000e+00, v60;
	(erf) = vpow2.f32 v43;
	v63 =	vpop (erf)  }
0x3fd: {  	v27 =	vmul.f32 $1.442695020e+00, v27;
	(erf) = vrcp.f32 v42;
	v48 =	vpop (erf)  }
0x3fe: {  	v49 =	vadd.f32 $1.000000000e+00, v62;
	(erf) = vrcp.f32 v61;
	v51 =	vpop (erf)  }
0x3ff: {  	v50 =	vadd.f32 $1.000000000e+00, v59;
	(erf) = vpow2.f32 v27;
	v27 =	vadd.f32 $1.000000000e+00, v51  }
0x400: {  	(erf) = vrcp.f32 v49  }
0x401: {  	v52 =	vpop (erf);
	(erf) = vrcp.f32 v50  }
0x402: {  	v43 =	vadd.f32 $1.000000000e+00, v52;
	(erf) = vrcp.f32 v27  }
0x403: {  	v27 =	vpop (erf)  }
0x404: {  	(erf) = vrcp.f32 v43;
	v53 =	vpop (erf)  }
0x405: {  	v55 =	vpop (erf)  }
0x406: {  	v42 =	vadd.f32 v48, v48;
	v46 =	vpop (erf)  }
0x407: {  	v57 =	vpop (erf)  }
0x408: {  	v58 =	vor.u32 v6, v23;
	v54 =	vadd.f32 v63, v63;
	v42 =	vsub.f32 $1.000000000e+00, v42;
	v50 =	vpop (erf)  }
0x409: {  	v56 =	vor.u32 v5, v26;
	v45 =	vadd.f32 $1.000000000e+00, v55;
	v51 =	vpop (erf)  }
0x40a: {  	v44 =	vsub.f32 $1.000000000e+00, v54;
	v42 =	vmul.f32 v42, v16;
	v43 =	vadd.f32 v53, v53;
	v52 =	vpop (erf)  }
0x40b: {  	v59 =	vor.u32 v4, v32;
	(erf) = vrcp.f32 v45;
	v60 =	vpop (erf)  }
0x40c: {  	v54 =	vld [tilespmem:s17+$0x50];
	v44 =	vmul.f32 v44, v20;
	[tilespmem:s16+$0x50] =	vst v42;
	v43 =	vsub.f32 $1.000000000e+00, v43;
	v61 =	vadd.f32 v60, v60  }
0x40d: {  	v63 =	vor.u32 v3, v34;
	v47 =	vld.idx.msk [tilespmem:v58+s22+$0x0], $0xffff;
	v62 =	vpop (erf)  }
0x40e: {  	[tilespmem:s17+$0x40] =	vst v44;
	v55 =	vld [tilespmem:s21+$0x30];
	v43 =	vmul.f32 v43, v30;
	v44 =	vadd.f32 v62, v62;
	v42 =	vsub.f32 $1.000000000e+00, v61  }
0x40f: {  	v45 =	vld.idx.msk [tilespmem:v56+s22+$0x0], $0xffff  }
0x410: {  	v21 =	vor.u32 v7, v21;
	[tilespmem:s19+$0x30] =	vst v43;
	v43 =	vld [tilespmem:s16+$0x60];
	v44 =	vsub.f32 $1.000000000e+00, v44;
	v42 =	vmul.f32 v42, v39  }
0x411: {  	v35 =	vadd.f32 v35, v35;
	v48 =	vadd.f32 v57, v57;
	v53 =	vld.idx.msk [tilespmem:v59+s22+$0x0], $0xffff  }
0x412: {  	v50 =	vadd.f32 $1.000000000e+00, v50;
	v51 =	vadd.f32 v51, v51;
	v60 =	vld [tilespmem:s19+$0x40];
	v44 =	vmul.f32 v44, v13;
	[tilespmem:s21+$0x20] =	vst v42  }
0x413: {  	v56 =	vor.u32 v6, v18;
	v57 =	vor.u32 v3, v29;
	v48 =	vsub.f32 $1.000000000e+00, v48;
	v49 =	vld.idx.msk [tilespmem:v63+s22+$0x0], $0xffff  }
0x414: {  	v52 =	vadd.f32 v52, v52;
	(erf) = vrcp.f32 v50;
	v51 =	vsub.f32 $1.000000000e+00, v51;
	v61 =	vpop (erf);
	[tilespmem:s12+$0xFFFFFFE0] =	vst v44;
	v63 =	vld [tilespmem:s12+$0xFFFFFFF0]  }
0x415: {  	v48 =	vmul.f32 v48, v22;
	v45 =	vadd.f32 v54, v45;
	v62 =	vadd.f32 v61, v61;
	v21 =	vld.idx.msk [tilespmem:v21+s22+$0x0], $0xffff  }
0x416: {  	v52 =	vsub.f32 $1.000000000e+00, v52;
	v51 =	vmul.f32 v51, v17;
	v42 =	vor.u32 v5, v19  }
0x417: {  	v45 =	vmul.f32 $1.442695020e+00, v45;
	v53 =	vadd.f32 v60, v53;
	v50 =	vsub.f32 $1.000000000e+00, v62  }
0x418: {  	v59 =	vmul.f32 v52, v14;
	v43 =	vadd.f32 v43, v47;
	v44 =	vor.u32 v4, v25  }
0x419: {  	v60 =	vld [tilespmem:s16+$0xFFFFFFD0];
	v61 =	vmul.f32 $1.442695020e+00, v53;
	v50 =	vmul.f32 v50, v31;
	v49 =	vadd.f32 v55, v49  }
0x41a: {  	[tilespmem:s16+$0xFFFFFFC0] =	vst v51;
	(erf) = vpow2.f32 v45;
	v43 =	vmul.f32 $1.442695020e+00, v43;
	v62 =	vld [tilespmem:s17+$0xFFFFFFC0];
	v21 =	vadd.f32 v63, v21  }
0x41b: {  	(erf) = vpow2.f32 v61;
	v42 =	vld.idx.msk [tilespmem:v42+s22+$0x0], $0xffff;
	[tilespmem:s19+$0xFFFFFFA0] =	vst v50;
	v63 =	vmul.f32 $1.442695020e+00, v49  }
0x41c: {  	v35 =	vsub.f32 $1.000000000e+00, v35;
	[tilespmem:s17+$0xFFFFFFB0] =	vst v48;
	(erf) = vpow2.f32 v43;
	v54 =	vld.idx.msk [tilespmem:v57+s22+$0x0], $0xffff;
	v21 =	vmul.f32 $1.442695020e+00, v21  }
0x41d: {  	v44 =	vld.idx.msk [tilespmem:v44+s22+$0x0], $0xffff;
	(erf) = vpow2.f32 v63  }
0x41e: {  	[tilespmem:s13+$0xFFFFFFD0] =	vst v59;
	v55 =	vor.u32 v2, v33;
	(erf) = vpow2.f32 v21;
	v21 =	vmul.f32 v35, v36  }
0x41f: {  	v58 =	vadd.f32 v46, v46;
	v56 =	vld.idx.msk [tilespmem:v56+s22+$0x0], $0xffff  }
0x420: {  	v57 =	vld [tilespmem:s13+$0xFFFFFFE0];
	v42 =	vadd.f32 v60, v42  }
0x421: {  	v43 =	vsub.f32 $1.000000000e+00, v58;
	v38 =	vadd.f32 v38, v54  }
0x422: {  	v24 =	vor.u32 v7, v24;
	v61 =	vld [tilespmem:s21+$0xFFFFFFA0];
	v44 =	vadd.f32 v62, v44;
	v42 =	vmul.f32 $1.442695020e+00, v42;
	[tilespmem:s21+$0xFFFFFF90] =	vst v21;
	v21 =	vpop (erf)  }
0x423: {  	v50 =	vmul.f32 v43, v15;
	v59 =	vld.idx.msk [tilespmem:v55+s22+$0x0], $0xffff;
	v38 =	vmul.f32 $1.442695020e+00, v38;
	v60 =	vpop (erf)  }
0x424: {  	v44 =	vmul.f32 $1.442695020e+00, v44;
	(erf) = vpow2.f32 v42;
	v62 =	vpop (erf)  }
0x425: {  	v35 =	vadd.f32 v57, v56;
	(erf) = vpow2.f32 v38;
	v63 =	vpop (erf);
	v49 =	vadd.f32 $1.000000000e+00, v62  }
0x426: {  	v53 =	vld [tilespmem:s13+$0x70];
	[tilespmem:s13+$0x60] =	vst v50;
	v51 =	vadd.f32 $1.000000000e+00, v60;
	(erf) = vpow2.f32 v44;
	v52 =	vpop (erf)  }
0x427: {  	v24 =	vld.idx.msk [tilespmem:v24+s22+$0x0], $0xffff;
	v35 =	vmul.f32 $1.442695020e+00, v35;
	(erf) = vrcp.f32 v49;
	v54 =	vpop (erf)  }
0x428: {  	v55 =	vadd.f32 v61, v59;
	(erf) = vrcp.f32 v51;
	v56 =	vadd.f32 $1.000000000e+00, v54  }
0x429: {  	v44 =	vadd.f32 $1.000000000e+00, v52;
	(erf) = vpow2.f32 v35  }
0x42a: {  	v57 =	vmul.f32 $1.442695020e+00, v55;
	(erf) = vrcp.f32 v56  }
0x42b: {  	(erf) = vrcp.f32 v44  }
0x42c: {  	v24 =	vadd.f32 v53, v24;
	(erf) = vpow2.f32 v57  }
0x42d: {  	v58 =	vpop (erf)  }
0x42e: {  	v24 =	vmul.f32 $1.442695020e+00, v24;
	v59 =	vadd.f32 $1.000000000e+00, v63;
	v60 =	vpop (erf)  }
0x42f: {  	v42 =	vadd.f32 $1.000000000e+00, v60;
	v61 =	vpop (erf)  }
0x430: {  	(erf) = vrcp.f32 v59;
	v62 =	vpop (erf)  }
0x431: {  	v48 =	vadd.f32 $1.000000000e+00, v61;
	(erf) = vrcp.f32 v42;
	v63 =	vpop (erf)  }
0x432: {  	v35 =	vadd.f32 $1.000000000e+00, v58;
	(erf) = vpow2.f32 v24;
	v24 =	vpop (erf)  }
0x433: {  	(erf) = vrcp.f32 v48;
	v49 =	vadd.f32 $1.000000000e+00, v24;
	v24 =	vpop (erf)  }
0x434: {  	(erf) = vrcp.f32 v35;
	v50 =	vpop (erf)  }
0x435: {  	v52 =	vpop (erf);
	(erf) = vrcp.f32 v49;
	v35 =	vadd.f32 v50, v50  }
0x436: {  	v51 =	vadd.f32 v62, v62;
	v53 =	vadd.f32 $1.000000000e+00, v52  }
0x437: {  	v35 =	vsub.f32 $1.000000000e+00, v35  }
0x438: {  	v54 =	vor.u32 v5, v32;
	v43 =	vsub.f32 $1.000000000e+00, v51;
	(erf) = vrcp.f32 v53  }
0x439: {  	v45 =	vpop (erf);
	v35 =	vmul.f32 v35, v39  }
0x43a: {  	v55 =	vor.u32 v4, v34;
	v43 =	vmul.f32 v43, v30;
	v56 =	vpop (erf)  }
0x43b: {  	v38 =	vadd.f32 v63, v63;
	v57 =	vpop (erf)  }
0x43c: {  	v60 =	vld [tilespmem:s19+$0x50];
	[tilespmem:s19+$0x40] =	vst v43;
	v58 =	vpop (erf)  }
0x43d: {  	v59 =	vor.u32 v6, v26;
	v38 =	vsub.f32 $1.000000000e+00, v38;
	v44 =	vld.idx.msk [tilespmem:v54+s22+$0x0], $0xffff;
	[tilespmem:s21+$0x30] =	vst v35;
	v35 =	vpop (erf)  }
0x43e: {  	v18 =	vor.u32 v7, v18;
	v62 =	vld [tilespmem:s21+$0x40];
	v61 =	vpop (erf)  }
0x43f: {  	v38 =	vmul.f32 v38, v20;
	v46 =	vadd.f32 v56, v56;
	v42 =	vld.idx.msk [tilespmem:v55+s22+$0x0], $0xffff;
	v50 =	vadd.f32 v61, v61  }
0x440: {  	v52 =	vor.u32 v5, v25;
	v63 =	vadd.f32 $1.000000000e+00, v57;
	v47 =	vadd.f32 v58, v58  }
0x441: {  	v51 =	vld [tilespmem:s13+$0xFFFFFFF0];
	v53 =	vor.u32 v4, v29;
	[tilespmem:s17+$0x50] =	vst v38;
	v46 =	vsub.f32 $1.000000000e+00, v46;
	v56 =	vpop (erf);
	v50 =	vsub.f32 $1.000000000e+00, v50  }
0x442: {  	v48 =	vld.idx.msk [tilespmem:v59+s22+$0x0], $0xffff;
	(erf) = vrcp.f32 v63;
	v58 =	vadd.f32 v60, v44;
	v43 =	vadd.f32 v56, v56  }
0x443: {  	v57 =	vld [tilespmem:s17+$0x60];
	v47 =	vsub.f32 $1.000000000e+00, v47;
	v46 =	vmul.f32 v46, v31;
	v59 =	vmul.f32 v50, v14  }
0x444: {  	v60 =	vld [tilespmem:s17+$0xFFFFFFD0];
	v61 =	vor.u32 v3, v33;
	v42 =	vadd.f32 v62, v42;
	v43 =	vsub.f32 $1.000000000e+00, v43  }
0x445: {  	v38 =	vmul.f32 $1.442695020e+00, v58;
	v47 =	vmul.f32 v47, v22;
	v62 =	vld [tilespmem:s19+$0xFFFFFFC0];
	[tilespmem:s13+$0xFFFFFFE0] =	vst v59  }
0x446: {  	v35 =	vadd.f32 v35, v35;
	[tilespmem:s19+$0xFFFFFFB0] =	vst v46;
	v42 =	vmul.f32 $1.442695020e+00, v42;
	v43 =	vmul.f32 v43, v36;
	v18 =	vld.idx.msk [tilespmem:v18+s22+$0x0], $0xffff  }
0x447: {  	(erf) = vpow2.f32 v38;
	v53 =	vld.idx.msk [tilespmem:v53+s22+$0x0], $0xffff;
	[tilespmem:s17+$0xFFFFFFC0] =	vst v47  }
0x448: {  	v63 =	vor.u32 v6, v19;
	v35 =	vsub.f32 $1.000000000e+00, v35;
	v47 =	vld.idx.msk [tilespmem:v52+s22+$0x0], $0xffff;
	(erf) = vpow2.f32 v42;
	[tilespmem:s21+$0xFFFFFFA0] =	vst v43  }
0x449: {  	v52 =	vld.idx.msk [tilespmem:v61+s22+$0x0], $0xffff  }
0x44a: {  	v54 =	vadd.f32 v57, v48;
	v35 =	vmul.f32 v35, v17  }
0x44b: {  	v18 =	vadd.f32 v51, v18  }
0x44c: {  	v45 =	vadd.f32 v45, v45;
	v57 =	vld [tilespmem:s16+$0xFFFFFFE0];
	v55 =	vmul.f32 $1.442695020e+00, v54;
	[tilespmem:s16+$0xFFFFFFD0] =	vst v35  }
0x44d: {  	v23 =	vor.u32 v7, v23;
	v35 =	vld.idx.msk [tilespmem:v63+s22+$0x0], $0xffff;
	v59 =	vadd.f32 v62, v53;
	v56 =	vadd.f32 v60, v47  }
0x44e: {  	(erf) = vpow2.f32 v55;
	v58 =	vmul.f32 $1.442695020e+00, v18;
	v37 =	vadd.f32 v37, v52  }
0x44f: {  	v62 =	vsub.f32 $1.000000000e+00, v45;
	v38 =	vmul.f32 $1.442695020e+00, v59;
	v60 =	vmul.f32 $1.442695020e+00, v56;
	v18 =	vpop (erf)  }
0x450: {  	(erf) = vpow2.f32 v58;
	v61 =	vpop (erf);
	v37 =	vmul.f32 $1.442695020e+00, v37  }
0x451: {  	v48 =	vmul.f32 v62, v16;
	(erf) = vpow2.f32 v60;
	v63 =	vpop (erf)  }
0x452: {  	v35 =	vadd.f32 v57, v35;
	v47 =	vadd.f32 $1.000000000e+00, v63;
	(erf) = vpow2.f32 v37  }
0x453: {  	v49 =	vld [tilespmem:s16+$0x70];
	[tilespmem:s16+$0x60] =	vst v48;
	v43 =	vadd.f32 $1.000000000e+00, v61;
	(erf) = vpow2.f32 v38  }
0x454: {  	v23 =	vld.idx.msk [tilespmem:v23+s22+$0x0], $0xffff;
	v35 =	vmul.f32 $1.442695020e+00, v35;
	(erf) = vrcp.f32 v47  }
0x455: {  	(erf) = vrcp.f32 v43  }
0x456: {  	(erf) = vpow2.f32 v35;
	_ =	sdelay $0x1  }
0x457: {  	v50 =	vpop (erf)  }
0x458: {  	v23 =	vadd.f32 v49, v23;
	v51 =	vpop (erf)  }
0x459: {  	v37 =	vadd.f32 $1.000000000e+00, v51;
	v52 =	vpop (erf)  }
0x45a: {  	v23 =	vmul.f32 $1.442695020e+00, v23;
	v35 =	vadd.f32 $1.000000000e+00, v50;
	v53 =	vpop (erf)  }
0x45b: {  	(erf) = vrcp.f32 v37;
	v54 =	vadd.f32 $1.000000000e+00, v53;
	v55 =	vpop (erf)  }
0x45c: {  	(erf) = vrcp.f32 v35;
	v56 =	vpop (erf)  }
0x45d: {  	v58 =	vadd.f32 $1.000000000e+00, v55;
	(erf) = vrcp.f32 v54;
	v57 =	vpop (erf)  }
0x45e: {  	v59 =	vadd.f32 $1.000000000e+00, v52;
	(erf) = vpow2.f32 v23;
	v23 =	vpop (erf)  }
0x45f: {  	(erf) = vrcp.f32 v58;
	v23 =	vadd.f32 $1.000000000e+00, v23  }
0x460: {  	(erf) = vrcp.f32 v59  }
0x461: {  	(erf) = vrcp.f32 v23  }
0x462: {  	v60 =	vadd.f32 v56, v56;
	_ =	sdelay $0x1  }
0x463: {  	v61 =	vor.u32 v5, v34;
	v37 =	vsub.f32 $1.000000000e+00, v60;
	v23 =	vpop (erf)  }
0x464: {  	v42 =	vpop (erf)  }
0x465: {  	v37 =	vmul.f32 v37, v39;
	v62 =	vpop (erf)  }
0x466: {  	v63 =	vpop (erf)  }
0x467: {  	v56 =	vld [tilespmem:s21+$0x50];
	v35 =	vadd.f32 v57, v57;
	[tilespmem:s21+$0x40] =	vst v37;
	v52 =	vpop (erf)  }
0x468: {  	v38 =	vld.idx.msk [tilespmem:v61+s22+$0x0], $0xffff;
	v53 =	vpop (erf)  }
0x469: {  	v54 =	vor.u32 v6, v32;
	v35 =	vsub.f32 $1.000000000e+00, v35;
	v55 =	vpop (erf)  }
0x46a: {  	v47 =	vadd.f32 v55, v55  }
0x46b: {  	v19 =	vor.u32 v7, v19;
	v35 =	vmul.f32 v35, v30  }
0x46c: {  	v49 =	vor.u32 v6, v25;
	v57 =	vadd.f32 v52, v52;
	v47 =	vsub.f32 $1.000000000e+00, v47  }
0x46d: {  	v60 =	vor.u32 v5, v29;
	[tilespmem:s19+$0x50] =	vst v35;
	v61 =	vld [tilespmem:s19+$0x60];
	v43 =	vadd.f32 v62, v62;
	v38 =	vadd.f32 v56, v38  }
0x46e: {  	v58 =	vld.idx.msk [tilespmem:v54+s22+$0x0], $0xffff;
	v37 =	vadd.f32 v53, v53;
	v35 =	vsub.f32 $1.000000000e+00, v57;
	v59 =	vmul.f32 v47, v17  }
0x46f: {  	v62 =	vor.u32 v4, v33;
	v44 =	vadd.f32 $1.000000000e+00, v63;
	v63 =	vld [tilespmem:s19+$0xFFFFFFD0];
	v43 =	vsub.f32 $1.000000000e+00, v43  }
0x470: {  	v52 =	vld [tilespmem:s16+$0xFFFFFFF0];
	v38 =	vmul.f32 $1.442695020e+00, v38;
	v37 =	vsub.f32 $1.000000000e+00, v37;
	v35 =	vmul.f32 v35, v31;
	[tilespmem:s16+$0xFFFFFFE0] =	vst v59  }
0x471: {  	(erf) = vrcp.f32 v44;
	v43 =	vmul.f32 v43, v36;
	v19 =	vld.idx.msk [tilespmem:v19+s22+$0x0], $0xffff  }
0x472: {  	v53 =	vld [tilespmem:s21+$0xFFFFFFC0];
	(erf) = vpow2.f32 v38;
	v54 =	vmul.f32 v37, v22;
	[tilespmem:s19+$0xFFFFFFC0] =	vst v35  }
0x473: {  	[tilespmem:s21+$0xFFFFFFB0] =	vst v43;
	v55 =	vld.idx.msk [tilespmem:v60+s22+$0x0], $0xffff  }
0x474: {  	v56 =	vld.idx.msk [tilespmem:v62+s22+$0x0], $0xffff;
	[tilespmem:s17+$0xFFFFFFD0] =	vst v54  }
0x475: {  	v42 =	vadd.f32 v42, v42;
	v57 =	vadd.f32 v61, v58;
	v58 =	vld.idx.msk [tilespmem:v49+s22+$0x0], $0xffff  }
0x476: {  	v59 =	vld [tilespmem:s17+$0xFFFFFFE0];
	v19 =	vadd.f32 v52, v19  }
0x477: {  	v62 =	vsub.f32 $1.000000000e+00, v42;
	v35 =	vmul.f32 $1.442695020e+00, v57  }
0x478: {  	v26 =	vor.u32 v7, v26;
	v37 =	vadd.f32 v63, v55;
	v60 =	vmul.f32 $1.442695020e+00, v19  }
0x479: {  	v38 =	vmul.f32 v62, v20;
	(erf) = vpow2.f32 v35;
	v61 =	vadd.f32 v53, v56  }
0x47a: {  	v37 =	vmul.f32 $1.442695020e+00, v37;
	v19 =	vpop (erf);
	(erf) = vpow2.f32 v60  }
0x47b: {  	v35 =	vmul.f32 $1.442695020e+00, v61;
	v43 =	vadd.f32 v59, v58;
	v63 =	vpop (erf)  }
0x47c: {  	v45 =	vld [tilespmem:s17+$0x70];
	[tilespmem:s17+$0x60] =	vst v38;
	(erf) = vpow2.f32 v37;
	v42 =	vadd.f32 $1.000000000e+00, v63  }
0x47d: {  	v26 =	vld.idx.msk [tilespmem:v26+s22+$0x0], $0xffff;
	v46 =	vmul.f32 $1.442695020e+00, v43;
	(erf) = vpow2.f32 v35  }
0x47e: {  	(erf) = vrcp.f32 v42  }
0x47f: {  	(erf) = vpow2.f32 v46;
	_ =	sdelay $0x2  }
0x480: {  	v26 =	vadd.f32 v45, v26;
	v47 =	vpop (erf)  }
0x481: {  	v48 =	vpop (erf)  }
0x482: {  	v26 =	vmul.f32 $1.442695020e+00, v26;
	v49 =	vadd.f32 $1.000000000e+00, v48  }
0x483: {  	v35 =	vadd.f32 $1.000000000e+00, v47;
	v50 =	vpop (erf)  }
0x484: {  	v51 =	vpop (erf);
	(erf) = vrcp.f32 v49  }
0x485: {  	v37 =	vadd.f32 $1.000000000e+00, v51;
	(erf) = vrcp.f32 v35;
	v52 =	vpop (erf)  }
0x486: {  	v38 =	vadd.f32 $1.000000000e+00, v50;
	(erf) = vpow2.f32 v26;
	v26 =	vpop (erf)  }
0x487: {  	(erf) = vrcp.f32 v37;
	v26 =	vadd.f32 $1.000000000e+00, v26  }
0x488: {  	(erf) = vrcp.f32 v38  }
0x489: {  	(erf) = vrcp.f32 v26;
	_ =	sdelay $0x3  }
0x48a: {  	v26 =	vpop (erf)  }
0x48b: {  	v37 =	vpop (erf)  }
0x48c: {  	v38 =	vpop (erf)  }
0x48d: {  	v53 =	vpop (erf)  }
0x48e: {  	v54 =	vpop (erf)  }
0x48f: {  	v35 =	vadd.f32 v52, v52;
	v56 =	vpop (erf)  }
0x490: {  	v45 =	vadd.f32 v56, v56  }
0x491: {  	v55 =	vor.u32 v6, v34;
	v35 =	vsub.f32 $1.000000000e+00, v35  }
0x492: {  	v25 =	vor.u32 v7, v25;
	v45 =	vsub.f32 $1.000000000e+00, v45  }
0x493: {  	v35 =	vmul.f32 v35, v39;
	v57 =	vadd.f32 v53, v53  }
0x494: {  	v61 =	vld [tilespmem:s21+$0x60];
	v43 =	vadd.f32 v54, v54;
	v59 =	vmul.f32 v45, v22  }
0x495: {  	v60 =	vor.u32 v5, v33;
	v52 =	vld [tilespmem:s17+$0xFFFFFFF0];
	[tilespmem:s21+$0x50] =	vst v35;
	v35 =	vsub.f32 $1.000000000e+00, v57  }
0x496: {  	v62 =	vor.u32 v6, v29;
	v58 =	vld.idx.msk [tilespmem:v55+s22+$0x0], $0xffff;
	v43 =	vsub.f32 $1.000000000e+00, v43;
	[tilespmem:s17+$0xFFFFFFE0] =	vst v59  }
0x497: {  	v35 =	vmul.f32 v35, v36;
	v25 =	vld.idx.msk [tilespmem:v25+s22+$0x0], $0xffff  }
0x498: {  	v63 =	vld [tilespmem:s21+$0xFFFFFFD0];
	v43 =	vmul.f32 v43, v31  }
0x499: {  	v53 =	vld [tilespmem:s19+$0xFFFFFFE0];
	[tilespmem:s21+$0xFFFFFFC0] =	vst v35  }
0x49a: {  	v35 =	vld.idx.msk [tilespmem:v60+s22+$0x0], $0xffff;
	[tilespmem:s19+$0xFFFFFFD0] =	vst v43  }
0x49b: {  	v42 =	vadd.f32 v61, v58;
	v43 =	vld.idx.msk [tilespmem:v62+s22+$0x0], $0xffff  }
0x49c: {  	v38 =	vadd.f32 $1.000000000e+00, v38;
	v25 =	vadd.f32 v52, v25  }
0x49d: {  	v37 =	vadd.f32 v37, v37;
	v42 =	vmul.f32 $1.442695020e+00, v42  }
0x49e: {  	(erf) = vrcp.f32 v38;
	v25 =	vmul.f32 $1.442695020e+00, v25  }
0x49f: {  	v37 =	vsub.f32 $1.000000000e+00, v37;
	(erf) = vpow2.f32 v42;
	v35 =	vadd.f32 v63, v35  }
0x4a0: {  	v54 =	vor.u32 v7, v32;
	(erf) = vpow2.f32 v25;
	v25 =	vadd.f32 v53, v43  }
0x4a1: {  	v35 =	vmul.f32 $1.442695020e+00, v35  }
0x4a2: {  	v37 =	vmul.f32 v37, v30;
	v25 =	vmul.f32 $1.442695020e+00, v25  }
0x4a3: {  	(erf) = vpow2.f32 v35  }
0x4a4: {  	v55 =	vld [tilespmem:s19+$0x70];
	[tilespmem:s19+$0x60] =	vst v37;
	(erf) = vpow2.f32 v25  }
0x4a5: {  	v25 =	vld.idx.msk [tilespmem:v54+s22+$0x0], $0xffff;
	_ =	sdelay $0x1  }
0x4a6: {  	v32 =	vpop (erf)  }
0x4a7: {  	v56 =	vpop (erf)  }
0x4a8: {  	v57 =	vpop (erf)  }
0x4a9: {  	v25 =	vadd.f32 v55, v25;
	v37 =	vadd.f32 $1.000000000e+00, v57  }
0x4aa: {  	v35 =	vadd.f32 $1.000000000e+00, v56  }
0x4ab: {  	v58 =	vpop (erf);
	v25 =	vmul.f32 $1.442695020e+00, v25;
	(erf) = vrcp.f32 v37  }
0x4ac: {  	v59 =	vadd.f32 $1.000000000e+00, v58;
	(erf) = vrcp.f32 v35;
	v60 =	vpop (erf)  }
0x4ad: {  	(erf) = vpow2.f32 v25;
	v25 =	vadd.f32 $1.000000000e+00, v60  }
0x4ae: {  	(erf) = vrcp.f32 v59  }
0x4af: {  	(erf) = vrcp.f32 v25;
	_ =	sdelay $0x4  }
0x4b0: {  	v25 =	vpop (erf)  }
0x4b1: {  	v61 =	vpop (erf)  }
0x4b2: {  	v62 =	vpop (erf)  }
0x4b3: {  	v63 =	vpop (erf)  }
0x4b4: {  	v45 =	vpop (erf)  }
0x4b5: {  	v42 =	vadd.f32 v45, v45;
	_ =	sdelay $0x1  }
0x4b6: {  	v29 =	vor.u32 v7, v29;
	v38 =	vadd.f32 v63, v63;
	v42 =	vsub.f32 $1.000000000e+00, v42;
	_ =	sdelay $0x1  }
0x4b7: {  	v46 =	vor.u32 v6, v33;
	v38 =	vsub.f32 $1.000000000e+00, v38;
	v42 =	vmul.f32 v42, v31;
	_ =	sdelay $0x1  }
0x4b8: {  	v47 =	vld [tilespmem:s19+$0xFFFFFFF0];
	v38 =	vmul.f32 v38, v36;
	[tilespmem:s19+$0xFFFFFFE0] =	vst v42  }
0x4b9: {  	v29 =	vld.idx.msk [tilespmem:v29+s22+$0x0], $0xffff  }
0x4ba: {  	v49 =	vld [tilespmem:s21+$0xFFFFFFE0];
	[tilespmem:s21+$0xFFFFFFD0] =	vst v38  }
0x4bb: {  	v48 =	vld.idx.msk [tilespmem:v46+s22+$0x0], $0xffff;
	_ =	sdelay $0x2  }
0x4bc: {  	v29 =	vadd.f32 v47, v29  }
0x4bd: {  	v35 =	vadd.f32 v61, v61;
	v37 =	vadd.f32 $1.000000000e+00, v62  }
0x4be: {  	v50 =	vadd.f32 v49, v48;
	v29 =	vmul.f32 $1.442695020e+00, v29  }
0x4bf: {  	v51 =	vor.u32 v7, v34;
	v35 =	vsub.f32 $1.000000000e+00, v35;
	(erf) = vrcp.f32 v37  }
0x4c0: {  	(erf) = vpow2.f32 v29;
	v29 =	vmul.f32 $1.442695020e+00, v50  }
0x4c1: {  	v35 =	vmul.f32 v35, v39  }
0x4c2: {  	(erf) = vpow2.f32 v29  }
0x4c3: {  	v52 =	vld [tilespmem:s21+$0x70];
	[tilespmem:s21+$0x60] =	vst v35  }
0x4c4: {  	v29 =	vld.idx.msk [tilespmem:v51+s22+$0x0], $0xffff;
	_ =	sdelay $0x3  }
0x4c5: {  	v53 =	vpop (erf)  }
0x4c6: {  	v29 =	vadd.f32 v52, v29;
	v54 =	vpop (erf)  }
0x4c7: {  	v35 =	vadd.f32 $1.000000000e+00, v54  }
0x4c8: {  	v29 =	vmul.f32 $1.442695020e+00, v29;
	v55 =	vpop (erf)  }
0x4c9: {  	(erf) = vrcp.f32 v35;
	v56 =	vadd.f32 $1.000000000e+00, v55  }
0x4ca: {  	(erf) = vpow2.f32 v29  }
0x4cb: {  	(erf) = vrcp.f32 v56;
	_ =	sdelay $0x6  }
0x4cc: {  	v29 =	vpop (erf)  }
0x4cd: {  	v57 =	vpop (erf)  }
0x4ce: {  	v58 =	vpop (erf)  }
0x4cf: {  	v37 =	vadd.f32 v58, v58;
	_ =	sdelay $0x1  }
0x4d0: {  	v59 =	vor.u32 v7, v33;
	v37 =	vsub.f32 $1.000000000e+00, v37;
	_ =	sdelay $0x1  }
0x4d1: {  	v37 =	vmul.f32 v37, v36;
	_ =	sdelay $0x1  }
0x4d2: {  	v60 =	vld [tilespmem:s21+$0xFFFFFFF0];
	[tilespmem:s21+$0xFFFFFFE0] =	vst v37  }
0x4d3: {  	v33 =	vld.idx.msk [tilespmem:v59+s22+$0x0], $0xffff;
	_ =	sdelay $0x4  }
0x4d4: {  	v33 =	vadd.f32 v60, v33  }
0x4d5: {  	v35 =	vadd.f32 $1.000000000e+00, v57  }
0x4d6: {  	v33 =	vmul.f32 $1.442695020e+00, v33  }
0x4d7: {  	(erf) = vrcp.f32 v35  }
0x4d8: {  	(erf) = vpow2.f32 v33;
	_ =	sdelay $0x5  }
0x4d9: {  	v28 =	vadd.f32 v28, v28;
	_ =	sdelay $0x1  }
0x4da: {  	v28 =	vsub.f32 $1.000000000e+00, v28;
	v61 =	vadd.f32 v41, v41;
	v63 =	vpop (erf)  }
0x4db: {  	v27 =	vadd.f32 v27, v27;
	v62 =	vsub.f32 $1.000000000e+00, v40;
	v40 =	vpop (erf)  }
0x4dc: {  	v33 =	vsub.f32 $1.000000000e+00, v61;
	v41 =	vadd.f32 $1.000000000e+00, v40  }
0x4dd: {  	v27 =	vsub.f32 $1.000000000e+00, v27;
	v21 =	vadd.f32 v21, v21;
	v8 =	vmul.f32 v62, v8  }
0x4de: {  	v24 =	vadd.f32 v24, v24;
	v9 =	vmul.f32 v33, v9;
	(erf) = vrcp.f32 v41  }
0x4df: {  	v18 =	vadd.f32 v18, v18;
	[tilespmem:s6+$0x70] =	vst v8;
	v8 =	vmul.f32 v28, v11;
	v11 =	vsub.f32 $1.000000000e+00, v21  }
0x4e0: {  	v21 =	vadd.f32 v23, v23;
	[tilespmem:s6+$0xFFFFFFF0] =	vst v9;
	v9 =	vmul.f32 v27, v10;
	v10 =	vsub.f32 $1.000000000e+00, v24  }
0x4e1: {  	[tilespmem:s9+$0x70] =	vst v8;
	v8 =	vmul.f32 v11, v12;
	v11 =	vsub.f32 $1.000000000e+00, v18;
	v12 =	vadd.f32 v19, v19  }
0x4e2: {  	[tilespmem:s9+$0xFFFFFFF0] =	vst v9;
	v9 =	vmul.f32 v10, v13;
	v10 =	vsub.f32 $1.000000000e+00, v21;
	v13 =	vadd.f32 v26, v26  }
0x4e3: {  	[tilespmem:s12+$0x70] =	vst v8;
	v8 =	vmul.f32 v11, v15;
	v11 =	vsub.f32 $1.000000000e+00, v12;
	v12 =	vadd.f32 v32, v32  }
0x4e4: {  	[tilespmem:s12+$0xFFFFFFF0] =	vst v9;
	v9 =	vmul.f32 v10, v14;
	v10 =	vsub.f32 $1.000000000e+00, v13;
	v13 =	vadd.f32 v25, v25  }
0x4e5: {  	[tilespmem:s13+$0x70] =	vst v8;
	v8 =	vmul.f32 v11, v16;
	v11 =	vsub.f32 $1.000000000e+00, v12;
	v12 =	vadd.f32 v53, v53  }
0x4e6: {  	[tilespmem:s13+$0xFFFFFFF0] =	vst v9;
	v9 =	vmul.f32 v10, v17;
	v10 =	vsub.f32 $1.000000000e+00, v13;
	v13 =	vadd.f32 v29, v29  }
0x4e7: {  	[tilespmem:s16+$0x70] =	vst v8;
	v8 =	vmul.f32 v11, v20;
	v11 =	vsub.f32 $1.000000000e+00, v12;
	v12 =	vadd.f32 v63, v63;
	v14 =	vpop (erf)  }
0x4e8: {  	[tilespmem:s16+$0xFFFFFFF0] =	vst v9;
	v9 =	vmul.f32 v10, v22;
	v10 =	vsub.f32 $1.000000000e+00, v13;
	v13 =	vadd.f32 v14, v14  }
0x4e9: {  	[tilespmem:s17+$0x70] =	vst v8;
	v8 =	vmul.f32 v11, v30;
	v11 =	vsub.f32 $1.000000000e+00, v12  }
0x4ea: {  	[tilespmem:s17+$0xFFFFFFF0] =	vst v9;
	v9 =	vmul.f32 v10, v31;
	v10 =	vsub.f32 $1.000000000e+00, v13  }
0x4eb: {  	s0 =	smul.u32 $0x280, s31;
	[tilespmem:s19+$0x70] =	vst v8;
	v8 =	vmul.f32 v11, v39  }
0x4ec: {  	[tilespmem:s19+$0xFFFFFFF0] =	vst v9;
	v9 =	vmul.f32 v10, v36  }
0x4ed: {  	s0 =	sshra.s32 s0, $0x2;
	[tilespmem:s21+$0x70] =	vst v8  }
0x4ee: {  	s2 =	sadd.s32 $0x179B0, s0;
	[tilespmem:s21+$0xFFFFFFF0] =	vst v9  }
0x4ef: {  	[spmem:s5] =	stream.indirect.scatter.add.f32 [tilespmem:s15], [sflag:$0x2], $0x80, s2, s8, $0xb8;
	[tilespmem:$0x1D180] =	vst v63  }
0x4f0: {  	s26 =	sadd.s32 $0xFFFFFFFE, s30;
	_ =	swait.ge [sflag:s11], $0x2800  }
0x4f1: {  	s3 =	sadd.s32 $0x53, s26;
	[sflag:s11] =	ssyncset.done $0x0  }
0x4f2: {  	v8 =	vmov s3;
	[sflag:s11] =	ssyncadd.s32 $0xFFFFD800  }
0x4f3: {  	_ =	swait.ge [sflag:s20], $0x2800  }
0x4f4: {  	s2 =	sadd.s32 $0x52, s26;
	[sflag:s20] =	ssyncset.done $0x0  }
0x4f5: {  	s0 =	sadd.s32 $0x17280, s0;
	v9 =	vmov s2;
	[sflag:s20] =	ssyncadd.s32 $0xFFFFD800  }
0x4f6: {  	v9 =	vand.u32 $0xFFFFFFFE, v9;
	[tilespmem:s15], [sflag:$0x1] =	stream.indirect.gather [hbm4b:s4+s8], $0x80, s0, s8, $0xb8;
	[tilespmem:$0x1D180] =	vst v63  }
0x4f7: {  	v9 =	vbroadcast v9, $0x0;
	v10 =	vld.idx.msk [tilespmem:v8+s23+$0x0], $0xffff;
	_ =	sdelay $0x4  }
0x4f8: {  	v30 =	vshll.u32 v10, $0x7  }
0x4f9: {  	v11 =	vld.idx.msk [tilespmem:v9+s23+$0x0], $0xffff;
	v10 =	vor.u32 v0, v30;
	_ =	sdelay $0x2  }
0x4fa: {  	s6 =	simm.s32 $0x1AA00  }
0x4fb: {  	v12 =	vld [tilespmem:s6+$0x0]  }
0x4fc: {  	v33 =	vshll.u32 v11, $0x7;
	v10 =	vld.idx.msk [tilespmem:v10+s22+$0x0], $0xffff  }
0x4fd: {  	v11 =	vor.u32 v0, v33;
	_ =	sdelay $0x3  }
0x4fe: {  	v10 =	vadd.f32 v12, v10  }
0x4ff: {  	v11 =	vld.idx.msk [tilespmem:v11+s22+$0x0], $0xffff  }
0x500: {  	v12 =	vld [tilespmem:s6+$0xFFFFFF80];
	v10 =	vmul.f32 $1.442695020e+00, v10;
	_ =	sdelay $0x1  }
0x501: {  	v14 =	vld [tilespmem:s6+$0xFFFFFFB0];
	(erf) = vpow2.f32 v10;
	_ =	sdelay $0x2  }
0x502: {  	v10 =	vadd.f32 v12, v11;
	_ =	sdelay $0x1  }
0x503: {  	v10 =	vmul.f32 $1.442695020e+00, v10;
	_ =	sdelay $0x1  }
0x504: {  	(erf) = vpow2.f32 v10;
	_ =	sdelay $0x1  }
0x505: {  	v10 =	vpop (erf)  }
0x506: {  	v10 =	vadd.f32 $1.000000000e+00, v10;
	_ =	sdelay $0x1  }
0x507: {  	(erf) = vrcp.f32 v10;
	_ =	sdelay $0x3  }
0x508: {  	v10 =	vpop (erf)  }
0x509: {  	v10 =	vadd.f32 $1.000000000e+00, v10;
	_ =	sdelay $0x3  }
0x50a: {  	v8 =	vld.idx.msk [tilespmem:v8+s24+$0x0], $0xffff;
	(erf) = vrcp.f32 v10;
	v10 =	vpop (erf)  }
0x50b: {  	s28 =	sadd.s32 $0x0, s30;
	v10 =	vadd.f32 v10, v10  }
0x50c: {  	s29 =	sadd.s32 $0x53, s28  }
0x50d: {  	s0 =	sadd.s32 $0x52, s28;
	v11 =	vmov s29;
	v10 =	vsub.f32 $1.000000000e+00, v10  }
0x50e: {  	v13 =	vmov s0  }
0x50f: {  	v13 =	vand.u32 $0xFFFFFFFE, v13;
	v12 =	vor.u32 v1, v30;
	v10 =	vmul.f32 v10, v8  }
0x510: {  	v13 =	vbroadcast v13, $0x0  }
0x511: {  	v9 =	vld.idx.msk [tilespmem:v9+s24+$0x0], $0xffff  }
0x512: {  	v15 =	vld.idx.msk [tilespmem:v11+s23+$0x0], $0xffff  }
0x513: {  	v16 =	vld [tilespmem:s6+$0x10];
	[tilespmem:s6+$0x0] =	vst v10;
	v10 =	vpop (erf)  }
0x514: {  	v12 =	vld.idx.msk [tilespmem:v12+s22+$0x0], $0xffff;
	v10 =	vadd.f32 v10, v10;
	_ =	sdelay $0x1  }
0x515: {  	v17 =	vor.u32 v1, v33;
	v18 =	vld.idx.msk [tilespmem:v13+s23+$0x0], $0xffff;
	v10 =	vsub.f32 $1.000000000e+00, v10  }
0x516: {  	v37 =	vshll.u32 v15, $0x7  }
0x517: {  	v15 =	vor.u32 v0, v37;
	v10 =	vmul.f32 v10, v9  }
0x518: {  	v12 =	vadd.f32 v16, v12  }
0x519: {  	v16 =	vld [tilespmem:s6+$0xFFFFFF90];
	[tilespmem:s6+$0xFFFFFF80] =	vst v10  }
0x51a: {  	s9 =	simm.s32 $0x1AB00;
	v28 =	vshll.u32 v18, $0x7;
	v12 =	vmul.f32 $1.442695020e+00, v12;
	v10 =	vld.idx.msk [tilespmem:v17+s22+$0x0], $0xffff  }
0x51b: {  	v18 =	vld [tilespmem:s9+$0x0];
	v17 =	vor.u32 v0, v28  }
0x51c: {  	(erf) = vpow2.f32 v12;
	v12 =	vld.idx.msk [tilespmem:v15+s22+$0x0], $0xffff;
	_ =	sdelay $0x2  }
0x51d: {  	v10 =	vadd.f32 v16, v10  }
0x51e: {  	v15 =	vld.idx.msk [tilespmem:v17+s22+$0x0], $0xffff  }
0x51f: {  	v16 =	vld [tilespmem:s9+$0xFFFFFF80];
	v12 =	vadd.f32 v18, v12;
	v10 =	vmul.f32 $1.442695020e+00, v10;
	_ =	sdelay $0x1  }
0x520: {  	v12 =	vmul.f32 $1.442695020e+00, v12;
	(erf) = vpow2.f32 v10;
	_ =	sdelay $0x1  }
0x521: {  	(erf) = vpow2.f32 v12;
	v10 =	vpop (erf)  }
0x522: {  	v12 =	vadd.f32 v16, v15;
	v10 =	vadd.f32 $1.000000000e+00, v10;
	_ =	sdelay $0x1  }
0x523: {  	(erf) = vrcp.f32 v10;
	v10 =	vmul.f32 $1.442695020e+00, v12;
	_ =	sdelay $0x2  }
0x524: {  	(erf) = vpow2.f32 v10  }
0x525: {  	v10 =	vpop (erf)  }
0x526: {  	v10 =	vadd.f32 $1.000000000e+00, v10  }
0x527: {  	v12 =	vpop (erf)  }
0x528: {  	v12 =	vadd.f32 $1.000000000e+00, v12  }
0x529: {  	(erf) = vrcp.f32 v10  }
0x52a: {  	(erf) = vrcp.f32 v12;
	v10 =	vpop (erf)  }
0x52b: {  	v10 =	vadd.f32 v10, v10;
	_ =	sdelay $0x1  }
0x52c: {  	v12 =	vpop (erf);
	v10 =	vsub.f32 $1.000000000e+00, v10  }
0x52d: {  	v15 =	vor.u32 v2, v30;
	v12 =	vadd.f32 $1.000000000e+00, v12  }
0x52e: {  	v10 =	vmul.f32 v10, v8  }
0x52f: {  	(erf) = vrcp.f32 v12  }
0x530: {  	v11 =	vld.idx.msk [tilespmem:v11+s24+$0x0], $0xffff  }
0x531: {  	v12 =	vld [tilespmem:s6+$0x20];
	[tilespmem:s6+$0x10] =	vst v10;
	v16 =	vpop (erf)  }
0x532: {  	s3 =	sadd.s32 $0x2, s30;
	v15 =	vld.idx.msk [tilespmem:v15+s22+$0x0], $0xffff;
	v10 =	vpop (erf)  }
0x533: {  	s7 =	sadd.s32 $0x53, s3;
	s0 =	sadd.s32 $0x52, s3;
	v10 =	vadd.f32 v10, v10  }
0x534: {  	v18 =	vmov s7;
	v17 =	vmov s0  }
0x535: {  	v19 =	vor.u32 v1, v37;
	v17 =	vand.u32 $0xFFFFFFFE, v17;
	v20 =	vsub.f32 $1.000000000e+00, v10;
	_ =	sdelay $0x1  }
0x536: {  	v22 =	vld [tilespmem:s9+$0x10];
	v12 =	vadd.f32 v12, v15;
	v15 =	vmul.f32 v20, v11  }
0x537: {  	v10 =	vld.idx.msk [tilespmem:v13+s24+$0x0], $0xffff;
	v13 =	vbroadcast v17, $0x0;
	v17 =	vpop (erf)  }
0x538: {  	v21 =	vld.idx.msk [tilespmem:v18+s23+$0x0], $0xffff;
	v17 =	vadd.f32 v17, v17;
	[tilespmem:s9+$0x0] =	vst v15  }
0x539: {  	v12 =	vmul.f32 $1.442695020e+00, v12;
	v19 =	vld.idx.msk [tilespmem:v19+s22+$0x0], $0xffff  }
0x53a: {  	v15 =	vor.u32 v1, v28;
	v20 =	vsub.f32 $1.000000000e+00, v17  }
0x53b: {  	(erf) = vpow2.f32 v12  }
0x53c: {  	v12 =	vmul.f32 v20, v10;
	_ =	sdelay $0x1  }
0x53d: {  	v27 =	vshll.u32 v21, $0x7;
	v20 =	vld.idx.msk [tilespmem:v13+s23+$0x0], $0xffff;
	[tilespmem:s9+$0xFFFFFF80] =	vst v12;
	v19 =	vadd.f32 v22, v19  }
0x53e: {  	v23 =	vor.u32 v0, v27;
	v12 =	vld.idx.msk [tilespmem:v15+s22+$0x0], $0xffff  }
0x53f: {  	v15 =	vld [tilespmem:s9+$0xFFFFFF90];
	v19 =	vmul.f32 $1.442695020e+00, v19;
	_ =	sdelay $0x1  }
0x540: {  	s12 =	simm.s32 $0x1AC00;
	(erf) = vpow2.f32 v19  }
0x541: {  	v22 =	vld [tilespmem:s12+$0x0]  }
0x542: {  	v21 =	vshll.u32 v20, $0x7;
	v20 =	vld.idx.msk [tilespmem:v23+s22+$0x0], $0xffff;
	v19 =	vpop (erf)  }
0x543: {  	v23 =	vor.u32 v0, v21;
	v12 =	vadd.f32 v15, v12;
	v19 =	vadd.f32 $1.000000000e+00, v19;
	_ =	sdelay $0x1  }
0x544: {  	v12 =	vmul.f32 $1.442695020e+00, v12;
	(erf) = vrcp.f32 v19;
	_ =	sdelay $0x1  }
0x545: {  	v15 =	vadd.f32 v22, v20;
	v20 =	vld [tilespmem:s12+$0xFFFFFF80]  }
0x546: {  	v19 =	vld.idx.msk [tilespmem:v23+s22+$0x0], $0xffff  }
0x547: {  	v15 =	vmul.f32 $1.442695020e+00, v15;
	(erf) = vpow2.f32 v12;
	v12 =	vpop (erf)  }
0x548: {  	v12 =	vadd.f32 $1.000000000e+00, v12  }
0x549: {  	(erf) = vpow2.f32 v15;
	_ =	sdelay $0x1  }
0x54a: {  	v15 =	vadd.f32 v20, v19  }
0x54b: {  	(erf) = vrcp.f32 v12;
	v12 =	vpop (erf)  }
0x54c: {  	v15 =	vmul.f32 $1.442695020e+00, v15;
	v12 =	vadd.f32 v12, v12;
	_ =	sdelay $0x1  }
0x54d: {  	(erf) = vpow2.f32 v15;
	v15 =	vor.u32 v3, v30;
	v12 =	vsub.f32 $1.000000000e+00, v12  }
0x54e: {  	v19 =	vpop (erf)  }
0x54f: {  	v19 =	vadd.f32 $1.000000000e+00, v19;
	v12 =	vmul.f32 v12, v8  }
0x550: {  	v20 =	vpop (erf)  }
0x551: {  	v20 =	vadd.f32 $1.000000000e+00, v20;
	(erf) = vrcp.f32 v19;
	v19 =	vld [tilespmem:s6+$0x30];
	[tilespmem:s6+$0x20] =	vst v12  }
0x552: {  	v12 =	vld.idx.msk [tilespmem:v15+s22+$0x0], $0xffff  }
0x553: {  	(erf) = vrcp.f32 v20;
	v15 =	vpop (erf)  }
0x554: {  	v15 =	vadd.f32 v15, v15;
	_ =	sdelay $0x1  }
0x555: {  	v16 =	vadd.f32 v16, v16;
	v20 =	vpop (erf);
	v15 =	vsub.f32 $1.000000000e+00, v15  }
0x556: {  	v22 =	vor.u32 v2, v37;
	v20 =	vadd.f32 $1.000000000e+00, v20;
	v12 =	vadd.f32 v19, v12  }
0x557: {  	v16 =	vsub.f32 $1.000000000e+00, v16;
	v15 =	vmul.f32 v15, v11  }
0x558: {  	v23 =	vor.u32 v2, v33;
	(erf) = vrcp.f32 v20;
	v20 =	vmul.f32 $1.442695020e+00, v12  }
0x559: {  	s10 =	sadd.s32 $0x4, s30;
	v12 =	vld.idx.msk [tilespmem:v18+s24+$0x0], $0xffff  }
0x55a: {  	s13 =	sadd.s32 $0x53, s10;
	v16 =	vmul.f32 v16, v9;
	v19 =	vpop (erf);
	[tilespmem:s9+$0x10] =	vst v15;
	v18 =	vld [tilespmem:s9+$0x20];
	(erf) = vpow2.f32 v20  }
0x55b: {  	v25 =	vmov s13;
	v15 =	vpop (erf);
	v20 =	vld.idx.msk [tilespmem:v22+s22+$0x0], $0xffff  }
0x55c: {  	[tilespmem:s6+$0xFFFFFF90] =	vst v16;
	v15 =	vadd.f32 v15, v15  }
0x55d: {  	s0 =	sadd.s32 $0x52, s10;
	v16 =	vld.idx.msk [tilespmem:v23+s22+$0x0], $0xffff  }
0x55e: {  	v24 =	vmov s0;
	v23 =	vld [tilespmem:s6+$0xFFFFFFA0];
	v22 =	vor.u32 v1, v27;
	v15 =	vsub.f32 $1.000000000e+00, v15  }
0x55f: {  	v24 =	vand.u32 $0xFFFFFFFE, v24  }
0x560: {  	v26 =	vld.idx.msk [tilespmem:v25+s23+$0x0], $0xffff;
	v29 =	vbroadcast v24, $0x0;
	v15 =	vmul.f32 v15, v12;
	v18 =	vadd.f32 v18, v20  }
0x561: {  	v13 =	vld.idx.msk [tilespmem:v13+s24+$0x0], $0xffff;
	v20 =	vpop (erf)  }
0x562: {  	v31 =	vld [tilespmem:s12+$0x10];
	[tilespmem:s12+$0x0] =	vst v15;
	v15 =	vadd.f32 v20, v20;
	v18 =	vmul.f32 $1.442695020e+00, v18  }
0x563: {  	v42 =	vor.u32 v1, v21;
	v16 =	vadd.f32 v23, v16;
	v20 =	vld.idx.msk [tilespmem:v22+s22+$0x0], $0xffff;
	v22 =	vpop (erf)  }
0x564: {  	v15 =	vsub.f32 $1.000000000e+00, v15;
	(erf) = vpow2.f32 v18;
	v18 =	vadd.f32 $1.000000000e+00, v22  }
0x565: {  	v24 =	vshll.u32 v26, $0x7;
	v16 =	vmul.f32 $1.442695020e+00, v16  }
0x566: {  	v23 =	vor.u32 v0, v24;
	v15 =	vmul.f32 v15, v13;
	(erf) = vrcp.f32 v18;
	v18 =	vld.idx.msk [tilespmem:v29+s23+$0x0], $0xffff  }
0x567: {  	(erf) = vpow2.f32 v16  }
0x568: {  	[tilespmem:s12+$0xFFFFFF80] =	vst v15;
	v15 =	vadd.f32 v31, v20;
	v20 =	vld [tilespmem:s12+$0xFFFFFF90]  }
0x569: {  	s13 =	simm.s32 $0x1AD00;
	v16 =	vld.idx.msk [tilespmem:v42+s22+$0x0], $0xffff  }
0x56a: {  	v26 =	vld [tilespmem:s13+$0x0];
	v15 =	vmul.f32 $1.442695020e+00, v15  }
0x56b: {  	v23 =	vld.idx.msk [tilespmem:v23+s22+$0x0], $0xffff;
	v18 =	vshll.u32 v18, $0x7  }
0x56c: {  	(erf) = vpow2.f32 v15;
	v15 =	vor.u32 v0, v18;
	_ =	sdelay $0x1  }
0x56d: {  	v31 =	vpop (erf);
	v16 =	vadd.f32 v20, v16  }
0x56e: {  	v20 =	vadd.f32 $1.000000000e+00, v31;
	v31 =	vpop (erf)  }
0x56f: {  	v23 =	vadd.f32 v26, v23;
	v16 =	vmul.f32 $1.442695020e+00, v16;
	v26 =	vpop (erf)  }
0x570: {  	(erf) = vrcp.f32 v20;
	v20 =	vadd.f32 $1.000000000e+00, v26;
	v15 =	vld.idx.msk [tilespmem:v15+s22+$0x0], $0xffff  }
0x571: {  	(erf) = vpow2.f32 v16;
	v16 =	vld [tilespmem:s13+$0xFFFFFF80];
	_ =	sdelay $0x1  }
0x572: {  	v23 =	vmul.f32 $1.442695020e+00, v23;
	(erf) = vrcp.f32 v20  }
0x573: {  	v20 =	vpop (erf)  }
0x574: {  	(erf) = vpow2.f32 v23;
	v23 =	vadd.f32 v31, v31;
	v20 =	vadd.f32 $1.000000000e+00, v20  }
0x575: {  	v15 =	vadd.f32 v16, v15  }
0x576: {  	v26 =	vor.u32 v4, v30;
	v23 =	vsub.f32 $1.000000000e+00, v23;
	(erf) = vrcp.f32 v20  }
0x577: {  	v15 =	vmul.f32 $1.442695020e+00, v15  }
0x578: {  	v16 =	vmul.f32 v23, v8  }
0x579: {  	v20 =	vpop (erf)  }
0x57a: {  	v31 =	vld [tilespmem:s6+$0x40];
	[tilespmem:s6+$0x30] =	vst v16;
	v16 =	vadd.f32 v20, v20;
	v20 =	vpop (erf)  }
0x57b: {  	(erf) = vpow2.f32 v15;
	v23 =	vld.idx.msk [tilespmem:v26+s22+$0x0], $0xffff;
	v15 =	vpop (erf)  }
0x57c: {  	v26 =	vor.u32 v3, v37;
	v16 =	vsub.f32 $1.000000000e+00, v16;
	v15 =	vadd.f32 v15, v15  }
0x57d: {  	v20 =	vadd.f32 $1.000000000e+00, v20  }
0x57e: {  	v43 =	vpop (erf);
	v16 =	vmul.f32 v16, v11;
	v15 =	vsub.f32 $1.000000000e+00, v15  }
0x57f: {  	v44 =	vor.u32 v3, v33;
	v32 =	vadd.f32 $1.000000000e+00, v43;
	(erf) = vrcp.f32 v20;
	v45 =	vpop (erf)  }
0x580: {  	v20 =	vld [tilespmem:s9+$0x30];
	v23 =	vadd.f32 v31, v23;
	[tilespmem:s9+$0x20] =	vst v16;
	v15 =	vmul.f32 v15, v9;
	v16 =	vadd.f32 v45, v45  }
0x581: {  	(erf) = vrcp.f32 v32;
	v26 =	vld.idx.msk [tilespmem:v26+s22+$0x0], $0xffff  }
0x582: {  	v23 =	vmul.f32 $1.442695020e+00, v23;
	v16 =	vsub.f32 $1.000000000e+00, v16  }
0x583: {  	v19 =	vadd.f32 v19, v19  }
0x584: {  	v31 =	vor.u32 v2, v27;
	[tilespmem:s6+$0xFFFFFFA0] =	vst v15;
	(erf) = vpow2.f32 v23;
	v15 =	vpop (erf);
	v16 =	vmul.f32 v16, v12  }
0x585: {  	v46 =	vld.idx.msk [tilespmem:v44+s22+$0x0], $0xffff;
	v15 =	vadd.f32 $1.000000000e+00, v15  }
0x586: {  	v19 =	vsub.f32 $1.000000000e+00, v19;
	[tilespmem:s12+$0x10] =	vst v16;
	v16 =	vadd.f32 v20, v26  }
0x587: {  	s16 =	sadd.s32 $0x6, s30;
	v23 =	vld [tilespmem:s12+$0x20];
	(erf) = vrcp.f32 v15  }
0x588: {  	s0 =	sadd.s32 $0x52, s16;
	v19 =	vmul.f32 v19, v10;
	v15 =	vld.idx.msk [tilespmem:v25+s24+$0x0], $0xffff;
	v25 =	vor.u32 v2, v28  }
0x589: {  	v49 =	vmov s0;
	v20 =	vpop (erf);
	v31 =	vld.idx.msk [tilespmem:v31+s22+$0x0], $0xffff;
	v26 =	vmul.f32 $1.442695020e+00, v16  }
0x58a: {  	[tilespmem:s9+$0xFFFFFF90] =	vst v19;
	v19 =	vand.u32 $0xFFFFFFFE, v49;
	v14 =	vadd.f32 v14, v46;
	v16 =	vpop (erf)  }
0x58b: {  	s17 =	sadd.s32 $0x53, s16;
	(erf) = vpow2.f32 v26;
	v47 =	vadd.f32 v16, v16  }
0x58c: {  	v48 =	vmul.f32 $1.442695020e+00, v14;
	v14 =	vld.idx.msk [tilespmem:v29+s24+$0x0], $0xffff;
	v16 =	vmov s17  }
0x58d: {  	v26 =	vor.u32 v1, v24;
	v29 =	vld.idx.msk [tilespmem:v25+s22+$0x0], $0xffff;
	v25 =	vbroadcast v19, $0x0;
	v19 =	vpop (erf);
	v32 =	vsub.f32 $1.000000000e+00, v47  }
0x58e: {  	(erf) = vpow2.f32 v48;
	v23 =	vadd.f32 v23, v31;
	v19 =	vadd.f32 $1.000000000e+00, v19  }
0x58f: {  	v31 =	vld [tilespmem:s9+$0xFFFFFFA0];
	v32 =	vmul.f32 v32, v15  }
0x590: {  	v23 =	vmul.f32 $1.442695020e+00, v23;
	(erf) = vrcp.f32 v19;
	v19 =	vld [tilespmem:s13+$0x10];
	v51 =	vpop (erf)  }
0x591: {  	v50 =	vld.idx.msk [tilespmem:v16+s23+$0x0], $0xffff;
	[tilespmem:s13+$0x0] =	vst v32;
	v32 =	vadd.f32 v51, v51  }
0x592: {  	v26 =	vld.idx.msk [tilespmem:v26+s22+$0x0], $0xffff  }
0x593: {  	v52 =	vor.u32 v1, v18;
	v32 =	vsub.f32 $1.000000000e+00, v32  }
0x594: {  	(erf) = vpow2.f32 v23;
	v29 =	vadd.f32 v31, v29;
	v23 =	vpop (erf)  }
0x595: {  	v54 =	vadd.f32 $1.000000000e+00, v23;
	v32 =	vmul.f32 v32, v14  }
0x596: {  	v53 =	vld.idx.msk [tilespmem:v25+s23+$0x0], $0xffff;
	v29 =	vmul.f32 $1.442695020e+00, v29  }
0x597: {  	v56 =	vld [tilespmem:s13+$0xFFFFFF90];
	v23 =	vshll.u32 v50, $0x7;
	(erf) = vrcp.f32 v54;
	v19 =	vadd.f32 v19, v26;
	v26 =	vpop (erf);
	[tilespmem:s13+$0xFFFFFF80] =	vst v32  }
0x598: {  	v34 =	vor.u32 v0, v23;
	(erf) = vpow2.f32 v29;
	v26 =	vadd.f32 $1.000000000e+00, v26;
	v29 =	vld.idx.msk [tilespmem:v52+s22+$0x0], $0xffff  }
0x599: {  	v55 =	vmul.f32 $1.442695020e+00, v19  }
0x59a: {  	(erf) = vrcp.f32 v26  }
0x59b: {  	s16 =	simm.s32 $0x1AE00;
	v58 =	vpop (erf);
	v19 =	vshll.u32 v53, $0x7;
	(erf) = vpow2.f32 v55  }
0x59c: {  	v57 =	vld [tilespmem:s16+$0x0];
	v26 =	vor.u32 v0, v19  }
0x59d: {  	v60 =	vpop (erf);
	v59 =	vld.idx.msk [tilespmem:v34+s22+$0x0], $0xffff;
	v29 =	vadd.f32 v56, v29  }
0x59e: {  	v34 =	vadd.f32 $1.000000000e+00, v60  }
0x59f: {  	v29 =	vmul.f32 $1.442695020e+00, v29  }
0x5a0: {  	v44 =	vld [tilespmem:s16+$0xFFFFFF80];
	(erf) = vrcp.f32 v34;
	v62 =	vpop (erf)  }
0x5a1: {  	v38 =	vadd.f32 v58, v58;
	v26 =	vld.idx.msk [tilespmem:v26+s22+$0x0], $0xffff;
	v45 =	vpop (erf)  }
0x5a2: {  	v63 =	vor.u32 v5, v30;
	v32 =	vadd.f32 v57, v59;
	v36 =	vadd.f32 $1.000000000e+00, v45  }
0x5a3: {  	v61 =	vsub.f32 $1.000000000e+00, v38;
	v35 =	vadd.f32 v62, v62;
	(erf) = vpow2.f32 v29;
	v29 =	vpop (erf)  }
0x5a4: {  	v46 =	vor.u32 v4, v37;
	v32 =	vmul.f32 $1.442695020e+00, v32;
	(erf) = vrcp.f32 v36;
	v47 =	vpop (erf)  }
0x5a5: {  	v34 =	vmul.f32 v61, v8;
	v35 =	vsub.f32 $1.000000000e+00, v35;
	v48 =	vadd.f32 $1.000000000e+00, v47  }
0x5a6: {  	(erf) = vpow2.f32 v32;
	v26 =	vadd.f32 v44, v26  }
0x5a7: {  	v50 =	vld [tilespmem:s6+$0x50];
	[tilespmem:s6+$0x40] =	vst v34;
	v35 =	vmul.f32 v35, v11;
	(erf) = vrcp.f32 v48  }
0x5a8: {  	v49 =	vld.idx.msk [tilespmem:v63+s22+$0x0], $0xffff;
	v26 =	vmul.f32 $1.442695020e+00, v26  }
0x5a9: {  	v52 =	vld [tilespmem:s9+$0x40];
	[tilespmem:s9+$0x30] =	vst v35;
	v51 =	vpop (erf)  }
0x5aa: {  	v35 =	vld.idx.msk [tilespmem:v46+s22+$0x0], $0xffff;
	v34 =	vadd.f32 v51, v51;
	(erf) = vpow2.f32 v26  }
0x5ab: {  	v29 =	vadd.f32 v29, v29  }
0x5ac: {  	v54 =	vor.u32 v4, v33;
	v26 =	vor.u32 v3, v27;
	v34 =	vsub.f32 $1.000000000e+00, v34;
	v53 =	vpop (erf)  }
0x5ad: {  	v59 =	vor.u32 v3, v28;
	v32 =	vadd.f32 v50, v49;
	v29 =	vsub.f32 $1.000000000e+00, v29;
	v55 =	vpop (erf)  }
0x5ae: {  	v36 =	vadd.f32 $1.000000000e+00, v53;
	v34 =	vmul.f32 v34, v12;
	v40 =	vadd.f32 v55, v55  }
0x5af: {  	v32 =	vmul.f32 $1.442695020e+00, v32;
	v29 =	vmul.f32 v29, v9;
	v35 =	vadd.f32 v52, v35;
	v56 =	vpop (erf)  }
0x5b0: {  	v57 =	vld [tilespmem:s12+$0x30];
	(erf) = vrcp.f32 v36;
	[tilespmem:s12+$0x20] =	vst v34;
	v58 =	vadd.f32 $1.000000000e+00, v56;
	v40 =	vsub.f32 $1.000000000e+00, v40;
	v60 =	vpop (erf)  }
0x5b1: {  	v26 =	vld.idx.msk [tilespmem:v26+s22+$0x0], $0xffff;
	(erf) = vpow2.f32 v32;
	v35 =	vmul.f32 $1.442695020e+00, v35;
	v61 =	vadd.f32 v60, v60  }
0x5b2: {  	(erf) = vrcp.f32 v58;
	v62 =	vmul.f32 v40, v10  }
0x5b3: {  	v17 =	vld [tilespmem:s9+$0xFFFFFFB0];
	v44 =	vor.u32 v2, v24;
	[tilespmem:s6+$0xFFFFFFB0] =	vst v29;
	v29 =	vpop (erf);
	v32 =	vsub.f32 $1.000000000e+00, v61  }
0x5b4: {  	v63 =	vld [tilespmem:s6+$0xFFFFFFC0];
	(erf) = vpow2.f32 v35;
	v29 =	vadd.f32 $1.000000000e+00, v29;
	[tilespmem:s9+$0xFFFFFFA0] =	vst v62  }
0x5b5: {  	v20 =	vadd.f32 v20, v20;
	v34 =	vld.idx.msk [tilespmem:v59+s22+$0x0], $0xffff;
	v32 =	vmul.f32 v32, v15  }
0x5b6: {  	v45 =	vld.idx.msk [tilespmem:v54+s22+$0x0], $0xffff;
	v26 =	vadd.f32 v57, v26;
	(erf) = vrcp.f32 v29  }
0x5b7: {  	v20 =	vsub.f32 $1.000000000e+00, v20;
	v47 =	vld [tilespmem:s13+$0x20];
	[tilespmem:s13+$0x10] =	vst v32  }
0x5b8: {  	s19 =	sadd.s32 $0x8, s30;
	v46 =	vor.u32 v2, v21;
	v26 =	vmul.f32 $1.442695020e+00, v26;
	v35 =	vld.idx.msk [tilespmem:v44+s22+$0x0], $0xffff  }
0x5b9: {  	s21 =	sadd.s32 $0x52, s19;
	v29 =	vmul.f32 v20, v13;
	v32 =	vpop (erf)  }
0x5ba: {  	s0 =	sadd.s32 $0x53, s19;
	(erf) = vpow2.f32 v26;
	v26 =	vmov s21;
	v17 =	vadd.f32 v17, v34;
	v48 =	vpop (erf)  }
0x5bb: {  	v16 =	vld.idx.msk [tilespmem:v16+s24+$0x0], $0xffff;
	v50 =	vadd.f32 v63, v45;
	v20 =	vmov s0;
	v26 =	vand.u32 $0xFFFFFFFE, v26;
	v49 =	vpop (erf)  }
0x5bc: {  	v55 =	vld [tilespmem:s12+$0xFFFFFFA0];
	[tilespmem:s12+$0xFFFFFF90] =	vst v29;
	v29 =	vbroadcast v26, $0x0;
	v26 =	vmul.f32 $1.442695020e+00, v17;
	v51 =	vadd.f32 v49, v49  }
0x5bd: {  	v54 =	vor.u32 v1, v23;
	v52 =	vld.idx.msk [tilespmem:v46+s22+$0x0], $0xffff;
	v34 =	vmul.f32 $1.442695020e+00, v50;
	v53 =	vpop (erf);
	v35 =	vadd.f32 v47, v35  }
0x5be: {  	v17 =	vld.idx.msk [tilespmem:v25+s24+$0x0], $0xffff;
	v25 =	vadd.f32 $1.000000000e+00, v53;
	(erf) = vpow2.f32 v26;
	v36 =	vsub.f32 $1.000000000e+00, v51  }
0x5bf: {  	v26 =	vadd.f32 $1.000000000e+00, v48;
	v57 =	vpop (erf);
	(erf) = vpow2.f32 v34;
	v35 =	vmul.f32 $1.442695020e+00, v35  }
0x5c0: {  	v56 =	vld.idx.msk [tilespmem:v20+s23+$0x0], $0xffff;
	v58 =	vadd.f32 v57, v57;
	(erf) = vrcp.f32 v25;
	v36 =	vmul.f32 v36, v16  }
0x5c1: {  	(erf) = vrcp.f32 v26  }
0x5c2: {  	v61 =	vld [tilespmem:s16+$0x10];
	v25 =	vor.u32 v1, v19;
	v34 =	vsub.f32 $1.000000000e+00, v58;
	(erf) = vpow2.f32 v35;
	[tilespmem:s16+$0x0] =	vst v36  }
0x5c3: {  	v60 =	vadd.f32 v55, v52;
	v26 =	vpop (erf);
	v59 =	vld.idx.msk [tilespmem:v54+s22+$0x0], $0xffff  }
0x5c4: {  	v62 =	vadd.f32 $1.000000000e+00, v26;
	v34 =	vmul.f32 v34, v17  }
0x5c5: {  	v35 =	vmul.f32 $1.442695020e+00, v60;
	v26 =	vshll.u32 v56, $0x7  }
0x5c6: {  	v63 =	vld.idx.msk [tilespmem:v29+s23+$0x0], $0xffff;
	v48 =	vor.u32 v0, v26;
	(erf) = vrcp.f32 v62;
	[tilespmem:s16+$0xFFFFFF80] =	vst v34  }
0x5c7: {  	(erf) = vpow2.f32 v35;
	v34 =	vld.idx.msk [tilespmem:v25+s22+$0x0], $0xffff;
	v25 =	vpop (erf)  }
0x5c8: {  	v50 =	vpop (erf);
	v38 =	vadd.f32 v61, v59  }
0x5c9: {  	s17 =	simm.s32 $0x1AF00;
	v49 =	vld [tilespmem:s16+$0xFFFFFF90];
	v52 =	vadd.f32 $1.000000000e+00, v25;
	v53 =	vpop (erf)  }
0x5ca: {  	v51 =	vld [tilespmem:s17+$0x0];
	v55 =	vpop (erf);
	v38 =	vmul.f32 $1.442695020e+00, v38  }
0x5cb: {  	v54 =	vld.idx.msk [tilespmem:v48+s22+$0x0], $0xffff;
	v40 =	vadd.f32 $1.000000000e+00, v50;
	(erf) = vrcp.f32 v52;
	v57 =	vpop (erf)  }
0x5cc: {  	v25 =	vshll.u32 v63, $0x7;
	v58 =	vadd.f32 $1.000000000e+00, v57;
	(erf) = vpow2.f32 v38  }
0x5cd: {  	v56 =	vor.u32 v0, v25;
	(erf) = vrcp.f32 v40  }
0x5ce: {  	v34 =	vadd.f32 v49, v34;
	(erf) = vrcp.f32 v58  }
0x5cf: {  	v44 =	vadd.f32 v53, v53;
	v60 =	vpop (erf)  }
0x5d0: {  	v34 =	vmul.f32 $1.442695020e+00, v34;
	v39 =	vadd.f32 v51, v54;
	v62 =	vpop (erf)  }
0x5d1: {  	v61 =	vor.u32 v5, v37;
	v48 =	vld [tilespmem:s17+$0xFFFFFF80];
	v59 =	vsub.f32 $1.000000000e+00, v44;
	v41 =	vadd.f32 $1.000000000e+00, v62  }
0x5d2: {  	v63 =	vld.idx.msk [tilespmem:v56+s22+$0x0], $0xffff;
	v39 =	vmul.f32 $1.442695020e+00, v39;
	(erf) = vpow2.f32 v34  }
0x5d3: {  	v49 =	vadd.f32 v55, v55;
	v35 =	vmul.f32 v59, v11;
	(erf) = vrcp.f32 v41  }
0x5d4: {  	v38 =	vadd.f32 v60, v60;
	(erf) = vpow2.f32 v39;
	v40 =	vpop (erf)  }
0x5d5: {  	v50 =	vor.u32 v6, v30;
	v54 =	vld [tilespmem:s9+$0x50];
	[tilespmem:s9+$0x40] =	vst v35;
	v34 =	vsub.f32 $1.000000000e+00, v49;
	v53 =	vpop (erf)  }
0x5d6: {  	v52 =	vor.u32 v4, v27;
	v51 =	vld.idx.msk [tilespmem:v61+s22+$0x0], $0xffff;
	v38 =	vsub.f32 $1.000000000e+00, v38;
	v42 =	vadd.f32 $1.000000000e+00, v53;
	v55 =	vpop (erf)  }
0x5d7: {  	v34 =	vmul.f32 v34, v8;
	v43 =	vadd.f32 v48, v63;
	v56 =	vpop (erf)  }
0x5d8: {  	v38 =	vmul.f32 v38, v12;
	(erf) = vrcp.f32 v42;
	v58 =	vadd.f32 v56, v56  }
0x5d9: {  	v63 =	vld [tilespmem:s12+$0x40];
	[tilespmem:s6+$0x50] =	vst v34;
	v40 =	vadd.f32 v40, v40;
	v57 =	vmul.f32 $1.442695020e+00, v43  }
0x5da: {  	v62 =	vor.u32 v3, v24;
	v35 =	vld.idx.msk [tilespmem:v50+s22+$0x0], $0xffff;
	[tilespmem:s12+$0x30] =	vst v38;
	v61 =	vsub.f32 $1.000000000e+00, v58  }
0x5db: {  	v38 =	vld.idx.msk [tilespmem:v52+s22+$0x0], $0xffff;
	v59 =	vadd.f32 v54, v51;
	v40 =	vsub.f32 $1.000000000e+00, v40;
	v60 =	vpop (erf);
	(erf) = vpow2.f32 v57  }
0x5dc: {  	v53 =	vld [tilespmem:s6+$0x60];
	v44 =	vadd.f32 v55, v55;
	v39 =	vadd.f32 $1.000000000e+00, v60;
	v52 =	vpop (erf);
	v41 =	vmul.f32 v61, v15  }
0x5dd: {  	v34 =	vmul.f32 $1.442695020e+00, v59;
	v42 =	vor.u32 v5, v33;
	v54 =	vpop (erf);
	v46 =	vadd.f32 v52, v52  }
0x5de: {  	v56 =	vld [tilespmem:s13+$0x30];
	v44 =	vsub.f32 $1.000000000e+00, v44;
	(erf) = vrcp.f32 v39;
	v55 =	vadd.f32 $1.000000000e+00, v54;
	[tilespmem:s13+$0x20] =	vst v41  }
0x5df: {  	v57 =	vor.u32 v3, v21;
	(erf) = vpow2.f32 v34;
	v58 =	vsub.f32 $1.000000000e+00, v46;
	v43 =	vld.idx.msk [tilespmem:v62+s22+$0x0], $0xffff  }
0x5e0: {  	v38 =	vadd.f32 v63, v38;
	v59 =	vmul.f32 v44, v9;
	(erf) = vrcp.f32 v55  }
0x5e1: {  	v22 =	vld [tilespmem:s12+$0xFFFFFFB0];
	v35 =	vadd.f32 v53, v35;
	v41 =	vmul.f32 v58, v13;
	v62 =	vor.u32 v4, v28;
	v61 =	vpop (erf)  }
0x5e2: {  	v32 =	vadd.f32 v32, v32;
	v60 =	vld [tilespmem:s6+$0xFFFFFFD0];
	v38 =	vmul.f32 $1.442695020e+00, v38;
	[tilespmem:s6+$0xFFFFFFC0] =	vst v59;
	v63 =	vadd.f32 v61, v61  }
0x5e3: {  	v51 =	vor.u32 v2, v23;
	v40 =	vmul.f32 v40, v10;
	v35 =	vmul.f32 $1.442695020e+00, v35;
	v42 =	vld.idx.msk [tilespmem:v42+s22+$0x0], $0xffff;
	[tilespmem:s12+$0xFFFFFFA0] =	vst v41  }
0x5e4: {  	(erf) = vpow2.f32 v38;
	v49 =	vpop (erf);
	v34 =	vld.idx.msk [tilespmem:v57+s22+$0x0], $0xffff;
	v39 =	vsub.f32 $1.000000000e+00, v63;
	v52 =	vadd.f32 v56, v43  }
0x5e5: {  	s25 =	sadd.s32 $0xA, s30;
	v32 =	vsub.f32 $1.000000000e+00, v32;
	[tilespmem:s9+$0xFFFFFFB0] =	vst v40;
	v53 =	vld [tilespmem:s9+$0xFFFFFFC0];
	(erf) = vpow2.f32 v35;
	v50 =	vadd.f32 $1.000000000e+00, v49  }
0x5e6: {  	s0 =	sadd.s32 $0x52, s25;
	v55 =	vor.u32 v2, v18;
	v54 =	vld.idx.msk [tilespmem:v62+s22+$0x0], $0xffff;
	v39 =	vmul.f32 v39, v16;
	v35 =	vmul.f32 $1.442695020e+00, v52  }
0x5e7: {  	v20 =	vld.idx.msk [tilespmem:v20+s24+$0x0], $0xffff;
	v47 =	vmov s0;
	v43 =	vpop (erf);
	(erf) = vrcp.f32 v50  }
0x5e8: {  	v32 =	vmul.f32 v32, v14;
	v58 =	vld [tilespmem:s16+$0x20];
	v42 =	vadd.f32 v60, v42;
	v56 =	vpop (erf);
	[tilespmem:s16+$0x10] =	vst v39;
	(erf) = vpow2.f32 v35  }
0x5e9: {  	s26 =	sadd.s32 $0x53, s25;
	v38 =	vand.u32 $0xFFFFFFFE, v47;
	v57 =	vpop (erf);
	v22 =	vadd.f32 v22, v34;
	v60 =	vld.idx.msk [tilespmem:v51+s22+$0x0], $0xffff  }
0x5ea: {  	v31 =	vld [tilespmem:s13+$0xFFFFFFB0];
	[tilespmem:s13+$0xFFFFFF90] =	vst v32;
	v61 =	vmul.f32 $1.442695020e+00, v42;
	v34 =	vmov s26;
	v59 =	vadd.f32 v57, v57  }
0x5eb: {  	v38 =	vbroadcast v38, $0x0;
	v48 =	vld.idx.msk [tilespmem:v55+s22+$0x0], $0xffff;
	v22 =	vmul.f32 $1.442695020e+00, v22;
	v63 =	vadd.f32 v53, v54  }
0x5ec: {  	v62 =	vor.u32 v1, v26;
	v50 =	vld [tilespmem:s13+$0xFFFFFFA0];
	(erf) = vpow2.f32 v61;
	v35 =	vsub.f32 $1.000000000e+00, v59  }
0x5ed: {  	v49 =	vpop (erf);
	(erf) = vpow2.f32 v22;
	v32 =	vmul.f32 $1.442695020e+00, v63  }
0x5ee: {  	v22 =	vld.idx.msk [tilespmem:v29+s24+$0x0], $0xffff;
	v40 =	vadd.f32 $1.000000000e+00, v49;
	v35 =	vmul.f32 v35, v20;
	v39 =	vadd.f32 v58, v60  }
0x5ef: {  	v53 =	vadd.f32 $1.000000000e+00, v56;
	v29 =	vpop (erf);
	v51 =	vld.idx.msk [tilespmem:v34+s23+$0x0], $0xffff;
	(erf) = vpow2.f32 v32  }
0x5f0: {  	v56 =	vld [tilespmem:s17+$0x10];
	v52 =	vpop (erf);
	[tilespmem:s17+$0x0] =	vst v35;
	(erf) = vrcp.f32 v40;
	v55 =	vmul.f32 $1.442695020e+00, v39  }
0x5f1: {  	v41 =	vadd.f32 v50, v48;
	v44 =	vadd.f32 v52, v52;
	v42 =	vld.idx.msk [tilespmem:v62+s22+$0x0], $0xffff;
	(erf) = vrcp.f32 v53;
	v58 =	vpop (erf)  }
0x5f2: {  	(erf) = vpow2.f32 v55;
	v59 =	vadd.f32 $1.000000000e+00, v58  }
0x5f3: {  	v54 =	vor.u32 v1, v25;
	v41 =	vmul.f32 $1.442695020e+00, v41;
	v57 =	vsub.f32 $1.000000000e+00, v44  }
0x5f4: {  	v60 =	vld.idx.msk [tilespmem:v38+s23+$0x0], $0xffff;
	v32 =	vshll.u32 v51, $0x7;
	(erf) = vrcp.f32 v59  }
0x5f5: {  	v47 =	vor.u32 v0, v32;
	v61 =	vpop (erf);
	v40 =	vmul.f32 v57, v22;
	(erf) = vpow2.f32 v41  }
0x5f6: {  	v29 =	vadd.f32 $1.000000000e+00, v29;
	v39 =	vadd.f32 v56, v42;
	v62 =	vpop (erf)  }
0x5f7: {  	v52 =	vld [tilespmem:s17+$0xFFFFFF90];
	[tilespmem:s17+$0xFFFFFF80] =	vst v40;
	v40 =	vadd.f32 $1.000000000e+00, v62  }
0x5f8: {  	s19 =	simm.s32 $0x1B000;
	v63 =	vld.idx.msk [tilespmem:v54+s22+$0x0], $0xffff;
	v39 =	vmul.f32 $1.442695020e+00, v39;
	(erf) = vrcp.f32 v29;
	v55 =	vpop (erf)  }
0x5f9: {  	v53 =	vld [tilespmem:s19+$0x0];
	v29 =	vshll.u32 v60, $0x7;
	(erf) = vrcp.f32 v40;
	v57 =	vpop (erf)  }
0x5fa: {  	v54 =	vor.u32 v0, v29;
	v56 =	vld.idx.msk [tilespmem:v47+s22+$0x0], $0xffff;
	v45 =	vadd.f32 $1.000000000e+00, v55;
	(erf) = vpow2.f32 v39;
	v58 =	vpop (erf)  }
0x5fb: {  	v48 =	vadd.f32 $1.000000000e+00, v61;
	v39 =	vadd.f32 v43, v43;
	v59 =	vpop (erf)  }
0x5fc: {  	v43 =	vadd.f32 v57, v57;
	(erf) = vrcp.f32 v45;
	v60 =	vadd.f32 $1.000000000e+00, v59  }
0x5fd: {  	v49 =	vadd.f32 v58, v58;
	v41 =	vadd.f32 v52, v63;
	v61 =	vpop (erf);
	(erf) = vrcp.f32 v48  }
0x5fe: {  	v42 =	vor.u32 v5, v27;
	v43 =	vsub.f32 $1.000000000e+00, v43;
	v63 =	vld [tilespmem:s19+$0xFFFFFF80];
	v62 =	vpop (erf);
	(erf) = vrcp.f32 v60  }
0x5ff: {  	v49 =	vsub.f32 $1.000000000e+00, v49;
	v40 =	vld.idx.msk [tilespmem:v54+s22+$0x0], $0xffff;
	v44 =	vadd.f32 v53, v56;
	v41 =	vmul.f32 $1.442695020e+00, v41  }
0x600: {  	v43 =	vmul.f32 v43, v12;
	v58 =	vadd.f32 v61, v61;
	v57 =	vadd.f32 $1.000000000e+00, v62  }
0x601: {  	v54 =	vor.u32 v6, v37;
	v44 =	vmul.f32 $1.442695020e+00, v44;
	(erf) = vpow2.f32 v41;
	v59 =	vpop (erf)  }
0x602: {  	v30 =	vor.u32 v7, v30;
	[tilespmem:s12+$0x40] =	vst v43;
	v55 =	vpop (erf);
	v60 =	vsub.f32 $1.000000000e+00, v58;
	(erf) = vrcp.f32 v57  }
0x603: {  	v56 =	vor.u32 v4, v24;
	v62 =	vmul.f32 v49, v11;
	v42 =	vld.idx.msk [tilespmem:v42+s22+$0x0], $0xffff;
	v61 =	vpop (erf);
	(erf) = vpow2.f32 v44  }
0x604: {  	v51 =	vor.u32 v3, v23;
	v40 =	vadd.f32 v63, v40;
	v63 =	vld [tilespmem:s12+$0x50];
	v46 =	vadd.f32 $1.000000000e+00, v61  }
0x605: {  	v41 =	vadd.f32 v59, v59;
	[tilespmem:s9+$0x50] =	vst v62;
	v57 =	vadd.f32 v55, v55;
	v43 =	vmul.f32 v60, v15;
	v58 =	vpop (erf)  }
0x606: {  	v47 =	vor.u32 v6, v33;
	v49 =	vor.u32 v5, v28;
	v50 =	vld.idx.msk [tilespmem:v54+s22+$0x0], $0xffff;
	(erf) = vrcp.f32 v46;
	v60 =	vpop (erf)  }
0x607: {  	v41 =	vsub.f32 $1.000000000e+00, v41;
	v54 =	vld [tilespmem:s13+$0x40];
	v40 =	vmul.f32 $1.442695020e+00, v40;
	v44 =	vsub.f32 $1.000000000e+00, v57;
	[tilespmem:s13+$0x30] =	vst v43;
	v61 =	vpop (erf)  }
0x608: {  	v46 =	vor.u32 v4, v21;
	v59 =	vadd.f32 v58, v58;
	v45 =	vld.idx.msk [tilespmem:v56+s22+$0x0], $0xffff;
	v53 =	vadd.f32 v61, v61  }
0x609: {  	v41 =	vmul.f32 v41, v8;
	v42 =	vadd.f32 v63, v42;
	(erf) = vpow2.f32 v40  }
0x60a: {  	v55 =	vld [tilespmem:s9+$0x60];
	v44 =	vmul.f32 v44, v13;
	v52 =	vadd.f32 v60, v60;
	v62 =	vpop (erf);
	v58 =	vsub.f32 $1.000000000e+00, v53  }
0x60b: {  	[tilespmem:s6+$0x60] =	vst v41;
	v43 =	vsub.f32 $1.000000000e+00, v59;
	v40 =	vld [tilespmem:s6+$0x70];
	v42 =	vmul.f32 $1.442695020e+00, v42;
	v48 =	vadd.f32 $1.000000000e+00, v62;
	v63 =	vpop (erf)  }
0x60c: {  	v30 =	vld.idx.msk [tilespmem:v30+s22+$0x0], $0xffff;
	v41 =	vsub.f32 $1.000000000e+00, v52;
	v59 =	vpop (erf);
	v60 =	vadd.f32 v63, v63;
	v52 =	vmul.f32 v58, v16  }
0x60d: {  	v57 =	vld [tilespmem:s9+$0xFFFFFFD0];
	[tilespmem:s12+$0xFFFFFFB0] =	vst v44;
	v45 =	vadd.f32 v54, v45;
	(erf) = vrcp.f32 v48;
	v61 =	vadd.f32 $1.000000000e+00, v59  }
0x60e: {  	v54 =	vor.u32 v3, v18;
	(erf) = vpow2.f32 v42;
	v42 =	vld [tilespmem:s16+$0x30];
	v44 =	vsub.f32 $1.000000000e+00, v60;
	[tilespmem:s16+$0x20] =	vst v52  }
0x60f: {  	v43 =	vmul.f32 v43, v10;
	v63 =	vadd.f32 v55, v50;
	v62 =	vpop (erf);
	(erf) = vrcp.f32 v61;
	v58 =	vld.idx.msk [tilespmem:v51+s22+$0x0], $0xffff  }
0x610: {  	v46 =	vld.idx.msk [tilespmem:v46+s22+$0x0], $0xffff;
	v56 =	vmul.f32 $1.442695020e+00, v45;
	v55 =	vadd.f32 v62, v62;
	v44 =	vmul.f32 v44, v14  }
0x611: {  	v53 =	vld [tilespmem:s12+$0xFFFFFFC0];
	[tilespmem:s9+$0xFFFFFFC0] =	vst v43;
	v41 =	vmul.f32 v41, v9;
	v30 =	vadd.f32 v40, v30;
	v48 =	vmul.f32 $1.442695020e+00, v63  }
0x612: {  	v49 =	vld.idx.msk [tilespmem:v49+s22+$0x0], $0xffff;
	v61 =	vor.u32 v2, v26;
	(erf) = vpow2.f32 v56;
	v59 =	vpop (erf);
	v50 =	vsub.f32 $1.000000000e+00, v55;
	[tilespmem:s13+$0xFFFFFFA0] =	vst v44  }
0x613: {  	v39 =	vsub.f32 $1.000000000e+00, v39;
	v51 =	vmul.f32 $1.442695020e+00, v30;
	v60 =	vadd.f32 $1.000000000e+00, v59;
	v63 =	vld.idx.msk [tilespmem:v54+s22+$0x0], $0xffff  }
0x614: {  	s28 =	sadd.s32 $0xC, s30;
	v36 =	vld [tilespmem:s16+$0xFFFFFFB0];
	[tilespmem:s6+$0xFFFFFFD0] =	vst v41;
	(erf) = vpow2.f32 v48;
	v62 =	vmul.f32 v50, v20;
	v30 =	vadd.f32 v42, v58  }
0x615: {  	s29 =	sadd.s32 $0x52, s28;
	s0 =	sadd.s32 $0x53, s28;
	v47 =	vld.idx.msk [tilespmem:v47+s22+$0x0], $0xffff;
	v50 =	vmul.f32 v39, v17;
	(erf) = vrcp.f32 v60  }
0x616: {  	v44 =	vld [tilespmem:s17+$0x20];
	v39 =	vmov s0;
	[tilespmem:s17+$0x10] =	vst v62;
	v56 =	vpop (erf);
	v58 =	vmov s29;
	v59 =	vmul.f32 $1.442695020e+00, v30  }
0x617: {  	v46 =	vadd.f32 v53, v46;
	v57 =	vadd.f32 v57, v49;
	v45 =	vpop (erf);
	v41 =	vand.u32 $0xFFFFFFFE, v58;
	v53 =	vld.idx.msk [tilespmem:v61+s22+$0x0], $0xffff  }
0x618: {  	v30 =	vld.idx.msk [tilespmem:v34+s24+$0x0], $0xffff;
	v34 =	vor.u32 v2, v19;
	v60 =	vpop (erf);
	v61 =	vadd.f32 v31, v63;
	(erf) = vpow2.f32 v59  }
0x619: {  	v49 =	vld [tilespmem:s6+$0xFFFFFFE0];
	v42 =	vmul.f32 $1.442695020e+00, v57;
	v41 =	vbroadcast v41, $0x0;
	v62 =	vadd.f32 v60, v60  }
0x61a: {  	v40 =	vor.u32 v7, v33;
	v46 =	vmul.f32 $1.442695020e+00, v46;
	v31 =	vld.idx.msk [tilespmem:v38+s24+$0x0], $0xffff;
	v43 =	vmul.f32 $1.442695020e+00, v61  }
0x61b: {  	v38 =	vor.u32 v1, v32;
	v54 =	vld.idx.msk [tilespmem:v39+s23+$0x0], $0xffff;
	v57 =	vpop (erf);
	(erf) = vpow2.f32 v42;
	v48 =	vsub.f32 $1.000000000e+00, v62  }
0x61c: {  	[tilespmem:s16+$0xFFFFFF90] =	vst v50;
	v63 =	vadd.f32 v56, v56;
	v33 =	vadd.f32 $1.000000000e+00, v57;
	v62 =	vld [tilespmem:s16+$0xFFFFFFA0];
	(erf) = vpow2.f32 v43  }
0x61d: {  	v59 =	vpop (erf);
	v44 =	vadd.f32 v44, v53;
	v52 =	vld.idx.msk [tilespmem:v34+s22+$0x0], $0xffff;
	v60 =	vmul.f32 v48, v30;
	(erf) = vpow2.f32 v46  }
0x61e: {  	v45 =	vadd.f32 $1.000000000e+00, v45;
	v58 =	vsub.f32 $1.000000000e+00, v63;
	v57 =	vld [tilespmem:s19+$0x10];
	v61 =	vpop (erf);
	(erf) = vrcp.f32 v33  }
0x61f: {  	v49 =	vadd.f32 v49, v47;
	v55 =	vld.idx.msk [tilespmem:v41+s23+$0x0], $0xffff;
	v63 =	vmul.f32 $1.442695020e+00, v44;
	v48 =	vadd.f32 v61, v61;
	[tilespmem:s19+$0x0] =	vst v60  }
0x620: {  	v56 =	vor.u32 v1, v29;
	v42 =	vmul.f32 v58, v22;
	(erf) = vrcp.f32 v45;
	v44 =	vld.idx.msk [tilespmem:v38+s22+$0x0], $0xffff  }
0x621: {  	v33 =	vmul.f32 $1.442695020e+00, v49;
	v58 =	vsub.f32 $1.000000000e+00, v48;
	(erf) = vpow2.f32 v63;
	v60 =	vpop (erf)  }
0x622: {  	v61 =	vadd.f32 v62, v52;
	v48 =	vadd.f32 $1.000000000e+00, v60  }
0x623: {  	v34 =	vshll.u32 v54, $0x7;
	(erf) = vpow2.f32 v33;
	v62 =	vmul.f32 v58, v31  }
0x624: {  	v63 =	vor.u32 v0, v34;
	v53 =	vpop (erf);
	(erf) = vrcp.f32 v48  }
0x625: {  	v33 =	vshll.u32 v55, $0x7;
	v49 =	vmul.f32 $1.442695020e+00, v61;
	[tilespmem:s19+$0xFFFFFF80] =	vst v62;
	v44 =	vadd.f32 v57, v44;
	v60 =	vpop (erf)  }
0x626: {  	v50 =	vor.u32 v5, v21;
	v59 =	vadd.f32 $1.000000000e+00, v59;
	v48 =	vor.u32 v0, v33;
	v46 =	vld.idx.msk [tilespmem:v56+s22+$0x0], $0xffff;
	v61 =	vpop (erf)  }
0x627: {  	(erf) = vpow2.f32 v49;
	v45 =	vadd.f32 $1.000000000e+00, v60;
	v49 =	vld [tilespmem:s19+$0xFFFFFF90];
	v44 =	vmul.f32 $1.442695020e+00, v44;
	v62 =	vpop (erf)  }
0x628: {  	(erf) = vrcp.f32 v59;
	v60 =	vadd.f32 $1.000000000e+00, v61;
	v61 =	vadd.f32 v62, v62  }
0x629: {  	s10 =	simm.s32 $0x1B100;
	v47 =	vor.u32 v6, v27;
	v52 =	vor.u32 v7, v37;
	v37 =	vld.idx.msk [tilespmem:v63+s22+$0x0], $0xffff;
	(erf) = vrcp.f32 v45;
	v63 =	vpop (erf)  }
0x62a: {  	v43 =	vor.u32 v6, v28;
	v55 =	vld [tilespmem:s10+$0x0];
	v53 =	vadd.f32 $1.000000000e+00, v53;
	(erf) = vpow2.f32 v44;
	v62 =	vpop (erf)  }
0x62b: {  	v63 =	vadd.f32 v63, v63;
	(erf) = vpow2.f32 v51;
	v57 =	vadd.f32 $1.000000000e+00, v62;
	v48 =	vld.idx.msk [tilespmem:v48+s22+$0x0], $0xffff  }
0x62c: {  	(erf) = vrcp.f32 v60;
	v59 =	vadd.f32 v49, v46;
	v60 =	vsub.f32 $1.000000000e+00, v61;
	v49 =	vld [tilespmem:s10+$0xFFFFFF80];
	v61 =	vpop (erf)  }
0x62d: {  	v45 =	vor.u32 v5, v24;
	v51 =	vsub.f32 $1.000000000e+00, v63;
	(erf) = vrcp.f32 v53;
	v62 =	vpop (erf)  }
0x62e: {  	(erf) = vrcp.f32 v57;
	v53 =	vadd.f32 $1.000000000e+00, v61;
	v63 =	vadd.f32 v62, v62  }
0x62f: {  	v54 =	vor.u32 v4, v23;
	v44 =	vmul.f32 $1.442695020e+00, v59;
	v46 =	vmul.f32 v60, v15  }
0x630: {  	v35 =	vld [tilespmem:s17+$0xFFFFFFB0];
	v55 =	vadd.f32 v55, v37;
	v60 =	vpop (erf);
	(erf) = vrcp.f32 v53;
	v63 =	vsub.f32 $1.000000000e+00, v63  }
0x631: {  	[tilespmem:s13+$0x40] =	vst v46;
	v53 =	vld [tilespmem:s13+$0x50];
	(erf) = vpow2.f32 v44;
	v44 =	vadd.f32 $1.000000000e+00, v60;
	v61 =	vpop (erf);
	v62 =	vadd.f32 v49, v48  }
0x632: {  	v55 =	vmul.f32 $1.442695020e+00, v55;
	v51 =	vmul.f32 v51, v12;
	v45 =	vld.idx.msk [tilespmem:v45+s22+$0x0], $0xffff;
	v49 =	vpop (erf);
	v61 =	vadd.f32 v61, v61  }
0x633: {  	v38 =	vld [tilespmem:s19+$0xFFFFFFB0];
	v60 =	vpop (erf);
	(erf) = vrcp.f32 v44;
	v46 =	vmul.f32 $1.442695020e+00, v62;
	v49 =	vadd.f32 v49, v49  }
0x634: {  	v37 =	vld [tilespmem:s10+$0xFFFFFFB0];
	v62 =	vadd.f32 $1.000000000e+00, v60;
	v48 =	vmul.f32 v63, v16;
	v44 =	vsub.f32 $1.000000000e+00, v61;
	v63 =	vpop (erf)  }
0x635: {  	v56 =	vor.u32 v4, v18;
	[tilespmem:s12+$0x50] =	vst v51;
	v51 =	vld [tilespmem:s12+$0x60];
	(erf) = vpow2.f32 v55;
	v58 =	vadd.f32 $1.000000000e+00, v63  }
0x636: {  	v47 =	vld.idx.msk [tilespmem:v47+s22+$0x0], $0xffff;
	v49 =	vsub.f32 $1.000000000e+00, v49;
	(erf) = vrcp.f32 v62;
	[tilespmem:s16+$0x30] =	vst v48;
	v44 =	vmul.f32 v44, v11;
	v59 =	vpop (erf)  }
0x637: {  	v45 =	vadd.f32 v53, v45;
	v54 =	vld.idx.msk [tilespmem:v54+s22+$0x0], $0xffff;
	v48 =	vadd.f32 v59, v59;
	v60 =	vpop (erf);
	(erf) = vrcp.f32 v58  }
0x638: {  	v61 =	vpop (erf);
	v55 =	vadd.f32 v60, v60;
	v60 =	vld [tilespmem:s16+$0x40];
	(erf) = vpow2.f32 v46;
	v46 =	vmul.f32 v49, v14  }
0x639: {  	v57 =	vor.u32 v3, v26;
	v58 =	vld [tilespmem:s9+$0x70];
	v59 =	vadd.f32 v61, v61;
	v48 =	vsub.f32 $1.000000000e+00, v48;
	v62 =	vpop (erf)  }
0x63a: {  	[tilespmem:s9+$0x60] =	vst v44;
	v45 =	vmul.f32 $1.442695020e+00, v45;
	v49 =	vld [tilespmem:s12+$0xFFFFFFD0];
	v44 =	vpop (erf);
	v55 =	vsub.f32 $1.000000000e+00, v55;
	v53 =	vadd.f32 v62, v62  }
0x63b: {  	v61 =	vld.idx.msk [tilespmem:v52+s22+$0x0], $0xffff;
	v48 =	vmul.f32 v48, v13;
	v44 =	vadd.f32 $1.000000000e+00, v44;
	v52 =	vsub.f32 $1.000000000e+00, v59;
	[tilespmem:s13+$0xFFFFFFB0] =	vst v46  }
0x63c: {  	v59 =	vld.idx.msk [tilespmem:v56+s22+$0x0], $0xffff;
	v56 =	vadd.f32 v51, v47;
	v47 =	vmul.f32 v55, v10;
	v51 =	vsub.f32 $1.000000000e+00, v53;
	v46 =	vpop (erf)  }
0x63d: {  	v62 =	vld [tilespmem:s13+$0xFFFFFFC0];
	[tilespmem:s12+$0xFFFFFFC0] =	vst v48;
	v52 =	vmul.f32 v52, v20;
	v63 =	vadd.f32 v60, v54;
	v46 =	vadd.f32 v46, v46  }
0x63e: {  	(erf) = vrcp.f32 v44;
	v44 =	vor.u32 v3, v19;
	v48 =	vld.idx.msk [tilespmem:v50+s22+$0x0], $0xffff;
	v60 =	vpop (erf);
	v54 =	vmul.f32 v51, v9  }
0x63f: {  	v51 =	vld [tilespmem:s17+$0x30];
	[tilespmem:s9+$0xFFFFFFD0] =	vst v47;
	(erf) = vpow2.f32 v45;
	v50 =	vadd.f32 $1.000000000e+00, v60;
	v55 =	vpop (erf);
	v46 =	vsub.f32 $1.000000000e+00, v46  }
0x640: {  	v45 =	vmul.f32 $1.442695020e+00, v56;
	v60 =	vmul.f32 $1.442695020e+00, v63;
	[tilespmem:s17+$0x20] =	vst v52;
	v47 =	vld.idx.msk [tilespmem:v43+s22+$0x0], $0xffff;
	v43 =	vadd.f32 v55, v55  }
0x641: {  	v58 =	vadd.f32 v58, v61;
	v52 =	vld.idx.msk [tilespmem:v57+s22+$0x0], $0xffff;
	(erf) = vrcp.f32 v50;
	v46 =	vmul.f32 v46, v17  }
0x642: {  	[tilespmem:s6+$0xFFFFFFE0] =	vst v54;
	v55 =	vld [tilespmem:s6+$0xFFFFFFF0];
	v54 =	vor.u32 v2, v32;
	v61 =	vpop (erf);
	v43 =	vsub.f32 $1.000000000e+00, v43;
	(erf) = vpow2.f32 v60  }
0x643: {  	v53 =	vld.idx.msk [tilespmem:v40+s22+$0x0], $0xffff;
	v50 =	vadd.f32 v62, v59;
	v63 =	vpop (erf);
	v40 =	vadd.f32 v61, v61;
	(erf) = vpow2.f32 v45;
	[tilespmem:s16+$0xFFFFFFA0] =	vst v46  }
0x644: {  	s7 =	simm.s32 $0xE;
	s21 =	simm.s32 $0x1B100;
	v56 =	vadd.f32 $1.000000000e+00, v63;
	v57 =	vmul.f32 v43, v30;
	v46 =	vmul.f32 $1.442695020e+00, v58;
	v45 =	vld.idx.msk [tilespmem:v44+s22+$0x0], $0xffff  }
.LBB2_10:
0x645: {  	v48 =	vadd.f32 v49, v48;
	v44 =	vor.u32 v7, v28;
	v58 =	vsub.f32 $1.000000000e+00, v40;
	v43 =	vmovc v34;
	v28 =	vmovc v21  }
0x646: {  	s0 =	sadd.s32 s7, s30;
	s7 =	sadd.s32 $0x2, s7;
	v21 =	vmovc v18;
	v18 =	vmovc v19;
	v19 =	vmov v25;
	v25 =	vmov v29;
	v29 =	vmov v33  }
0x647: {  	v33 =	vadd.f32 v51, v52;
	s2 =	sadd.s32 $0x52, s0;
	s0 =	sadd.s32 $0x53, s0;
	p0 =	slt.u32 s7, $0x4E;
	(erf) = vrcp.f32 v56;
	[tilespmem:s19+$0x10] =	vst v57;
	v40 =	vor.u32 v6, v28  }
0x648: {  	v34 =	vmov s2;
	v51 =	vmov s0;
	v52 =	vld [tilespmem:s19+$0x20];
	v49 =	vpop (erf);
	v53 =	vadd.f32 v55, v53  }
0x649: {  	v33 =	vmul.f32 $1.442695020e+00, v33;
	v34 =	vand.u32 $0xFFFFFFFE, v34;
	v55 =	vadd.f32 v49, v49;
	v54 =	vld.idx.msk [tilespmem:v54+s22+$0x0], $0xffff  }
0x64a: {  	v56 =	vor.u32 v2, v19;
	v34 =	vbroadcast v34, $0x0;
	v49 =	vld.idx.msk [tilespmem:v39+s24+$0x0], $0xffff;
	v39 =	vpop (erf);
	v53 =	vmul.f32 $1.442695020e+00, v53  }
0x64b: {  	v57 =	vpop (erf);
	v55 =	vsub.f32 $1.000000000e+00, v55  }
0x64c: {  	(erf) = vpow2.f32 v33;
	v33 =	vadd.f32 v36, v45;
	v36 =	vadd.f32 v57, v57  }
0x64d: {  	v59 =	vadd.f32 $1.000000000e+00, v39;
	v57 =	vpop (erf);
	v60 =	vld [tilespmem:s9+$0xFFFFFFE0];
	(erf) = vpow2.f32 v53  }
0x64e: {  	v48 =	vmul.f32 $1.442695020e+00, v48;
	v53 =	vor.u32 v1, v43;
	v45 =	vld.idx.msk [tilespmem:v41+s24+$0x0], $0xffff;
	v55 =	vmul.f32 v55, v31;
	v61 =	vpop (erf)  }
0x64f: {  	v39 =	vmovc v51;
	v33 =	vmul.f32 $1.442695020e+00, v33;
	v57 =	vadd.f32 $1.000000000e+00, v57;
	v41 =	vmovc v34;
	v62 =	vld.idx.msk [tilespmem:v51+s23+$0x0], $0xffff;
	v63 =	vsub.f32 $1.000000000e+00, v36;
	[tilespmem:s17+$0xFFFFFF90] =	vst v42  }
0x650: {  	v50 =	vmul.f32 $1.442695020e+00, v50;
	v51 =	vadd.f32 v52, v54;
	v52 =	vld.idx.msk [tilespmem:v56+s22+$0x0], $0xffff;
	(erf) = vpow2.f32 v48;
	v42 =	vmovc v55;
	v36 =	vmovc v35  }
0x651: {  	v55 =	vadd.f32 $1.000000000e+00, v61;
	v54 =	vld.idx.msk [tilespmem:v34+s23+$0x0], $0xffff;
	v34 =	vmul.f32 v63, v49;
	v35 =	vpop (erf);
	(erf) = vpow2.f32 v33  }
0x652: {  	v56 =	vor.u32 v1, v29;
	v33 =	vadd.f32 v35, v35;
	v61 =	vld [tilespmem:s17+$0xFFFFFFA0];
	(erf) = vpow2.f32 v50;
	v35 =	vmovc v38;
	v38 =	vmovc v37  }
0x653: {  	v48 =	vor.u32 v7, v27;
	v27 =	vmovc v24;
	v24 =	vmovc v23;
	[tilespmem:s10+$0x0] =	vst v34;
	v34 =	vmul.f32 $1.442695020e+00, v51;
	(erf) = vrcp.f32 v57  }
0x654: {  	v23 =	vmovc v26;
	v26 =	vmovc v32;
	v47 =	vadd.f32 v60, v47;
	v57 =	vsub.f32 $1.000000000e+00, v33;
	v37 =	vld.idx.msk [tilespmem:v53+s22+$0x0], $0xffff;
	(erf) = vrcp.f32 v59  }
0x655: {  	v32 =	vor.u32 v5, v21;
	v59 =	vmul.f32 v58, v8;
	v50 =	vld [tilespmem:s10+$0x10];
	(erf) = vpow2.f32 v34;
	v51 =	vpop (erf)  }
0x656: {  	v47 =	vmul.f32 $1.442695020e+00, v47;
	v34 =	vshll.u32 v62, $0x7;
	v53 =	vmul.f32 v57, v45;
	v33 =	vpop (erf)  }
0x657: {  	v8 =	vmovc v11;
	v57 =	vor.u32 v0, v34;
	v60 =	vadd.f32 v61, v52;
	v58 =	vadd.f32 $1.000000000e+00, v33;
	[tilespmem:s6+$0x70] =	vst v59  }
0x658: {  	v11 =	vmovc v12;
	v12 =	vmovc v15;
	v51 =	vadd.f32 $1.000000000e+00, v51;
	v33 =	vshll.u32 v54, $0x7;
	[tilespmem:s10+$0xFFFFFF80] =	vst v53;
	(erf) = vpow2.f32 v47  }
0x659: {  	v53 =	vor.u32 v0, v33;
	v15 =	vld.idx.msk [tilespmem:v56+s22+$0x0], $0xffff;
	v47 =	vmul.f32 $1.442695020e+00, v60;
	v52 =	vpop (erf);
	(erf) = vrcp.f32 v58  }
0x65a: {  	s10 =	sadd.s32 $0x100, s10;
	v54 =	vld [tilespmem:s21+$0xFFFFFF90];
	v37 =	vadd.f32 v50, v37;
	(erf) = vrcp.f32 v51;
	v50 =	vpop (erf);
	v51 =	vor.u32 v6, v27  }
0x65b: {  	v56 =	vld [tilespmem:s10+$0x0];
	(erf) = vpow2.f32 v47;
	v62 =	vadd.f32 $1.000000000e+00, v50;
	v47 =	vor.u32 v4, v18;
	v58 =	vpop (erf)  }
0x65c: {  	v60 =	vor.u32 v5, v24;
	v57 =	vld.idx.msk [tilespmem:v57+s22+$0x0], $0xffff;
	v63 =	vmul.f32 $1.442695020e+00, v37;
	v61 =	vpop (erf);
	(erf) = vrcp.f32 v55  }
0x65d: {  	v52 =	vadd.f32 $1.000000000e+00, v52;
	v37 =	vld [tilespmem:s10+$0xFFFFFFB0];
	v55 =	vadd.f32 v61, v61;
	(erf) = vrcp.f32 v62;
	v50 =	vpop (erf)  }
0x65e: {  	v58 =	vadd.f32 $1.000000000e+00, v58;
	(erf) = vpow2.f32 v63;
	v59 =	vpop (erf);
	v50 =	vadd.f32 v50, v50  }
0x65f: {  	v54 =	vadd.f32 v54, v15;
	v59 =	vadd.f32 $1.000000000e+00, v59;
	(erf) = vpow2.f32 v46;
	v15 =	vmovc v16;
	v16 =	vmovc v20  }
0x660: {  	v20 =	vmovc v30;
	v30 =	vmovc v49;
	v46 =	vld.idx.msk [tilespmem:v53+s22+$0x0], $0xffff;
	v53 =	vsub.f32 $1.000000000e+00, v55;
	v50 =	vsub.f32 $1.000000000e+00, v50;
	(erf) = vrcp.f32 v58  }
0x661: {  	v55 =	vor.u32 v4, v23;
	v49 =	vld [tilespmem:s10+$0xFFFFFF80];
	v54 =	vmul.f32 $1.442695020e+00, v54;
	(erf) = vrcp.f32 v52;
	v52 =	vpop (erf)  }
0x662: {  	v56 =	vadd.f32 v56, v57;
	(erf) = vrcp.f32 v59;
	v52 =	vadd.f32 $1.000000000e+00, v52;
	v57 =	vpop (erf)  }
0x663: {  	v61 =	vmul.f32 v53, v15;
	v50 =	vmul.f32 v50, v12;
	v58 =	vpop (erf);
	v57 =	vadd.f32 v57, v57  }
0x664: {  	v56 =	vmul.f32 $1.442695020e+00, v56;
	v58 =	vadd.f32 v58, v58;
	v59 =	vpop (erf);
	(erf) = vrcp.f32 v52  }
0x665: {  	(erf) = vpow2.f32 v54;
	v52 =	vadd.f32 $1.000000000e+00, v59;
	[tilespmem:s16+$0x40] =	vst v61;
	v53 =	vpop (erf);
	v61 =	vsub.f32 $1.000000000e+00, v57  }
0x666: {  	v57 =	vor.u32 v3, v26;
	v46 =	vadd.f32 v49, v46;
	v49 =	vsub.f32 $1.000000000e+00, v58;
	v58 =	vld.idx.msk [tilespmem:v60+s22+$0x0], $0xffff;
	v59 =	vpop (erf);
	[tilespmem:s13+$0x50] =	vst v50  }
0x667: {  	v50 =	vpop (erf);
	(erf) = vrcp.f32 v52;
	v51 =	vld.idx.msk [tilespmem:v51+s22+$0x0], $0xffff;
	v52 =	vadd.f32 v53, v53;
	v9 =	vmul.f32 v61, v9  }
0x668: {  	v46 =	vmul.f32 $1.442695020e+00, v46;
	v50 =	vadd.f32 $1.000000000e+00, v50;
	v61 =	vmul.f32 v49, v16;
	v53 =	vld [tilespmem:s16+$0x50];
	v54 =	vpop (erf)  }
0x669: {  	(erf) = vpow2.f32 v56;
	v56 =	vadd.f32 v59, v59;
	v59 =	vpop (erf)  }
0x66a: {  	v52 =	vsub.f32 $1.000000000e+00, v52;
	[tilespmem:s6+$0xFFFFFFF0] =	vst v9;
	v9 =	vadd.f32 v59, v59  }
0x66b: {  	v60 =	vld [tilespmem:s12+$0x70];
	s6 =	smov.u32 s9;
	s9 =	smov.u32 s12;
	s12 =	smov.u32 s13;
	v54 =	vadd.f32 $1.000000000e+00, v54  }
0x66c: {  	s13 =	smov.u32 s16;
	s16 =	smov.u32 s17;
	(erf) = vrcp.f32 v50;
	[tilespmem:s17+$0x30] =	vst v61;
	v50 =	vld [tilespmem:s12+$0x60];
	v49 =	vpop (erf);
	s17 =	smov.u32 s19;
	v56 =	vsub.f32 $1.000000000e+00, v56;
	v52 =	vmul.f32 v52, v11  }
0x66d: {  	v59 =	vpop (erf);
	v55 =	vld.idx.msk [tilespmem:v55+s22+$0x0], $0xffff  }
0x66e: {  	s19 =	smov.u32 s21;
	s21 =	smov.u32 s10;
	v61 =	vadd.f32 v49, v49;
	v63 =	vsub.f32 $1.000000000e+00, v9;
	v9 =	vmovc v10;
	v10 =	vmovc v13;
	v13 =	vmul.f32 v56, v17  }
0x66f: {  	v59 =	vadd.f32 v59, v59;
	v62 =	vld [tilespmem:s16+$0x40];
	(erf) = vrcp.f32 v54  }
0x670: {  	(erf) = vpow2.f32 v46;
	v46 =	vadd.f32 v53, v58;
	v49 =	vld [tilespmem:s12+$0xFFFFFFD0];
	[tilespmem:s9+$0x60] =	vst v52;
	v52 =	vpop (erf)  }
0x671: {  	v54 =	vmul.f32 v63, v14;
	v56 =	vsub.f32 $1.000000000e+00, v61;
	v53 =	vpop (erf);
	v58 =	vld.idx.msk [tilespmem:v48+s22+$0x0], $0xffff;
	v48 =	vadd.f32 v52, v52  }
0x672: {  	v52 =	vadd.f32 $1.000000000e+00, v53;
	v53 =	vsub.f32 $1.000000000e+00, v59;
	[tilespmem:s13+$0xFFFFFFB0] =	vst v13;
	v59 =	vld [tilespmem:s13+$0xFFFFFFC0];
	v46 =	vmul.f32 $1.442695020e+00, v46;
	v13 =	vmovc v14;
	v14 =	vmovc v17  }
0x673: {  	v50 =	vadd.f32 v50, v51;
	v17 =	vpop (erf);
	v61 =	vld.idx.msk [tilespmem:v47+s22+$0x0], $0xffff;
	[tilespmem:s12+$0xFFFFFFC0] =	vst v54;
	v47 =	vmul.f32 v56, v10;
	v54 =	vsub.f32 $1.000000000e+00, v48  }
0x674: {  	v55 =	vadd.f32 v62, v55;
	v53 =	vmul.f32 v53, v20;
	v56 =	vadd.f32 v17, v17;
	v48 =	vld.idx.msk [tilespmem:v32+s22+$0x0], $0xffff  }
0x675: {  	v62 =	vor.u32 v3, v19;
	v32 =	vpop (erf);
	(erf) = vrcp.f32 v52;
	v51 =	vld [tilespmem:s17+$0x30];
	[tilespmem:s9+$0xFFFFFFD0] =	vst v47;
	v54 =	vmul.f32 v54, v9  }
0x676: {  	v55 =	vmul.f32 $1.442695020e+00, v55;
	v32 =	vadd.f32 $1.000000000e+00, v32;
	v52 =	vpop (erf);
	[tilespmem:s17+$0x20] =	vst v53;
	v53 =	vsub.f32 $1.000000000e+00, v56;
	v47 =	vld.idx.msk [tilespmem:v40+s22+$0x0], $0xffff  }
.Ltmp3:
0x677: {  	v17 =	vmovc v22;
	v40 =	vadd.f32 v52, v52;
	v52 =	vld.idx.msk [tilespmem:v57+s22+$0x0], $0xffff;
	(erf) = vpow2.f32 v46;
	v46 =	vmul.f32 $1.442695020e+00, v50;
	[tilespmem:s6+$0xFFFFFFE0] =	vst v54;
	(pc) =	sbr.rel @p0 .LBB2_10-.Ltmp3, $4  }
0x678: {  	v58 =	vadd.f32 v60, v58;
	(erf) = vrcp.f32 v32;
	v63 =	vmul.f32 v53, v17;
	v53 =	vld.idx.msk [tilespmem:v44+s22+$0x0], $0xffff;
	v44 =	vpop (erf)  }
0x679: {  	v50 =	vpop (erf);
	v57 =	vsub.f32 $1.000000000e+00, v40;
	(erf) = vpow2.f32 v55;
	v55 =	vld [tilespmem:s6+$0xFFFFFFF0];
	v40 =	vadd.f32 v44, v44  }
0x67a: {  	v22 =	vmovc v31;
	v31 =	vmovc v45;
	v54 =	vor.u32 v2, v43;
	v56 =	vadd.f32 $1.000000000e+00, v50;
	[tilespmem:s16+$0xFFFFFFA0] =	vst v63;
	(erf) = vpow2.f32 v46  }
0x67b: {  	v50 =	vadd.f32 v59, v61;
	v46 =	vmul.f32 $1.442695020e+00, v58;
	v32 =	vmovc v43;
	v57 =	vmul.f32 v57, v30;
	v45 =	vld.idx.msk [tilespmem:v62+s22+$0x0], $0xffff  }
0x67c: {  	_ = 	snop  }
0x67d: {  	v44 =	vadd.f32 v51, v52  }
0x67e: {  	v63 =	vadd.f32 v55, v53  }
0x67f: {  	v43 =	vpop (erf);
	v44 =	vmul.f32 $1.442695020e+00, v44  }
0x680: {  	(erf) = vrcp.f32 v56;
	v53 =	vpop (erf);
	v51 =	vmul.f32 $1.442695020e+00, v63  }
0x681: {  	v52 =	vld [tilespmem:s19+$0x20];
	v48 =	vadd.f32 v49, v48;
	v58 =	vpop (erf);
	(erf) = vpow2.f32 v44  }
0x682: {  	v39 =	vld.idx.msk [tilespmem:v39+s24+$0x0], $0xffff;
	[tilespmem:s19+$0x10] =	vst v57;
	v57 =	vor.u32 v2, v25;
	(erf) = vpow2.f32 v51  }
0x683: {  	v59 =	vld.idx.msk [tilespmem:v54+s22+$0x0], $0xffff;
	v48 =	vmul.f32 $1.442695020e+00, v48;
	v36 =	vadd.f32 v36, v45;
	v60 =	vadd.f32 v58, v58  }
0x684: {  	v61 =	vld [tilespmem:s9+$0xFFFFFFE0];
	v62 =	vor.u32 v1, v34  }
0x685: {  	v36 =	vmul.f32 $1.442695020e+00, v36;
	(erf) = vpow2.f32 v48;
	v45 =	vsub.f32 $1.000000000e+00, v60  }
0x686: {  	[tilespmem:s17+$0xFFFFFF90] =	vst v42;
	v56 =	vld [tilespmem:s17+$0xFFFFFFA0];
	v63 =	vmul.f32 $1.442695020e+00, v50  }
0x687: {  	v55 =	vpop (erf);
	v49 =	vld.idx.msk [tilespmem:v57+s22+$0x0], $0xffff;
	(erf) = vpow2.f32 v36;
	v45 =	vmul.f32 v45, v39  }
0x688: {  	v48 =	vadd.f32 $1.000000000e+00, v55;
	v44 =	vadd.f32 v52, v59;
	v58 =	vpop (erf)  }
0x689: {  	v57 =	vadd.f32 $1.000000000e+00, v53;
	v59 =	vadd.f32 v61, v47;
	v36 =	vld.idx.msk [tilespmem:v41+s24+$0x0], $0xffff;
	(erf) = vpow2.f32 v63;
	v60 =	vpop (erf);
	[tilespmem:s10+$0x0] =	vst v45  }
0x68a: {  	v54 =	vor.u32 v1, v33;
	v44 =	vmul.f32 $1.442695020e+00, v44;
	(erf) = vrcp.f32 v48;
	v61 =	vld.idx.msk [tilespmem:v62+s22+$0x0], $0xffff;
	v63 =	vpop (erf)  }
0x68b: {  	v42 =	vmul.f32 $1.442695020e+00, v59;
	(erf) = vrcp.f32 v57;
	v45 =	vadd.f32 v60, v60;
	v62 =	vld [tilespmem:s10+$0x10];
	v53 =	vpop (erf)  }
0x68c: {  	v49 =	vadd.f32 v56, v49;
	(erf) = vpow2.f32 v44;
	v44 =	vadd.f32 $1.000000000e+00, v53  }
0x68d: {  	(erf) = vpow2.f32 v42;
	v45 =	vsub.f32 $1.000000000e+00, v45;
	v55 =	vadd.f32 $1.000000000e+00, v63  }
0x68e: {  	v49 =	vmul.f32 $1.442695020e+00, v49;
	v56 =	vpop (erf);
	(erf) = vrcp.f32 v44  }
0x68f: {  	v57 =	vmul.f32 v45, v36;
	(erf) = vrcp.f32 v55  }
0x690: {  	v41 =	vadd.f32 $1.000000000e+00, v58;
	v59 =	vpop (erf);
	v58 =	vadd.f32 v62, v61;
	(erf) = vpow2.f32 v49  }
0x691: {  	v47 =	vadd.f32 $1.000000000e+00, v59;
	[tilespmem:s10+$0xFFFFFF80] =	vst v57  }
0x692: {  	v60 =	vpop (erf);
	v42 =	vld.idx.msk [tilespmem:v54+s22+$0x0], $0xffff;
	v45 =	vmul.f32 $1.442695020e+00, v58;
	(erf) = vrcp.f32 v41  }
0x693: {  	v61 =	vpop (erf);
	v62 =	vld [tilespmem:s21+$0xFFFFFF90];
	(erf) = vrcp.f32 v47  }
0x694: {  	v50 =	vadd.f32 $1.000000000e+00, v60;
	v63 =	vpop (erf);
	(erf) = vpow2.f32 v45  }
0x695: {  	v52 =	vadd.f32 $1.000000000e+00, v56;
	v53 =	vpop (erf);
	(erf) = vpow2.f32 v46  }
0x696: {  	v54 =	vpop (erf);
	v45 =	vadd.f32 $1.000000000e+00, v53;
	(erf) = vrcp.f32 v50  }
0x697: {  	v55 =	vadd.f32 $1.000000000e+00, v54;
	(erf) = vrcp.f32 v52;
	v41 =	vpop (erf)  }
0x698: {  	v57 =	vadd.f32 v61, v61;
	v42 =	vadd.f32 v62, v42;
	(erf) = vrcp.f32 v45;
	v56 =	vpop (erf)  }
0x699: {  	(erf) = vrcp.f32 v55;
	v58 =	vpop (erf)  }
0x69a: {  	v44 =	vsub.f32 $1.000000000e+00, v57;
	v42 =	vmul.f32 $1.442695020e+00, v42;
	v46 =	vadd.f32 $1.000000000e+00, v58  }
0x69b: {  	v59 =	vor.u32 v5, v23;
	v47 =	vpop (erf)  }
0x69c: {  	v44 =	vmul.f32 v44, v16;
	v45 =	vadd.f32 v56, v56;
	(erf) = vpow2.f32 v42;
	v60 =	vpop (erf)  }
0x69d: {  	v49 =	vadd.f32 v63, v63;
	v61 =	vpop (erf);
	(erf) = vrcp.f32 v46  }
0x69e: {  	v51 =	vor.u32 v4, v26;
	v45 =	vsub.f32 $1.000000000e+00, v45;
	v42 =	vadd.f32 $1.000000000e+00, v61;
	v46 =	vpop (erf)  }
0x69f: {  	v53 =	vor.u32 v6, v24;
	v49 =	vsub.f32 $1.000000000e+00, v49;
	[tilespmem:s16+$0x40] =	vst v44;
	v52 =	vpop (erf)  }
0x6a0: {  	v48 =	vld.idx.msk [tilespmem:v59+s22+$0x0], $0xffff;
	v50 =	vadd.f32 v60, v60;
	v45 =	vmul.f32 v45, v20;
	(erf) = vrcp.f32 v42;
	v44 =	vpop (erf)  }
0x6a1: {  	v28 =	vor.u32 v7, v28;
	v57 =	vor.u32 v5, v18;
	v55 =	vld [tilespmem:s16+$0x50];
	v62 =	vpop (erf)  }
0x6a2: {  	v49 =	vmul.f32 v49, v15;
	v50 =	vsub.f32 $1.000000000e+00, v50;
	[tilespmem:s17+$0x30] =	vst v45;
	v42 =	vadd.f32 v62, v62;
	v63 =	vpop (erf)  }
0x6a3: {  	v59 =	vor.u32 v4, v19;
	v46 =	vadd.f32 $1.000000000e+00, v46;
	v51 =	vld.idx.msk [tilespmem:v51+s22+$0x0], $0xffff;
	v60 =	vadd.f32 v63, v63  }
0x6a4: {  	[tilespmem:s13+$0x50] =	vst v49;
	v61 =	vor.u32 v3, v32;
	v52 =	vadd.f32 v52, v52;
	v62 =	vld [tilespmem:s17+$0x40];
	v42 =	vsub.f32 $1.000000000e+00, v42  }
0x6a5: {  	v53 =	vld.idx.msk [tilespmem:v53+s22+$0x0], $0xffff;
	v50 =	vmul.f32 v50, v17;
	(erf) = vrcp.f32 v46;
	v58 =	vpop (erf);
	v45 =	vsub.f32 $1.000000000e+00, v60  }
0x6a6: {  	v46 =	vadd.f32 v55, v48;
	v55 =	vld [tilespmem:s19+$0x30];
	v44 =	vadd.f32 v44, v44;
	v63 =	vpop (erf);
	v42 =	vmul.f32 v42, v30  }
0x6a7: {  	v52 =	vsub.f32 $1.000000000e+00, v52;
	v48 =	vadd.f32 v63, v63;
	v63 =	vld [tilespmem:s9+$0xFFFFFFF0];
	v45 =	vmul.f32 v45, v10  }
0x6a8: {  	v46 =	vmul.f32 $1.442695020e+00, v46;
	v44 =	vsub.f32 $1.000000000e+00, v44;
	v58 =	vadd.f32 $1.000000000e+00, v58;
	[tilespmem:s19+$0x20] =	vst v42;
	v42 =	vld [tilespmem:s13+$0x60]  }
0x6a9: {  	v60 =	vadd.f32 v62, v51;
	v62 =	vpop (erf);
	v48 =	vsub.f32 $1.000000000e+00, v48;
	v56 =	vld.idx.msk [tilespmem:v61+s22+$0x0], $0xffff;
	[tilespmem:s9+$0xFFFFFFE0] =	vst v45;
	v61 =	vor.u32 v3, v25  }
0x6aa: {  	v52 =	vmul.f32 v52, v14;
	(erf) = vrcp.f32 v58;
	v51 =	vadd.f32 v62, v62;
	v28 =	vld.idx.msk [tilespmem:v28+s22+$0x0], $0xffff  }
0x6ab: {  	v54 =	vor.u32 v6, v21;
	[tilespmem:s16+$0xFFFFFFB0] =	vst v50;
	v50 =	vld [tilespmem:s13+$0xFFFFFFD0];
	v45 =	vmul.f32 $1.442695020e+00, v60;
	v48 =	vmul.f32 v48, v22  }
0x6ac: {  	v44 =	vmul.f32 v44, v13;
	[tilespmem:s13+$0xFFFFFFC0] =	vst v52;
	(erf) = vpow2.f32 v46;
	v46 =	vld [tilespmem:s16+$0xFFFFFFC0];
	v51 =	vsub.f32 $1.000000000e+00, v51  }
0x6ad: {  	v52 =	vld.idx.msk [tilespmem:v57+s22+$0x0], $0xffff;
	(erf) = vpow2.f32 v45;
	v45 =	vor.u32 v2, v34;
	[tilespmem:s17+$0xFFFFFFA0] =	vst v48;
	v42 =	vadd.f32 v42, v53  }
0x6ae: {  	v43 =	vadd.f32 v43, v43;
	v49 =	vld.idx.msk [tilespmem:v61+s22+$0x0], $0xffff;
	v61 =	vadd.f32 v55, v56  }
0x6af: {  	[tilespmem:s12+$0xFFFFFFD0] =	vst v44;
	v62 =	vld.idx.msk [tilespmem:v59+s22+$0x0], $0xffff;
	v60 =	vmul.f32 v51, v39;
	v42 =	vmul.f32 $1.442695020e+00, v42;
	v28 =	vadd.f32 v63, v28  }
0x6b0: {  	v43 =	vsub.f32 $1.000000000e+00, v43;
	v44 =	vld.idx.msk [tilespmem:v54+s22+$0x0], $0xffff;
	v63 =	vmul.f32 $1.442695020e+00, v61  }
0x6b1: {  	v47 =	vadd.f32 v47, v47;
	v56 =	vld [tilespmem:s21+$0x20];
	[tilespmem:s21+$0x10] =	vst v60;
	(erf) = vpow2.f32 v42;
	v57 =	vmul.f32 $1.442695020e+00, v28  }
0x6b2: {  	v58 =	vor.u32 v2, v29;
	v50 =	vadd.f32 v50, v52;
	v45 =	vld.idx.msk [tilespmem:v45+s22+$0x0], $0xffff;
	(erf) = vpow2.f32 v63  }
0x6b3: {  	v47 =	vsub.f32 $1.000000000e+00, v47;
	v60 =	vld [tilespmem:s12+$0xFFFFFFE0];
	v28 =	vpop (erf);
	v59 =	vadd.f32 v35, v49;
	(erf) = vpow2.f32 v57  }
0x6b4: {  	v43 =	vmul.f32 v43, v31;
	v46 =	vadd.f32 v46, v62;
	v50 =	vmul.f32 $1.442695020e+00, v50;
	v35 =	vpop (erf)  }
0x6b5: {  	v27 =	vor.u32 v7, v27;
	v47 =	vmul.f32 v47, v12;
	v61 =	vpop (erf);
	v48 =	vmul.f32 $1.442695020e+00, v59  }
0x6b6: {  	[tilespmem:s19+$0xFFFFFF90] =	vst v43;
	v63 =	vmul.f32 $1.442695020e+00, v46;
	(erf) = vpow2.f32 v50;
	v62 =	vpop (erf)  }
0x6b7: {  	v54 =	vld.idx.msk [tilespmem:v58+s22+$0x0], $0xffff;
	v42 =	vadd.f32 v56, v45;
	v53 =	vadd.f32 $1.000000000e+00, v62;
	(erf) = vpow2.f32 v48  }
0x6b8: {  	v57 =	vadd.f32 v60, v44;
	v56 =	vld [tilespmem:s19+$0xFFFFFFA0];
	v55 =	vadd.f32 $1.000000000e+00, v61;
	(erf) = vpow2.f32 v63  }
0x6b9: {  	[tilespmem:s12+$0x60] =	vst v47;
	v42 =	vmul.f32 $1.442695020e+00, v42;
	(erf) = vrcp.f32 v53  }
0x6ba: {  	v27 =	vld.idx.msk [tilespmem:v27+s22+$0x0], $0xffff;
	v43 =	vmul.f32 $1.442695020e+00, v57;
	v59 =	vpop (erf);
	(erf) = vrcp.f32 v55  }
0x6bb: {  	v58 =	vld [tilespmem:s12+$0x70];
	(erf) = vpow2.f32 v42;
	v60 =	vpop (erf)  }
0x6bc: {  	v61 =	vpop (erf);
	(erf) = vpow2.f32 v43  }
0x6bd: {  	v62 =	vadd.f32 v56, v54;
	v63 =	vadd.f32 $1.000000000e+00, v61  }
0x6be: {  	v42 =	vadd.f32 $1.000000000e+00, v60  }
0x6bf: {  	v43 =	vmul.f32 $1.442695020e+00, v62;
	v48 =	vpop (erf);
	(erf) = vrcp.f32 v63  }
0x6c0: {  	v27 =	vadd.f32 v58, v27;
	v49 =	vadd.f32 $1.000000000e+00, v59;
	(erf) = vrcp.f32 v42;
	v50 =	vpop (erf)  }
0x6c1: {  	(erf) = vpow2.f32 v43;
	v42 =	vadd.f32 $1.000000000e+00, v50;
	v51 =	vpop (erf)  }
0x6c2: {  	v27 =	vmul.f32 $1.442695020e+00, v27;
	v52 =	vpop (erf);
	(erf) = vrcp.f32 v49  }
0x6c3: {  	v43 =	vadd.f32 $1.000000000e+00, v51;
	(erf) = vrcp.f32 v42;
	v53 =	vpop (erf)  }
0x6c4: {  	v54 =	vadd.f32 $1.000000000e+00, v48;
	v55 =	vpop (erf);
	(erf) = vpow2.f32 v27  }
0x6c5: {  	v56 =	vadd.f32 $1.000000000e+00, v55;
	(erf) = vrcp.f32 v43;
	v57 =	vpop (erf)  }
0x6c6: {  	(erf) = vrcp.f32 v54;
	v43 =	vadd.f32 $1.000000000e+00, v57  }
0x6c7: {  	(erf) = vrcp.f32 v56  }
0x6c8: {  	v27 =	vpop (erf);
	(erf) = vrcp.f32 v43  }
0x6c9: {  	v58 =	vpop (erf)  }
0x6ca: {  	v59 =	vadd.f32 v52, v52;
	v60 =	vpop (erf)  }
0x6cb: {  	v46 =	vpop (erf)  }
0x6cc: {  	v61 =	vor.u32 v5, v26;
	v42 =	vadd.f32 v53, v53;
	v44 =	vsub.f32 $1.000000000e+00, v59;
	v48 =	vpop (erf)  }
0x6cd: {  	v62 =	vor.u32 v6, v23;
	v45 =	vadd.f32 $1.000000000e+00, v60;
	v50 =	vpop (erf)  }
0x6ce: {  	v42 =	vsub.f32 $1.000000000e+00, v42;
	v44 =	vmul.f32 v44, v20;
	v43 =	vadd.f32 v58, v58;
	v51 =	vpop (erf)  }
0x6cf: {  	(erf) = vrcp.f32 v45;
	v52 =	vpop (erf)  }
0x6d0: {  	v63 =	vor.u32 v4, v32;
	v55 =	vld [tilespmem:s21+$0x30];
	v42 =	vmul.f32 v42, v16;
	[tilespmem:s17+$0x40] =	vst v44;
	v43 =	vsub.f32 $1.000000000e+00, v43;
	v57 =	vpop (erf)  }
0x6d1: {  	v45 =	vld.idx.msk [tilespmem:v61+s22+$0x0], $0xffff;
	v58 =	vadd.f32 v57, v57;
	v59 =	vpop (erf)  }
0x6d2: {  	[tilespmem:s16+$0x50] =	vst v42;
	v61 =	vld [tilespmem:s17+$0x50];
	v43 =	vmul.f32 v43, v30;
	v44 =	vadd.f32 v59, v59  }
0x6d3: {  	v47 =	vld.idx.msk [tilespmem:v62+s22+$0x0], $0xffff;
	v60 =	vor.u32 v3, v34;
	v42 =	vsub.f32 $1.000000000e+00, v58  }
0x6d4: {  	v62 =	vor.u32 v7, v21;
	[tilespmem:s19+$0x30] =	vst v43;
	v43 =	vld [tilespmem:s16+$0x60];
	v44 =	vsub.f32 $1.000000000e+00, v44  }
0x6d5: {  	v48 =	vadd.f32 v48, v48;
	v53 =	vld.idx.msk [tilespmem:v63+s22+$0x0], $0xffff;
	v42 =	vmul.f32 v42, v39  }
0x6d6: {  	v50 =	vadd.f32 $1.000000000e+00, v50;
	v51 =	vadd.f32 v51, v51;
	v63 =	vld [tilespmem:s19+$0x40];
	v44 =	vmul.f32 v44, v13  }
0x6d7: {  	v48 =	vsub.f32 $1.000000000e+00, v48;
	v45 =	vadd.f32 v61, v45;
	v61 =	vld [tilespmem:s12+$0xFFFFFFF0];
	[tilespmem:s21+$0x20] =	vst v42  }
0x6d8: {  	v35 =	vadd.f32 v35, v35;
	(erf) = vrcp.f32 v50;
	v57 =	vor.u32 v5, v19;
	v49 =	vld.idx.msk [tilespmem:v60+s22+$0x0], $0xffff;
	[tilespmem:s12+$0xFFFFFFE0] =	vst v44;
	v60 =	vpop (erf)  }
0x6d9: {  	v51 =	vsub.f32 $1.000000000e+00, v51;
	v48 =	vmul.f32 v48, v22;
	v21 =	vld.idx.msk [tilespmem:v62+s22+$0x0], $0xffff;
	v50 =	vadd.f32 v60, v60  }
0x6da: {  	v59 =	vadd.f32 v52, v52;
	v52 =	vor.u32 v4, v25;
	v45 =	vmul.f32 $1.442695020e+00, v45  }
0x6db: {  	v53 =	vadd.f32 v63, v53;
	v62 =	vor.u32 v3, v29;
	v50 =	vsub.f32 $1.000000000e+00, v50  }
0x6dc: {  	v51 =	vmul.f32 v51, v17;
	v43 =	vadd.f32 v43, v47;
	(erf) = vpow2.f32 v45  }
0x6dd: {  	v58 =	vld [tilespmem:s17+$0xFFFFFFC0];
	v63 =	vmul.f32 $1.442695020e+00, v53;
	v50 =	vmul.f32 v50, v31;
	v49 =	vadd.f32 v55, v49  }
0x6de: {  	v47 =	vld [tilespmem:s16+$0xFFFFFFD0];
	[tilespmem:s16+$0xFFFFFFC0] =	vst v51;
	v42 =	vor.u32 v6, v18;
	v43 =	vmul.f32 $1.442695020e+00, v43;
	v21 =	vadd.f32 v61, v21  }
0x6df: {  	v44 =	vsub.f32 $1.000000000e+00, v59;
	v59 =	vld.idx.msk [tilespmem:v57+s22+$0x0], $0xffff;
	(erf) = vpow2.f32 v63;
	[tilespmem:s19+$0xFFFFFFA0] =	vst v50;
	v60 =	vmul.f32 $1.442695020e+00, v49  }
0x6e0: {  	v35 =	vsub.f32 $1.000000000e+00, v35;
	[tilespmem:s17+$0xFFFFFFB0] =	vst v48;
	(erf) = vpow2.f32 v43;
	v61 =	vld.idx.msk [tilespmem:v62+s22+$0x0], $0xffff;
	v21 =	vmul.f32 $1.442695020e+00, v21  }
0x6e1: {  	v44 =	vmul.f32 v44, v14;
	v63 =	vor.u32 v2, v33;
	v62 =	vld.idx.msk [tilespmem:v52+s22+$0x0], $0xffff;
	(erf) = vpow2.f32 v60  }
0x6e2: {  	(erf) = vpow2.f32 v21  }
0x6e3: {  	v56 =	vadd.f32 v46, v46;
	v51 =	vmul.f32 v35, v36;
	[tilespmem:s13+$0xFFFFFFD0] =	vst v44;
	v55 =	vld [tilespmem:s13+$0xFFFFFFE0]  }
0x6e4: {  	v54 =	vadd.f32 v47, v59;
	v52 =	vld.idx.msk [tilespmem:v42+s22+$0x0], $0xffff  }
0x6e5: {  	[tilespmem:s21+$0xFFFFFF90] =	vst v51;
	v43 =	vsub.f32 $1.000000000e+00, v56;
	v38 =	vadd.f32 v38, v61  }
0x6e6: {  	v42 =	vmul.f32 $1.442695020e+00, v54;
	v21 =	vpop (erf);
	v57 =	vadd.f32 v58, v62;
	v58 =	vld.idx.msk [tilespmem:v63+s22+$0x0], $0xffff  }
0x6e7: {  	v59 =	vor.u32 v7, v24;
	v50 =	vmul.f32 v43, v15;
	v60 =	vpop (erf);
	v61 =	vld [tilespmem:s21+$0xFFFFFFA0];
	v38 =	vmul.f32 $1.442695020e+00, v38  }
0x6e8: {  	(erf) = vpow2.f32 v42;
	v62 =	vpop (erf);
	v45 =	vmul.f32 $1.442695020e+00, v57  }
0x6e9: {  	v35 =	vadd.f32 v55, v52;
	v63 =	vpop (erf);
	v49 =	vadd.f32 $1.000000000e+00, v62;
	(erf) = vpow2.f32 v38  }
0x6ea: {  	v51 =	vadd.f32 $1.000000000e+00, v60;
	(erf) = vpow2.f32 v45;
	v52 =	vpop (erf)  }
0x6eb: {  	v53 =	vld [tilespmem:s13+$0x70];
	[tilespmem:s13+$0x60] =	vst v50;
	v35 =	vmul.f32 $1.442695020e+00, v35;
	(erf) = vrcp.f32 v49;
	v54 =	vpop (erf)  }
0x6ec: {  	v24 =	vld.idx.msk [tilespmem:v59+s22+$0x0], $0xffff;
	v55 =	vadd.f32 v61, v58;
	(erf) = vrcp.f32 v51;
	v56 =	vadd.f32 $1.000000000e+00, v54  }
0x6ed: {  	v44 =	vadd.f32 $1.000000000e+00, v52;
	(erf) = vpow2.f32 v35  }
0x6ee: {  	v57 =	vmul.f32 $1.442695020e+00, v55;
	(erf) = vrcp.f32 v56  }
0x6ef: {  	(erf) = vrcp.f32 v44  }
0x6f0: {  	(erf) = vpow2.f32 v57  }
0x6f1: {  	v24 =	vadd.f32 v53, v24;
	v58 =	vpop (erf)  }
0x6f2: {  	v59 =	vadd.f32 $1.000000000e+00, v63;
	v60 =	vpop (erf)  }
0x6f3: {  	v24 =	vmul.f32 $1.442695020e+00, v24;
	v42 =	vadd.f32 $1.000000000e+00, v60;
	v61 =	vpop (erf)  }
0x6f4: {  	(erf) = vrcp.f32 v59;
	v62 =	vpop (erf)  }
0x6f5: {  	v46 =	vadd.f32 $1.000000000e+00, v61;
	(erf) = vrcp.f32 v42;
	v63 =	vpop (erf)  }
0x6f6: {  	v35 =	vadd.f32 $1.000000000e+00, v58;
	(erf) = vpow2.f32 v24;
	v47 =	vpop (erf)  }
0x6f7: {  	(erf) = vrcp.f32 v46;
	v48 =	vadd.f32 $1.000000000e+00, v47;
	v24 =	vpop (erf)  }
0x6f8: {  	(erf) = vrcp.f32 v35;
	v49 =	vpop (erf)  }
0x6f9: {  	v51 =	vpop (erf);
	(erf) = vrcp.f32 v48;
	v35 =	vadd.f32 v49, v49  }
0x6fa: {  	v50 =	vadd.f32 v62, v62;
	v52 =	vadd.f32 $1.000000000e+00, v51  }
0x6fb: {  	v35 =	vsub.f32 $1.000000000e+00, v35  }
0x6fc: {  	v53 =	vor.u32 v5, v32;
	v43 =	vsub.f32 $1.000000000e+00, v50;
	(erf) = vrcp.f32 v52  }
0x6fd: {  	v45 =	vpop (erf);
	v35 =	vmul.f32 v35, v39  }
0x6fe: {  	v54 =	vor.u32 v4, v34;
	v43 =	vmul.f32 v43, v30;
	v55 =	vpop (erf)  }
0x6ff: {  	v38 =	vadd.f32 v63, v63;
	v56 =	vpop (erf)  }
0x700: {  	v59 =	vld [tilespmem:s19+$0x50];
	[tilespmem:s19+$0x40] =	vst v43;
	v57 =	vpop (erf)  }
0x701: {  	v58 =	vor.u32 v6, v26;
	v38 =	vsub.f32 $1.000000000e+00, v38;
	v44 =	vld.idx.msk [tilespmem:v53+s22+$0x0], $0xffff;
	[tilespmem:s21+$0x30] =	vst v35;
	v35 =	vpop (erf)  }
0x702: {  	v62 =	vld [tilespmem:s21+$0x40];
	v60 =	vpop (erf)  }
0x703: {  	v38 =	vmul.f32 v38, v20;
	v42 =	vld.idx.msk [tilespmem:v54+s22+$0x0], $0xffff;
	v50 =	vadd.f32 v60, v60  }
0x704: {  	v61 =	vor.u32 v7, v18;
	v46 =	vadd.f32 v55, v55;
	v63 =	vadd.f32 $1.000000000e+00, v56  }
0x705: {  	v52 =	vor.u32 v5, v25;
	[tilespmem:s17+$0x50] =	vst v38;
	v47 =	vadd.f32 v57, v57;
	v55 =	vpop (erf);
	v50 =	vsub.f32 $1.000000000e+00, v50  }
0x706: {  	v53 =	vor.u32 v4, v29;
	v48 =	vld.idx.msk [tilespmem:v58+s22+$0x0], $0xffff;
	v56 =	vadd.f32 v59, v44;
	v43 =	vadd.f32 v55, v55  }
0x707: {  	v58 =	vld [tilespmem:s17+$0xFFFFFFD0];
	v59 =	vor.u32 v3, v33;
	v47 =	vsub.f32 $1.000000000e+00, v47;
	v57 =	vmul.f32 v50, v14  }
0x708: {  	v54 =	vld [tilespmem:s17+$0x60];
	(erf) = vrcp.f32 v63;
	v42 =	vadd.f32 v62, v42;
	v43 =	vsub.f32 $1.000000000e+00, v43  }
0x709: {  	v46 =	vsub.f32 $1.000000000e+00, v46;
	v38 =	vmul.f32 $1.442695020e+00, v56;
	v47 =	vmul.f32 v47, v22;
	v62 =	vld [tilespmem:s13+$0xFFFFFFF0];
	[tilespmem:s13+$0xFFFFFFE0] =	vst v57  }
0x70a: {  	v35 =	vadd.f32 v35, v35;
	v42 =	vmul.f32 $1.442695020e+00, v42;
	v43 =	vmul.f32 v43, v36;
	v18 =	vld.idx.msk [tilespmem:v61+s22+$0x0], $0xffff  }
0x70b: {  	v46 =	vmul.f32 v46, v31;
	v60 =	vld [tilespmem:s19+$0xFFFFFFC0];
	(erf) = vpow2.f32 v38;
	[tilespmem:s17+$0xFFFFFFC0] =	vst v47  }
0x70c: {  	v35 =	vsub.f32 $1.000000000e+00, v35;
	v47 =	vld.idx.msk [tilespmem:v52+s22+$0x0], $0xffff;
	(erf) = vpow2.f32 v42;
	v61 =	vor.u32 v6, v19;
	[tilespmem:s21+$0xFFFFFFA0] =	vst v43  }
0x70d: {  	[tilespmem:s19+$0xFFFFFFB0] =	vst v46;
	v63 =	vld.idx.msk [tilespmem:v59+s22+$0x0], $0xffff  }
0x70e: {  	v35 =	vmul.f32 v35, v17;
	v51 =	vld.idx.msk [tilespmem:v53+s22+$0x0], $0xffff  }
0x70f: {  	v52 =	vadd.f32 v54, v48;
	v18 =	vadd.f32 v62, v18  }
0x710: {  	v55 =	vld [tilespmem:s16+$0xFFFFFFE0];
	[tilespmem:s16+$0xFFFFFFD0] =	vst v35  }
0x711: {  	v53 =	vmul.f32 $1.442695020e+00, v52;
	v54 =	vadd.f32 v58, v47;
	v35 =	vld.idx.msk [tilespmem:v61+s22+$0x0], $0xffff  }
0x712: {  	v45 =	vadd.f32 v45, v45;
	v56 =	vmul.f32 $1.442695020e+00, v18;
	v37 =	vadd.f32 v37, v63  }
0x713: {  	v57 =	vadd.f32 v60, v51;
	(erf) = vpow2.f32 v53;
	v58 =	vmul.f32 $1.442695020e+00, v54;
	v18 =	vpop (erf)  }
0x714: {  	v59 =	vor.u32 v7, v23;
	(erf) = vpow2.f32 v56;
	v60 =	vpop (erf);
	v37 =	vmul.f32 $1.442695020e+00, v37  }
0x715: {  	v38 =	vmul.f32 $1.442695020e+00, v57;
	v61 =	vsub.f32 $1.000000000e+00, v45;
	(erf) = vpow2.f32 v58;
	v62 =	vpop (erf)  }
0x716: {  	v35 =	vadd.f32 v55, v35;
	v63 =	vadd.f32 $1.000000000e+00, v62;
	(erf) = vpow2.f32 v37  }
0x717: {  	v45 =	vmul.f32 v61, v16;
	v43 =	vadd.f32 $1.000000000e+00, v60;
	(erf) = vpow2.f32 v38  }
0x718: {  	v35 =	vmul.f32 $1.442695020e+00, v35;
	(erf) = vrcp.f32 v63  }
0x719: {  	v46 =	vld [tilespmem:s16+$0x70];
	[tilespmem:s16+$0x60] =	vst v45;
	(erf) = vrcp.f32 v43  }
0x71a: {  	v23 =	vld.idx.msk [tilespmem:v59+s22+$0x0], $0xffff;
	(erf) = vpow2.f32 v35;
	_ =	sdelay $0x1  }
0x71b: {  	v47 =	vpop (erf)  }
0x71c: {  	v48 =	vpop (erf)  }
0x71d: {  	v37 =	vadd.f32 $1.000000000e+00, v48;
	v49 =	vpop (erf)  }
0x71e: {  	v23 =	vadd.f32 v46, v23;
	v35 =	vadd.f32 $1.000000000e+00, v47;
	v50 =	vpop (erf)  }
0x71f: {  	(erf) = vrcp.f32 v37;
	v51 =	vadd.f32 $1.000000000e+00, v50;
	v52 =	vpop (erf)  }
0x720: {  	v23 =	vmul.f32 $1.442695020e+00, v23;
	(erf) = vrcp.f32 v35;
	v53 =	vpop (erf)  }
0x721: {  	v55 =	vadd.f32 $1.000000000e+00, v52;
	(erf) = vrcp.f32 v51;
	v54 =	vpop (erf)  }
0x722: {  	v56 =	vadd.f32 $1.000000000e+00, v49;
	(erf) = vpow2.f32 v23;
	v57 =	vpop (erf)  }
0x723: {  	(erf) = vrcp.f32 v55;
	v23 =	vadd.f32 $1.000000000e+00, v57  }
0x724: {  	(erf) = vrcp.f32 v56  }
0x725: {  	(erf) = vrcp.f32 v23  }
0x726: {  	v58 =	vadd.f32 v53, v53;
	_ =	sdelay $0x1  }
0x727: {  	v59 =	vor.u32 v5, v34;
	v37 =	vsub.f32 $1.000000000e+00, v58;
	v23 =	vpop (erf)  }
0x728: {  	v42 =	vpop (erf)  }
0x729: {  	v37 =	vmul.f32 v37, v39;
	v60 =	vpop (erf)  }
0x72a: {  	v44 =	vpop (erf)  }
0x72b: {  	v53 =	vld [tilespmem:s21+$0x50];
	v35 =	vadd.f32 v54, v54;
	[tilespmem:s21+$0x40] =	vst v37;
	v61 =	vpop (erf)  }
0x72c: {  	v38 =	vld.idx.msk [tilespmem:v59+s22+$0x0], $0xffff;
	v62 =	vpop (erf)  }
0x72d: {  	v63 =	vor.u32 v6, v32;
	v35 =	vsub.f32 $1.000000000e+00, v35;
	v52 =	vpop (erf)  }
0x72e: {  	v47 =	vadd.f32 v52, v52  }
0x72f: {  	v49 =	vor.u32 v6, v25;
	v35 =	vmul.f32 v35, v30  }
0x730: {  	v54 =	vor.u32 v7, v19;
	v55 =	vadd.f32 v61, v61;
	v47 =	vsub.f32 $1.000000000e+00, v47  }
0x731: {  	v58 =	vor.u32 v5, v29;
	[tilespmem:s19+$0x50] =	vst v35;
	v59 =	vld [tilespmem:s19+$0x60];
	v43 =	vadd.f32 v60, v60;
	v38 =	vadd.f32 v53, v38  }
0x732: {  	v56 =	vld.idx.msk [tilespmem:v63+s22+$0x0], $0xffff;
	v37 =	vadd.f32 v62, v62;
	v35 =	vsub.f32 $1.000000000e+00, v55;
	v57 =	vmul.f32 v47, v17  }
0x733: {  	v63 =	vld [tilespmem:s21+$0xFFFFFFC0];
	v60 =	vor.u32 v4, v33;
	v44 =	vadd.f32 $1.000000000e+00, v44;
	v43 =	vsub.f32 $1.000000000e+00, v43  }
0x734: {  	v62 =	vld [tilespmem:s16+$0xFFFFFFF0];
	v38 =	vmul.f32 $1.442695020e+00, v38;
	v37 =	vsub.f32 $1.000000000e+00, v37;
	v35 =	vmul.f32 v35, v31;
	[tilespmem:s16+$0xFFFFFFE0] =	vst v57  }
0x735: {  	(erf) = vrcp.f32 v44;
	v43 =	vmul.f32 v43, v36;
	v19 =	vld.idx.msk [tilespmem:v54+s22+$0x0], $0xffff  }
0x736: {  	v61 =	vld [tilespmem:s19+$0xFFFFFFD0];
	(erf) = vpow2.f32 v38;
	v46 =	vmul.f32 v37, v22;
	[tilespmem:s19+$0xFFFFFFC0] =	vst v35  }
0x737: {  	[tilespmem:s21+$0xFFFFFFB0] =	vst v43;
	v52 =	vld.idx.msk [tilespmem:v58+s22+$0x0], $0xffff  }
0x738: {  	v53 =	vld.idx.msk [tilespmem:v60+s22+$0x0], $0xffff;
	[tilespmem:s17+$0xFFFFFFD0] =	vst v46  }
0x739: {  	v55 =	vld.idx.msk [tilespmem:v49+s22+$0x0], $0xffff;
	v54 =	vadd.f32 v59, v56  }
0x73a: {  	v42 =	vadd.f32 v42, v42;
	v56 =	vld [tilespmem:s17+$0xFFFFFFE0];
	v19 =	vadd.f32 v62, v19  }
0x73b: {  	v35 =	vmul.f32 $1.442695020e+00, v54  }
0x73c: {  	v60 =	vsub.f32 $1.000000000e+00, v42;
	v37 =	vadd.f32 v61, v52;
	v57 =	vmul.f32 $1.442695020e+00, v19  }
0x73d: {  	v58 =	vor.u32 v7, v26;
	v59 =	vadd.f32 v63, v53;
	(erf) = vpow2.f32 v35  }
0x73e: {  	v37 =	vmul.f32 $1.442695020e+00, v37;
	v19 =	vpop (erf);
	(erf) = vpow2.f32 v57  }
0x73f: {  	v38 =	vmul.f32 v60, v20;
	v35 =	vmul.f32 $1.442695020e+00, v59;
	v43 =	vadd.f32 v56, v55;
	v61 =	vpop (erf)  }
0x740: {  	(erf) = vpow2.f32 v37;
	v42 =	vadd.f32 $1.000000000e+00, v61  }
0x741: {  	[tilespmem:s17+$0x60] =	vst v38;
	v63 =	vmul.f32 $1.442695020e+00, v43;
	(erf) = vpow2.f32 v35  }
0x742: {  	v26 =	vld.idx.msk [tilespmem:v58+s22+$0x0], $0xffff;
	(erf) = vrcp.f32 v42  }
0x743: {  	v62 =	vld [tilespmem:s17+$0x70];
	(erf) = vpow2.f32 v63;
	_ =	sdelay $0x2  }
0x744: {  	v43 =	vpop (erf)  }
0x745: {  	v44 =	vpop (erf)  }
0x746: {  	v26 =	vadd.f32 v62, v26;
	v45 =	vadd.f32 $1.000000000e+00, v44  }
0x747: {  	v35 =	vadd.f32 $1.000000000e+00, v43;
	v46 =	vpop (erf)  }
0x748: {  	v26 =	vmul.f32 $1.442695020e+00, v26;
	v47 =	vpop (erf);
	(erf) = vrcp.f32 v45  }
0x749: {  	v37 =	vadd.f32 $1.000000000e+00, v47;
	(erf) = vrcp.f32 v35;
	v48 =	vpop (erf)  }
0x74a: {  	v38 =	vadd.f32 $1.000000000e+00, v46;
	(erf) = vpow2.f32 v26;
	v49 =	vpop (erf)  }
0x74b: {  	(erf) = vrcp.f32 v37;
	v26 =	vadd.f32 $1.000000000e+00, v49  }
0x74c: {  	(erf) = vrcp.f32 v38  }
0x74d: {  	(erf) = vrcp.f32 v26;
	_ =	sdelay $0x3  }
0x74e: {  	v26 =	vpop (erf)  }
0x74f: {  	v37 =	vpop (erf)  }
0x750: {  	v38 =	vpop (erf)  }
0x751: {  	v50 =	vpop (erf)  }
0x752: {  	v51 =	vpop (erf)  }
0x753: {  	v35 =	vadd.f32 v48, v48;
	v53 =	vpop (erf)  }
0x754: {  	v45 =	vadd.f32 v53, v53  }
0x755: {  	v52 =	vor.u32 v6, v34;
	v35 =	vsub.f32 $1.000000000e+00, v35  }
0x756: {  	v54 =	vor.u32 v7, v25;
	v45 =	vsub.f32 $1.000000000e+00, v45  }
0x757: {  	v35 =	vmul.f32 v35, v39;
	v55 =	vadd.f32 v50, v50  }
0x758: {  	v59 =	vld [tilespmem:s21+$0x60];
	v43 =	vadd.f32 v51, v51;
	v57 =	vmul.f32 v45, v22  }
0x759: {  	v58 =	vor.u32 v5, v33;
	v62 =	vld [tilespmem:s17+$0xFFFFFFF0];
	[tilespmem:s21+$0x50] =	vst v35;
	v35 =	vsub.f32 $1.000000000e+00, v55  }
0x75a: {  	v60 =	vor.u32 v6, v29;
	v56 =	vld.idx.msk [tilespmem:v52+s22+$0x0], $0xffff;
	v43 =	vsub.f32 $1.000000000e+00, v43;
	[tilespmem:s17+$0xFFFFFFE0] =	vst v57  }
0x75b: {  	v35 =	vmul.f32 v35, v36;
	v25 =	vld.idx.msk [tilespmem:v54+s22+$0x0], $0xffff  }
0x75c: {  	v61 =	vld [tilespmem:s21+$0xFFFFFFD0];
	v43 =	vmul.f32 v43, v31  }
0x75d: {  	v63 =	vld [tilespmem:s19+$0xFFFFFFE0];
	[tilespmem:s21+$0xFFFFFFC0] =	vst v35  }
0x75e: {  	v35 =	vld.idx.msk [tilespmem:v58+s22+$0x0], $0xffff;
	[tilespmem:s19+$0xFFFFFFD0] =	vst v43  }
0x75f: {  	v42 =	vadd.f32 v59, v56;
	v43 =	vld.idx.msk [tilespmem:v60+s22+$0x0], $0xffff  }
0x760: {  	v38 =	vadd.f32 $1.000000000e+00, v38;
	v25 =	vadd.f32 v62, v25  }
0x761: {  	v42 =	vmul.f32 $1.442695020e+00, v42  }
0x762: {  	v37 =	vadd.f32 v37, v37;
	(erf) = vrcp.f32 v38;
	v25 =	vmul.f32 $1.442695020e+00, v25  }
0x763: {  	v44 =	vor.u32 v7, v32;
	(erf) = vpow2.f32 v42;
	v35 =	vadd.f32 v61, v35  }
0x764: {  	v37 =	vsub.f32 $1.000000000e+00, v37;
	v46 =	vadd.f32 v63, v43;
	(erf) = vpow2.f32 v25  }
0x765: {  	v35 =	vmul.f32 $1.442695020e+00, v35  }
0x766: {  	v37 =	vmul.f32 v37, v30;
	v25 =	vmul.f32 $1.442695020e+00, v46  }
0x767: {  	(erf) = vpow2.f32 v35  }
0x768: {  	v47 =	vld [tilespmem:s19+$0x70];
	[tilespmem:s19+$0x60] =	vst v37;
	(erf) = vpow2.f32 v25  }
0x769: {  	v48 =	vld.idx.msk [tilespmem:v44+s22+$0x0], $0xffff;
	_ =	sdelay $0x1  }
0x76a: {  	v32 =	vpop (erf)  }
0x76b: {  	v49 =	vpop (erf)  }
0x76c: {  	v50 =	vpop (erf)  }
0x76d: {  	v25 =	vadd.f32 v47, v48;
	v37 =	vadd.f32 $1.000000000e+00, v50  }
0x76e: {  	v35 =	vadd.f32 $1.000000000e+00, v49  }
0x76f: {  	v25 =	vmul.f32 $1.442695020e+00, v25;
	v51 =	vpop (erf);
	(erf) = vrcp.f32 v37  }
0x770: {  	v52 =	vadd.f32 $1.000000000e+00, v51;
	v53 =	vpop (erf);
	(erf) = vrcp.f32 v35  }
0x771: {  	v54 =	vadd.f32 $1.000000000e+00, v53;
	(erf) = vpow2.f32 v25  }
0x772: {  	(erf) = vrcp.f32 v52  }
0x773: {  	(erf) = vrcp.f32 v54;
	_ =	sdelay $0x4  }
0x774: {  	v25 =	vpop (erf)  }
0x775: {  	v55 =	vpop (erf)  }
0x776: {  	v56 =	vpop (erf)  }
0x777: {  	v57 =	vpop (erf)  }
0x778: {  	v58 =	vpop (erf)  }
0x779: {  	v42 =	vadd.f32 v58, v58;
	_ =	sdelay $0x1  }
0x77a: {  	v59 =	vor.u32 v7, v29;
	v38 =	vadd.f32 v57, v57;
	v42 =	vsub.f32 $1.000000000e+00, v42;
	_ =	sdelay $0x1  }
0x77b: {  	v60 =	vor.u32 v6, v33;
	v38 =	vsub.f32 $1.000000000e+00, v38;
	v42 =	vmul.f32 v42, v31;
	_ =	sdelay $0x1  }
0x77c: {  	v61 =	vld [tilespmem:s19+$0xFFFFFFF0];
	v38 =	vmul.f32 v38, v36;
	[tilespmem:s19+$0xFFFFFFE0] =	vst v42  }
0x77d: {  	v29 =	vld.idx.msk [tilespmem:v59+s22+$0x0], $0xffff  }
0x77e: {  	v63 =	vld [tilespmem:s21+$0xFFFFFFE0];
	[tilespmem:s21+$0xFFFFFFD0] =	vst v38  }
0x77f: {  	v62 =	vld.idx.msk [tilespmem:v60+s22+$0x0], $0xffff;
	_ =	sdelay $0x2  }
0x780: {  	v29 =	vadd.f32 v61, v29  }
0x781: {  	v35 =	vadd.f32 v55, v55;
	v37 =	vadd.f32 $1.000000000e+00, v56  }
0x782: {  	v45 =	vadd.f32 v63, v62;
	v29 =	vmul.f32 $1.442695020e+00, v29  }
0x783: {  	v46 =	vor.u32 v7, v34;
	v35 =	vsub.f32 $1.000000000e+00, v35;
	(erf) = vrcp.f32 v37  }
0x784: {  	v47 =	vmul.f32 $1.442695020e+00, v45;
	(erf) = vpow2.f32 v29  }
0x785: {  	v35 =	vmul.f32 v35, v39  }
0x786: {  	(erf) = vpow2.f32 v47  }
0x787: {  	v48 =	vld [tilespmem:s21+$0x70];
	[tilespmem:s21+$0x60] =	vst v35  }
0x788: {  	v49 =	vld.idx.msk [tilespmem:v46+s22+$0x0], $0xffff;
	_ =	sdelay $0x3  }
0x789: {  	v34 =	vpop (erf)  }
0x78a: {  	v29 =	vadd.f32 v48, v49;
	v50 =	vpop (erf)  }
0x78b: {  	v35 =	vadd.f32 $1.000000000e+00, v50  }
0x78c: {  	v29 =	vmul.f32 $1.442695020e+00, v29;
	v51 =	vpop (erf)  }
0x78d: {  	v52 =	vadd.f32 $1.000000000e+00, v51;
	(erf) = vrcp.f32 v35  }
0x78e: {  	(erf) = vpow2.f32 v29  }
0x78f: {  	(erf) = vrcp.f32 v52;
	_ =	sdelay $0x6  }
0x790: {  	v53 =	vpop (erf)  }
0x791: {  	v54 =	vpop (erf)  }
0x792: {  	v55 =	vpop (erf)  }
0x793: {  	v37 =	vadd.f32 v55, v55;
	_ =	sdelay $0x1  }
0x794: {  	v56 =	vor.u32 v7, v33;
	v37 =	vsub.f32 $1.000000000e+00, v37;
	_ =	sdelay $0x1  }
0x795: {  	v37 =	vmul.f32 v37, v36;
	_ =	sdelay $0x1  }
0x796: {  	v57 =	vld [tilespmem:s21+$0xFFFFFFF0];
	[tilespmem:s21+$0xFFFFFFE0] =	vst v37  }
0x797: {  	v33 =	vld.idx.msk [tilespmem:v56+s22+$0x0], $0xffff;
	_ =	sdelay $0x4  }
0x798: {  	v33 =	vadd.f32 v57, v33  }
0x799: {  	v35 =	vadd.f32 $1.000000000e+00, v54  }
0x79a: {  	v33 =	vmul.f32 $1.442695020e+00, v33  }
0x79b: {  	(erf) = vrcp.f32 v35  }
0x79c: {  	(erf) = vpow2.f32 v33;
	_ =	sdelay $0x4  }
0x79d: {  	v28 =	vadd.f32 v28, v28;
	v59 =	vsub.f32 $1.000000000e+00, v40;
	_ =	sdelay $0x1  }
0x79e: {  	v28 =	vsub.f32 $1.000000000e+00, v28;
	v21 =	vadd.f32 v21, v21;
	v8 =	vmul.f32 v59, v8  }
0x79f: {  	v60 =	vpop (erf)  }
0x7a0: {  	v18 =	vadd.f32 v18, v18;
	[tilespmem:s6+$0x70] =	vst v8;
	v8 =	vmul.f32 v28, v11;
	v63 =	vsub.f32 $1.000000000e+00, v21;
	v61 =	vpop (erf)  }
0x7a1: {  	v27 =	vadd.f32 v27, v27;
	v62 =	vadd.f32 $1.000000000e+00, v61  }
0x7a2: {  	v38 =	vsub.f32 $1.000000000e+00, v18;
	v40 =	vadd.f32 v19, v19;
	[tilespmem:s9+$0x70] =	vst v8;
	v8 =	vmul.f32 v63, v12  }
0x7a3: {  	v27 =	vsub.f32 $1.000000000e+00, v27;
	(erf) = vrcp.f32 v62  }
0x7a4: {  	v44 =	vsub.f32 $1.000000000e+00, v40;
	v45 =	vadd.f32 v32, v32;
	[tilespmem:s12+$0x70] =	vst v8;
	v8 =	vmul.f32 v38, v15  }
0x7a5: {  	v43 =	vadd.f32 v26, v26;
	v48 =	vadd.f32 v25, v25  }
0x7a6: {  	v49 =	vsub.f32 $1.000000000e+00, v45;
	[tilespmem:s13+$0x70] =	vst v8;
	v8 =	vmul.f32 v44, v16;
	v50 =	vadd.f32 v34, v34  }
0x7a7: {  	v28 =	vmul.f32 v27, v10;
	v47 =	vsub.f32 $1.000000000e+00, v43;
	v35 =	vadd.f32 v23, v23  }
0x7a8: {  	[tilespmem:s16+$0x70] =	vst v8;
	v8 =	vmul.f32 v49, v20;
	v54 =	vsub.f32 $1.000000000e+00, v50;
	v55 =	vadd.f32 v60, v60  }
0x7a9: {  	v58 =	vadd.f32 v41, v41;
	[tilespmem:s9+$0xFFFFFFF0] =	vst v28;
	v51 =	vmul.f32 v47, v17;
	v42 =	vsub.f32 $1.000000000e+00, v35  }
0x7aa: {  	[tilespmem:s17+$0x70] =	vst v8;
	v52 =	vsub.f32 $1.000000000e+00, v48;
	v8 =	vmul.f32 v54, v30;
	v60 =	vsub.f32 $1.000000000e+00, v55  }
0x7ab: {  	v24 =	vadd.f32 v24, v24;
	[tilespmem:s16+$0xFFFFFFF0] =	vst v51;
	v46 =	vmul.f32 v42, v14;
	v33 =	vsub.f32 $1.000000000e+00, v58  }
0x7ac: {  	v53 =	vadd.f32 v53, v53;
	[tilespmem:s19+$0x70] =	vst v8;
	v57 =	vmul.f32 v52, v22;
	v8 =	vmul.f32 v60, v39;
	v56 =	vpop (erf)  }
0x7ad: {  	[tilespmem:s13+$0xFFFFFFF0] =	vst v46;
	v9 =	vmul.f32 v33, v9;
	v33 =	vsub.f32 $1.000000000e+00, v24;
	v59 =	vadd.f32 v56, v56  }
0x7ae: {  	s31 =	sadd.s32 $0x1, s31;
	[tilespmem:s17+$0xFFFFFFF0] =	vst v57;
	v58 =	vsub.f32 $1.000000000e+00, v53  }
0x7af: {  	p0 =	sne.s32 s31, $0xC;
	[tilespmem:s21+$0x70] =	vst v8;
	v41 =	vmul.f32 v33, v13;
	v62 =	vsub.f32 $1.000000000e+00, v59  }
.Ltmp4:
0x7b0: {  	[tilespmem:s6+$0xFFFFFFF0] =	vst v9;
	v61 =	vmul.f32 v58, v31;
	(pc) =	sbr.rel @p0 .LBB2_7-.Ltmp4, $4  }
0x7b1: {  	[tilespmem:s12+$0xFFFFFFF0] =	vst v41;
	v63 =	vmul.f32 v62, v36  }
0x7b2: {  	[tilespmem:s19+$0xFFFFFFF0] =	vst v61  }
0x7b3: {  	s0 =	sadd.s32 $0x179B0, s1;
	s30 =	sadd.s32 $0xA0, s30;
	[tilespmem:s21+$0xFFFFFFF0] =	vst v63  }
0x7b4: {  	[spmem:s5] =	stream.indirect.scatter.add.f32 [tilespmem:s18], [sflag:$0x2], $0x80, s0, s8, $0xb8;
	[tilespmem:$0x1D180] =	vst v63  }
0x7b5: {  	s0 =	simm.s32 $0x780  }
0x7b6: {  	v8 =	vmov s0  }
0x7b7: {  	_ =	swait.ge [sflag:s11], $0x2800;
	s1 =	simm.s32 $0x781;
	v8 =	vand.u32 $0xFFFFFFFE, v8  }
0x7b8: {  	[sflag:s11] =	ssyncset.done $0x0;
	v9 =	vmov s1;
	v8 =	vbroadcast v8, $0x0  }
0x7b9: {  	[sflag:s11] =	ssyncadd.s32 $0xFFFFD800  }
0x7ba: {  	_ =	swait.ge [sflag:s20], $0x2800  }
0x7bb: {  	[sflag:s20] =	ssyncset.done $0x0  }
0x7bc: {  	[sflag:s20] =	ssyncadd.s32 $0xFFFFD800  }
0x7bd: {  	v10 =	vld.idx.msk [tilespmem:v9+s23+$0x0], $0xffff  }
0x7be: {  	v11 =	vld.idx.msk [tilespmem:v8+s23+$0x0], $0xffff;
	_ =	sdelay $0x3  }
0x7bf: {  	v27 =	vshll.u32 v10, $0x7  }
0x7c0: {  	v10 =	vor.u32 v0, v27;
	v28 =	vshll.u32 v11, $0x7  }
0x7c1: {  	v11 =	vor.u32 v0, v28  }
0x7c2: {  	s1 =	simm.s32 $0x18200  }
0x7c3: {  	v12 =	vld [tilespmem:s1+$0x0]  }
0x7c4: {  	v13 =	vld [tilespmem:s1+$0xFFFFFF80]  }
0x7c5: {  	v10 =	vld.idx.msk [tilespmem:v10+s22+$0x0], $0xffff  }
0x7c6: {  	v11 =	vld.idx.msk [tilespmem:v11+s22+$0x0], $0xffff;
	_ =	sdelay $0x3  }
0x7c7: {  	v10 =	vadd.f32 v12, v10  }
0x7c8: {  	v11 =	vadd.f32 v13, v11  }
0x7c9: {  	v10 =	vmul.f32 $1.442695020e+00, v10  }
0x7ca: {  	v11 =	vmul.f32 $1.442695020e+00, v11  }
0x7cb: {  	(erf) = vpow2.f32 v10  }
0x7cc: {  	(erf) = vpow2.f32 v11;
	_ =	sdelay $0x7  }
0x7cd: {  	v10 =	vpop (erf)  }
0x7ce: {  	v11 =	vpop (erf)  }
0x7cf: {  	v11 =	vadd.f32 $1.000000000e+00, v11;
	_ =	sdelay $0x1  }
0x7d0: {  	(erf) = vrcp.f32 v11;
	_ =	sdelay $0x3  }
0x7d1: {  	s16 =	simm.s32 $0x782  }
0x7d2: {  	v11 =	vmov s16  }
0x7d3: {  	v11 =	vand.u32 $0xFFFFFFFE, v11  }
0x7d4: {  	v11 =	vbroadcast v11, $0x0  }
0x7d5: {  	s2 =	simm.s32 $0x783  }
0x7d6: {  	v8 =	vld.idx.msk [tilespmem:v8+s24+$0x0], $0xffff;
	v12 =	vmov s2;
	v13 =	vpop (erf)  }
0x7d7: {  	v13 =	vadd.f32 v13, v13;
	_ =	sdelay $0x1  }
0x7d8: {  	v14 =	vor.u32 v1, v28;
	v13 =	vsub.f32 $1.000000000e+00, v13  }
0x7d9: {  	v16 =	vld.idx.msk [tilespmem:v11+s23+$0x0], $0xffff  }
0x7da: {  	v15 =	vld.idx.msk [tilespmem:v12+s23+$0x0], $0xffff;
	v13 =	vmul.f32 v13, v8;
	_ =	sdelay $0x1  }
0x7db: {  	[tilespmem:s1+$0xFFFFFF80] =	vst v13  }
0x7dc: {  	v10 =	vadd.f32 $1.000000000e+00, v10;
	v13 =	vld.idx.msk [tilespmem:v14+s22+$0x0], $0xffff  }
0x7dd: {  	v31 =	vshll.u32 v16, $0x7;
	v14 =	vld [tilespmem:s1+$0xFFFFFF90]  }
0x7de: {  	v30 =	vshll.u32 v15, $0x7;
	(erf) = vrcp.f32 v10;
	v10 =	vor.u32 v0, v31  }
0x7df: {  	v15 =	vor.u32 v0, v30;
	_ =	sdelay $0x2  }
0x7e0: {  	v13 =	vadd.f32 v14, v13  }
0x7e1: {  	v10 =	vld.idx.msk [tilespmem:v10+s22+$0x0], $0xffff  }
0x7e2: {  	s6 =	simm.s32 $0x18300;
	v14 =	vld.idx.msk [tilespmem:v15+s22+$0x0], $0xffff;
	v13 =	vmul.f32 $1.442695020e+00, v13  }
0x7e3: {  	v15 =	vld [tilespmem:s6+$0x0]  }
0x7e4: {  	(erf) = vpow2.f32 v13;
	v13 =	vld [tilespmem:s6+$0xFFFFFF80];
	_ =	sdelay $0x2  }
0x7e5: {  	v9 =	vld.idx.msk [tilespmem:v9+s24+$0x0], $0xffff;
	v16 =	vpop (erf)  }
0x7e6: {  	v16 =	vadd.f32 v16, v16;
	v14 =	vadd.f32 v15, v14  }
0x7e7: {  	v10 =	vadd.f32 v13, v10  }
0x7e8: {  	v16 =	vsub.f32 $1.000000000e+00, v16;
	v15 =	vor.u32 v1, v27;
	v13 =	vmul.f32 $1.442695020e+00, v14  }
0x7e9: {  	v10 =	vmul.f32 $1.442695020e+00, v10  }
0x7ea: {  	v14 =	vmul.f32 v16, v9;
	(erf) = vpow2.f32 v13  }
0x7eb: {  	(erf) = vpow2.f32 v10  }
0x7ec: {  	[tilespmem:s1+$0x0] =	vst v14;
	v14 =	vld [tilespmem:s1+$0x10];
	v13 =	vpop (erf)  }
0x7ed: {  	v10 =	vadd.f32 $1.000000000e+00, v13;
	v13 =	vld.idx.msk [tilespmem:v15+s22+$0x0], $0xffff;
	_ =	sdelay $0x1  }
0x7ee: {  	(erf) = vrcp.f32 v10;
	_ =	sdelay $0x2  }
0x7ef: {  	v10 =	vadd.f32 v14, v13  }
0x7f0: {  	v14 =	vpop (erf)  }
0x7f1: {  	v10 =	vmul.f32 $1.442695020e+00, v10;
	v13 =	vpop (erf)  }
0x7f2: {  	v13 =	vadd.f32 $1.000000000e+00, v13  }
0x7f3: {  	(erf) = vpow2.f32 v10  }
0x7f4: {  	(erf) = vrcp.f32 v13  }
0x7f5: {  	v10 =	vpop (erf)  }
0x7f6: {  	v10 =	vadd.f32 v10, v10;
	_ =	sdelay $0x1  }
0x7f7: {  	s17 =	simm.s32 $0x784;
	v15 =	vor.u32 v2, v28;
	v10 =	vsub.f32 $1.000000000e+00, v10  }
0x7f8: {  	v16 =	vmov s17  }
0x7f9: {  	s18 =	simm.s32 $0x785;
	v16 =	vand.u32 $0xFFFFFFFE, v16;
	v10 =	vmul.f32 v10, v8  }
0x7fa: {  	v18 =	vld [tilespmem:s1+$0xFFFFFFA0];
	v16 =	vbroadcast v16, $0x0;
	v13 =	vmov s18  }
0x7fb: {  	[tilespmem:s1+$0xFFFFFF90] =	vst v10;
	v17 =	vpop (erf);
	v10 =	vld.idx.msk [tilespmem:v11+s24+$0x0], $0xffff  }
0x7fc: {  	v15 =	vld.idx.msk [tilespmem:v15+s22+$0x0], $0xffff;
	v11 =	vpop (erf)  }
0x7fd: {  	v11 =	vadd.f32 v11, v11;
	_ =	sdelay $0x1  }
0x7fe: {  	v20 =	vor.u32 v1, v31;
	v19 =	vld.idx.msk [tilespmem:v13+s23+$0x0], $0xffff;
	v11 =	vsub.f32 $1.000000000e+00, v11  }
0x7ff: {  	v22 =	vld.idx.msk [tilespmem:v16+s23+$0x0], $0xffff  }
0x800: {  	v14 =	vadd.f32 $1.000000000e+00, v14;
	v15 =	vadd.f32 v18, v15;
	v11 =	vmul.f32 v11, v10;
	_ =	sdelay $0x1  }
0x801: {  	(erf) = vrcp.f32 v14;
	v15 =	vmul.f32 $1.442695020e+00, v15;
	[tilespmem:s6+$0xFFFFFF80] =	vst v11  }
0x802: {  	v21 =	vshll.u32 v19, $0x7;
	v14 =	vld.idx.msk [tilespmem:v20+s22+$0x0], $0xffff  }
0x803: {  	v23 =	vshll.u32 v22, $0x7;
	v11 =	vor.u32 v0, v21;
	(erf) = vpow2.f32 v15;
	v15 =	vld [tilespmem:s6+$0xFFFFFF90]  }
0x804: {  	v18 =	vor.u32 v0, v23;
	_ =	sdelay $0x1  }
0x805: {  	s9 =	simm.s32 $0x18400;
	v17 =	vadd.f32 $1.000000000e+00, v17  }
0x806: {  	v20 =	vld [tilespmem:s9+$0x0]  }
0x807: {  	(erf) = vrcp.f32 v17;
	v19 =	vld.idx.msk [tilespmem:v11+s22+$0x0], $0xffff;
	v11 =	vadd.f32 v15, v14  }
0x808: {  	v14 =	vld.idx.msk [tilespmem:v18+s22+$0x0], $0xffff  }
0x809: {  	v15 =	vld [tilespmem:s9+$0xFFFFFF80];
	v18 =	vpop (erf);
	v17 =	vmul.f32 $1.442695020e+00, v11  }
0x80a: {  	v18 =	vadd.f32 v18, v18  }
0x80b: {  	v11 =	vld.idx.msk [tilespmem:v12+s24+$0x0], $0xffff;
	v12 =	vpop (erf);
	(erf) = vpow2.f32 v17  }
0x80c: {  	v18 =	vsub.f32 $1.000000000e+00, v18;
	v12 =	vadd.f32 $1.000000000e+00, v12  }
0x80d: {  	v19 =	vadd.f32 v20, v19  }
0x80e: {  	v17 =	vor.u32 v1, v30;
	(erf) = vrcp.f32 v12;
	v12 =	vadd.f32 v15, v14  }
0x80f: {  	v14 =	vmul.f32 $1.442695020e+00, v19  }
0x810: {  	v15 =	vmul.f32 v18, v11;
	v18 =	vpop (erf);
	v12 =	vmul.f32 $1.442695020e+00, v12  }
0x811: {  	(erf) = vpow2.f32 v14;
	v14 =	vadd.f32 v18, v18  }
0x812: {  	[tilespmem:s6+$0x0] =	vst v15;
	v15 =	vld [tilespmem:s6+$0x10];
	(erf) = vpow2.f32 v12  }
0x813: {  	v12 =	vld.idx.msk [tilespmem:v17+s22+$0x0], $0xffff;
	v14 =	vsub.f32 $1.000000000e+00, v14;
	v17 =	vor.u32 v2, v27  }
0x814: {  	v18 =	vpop (erf)  }
0x815: {  	v14 =	vmul.f32 v14, v9;
	v18 =	vadd.f32 $1.000000000e+00, v18;
	_ =	sdelay $0x1  }
0x816: {  	[tilespmem:s1+$0x10] =	vst v14;
	(erf) = vrcp.f32 v18;
	v18 =	vld [tilespmem:s1+$0x20]  }
0x817: {  	v19 =	vpop (erf);
	v12 =	vadd.f32 v15, v12;
	v15 =	vld.idx.msk [tilespmem:v17+s22+$0x0], $0xffff  }
0x818: {  	v14 =	vadd.f32 v19, v19  }
0x819: {  	v17 =	vpop (erf)  }
0x81a: {  	v19 =	vor.u32 v3, v28;
	v12 =	vmul.f32 $1.442695020e+00, v12;
	v14 =	vsub.f32 $1.000000000e+00, v14;
	v20 =	vpop (erf)  }
0x81b: {  	v20 =	vadd.f32 $1.000000000e+00, v20  }
0x81c: {  	(erf) = vpow2.f32 v12;
	v14 =	vmul.f32 v14, v8;
	v12 =	vadd.f32 v18, v15  }
0x81d: {  	(erf) = vrcp.f32 v20  }
0x81e: {  	[tilespmem:s1+$0xFFFFFFA0] =	vst v14;
	v14 =	vld [tilespmem:s1+$0xFFFFFFB0];
	v12 =	vmul.f32 $1.442695020e+00, v12  }
0x81f: {  	v15 =	vld.idx.msk [tilespmem:v19+s22+$0x0], $0xffff  }
0x820: {  	v18 =	vpop (erf);
	(erf) = vpow2.f32 v12  }
0x821: {  	v18 =	vadd.f32 v18, v18;
	_ =	sdelay $0x1  }
0x822: {  	s19 =	simm.s32 $0x786;
	v19 =	vor.u32 v2, v31;
	v12 =	vsub.f32 $1.000000000e+00, v18  }
0x823: {  	v18 =	vmov s19;
	v14 =	vadd.f32 v14, v15  }
0x824: {  	s21 =	simm.s32 $0x787;
	v22 =	vpop (erf);
	v20 =	vmul.f32 v12, v10;
	v12 =	vand.u32 $0xFFFFFFFE, v18  }
0x825: {  	v15 =	vmov s21;
	v14 =	vmul.f32 $1.442695020e+00, v14;
	v25 =	vbroadcast v12, $0x0;
	v12 =	vld.idx.msk [tilespmem:v16+s24+$0x0], $0xffff;
	v16 =	vpop (erf)  }
0x826: {  	[tilespmem:s6+$0xFFFFFF90] =	vst v20;
	v16 =	vadd.f32 v16, v16  }
0x827: {  	v18 =	vld.idx.msk [tilespmem:v19+s22+$0x0], $0xffff;
	(erf) = vpow2.f32 v14  }
0x828: {  	v14 =	vld [tilespmem:s6+$0xFFFFFFA0];
	v19 =	vor.u32 v1, v23;
	v24 =	vpop (erf);
	v16 =	vsub.f32 $1.000000000e+00, v16  }
0x829: {  	v24 =	vadd.f32 $1.000000000e+00, v24  }
0x82a: {  	v20 =	vld.idx.msk [tilespmem:v15+s23+$0x0], $0xffff;
	v16 =	vmul.f32 v16, v12  }
0x82b: {  	(erf) = vrcp.f32 v24  }
0x82c: {  	v17 =	vadd.f32 $1.000000000e+00, v17;
	v26 =	vld.idx.msk [tilespmem:v25+s23+$0x0], $0xffff;
	[tilespmem:s9+$0xFFFFFF80] =	vst v16  }
0x82d: {  	v14 =	vadd.f32 v14, v18;
	v16 =	vld.idx.msk [tilespmem:v19+s22+$0x0], $0xffff  }
0x82e: {  	v19 =	vld [tilespmem:s9+$0xFFFFFF90]  }
0x82f: {  	v18 =	vshll.u32 v20, $0x7;
	v14 =	vmul.f32 $1.442695020e+00, v14  }
0x830: {  	(erf) = vrcp.f32 v17;
	v20 =	vor.u32 v0, v18;
	v17 =	vpop (erf)  }
0x831: {  	v24 =	vshll.u32 v26, $0x7;
	(erf) = vpow2.f32 v14;
	v14 =	vadd.f32 $1.000000000e+00, v17  }
0x832: {  	v17 =	vor.u32 v0, v24  }
0x833: {  	(erf) = vrcp.f32 v14;
	v14 =	vadd.f32 v19, v16;
	v16 =	vadd.f32 $1.000000000e+00, v22  }
0x834: {  	v22 =	vpop (erf)  }
0x835: {  	s12 =	simm.s32 $0x18500;
	v19 =	vld.idx.msk [tilespmem:v20+s22+$0x0], $0xffff;
	(erf) = vrcp.f32 v16;
	v16 =	vadd.f32 v22, v22  }
0x836: {  	v20 =	vld [tilespmem:s12+$0x0];
	v14 =	vmul.f32 $1.442695020e+00, v14  }
0x837: {  	v17 =	vld.idx.msk [tilespmem:v17+s22+$0x0], $0xffff;
	v16 =	vsub.f32 $1.000000000e+00, v16  }
0x838: {  	(erf) = vpow2.f32 v14;
	v14 =	vld [tilespmem:s12+$0xFFFFFF80]  }
0x839: {  	v13 =	vld.idx.msk [tilespmem:v13+s24+$0x0], $0xffff;
	v26 =	vpop (erf);
	v16 =	vmul.f32 v16, v9  }
0x83a: {  	v22 =	vor.u32 v3, v27;
	v26 =	vadd.f32 v26, v26;
	v29 =	vpop (erf)  }
0x83b: {  	v29 =	vadd.f32 $1.000000000e+00, v29  }
0x83c: {  	v19 =	vadd.f32 v20, v19;
	v26 =	vsub.f32 $1.000000000e+00, v26  }
0x83d: {  	v32 =	vor.u32 v1, v21;
	[tilespmem:s1+$0x20] =	vst v16;
	v14 =	vadd.f32 v14, v17;
	v16 =	vpop (erf)  }
0x83e: {  	v20 =	vld [tilespmem:s1+$0x30];
	v26 =	vmul.f32 v26, v13;
	v17 =	vmul.f32 $1.442695020e+00, v19;
	v16 =	vadd.f32 v16, v16  }
0x83f: {  	(erf) = vrcp.f32 v29;
	v19 =	vld.idx.msk [tilespmem:v22+s22+$0x0], $0xffff;
	v14 =	vmul.f32 $1.442695020e+00, v14;
	v29 =	vpop (erf)  }
0x840: {  	(erf) = vpow2.f32 v17;
	v17 =	vadd.f32 v29, v29;
	v16 =	vsub.f32 $1.000000000e+00, v16  }
0x841: {  	v22 =	vor.u32 v4, v28;
	[tilespmem:s9+$0x0] =	vst v26;
	v29 =	vld [tilespmem:s9+$0x10]  }
0x842: {  	v26 =	vpop (erf);
	(erf) = vpow2.f32 v14;
	v14 =	vld.idx.msk [tilespmem:v32+s22+$0x0], $0xffff;
	v17 =	vsub.f32 $1.000000000e+00, v17;
	v16 =	vmul.f32 v16, v8  }
0x843: {  	v47 =	vor.u32 v2, v30;
	v26 =	vadd.f32 $1.000000000e+00, v26  }
0x844: {  	v19 =	vadd.f32 v20, v19;
	[tilespmem:s1+$0xFFFFFFB0] =	vst v16;
	v16 =	vmul.f32 v17, v11  }
0x845: {  	v20 =	vld [tilespmem:s1+$0xFFFFFFC0];
	(erf) = vrcp.f32 v26  }
0x846: {  	v19 =	vmul.f32 $1.442695020e+00, v19;
	v17 =	vld.idx.msk [tilespmem:v22+s22+$0x0], $0xffff  }
0x847: {  	v22 =	vld [tilespmem:s6+$0x20];
	v14 =	vadd.f32 v29, v14;
	[tilespmem:s6+$0x10] =	vst v16  }
0x848: {  	(erf) = vpow2.f32 v19;
	v19 =	vld.idx.msk [tilespmem:v47+s22+$0x0], $0xffff;
	v16 =	vpop (erf)  }
0x849: {  	v14 =	vmul.f32 $1.442695020e+00, v14;
	v16 =	vadd.f32 v16, v16  }
0x84a: {  	v48 =	vor.u32 v3, v31;
	v26 =	vpop (erf)  }
0x84b: {  	(erf) = vpow2.f32 v14;
	v29 =	vpop (erf);
	v14 =	vadd.f32 v20, v17;
	v16 =	vsub.f32 $1.000000000e+00, v16  }
0x84c: {  	v29 =	vadd.f32 $1.000000000e+00, v29  }
0x84d: {  	v19 =	vadd.f32 v22, v19;
	v14 =	vmul.f32 $1.442695020e+00, v14;
	v16 =	vmul.f32 v16, v10  }
0x84e: {  	v17 =	vpop (erf);
	(erf) = vrcp.f32 v29  }
0x84f: {  	v19 =	vmul.f32 $1.442695020e+00, v19;
	(erf) = vpow2.f32 v14;
	[tilespmem:s6+$0xFFFFFFA0] =	vst v16;
	v16 =	vadd.f32 v17, v17;
	v17 =	vld [tilespmem:s6+$0xFFFFFFB0]  }
0x850: {  	v20 =	vld.idx.msk [tilespmem:v48+s22+$0x0], $0xffff  }
0x851: {  	v14 =	vpop (erf);
	(erf) = vpow2.f32 v19;
	v16 =	vsub.f32 $1.000000000e+00, v16  }
0x852: {  	v22 =	vor.u32 v2, v23;
	v14 =	vadd.f32 $1.000000000e+00, v14  }
0x853: {  	v16 =	vmul.f32 v16, v12  }
0x854: {  	s25 =	simm.s32 $0x788;
	(erf) = vrcp.f32 v14  }
0x855: {  	v14 =	vmov s25;
	[tilespmem:s9+$0xFFFFFF90] =	vst v16;
	v16 =	vadd.f32 v17, v20  }
0x856: {  	s26 =	simm.s32 $0x789;
	v29 =	vpop (erf);
	v20 =	vand.u32 $0xFFFFFFFE, v14;
	v14 =	vld.idx.msk [tilespmem:v25+s24+$0x0], $0xffff  }
0x857: {  	v19 =	vmov s26;
	v17 =	vld.idx.msk [tilespmem:v22+s22+$0x0], $0xffff;
	v22 =	vpop (erf);
	v25 =	vmul.f32 $1.442695020e+00, v16;
	v16 =	vbroadcast v20, $0x0  }
0x858: {  	v49 =	vld [tilespmem:s9+$0xFFFFFFA0];
	v20 =	vadd.f32 v22, v22;
	v22 =	vpop (erf)  }
0x859: {  	v22 =	vadd.f32 $1.000000000e+00, v22  }
0x85a: {  	(erf) = vpow2.f32 v25;
	v20 =	vsub.f32 $1.000000000e+00, v20;
	v25 =	vor.u32 v1, v24;
	v33 =	vpop (erf)  }
0x85b: {  	v33 =	vadd.f32 $1.000000000e+00, v33  }
0x85c: {  	v26 =	vadd.f32 $1.000000000e+00, v26;
	v34 =	vld.idx.msk [tilespmem:v19+s23+$0x0], $0xffff;
	(erf) = vrcp.f32 v22;
	v20 =	vmul.f32 v20, v14  }
0x85d: {  	v17 =	vadd.f32 v49, v17;
	v22 =	vpop (erf);
	(erf) = vrcp.f32 v33;
	v50 =	vld.idx.msk [tilespmem:v16+s23+$0x0], $0xffff  }
0x85e: {  	v22 =	vadd.f32 v22, v22;
	[tilespmem:s12+$0xFFFFFF80] =	vst v20;
	(erf) = vrcp.f32 v26;
	v26 =	vld [tilespmem:s12+$0xFFFFFF90]  }
0x85f: {  	v20 =	vmul.f32 $1.442695020e+00, v17;
	v25 =	vld.idx.msk [tilespmem:v25+s22+$0x0], $0xffff  }
0x860: {  	v51 =	vor.u32 v4, v27;
	v22 =	vsub.f32 $1.000000000e+00, v22  }
0x861: {  	v17 =	vshll.u32 v34, $0x7;
	(erf) = vpow2.f32 v20  }
0x862: {  	s13 =	simm.s32 $0x18600;
	v34 =	vor.u32 v0, v17;
	v22 =	vmul.f32 v22, v9  }
0x863: {  	v55 =	vld [tilespmem:s13+$0x0];
	v29 =	vadd.f32 $1.000000000e+00, v29;
	v35 =	vpop (erf);
	v20 =	vshll.u32 v50, $0x7  }
0x864: {  	v36 =	vld [tilespmem:s1+$0x40];
	v52 =	vadd.f32 $1.000000000e+00, v35;
	[tilespmem:s1+$0x30] =	vst v22;
	v22 =	vor.u32 v0, v20;
	v25 =	vadd.f32 v26, v25  }
0x865: {  	v26 =	vpop (erf);
	v33 =	vld.idx.msk [tilespmem:v51+s22+$0x0], $0xffff  }
0x866: {  	v15 =	vld.idx.msk [tilespmem:v15+s24+$0x0], $0xffff;
	(erf) = vrcp.f32 v52;
	v54 =	vpop (erf);
	v25 =	vmul.f32 $1.442695020e+00, v25  }
0x867: {  	v53 =	vld.idx.msk [tilespmem:v34+s22+$0x0], $0xffff;
	v34 =	vadd.f32 v54, v54;
	(erf) = vrcp.f32 v29;
	v29 =	vpop (erf)  }
0x868: {  	v56 =	vld [tilespmem:s13+$0xFFFFFF80];
	(erf) = vpow2.f32 v25;
	v29 =	vadd.f32 v29, v29  }
0x869: {  	v22 =	vld.idx.msk [tilespmem:v22+s22+$0x0], $0xffff;
	v34 =	vsub.f32 $1.000000000e+00, v34  }
0x86a: {  	v25 =	vor.u32 v3, v30;
	v37 =	vpop (erf);
	v33 =	vadd.f32 v36, v33;
	v29 =	vsub.f32 $1.000000000e+00, v29  }
0x86b: {  	v37 =	vadd.f32 $1.000000000e+00, v37;
	v34 =	vmul.f32 v34, v11  }
0x86c: {  	v33 =	vmul.f32 $1.442695020e+00, v33;
	v29 =	vmul.f32 v29, v15  }
0x86d: {  	v32 =	vadd.f32 v55, v53;
	(erf) = vrcp.f32 v37  }
0x86e: {  	v57 =	vld [tilespmem:s6+$0x30];
	[tilespmem:s6+$0x20] =	vst v34;
	(erf) = vpow2.f32 v33;
	v22 =	vadd.f32 v56, v22  }
0x86f: {  	v26 =	vadd.f32 v26, v26;
	v32 =	vmul.f32 $1.442695020e+00, v32;
	v25 =	vld.idx.msk [tilespmem:v25+s22+$0x0], $0xffff;
	v58 =	vpop (erf)  }
0x870: {  	v59 =	vor.u32 v5, v28;
	v38 =	vor.u32 v1, v18;
	[tilespmem:s12+$0x0] =	vst v29;
	v22 =	vmul.f32 $1.442695020e+00, v22;
	v29 =	vpop (erf)  }
0x871: {  	v26 =	vsub.f32 $1.000000000e+00, v26;
	(erf) = vpow2.f32 v32;
	v33 =	vadd.f32 v58, v58;
	v62 =	vpop (erf)  }
0x872: {  	v60 =	vor.u32 v4, v31;
	(erf) = vpow2.f32 v22;
	v22 =	vadd.f32 $1.000000000e+00, v62  }
0x873: {  	v63 =	vld [tilespmem:s12+$0x10];
	v26 =	vmul.f32 v26, v8;
	v29 =	vadd.f32 v29, v29;
	v33 =	vsub.f32 $1.000000000e+00, v33  }
0x874: {  	v40 =	vld [tilespmem:s1+$0xFFFFFFD0];
	v25 =	vadd.f32 v57, v25  }
0x875: {  	v41 =	vor.u32 v2, v21;
	[tilespmem:s1+$0xFFFFFFC0] =	vst v26;
	v61 =	vld.idx.msk [tilespmem:v38+s22+$0x0], $0xffff;
	v29 =	vsub.f32 $1.000000000e+00, v29;
	v26 =	vmul.f32 v33, v10  }
0x876: {  	v34 =	vld.idx.msk [tilespmem:v59+s22+$0x0], $0xffff;
	(erf) = vrcp.f32 v22;
	v25 =	vmul.f32 $1.442695020e+00, v25;
	v22 =	vpop (erf)  }
0x877: {  	v43 =	vld [tilespmem:s6+$0xFFFFFFC0];
	[tilespmem:s6+$0xFFFFFFB0] =	vst v26;
	v26 =	vmul.f32 v29, v13;
	v42 =	vpop (erf)  }
0x878: {  	v29 =	vld.idx.msk [tilespmem:v60+s22+$0x0], $0xffff;
	(erf) = vpow2.f32 v25;
	v35 =	vadd.f32 $1.000000000e+00, v42  }
0x879: {  	v22 =	vadd.f32 v22, v22;
	[tilespmem:s9+$0x10] =	vst v26;
	v26 =	vld [tilespmem:s9+$0x20]  }
0x87a: {  	v25 =	vadd.f32 v63, v61;
	v44 =	vld.idx.msk [tilespmem:v41+s22+$0x0], $0xffff;
	(erf) = vrcp.f32 v35  }
0x87b: {  	v33 =	vadd.f32 v40, v34;
	v22 =	vsub.f32 $1.000000000e+00, v22  }
0x87c: {  	v46 =	vor.u32 v3, v23;
	v45 =	vpop (erf);
	v25 =	vmul.f32 $1.442695020e+00, v25  }
0x87d: {  	v33 =	vmul.f32 $1.442695020e+00, v33;
	v47 =	vpop (erf);
	v22 =	vmul.f32 v22, v12  }
0x87e: {  	(erf) = vpow2.f32 v25;
	v25 =	vadd.f32 $1.000000000e+00, v47;
	v29 =	vadd.f32 v43, v29  }
0x87f: {  	(erf) = vpow2.f32 v33;
	v48 =	vpop (erf);
	v26 =	vadd.f32 v26, v44  }
0x880: {  	[tilespmem:s9+$0xFFFFFFA0] =	vst v22;
	v22 =	vadd.f32 v48, v48;
	(erf) = vrcp.f32 v25;
	v25 =	vld [tilespmem:s9+$0xFFFFFFB0];
	v29 =	vmul.f32 $1.442695020e+00, v29  }
0x881: {  	v49 =	vld.idx.msk [tilespmem:v46+s22+$0x0], $0xffff;
	v26 =	vmul.f32 $1.442695020e+00, v26;
	v51 =	vpop (erf)  }
0x882: {  	v22 =	vsub.f32 $1.000000000e+00, v22;
	(erf) = vpow2.f32 v29;
	v29 =	vadd.f32 $1.000000000e+00, v51  }
0x883: {  	v50 =	vor.u32 v2, v24;
	v52 =	vpop (erf);
	(erf) = vpow2.f32 v26  }
0x884: {  	v22 =	vmul.f32 v22, v14;
	(erf) = vrcp.f32 v29  }
0x885: {  	v26 =	vadd.f32 v52, v52  }
0x886: {  	s28 =	simm.s32 $0x78A;
	[tilespmem:s12+$0xFFFFFF90] =	vst v22;
	v22 =	vadd.f32 v25, v49  }
0x887: {  	v54 =	vor.u32 v5, v27;
	v55 =	vld [tilespmem:s12+$0xFFFFFFA0];
	v29 =	vpop (erf);
	v25 =	vsub.f32 $1.000000000e+00, v26;
	v26 =	vmov s28  }
0x888: {  	s29 =	simm.s32 $0x78B;
	v53 =	vld.idx.msk [tilespmem:v50+s22+$0x0], $0xffff;
	v56 =	vpop (erf);
	v22 =	vmul.f32 $1.442695020e+00, v22;
	v26 =	vand.u32 $0xFFFFFFFE, v26  }
0x889: {  	v16 =	vld.idx.msk [tilespmem:v16+s24+$0x0], $0xffff;
	v33 =	vmov s29;
	v57 =	vpop (erf);
	v25 =	vmul.f32 v25, v9;
	v26 =	vbroadcast v26, $0x0  }
0x88a: {  	v38 =	vadd.f32 v57, v57;
	(erf) = vpow2.f32 v22;
	v22 =	vadd.f32 $1.000000000e+00, v56  }
0x88b: {  	v39 =	vor.u32 v1, v20;
	v34 =	vadd.f32 $1.000000000e+00, v45;
	v58 =	vpop (erf);
	[tilespmem:s1+$0x40] =	vst v25;
	v25 =	vld [tilespmem:s1+$0x50]  }
0x88c: {  	v38 =	vsub.f32 $1.000000000e+00, v38;
	(erf) = vrcp.f32 v22;
	v22 =	vadd.f32 $1.000000000e+00, v58;
	v35 =	vld.idx.msk [tilespmem:v54+s22+$0x0], $0xffff;
	v59 =	vpop (erf)  }
0x88d: {  	v32 =	vadd.f32 v55, v53;
	v60 =	vadd.f32 $1.000000000e+00, v59;
	v61 =	vpop (erf)  }
0x88e: {  	v40 =	vld.idx.msk [tilespmem:v33+s23+$0x0], $0xffff;
	v38 =	vmul.f32 v38, v16;
	(erf) = vrcp.f32 v22;
	v22 =	vadd.f32 v61, v61  }
0x88f: {  	v45 =	vld [tilespmem:s13+$0xFFFFFF90];
	v32 =	vmul.f32 $1.442695020e+00, v32;
	(erf) = vrcp.f32 v60  }
0x890: {  	v63 =	vor.u32 v4, v30;
	v62 =	vld.idx.msk [tilespmem:v26+s23+$0x0], $0xffff;
	[tilespmem:s13+$0xFFFFFF80] =	vst v38;
	(erf) = vrcp.f32 v34;
	v44 =	vsub.f32 $1.000000000e+00, v22  }
0x891: {  	v38 =	vld.idx.msk [tilespmem:v39+s22+$0x0], $0xffff;
	v25 =	vadd.f32 v25, v35;
	(erf) = vpow2.f32 v32  }
0x892: {  	v34 =	vmul.f32 v44, v11  }
0x893: {  	v22 =	vshll.u32 v40, $0x7;
	v25 =	vmul.f32 $1.442695020e+00, v25  }
0x894: {  	v48 =	vld [tilespmem:s6+$0x40];
	v46 =	vpop (erf);
	v47 =	vor.u32 v0, v22;
	[tilespmem:s6+$0x30] =	vst v34  }
0x895: {  	v29 =	vadd.f32 $1.000000000e+00, v29;
	v35 =	vadd.f32 $1.000000000e+00, v46;
	v49 =	vpop (erf);
	(erf) = vpow2.f32 v25;
	v34 =	vld.idx.msk [tilespmem:v63+s22+$0x0], $0xffff  }
0x896: {  	v25 =	vshll.u32 v62, $0x7;
	v32 =	vadd.f32 v45, v38;
	v36 =	vadd.f32 v49, v49  }
0x897: {  	s16 =	simm.s32 $0x18700;
	v19 =	vld.idx.msk [tilespmem:v19+s24+$0x0], $0xffff;
	v41 =	vor.u32 v6, v28;
	v37 =	vor.u32 v0, v25;
	(erf) = vrcp.f32 v35;
	v50 =	vpop (erf)  }
0x898: {  	v42 =	vld [tilespmem:s16+$0x0];
	v32 =	vmul.f32 $1.442695020e+00, v32;
	(erf) = vrcp.f32 v29;
	v29 =	vsub.f32 $1.000000000e+00, v36;
	v52 =	vpop (erf)  }
0x899: {  	v51 =	vld.idx.msk [tilespmem:v47+s22+$0x0], $0xffff;
	v43 =	vpop (erf);
	v39 =	vadd.f32 v52, v52  }
0x89a: {  	v57 =	vld [tilespmem:s16+$0xFFFFFF80];
	(erf) = vpow2.f32 v32;
	v29 =	vmul.f32 v29, v8;
	v53 =	vpop (erf);
	v54 =	vadd.f32 v48, v34  }
0x89b: {  	v55 =	vor.u32 v3, v21;
	v45 =	vld [tilespmem:s1+$0xFFFFFFE0];
	v39 =	vsub.f32 $1.000000000e+00, v39;
	v36 =	vadd.f32 $1.000000000e+00, v53  }
0x89c: {  	v44 =	vor.u32 v5, v31;
	v61 =	vadd.f32 v50, v50;
	v37 =	vld.idx.msk [tilespmem:v37+s22+$0x0], $0xffff;
	[tilespmem:s1+$0xFFFFFFD0] =	vst v29;
	v32 =	vmul.f32 $1.442695020e+00, v54  }
0x89d: {  	v56 =	vadd.f32 v43, v43;
	v46 =	vld.idx.msk [tilespmem:v41+s22+$0x0], $0xffff;
	v39 =	vmul.f32 v39, v13;
	(erf) = vrcp.f32 v36  }
0x89e: {  	v29 =	vor.u32 v1, v17;
	v38 =	vadd.f32 v42, v51;
	v59 =	vpop (erf);
	(erf) = vpow2.f32 v32  }
0x89f: {  	v60 =	vld [tilespmem:s9+$0x30];
	v48 =	vor.u32 v4, v23;
	v58 =	vsub.f32 $1.000000000e+00, v56;
	v62 =	vadd.f32 $1.000000000e+00, v59;
	[tilespmem:s9+$0x20] =	vst v39  }
0x8a0: {  	v54 =	vor.u32 v2, v18;
	v38 =	vmul.f32 $1.442695020e+00, v38;
	v63 =	vpop (erf);
	v32 =	vsub.f32 $1.000000000e+00, v61;
	v34 =	vld.idx.msk [tilespmem:v55+s22+$0x0], $0xffff  }
0x8a1: {  	v39 =	vadd.f32 v63, v63;
	v47 =	vadd.f32 v57, v37;
	(erf) = vrcp.f32 v62  }
0x8a2: {  	v36 =	vmul.f32 v58, v19;
	v50 =	vpop (erf);
	v32 =	vmul.f32 v32, v10;
	v40 =	vadd.f32 v45, v46  }
0x8a3: {  	v52 =	vld [tilespmem:s13+$0x10];
	v49 =	vsub.f32 $1.000000000e+00, v39;
	v35 =	vmul.f32 $1.442695020e+00, v47;
	v51 =	vpop (erf);
	v39 =	vadd.f32 v50, v50  }
0x8a4: {  	[tilespmem:s13+$0x0] =	vst v36;
	v55 =	vld [tilespmem:s6+$0xFFFFFFD0];
	(erf) = vpow2.f32 v38;
	v36 =	vadd.f32 $1.000000000e+00, v51;
	v40 =	vmul.f32 $1.442695020e+00, v40  }
0x8a5: {  	v29 =	vld.idx.msk [tilespmem:v29+s22+$0x0], $0xffff;
	[tilespmem:s6+$0xFFFFFFC0] =	vst v32;
	(erf) = vpow2.f32 v35;
	v53 =	vsub.f32 $1.000000000e+00, v39;
	v34 =	vadd.f32 v60, v34  }
0x8a6: {  	v38 =	vmul.f32 v49, v12;
	v57 =	vld.idx.msk [tilespmem:v44+s22+$0x0], $0xffff;
	(erf) = vrcp.f32 v36;
	v56 =	vpop (erf)  }
0x8a7: {  	v59 =	vld [tilespmem:s9+$0xFFFFFFC0];
	v32 =	vmul.f32 v53, v15;
	v34 =	vmul.f32 $1.442695020e+00, v34;
	v58 =	vpop (erf)  }
0x8a8: {  	v61 =	vld [tilespmem:s12+$0x20];
	[tilespmem:s9+$0xFFFFFFB0] =	vst v38;
	(erf) = vpow2.f32 v40;
	v38 =	vadd.f32 $1.000000000e+00, v58  }
0x8a9: {  	v37 =	vld.idx.msk [tilespmem:v48+s22+$0x0], $0xffff;
	[tilespmem:s12+$0x10] =	vst v32;
	(erf) = vpow2.f32 v34  }
0x8aa: {  	v29 =	vadd.f32 v52, v29;
	v36 =	vadd.f32 v56, v56;
	v35 =	vld.idx.msk [tilespmem:v54+s22+$0x0], $0xffff;
	v60 =	vpop (erf);
	(erf) = vrcp.f32 v38  }
0x8ab: {  	v39 =	vadd.f32 v55, v57;
	v32 =	vadd.f32 v60, v60  }
0x8ac: {  	v63 =	vor.u32 v3, v24;
	v29 =	vmul.f32 $1.442695020e+00, v29;
	v36 =	vsub.f32 $1.000000000e+00, v36  }
0x8ad: {  	v62 =	vor.u32 v6, v27;
	v45 =	vpop (erf);
	v39 =	vmul.f32 $1.442695020e+00, v39;
	v32 =	vsub.f32 $1.000000000e+00, v32  }
0x8ae: {  	v36 =	vmul.f32 v36, v14;
	v37 =	vadd.f32 v59, v37;
	v46 =	vpop (erf);
	(erf) = vpow2.f32 v29  }
0x8af: {  	v47 =	vld [tilespmem:s1+$0x60];
	v29 =	vadd.f32 $1.000000000e+00, v46;
	v49 =	vpop (erf);
	v34 =	vadd.f32 v61, v35;
	v32 =	vmul.f32 v32, v9  }
0x8b0: {  	v48 =	vld [tilespmem:s12+$0xFFFFFFB0];
	[tilespmem:s12+$0xFFFFFFA0] =	vst v36;
	v50 =	vmul.f32 $1.442695020e+00, v37;
	(erf) = vpow2.f32 v39;
	v52 =	vadd.f32 v49, v49  }
0x8b1: {  	v55 =	vor.u32 v2, v20;
	v51 =	vld.idx.msk [tilespmem:v63+s22+$0x0], $0xffff;
	v53 =	vpop (erf);
	(erf) = vrcp.f32 v29;
	[tilespmem:s1+$0x50] =	vst v32  }
0x8b2: {  	v29 =	vmul.f32 $1.442695020e+00, v34;
	v32 =	vsub.f32 $1.000000000e+00, v52;
	v38 =	vld.idx.msk [tilespmem:v62+s22+$0x0], $0xffff;
	v54 =	vpop (erf);
	(erf) = vpow2.f32 v50  }
0x8b3: {  	v56 =	vpop (erf)  }
0x8b4: {  	v32 =	vmul.f32 v32, v16;
	(erf) = vpow2.f32 v29;
	v29 =	vadd.f32 v56, v56  }
0x8b5: {  	v59 =	vor.u32 v5, v30;
	v41 =	vadd.f32 $1.000000000e+00, v45;
	v34 =	vadd.f32 $1.000000000e+00, v54  }
0x8b6: {  	v45 =	vor.u32 v7, v27;
	v63 =	vld [tilespmem:s13+$0xFFFFFFA0];
	v57 =	vadd.f32 v48, v51;
	[tilespmem:s13+$0xFFFFFF90] =	vst v32;
	v29 =	vsub.f32 $1.000000000e+00, v29  }
0x8b7: {  	s31 =	simm.s32 $0x78C;
	v58 =	vadd.f32 $1.000000000e+00, v53;
	(erf) = vrcp.f32 v34;
	v61 =	vld.idx.msk [tilespmem:v55+s22+$0x0], $0xffff;
	v60 =	vadd.f32 v47, v38  }
0x8b8: {  	s30 =	simm.s32 $0x78D;
	v62 =	vmov s31;
	v35 =	vmul.f32 $1.442695020e+00, v57;
	v38 =	vpop (erf);
	v29 =	vmul.f32 v29, v11  }
0x8b9: {  	v34 =	vmov s30;
	(erf) = vrcp.f32 v58;
	v48 =	vpop (erf);
	v46 =	vmul.f32 $1.442695020e+00, v60  }
0x8ba: {  	v26 =	vld.idx.msk [tilespmem:v26+s24+$0x0], $0xffff;
	v47 =	vand.u32 $0xFFFFFFFE, v62;
	(erf) = vpow2.f32 v35;
	v49 =	vpop (erf);
	[tilespmem:s6+$0x40] =	vst v29;
	v29 =	vadd.f32 $1.000000000e+00, v48  }
0x8bb: {  	v50 =	vld [tilespmem:s6+$0x50];
	v32 =	vbroadcast v47, $0x0;
	v35 =	vadd.f32 v49, v49;
	(erf) = vpow2.f32 v46;
	v51 =	vpop (erf)  }
0x8bc: {  	v27 =	vadd.f32 v63, v61;
	v39 =	vld.idx.msk [tilespmem:v59+s22+$0x0], $0xffff;
	(erf) = vrcp.f32 v29;
	v29 =	vadd.f32 $1.000000000e+00, v51  }
0x8bd: {  	v53 =	vor.u32 v1, v25;
	v35 =	vsub.f32 $1.000000000e+00, v35;
	v52 =	vpop (erf)  }
0x8be: {  	v27 =	vmul.f32 $1.442695020e+00, v27;
	v42 =	vadd.f32 $1.000000000e+00, v52  }
0x8bf: {  	v43 =	vor.u32 v7, v28;
	v28 =	vld.idx.msk [tilespmem:v34+s23+$0x0], $0xffff;
	v35 =	vmul.f32 v35, v26;
	(erf) = vrcp.f32 v29  }
0x8c0: {  	v60 =	vld [tilespmem:s16+$0xFFFFFF90];
	(erf) = vrcp.f32 v42;
	v29 =	vpop (erf)  }
0x8c1: {  	v55 =	vld.idx.msk [tilespmem:v32+s23+$0x0], $0xffff;
	[tilespmem:s16+$0xFFFFFF80] =	vst v35;
	(erf) = vrcp.f32 v41;
	v37 =	vadd.f32 v50, v39;
	v29 =	vadd.f32 v29, v29  }
0x8c2: {  	v58 =	vld.idx.msk [tilespmem:v53+s22+$0x0], $0xffff;
	v56 =	vpop (erf);
	(erf) = vpow2.f32 v27  }
0x8c3: {  	v54 =	vor.u32 v4, v21;
	v27 =	vpop (erf);
	v37 =	vmul.f32 $1.442695020e+00, v37;
	v57 =	vsub.f32 $1.000000000e+00, v29  }
0x8c4: {  	s10 =	simm.s32 $0x18800;
	v29 =	vshll.u32 v28, $0x7;
	v28 =	vadd.f32 v56, v56;
	v46 =	vpop (erf);
	v27 =	vadd.f32 $1.000000000e+00, v27  }
0x8c5: {  	v62 =	vld [tilespmem:s10+$0x0];
	v59 =	vor.u32 v0, v29;
	v46 =	vadd.f32 $1.000000000e+00, v46;
	(erf) = vpow2.f32 v37  }
0x8c6: {  	v49 =	vld [tilespmem:s9+$0x40];
	v35 =	vmul.f32 v57, v13;
	v48 =	vsub.f32 $1.000000000e+00, v28;
	v28 =	vshll.u32 v55, $0x7  }
0x8c7: {  	v61 =	vpop (erf);
	v41 =	vadd.f32 v60, v58;
	v58 =	vld [tilespmem:s10+$0xFFFFFF80];
	(erf) = vrcp.f32 v46;
	v40 =	vor.u32 v0, v28  }
0x8c8: {  	v47 =	vor.u32 v6, v31;
	[tilespmem:s9+$0x30] =	vst v35;
	v48 =	vmul.f32 v48, v8;
	(erf) = vrcp.f32 v27;
	v50 =	vpop (erf);
	v27 =	vld.idx.msk [tilespmem:v33+s24+$0x0], $0xffff  }
0x8c9: {  	v63 =	vadd.f32 $1.000000000e+00, v38;
	v38 =	vor.u32 v1, v22;
	v37 =	vadd.f32 v61, v61;
	v36 =	vld.idx.msk [tilespmem:v54+s22+$0x0], $0xffff;
	v52 =	vpop (erf)  }
0x8ca: {  	v51 =	vor.u32 v3, v18;
	v41 =	vmul.f32 $1.442695020e+00, v41;
	v42 =	vld.idx.msk [tilespmem:v59+s22+$0x0], $0xffff;
	[tilespmem:s1+$0xFFFFFFE0] =	vst v48;
	v56 =	vpop (erf);
	v52 =	vadd.f32 v52, v52  }
0x8cb: {  	v37 =	vsub.f32 $1.000000000e+00, v37;
	v60 =	vadd.f32 v50, v50;
	v43 =	vld.idx.msk [tilespmem:v43+s22+$0x0], $0xffff;
	v53 =	vpop (erf);
	(erf) = vrcp.f32 v63  }
0x8cc: {  	v48 =	vadd.f32 v56, v56;
	v33 =	vld.idx.msk [tilespmem:v40+s22+$0x0], $0xffff;
	v57 =	vsub.f32 $1.000000000e+00, v52;
	(erf) = vpow2.f32 v41  }
0x8cd: {  	v37 =	vmul.f32 v37, v10;
	v44 =	vsub.f32 $1.000000000e+00, v60;
	v59 =	vadd.f32 $1.000000000e+00, v53;
	v52 =	vld [tilespmem:s1+$0xFFFFFFF0]  }
0x8ce: {  	v50 =	vld [tilespmem:s6+$0xFFFFFFE0];
	v48 =	vsub.f32 $1.000000000e+00, v48;
	v36 =	vadd.f32 v49, v36;
	v40 =	vmul.f32 v57, v15  }
0x8cf: {  	v60 =	vld [tilespmem:s16+$0x10];
	v61 =	vpop (erf);
	(erf) = vrcp.f32 v59;
	v59 =	vmul.f32 v44, v12;
	v42 =	vadd.f32 v62, v42  }
0x8d0: {  	v35 =	vor.u32 v5, v23;
	v53 =	vld [tilespmem:s9+$0xFFFFFFD0];
	v48 =	vmul.f32 v48, v27;
	v36 =	vmul.f32 $1.442695020e+00, v36;
	v63 =	vpop (erf)  }
0x8d1: {  	v49 =	vld [tilespmem:s12+$0x30];
	v62 =	vadd.f32 $1.000000000e+00, v61;
	[tilespmem:s12+$0x20] =	vst v40;
	v42 =	vmul.f32 $1.442695020e+00, v42;
	v55 =	vadd.f32 v63, v63  }
0x8d2: {  	[tilespmem:s6+$0xFFFFFFD0] =	vst v37;
	v54 =	vpop (erf);
	v56 =	vld.idx.msk [tilespmem:v51+s22+$0x0], $0xffff;
	v33 =	vadd.f32 v58, v33;
	v43 =	vadd.f32 v52, v43;
	(erf) = vpow2.f32 v36  }
0x8d3: {  	[tilespmem:s16+$0x0] =	vst v48;
	v36 =	vld.idx.msk [tilespmem:v47+s22+$0x0], $0xffff;
	v40 =	vadd.f32 v54, v54;
	(erf) = vrcp.f32 v62;
	v58 =	vsub.f32 $1.000000000e+00, v55  }
0x8d4: {  	v46 =	vor.u32 v4, v24;
	[tilespmem:s9+$0xFFFFFFC0] =	vst v59;
	v57 =	vld.idx.msk [tilespmem:v38+s22+$0x0], $0xffff;
	v33 =	vmul.f32 $1.442695020e+00, v33;
	v43 =	vmul.f32 $1.442695020e+00, v43;
	v61 =	vpop (erf)  }
0x8d5: {  	v35 =	vld.idx.msk [tilespmem:v35+s22+$0x0], $0xffff;
	(erf) = vpow2.f32 v42;
	v40 =	vsub.f32 $1.000000000e+00, v40;
	v38 =	vmul.f32 v58, v9;
	v62 =	vpop (erf)  }
0x8d6: {  	v51 =	vadd.f32 v61, v61;
	(erf) = vpow2.f32 v33;
	v63 =	vadd.f32 $1.000000000e+00, v62  }
0x8d7: {  	v39 =	vor.u32 v6, v30;
	v40 =	vmul.f32 v40, v14;
	(erf) = vpow2.f32 v43  }
0x8d8: {  	v52 =	vld [tilespmem:s1+$0x70];
	v36 =	vadd.f32 v50, v36;
	v50 =	vsub.f32 $1.000000000e+00, v51;
	(erf) = vrcp.f32 v63  }
0x8d9: {  	v47 =	vor.u32 v2, v17;
	[tilespmem:s1+$0x60] =	vst v38;
	v51 =	vadd.f32 v49, v56;
	v37 =	vadd.f32 v60, v57;
	v57 =	vld [tilespmem:s12+$0xFFFFFFC0]  }
0x8da: {  	v42 =	vor.u32 v3, v20;
	v35 =	vadd.f32 v53, v35;
	v55 =	vpop (erf);
	[tilespmem:s12+$0xFFFFFFB0] =	vst v40;
	v54 =	vld.idx.msk [tilespmem:v45+s22+$0x0], $0xffff;
	v36 =	vmul.f32 $1.442695020e+00, v36  }
0x8db: {  	v33 =	vadd.f32 v55, v55;
	v56 =	vld.idx.msk [tilespmem:v46+s22+$0x0], $0xffff;
	v38 =	vmul.f32 v50, v19;
	v40 =	vmul.f32 $1.442695020e+00, v51  }
0x8dc: {  	v37 =	vmul.f32 $1.442695020e+00, v37;
	v51 =	vmul.f32 $1.442695020e+00, v35;
	v35 =	vor.u32 v7, v30;
	v58 =	vpop (erf)  }
0x8dd: {  	v61 =	vsub.f32 $1.000000000e+00, v33;
	(erf) = vpow2.f32 v36;
	v45 =	vadd.f32 $1.000000000e+00, v58;
	v59 =	vpop (erf)  }
0x8de: {  	v62 =	vld [tilespmem:s13+$0x20];
	[tilespmem:s13+$0x10] =	vst v38;
	v38 =	vor.u32 v7, v31;
	(erf) = vpow2.f32 v40;
	v60 =	vpop (erf);
	v36 =	vadd.f32 v59, v59  }
0x8df: {  	v63 =	vld.idx.msk [tilespmem:v47+s22+$0x0], $0xffff;
	v41 =	vadd.f32 v52, v54;
	v33 =	vadd.f32 $1.000000000e+00, v60;
	(erf) = vrcp.f32 v45;
	v52 =	vpop (erf)  }
0x8e0: {  	v49 =	vmul.f32 v61, v16;
	v50 =	vadd.f32 v57, v56;
	v36 =	vsub.f32 $1.000000000e+00, v36;
	v55 =	vpop (erf)  }
0x8e1: {  	(erf) = vpow2.f32 v37;
	v30 =	vadd.f32 $1.000000000e+00, v52;
	v54 =	vmul.f32 $1.442695020e+00, v41;
	v57 =	vpop (erf)  }
0x8e2: {  	v31 =	vmul.f32 $1.442695020e+00, v50;
	(erf) = vpow2.f32 v51;
	v60 =	vadd.f32 v57, v57  }
0x8e3: {  	[tilespmem:s13+$0xFFFFFFA0] =	vst v49;
	v56 =	vld [tilespmem:s13+$0xFFFFFFB0];
	v53 =	vmul.f32 v36, v11;
	(erf) = vpow2.f32 v54  }
0x8e4: {  	v59 =	vld.idx.msk [tilespmem:v42+s22+$0x0], $0xffff;
	v40 =	vadd.f32 v62, v63;
	(erf) = vrcp.f32 v30;
	v42 =	vsub.f32 $1.000000000e+00, v60  }
0x8e5: {  	(erf) = vpow2.f32 v31;
	v31 =	vld [tilespmem:s6+$0x60];
	[tilespmem:s6+$0x50] =	vst v53  }
0x8e6: {  	v58 =	vadd.f32 $1.000000000e+00, v55;
	v40 =	vmul.f32 $1.442695020e+00, v40;
	v30 =	vpop (erf);
	v45 =	vmul.f32 v42, v26;
	v42 =	vld.idx.msk [tilespmem:v39+s22+$0x0], $0xffff  }
0x8e7: {  	v37 =	vor.u32 v6, v21;
	v41 =	vor.u32 v2, v25;
	v61 =	vpop (erf)  }
0x8e8: {  	v36 =	vor.u32 v6, v23;
	(erf) = vrcp.f32 v58;
	v62 =	vadd.f32 $1.000000000e+00, v61;
	v63 =	vpop (erf)  }
0x8e9: {  	v43 =	vadd.f32 $1.000000000e+00, v30;
	(erf) = vpow2.f32 v40;
	v46 =	vadd.f32 v63, v63  }
0x8ea: {  	s7 =	simm.s32 $0xC;
	s17 =	simm.s32 $0x18800;
	v44 =	vadd.f32 v56, v59;
	v39 =	vor.u32 v5, v21;
	v40 =	vpop (erf);
	(erf) = vrcp.f32 v62  }
.LBB2_13:
0x8eb: {  	s0 =	sadd.s32 $0x782, s7;
	s2 =	sadd.s32 $0x783, s7;
	s7 =	sadd.s32 $0x2, s7;
	[tilespmem:s16+$0xFFFFFF90] =	vst v45;
	v48 =	vsub.f32 $1.000000000e+00, v46;
	v42 =	vadd.f32 v31, v42;
	(erf) = vrcp.f32 v43;
	v30 =	vmovc v22;
	v22 =	vmovc v29  }
0x8ec: {  	v31 =	vmovc v23;
	v23 =	vmovc v24;
	v29 =	vmov s0;
	v46 =	vmov s2;
	p0 =	slt.u32 s7, $0x4E;
	v47 =	vld.idx.msk [tilespmem:v41+s22+$0x0], $0xffff;
	v49 =	vmul.f32 $1.442695020e+00, v44  }
0x8ed: {  	v24 =	vand.u32 $0xFFFFFFFE, v29;
	v29 =	vld [tilespmem:s16+$0xFFFFFFA0];
	v44 =	vmul.f32 v48, v13;
	v45 =	vpop (erf);
	v48 =	vmul.f32 $1.442695020e+00, v42  }
0x8ee: {  	v43 =	vld.idx.msk [tilespmem:v32+s24+$0x0], $0xffff;
	v32 =	vbroadcast v24, $0x0;
	(erf) = vpow2.f32 v49;
	v24 =	vadd.f32 $1.000000000e+00, v45;
	v41 =	vpop (erf)  }
0x8ef: {  	v42 =	vor.u32 v5, v23;
	v45 =	vpop (erf);
	[tilespmem:s9+$0x40] =	vst v44;
	v44 =	vld [tilespmem:s9+$0x50];
	(erf) = vpow2.f32 v48;
	v48 =	vadd.f32 $1.000000000e+00, v41  }
0x8f0: {  	v49 =	vor.u32 v4, v18;
	v45 =	vadd.f32 v45, v45;
	v50 =	vpop (erf);
	v39 =	vld.idx.msk [tilespmem:v39+s22+$0x0], $0xffff;
	(erf) = vrcp.f32 v24  }
0x8f1: {  	v41 =	vor.u32 v4, v20;
	v51 =	vld.idx.msk [tilespmem:v46+s23+$0x0], $0xffff;
	v52 =	vadd.f32 $1.000000000e+00, v50;
	v50 =	vpop (erf);
	(erf) = vrcp.f32 v48  }
0x8f2: {  	v48 =	vor.u32 v1, v28;
	v45 =	vsub.f32 $1.000000000e+00, v45;
	v29 =	vadd.f32 v29, v47;
	v47 =	vpop (erf)  }
0x8f3: {  	v50 =	vadd.f32 v50, v50;
	v47 =	vadd.f32 $1.000000000e+00, v47;
	(erf) = vrcp.f32 v52;
	v24 =	vpop (erf)  }
0x8f4: {  	v45 =	vmul.f32 v45, v43;
	v52 =	vmul.f32 $1.442695020e+00, v29;
	v29 =	vadd.f32 v24, v24;
	v24 =	vpop (erf)  }
0x8f5: {  	v50 =	vsub.f32 $1.000000000e+00, v50;
	v53 =	vld.idx.msk [tilespmem:v32+s23+$0x0], $0xffff;
	(erf) = vrcp.f32 v47;
	v47 =	vadd.f32 v24, v24;
	v24 =	vmovc v20;
	v20 =	vmovc v25  }
0x8f6: {  	v44 =	vadd.f32 v44, v39;
	v25 =	vmovc v28;
	v39 =	vmovc v37;
	[tilespmem:s10+$0xFFFFFF80] =	vst v45;
	(erf) = vrcp.f32 v33;
	v54 =	vsub.f32 $1.000000000e+00, v29  }
0x8f7: {  	v29 =	vshll.u32 v51, $0x7;
	v37 =	vld.idx.msk [tilespmem:v48+s22+$0x0], $0xffff;
	(erf) = vpow2.f32 v52;
	v28 =	vpop (erf);
	v45 =	vsub.f32 $1.000000000e+00, v47  }
0x8f8: {  	v47 =	vor.u32 v0, v29;
	v56 =	vmul.f32 $1.442695020e+00, v44;
	v48 =	vld [tilespmem:s10+$0xFFFFFF90];
	v51 =	vmul.f32 v54, v15;
	v33 =	vpop (erf)  }
0x8f9: {  	v52 =	vadd.f32 $1.000000000e+00, v28;
	v54 =	vld [tilespmem:s12+$0x40];
	v28 =	vpop (erf);
	v45 =	vmul.f32 v45, v10;
	v55 =	vadd.f32 $1.000000000e+00, v33  }
0x8fa: {  	v33 =	vld.idx.msk [tilespmem:v34+s24+$0x0], $0xffff;
	[tilespmem:s12+$0x30] =	vst v51;
	v51 =	vadd.f32 v28, v28;
	(erf) = vpow2.f32 v56;
	v56 =	vmul.f32 v50, v8;
	v44 =	vpop (erf)  }
0x8fb: {  	v28 =	vshll.u32 v53, $0x7;
	v50 =	vor.u32 v3, v17;
	v34 =	vmovc v46;
	v49 =	vld.idx.msk [tilespmem:v49+s22+$0x0], $0xffff;
	[tilespmem:s6+$0xFFFFFFE0] =	vst v45;
	(erf) = vrcp.f32 v55  }
0x8fc: {  	v45 =	vor.u32 v0, v28;
	v44 =	vadd.f32 v44, v44;
	(erf) = vrcp.f32 v52;
	v46 =	vpop (erf);
	v38 =	vld.idx.msk [tilespmem:v38+s22+$0x0], $0xffff;
	[tilespmem:s1+$0xFFFFFFF0] =	vst v56  }
0x8fd: {  	v40 =	vadd.f32 $1.000000000e+00, v40;
	s10 =	sadd.s32 $0x100, s10;
	v8 =	vmovc v10;
	v47 =	vld.idx.msk [tilespmem:v47+s22+$0x0], $0xffff;
	v48 =	vadd.f32 v48, v37;
	v37 =	vor.u32 v3, v20  }
0x8fe: {  	v53 =	vor.u32 v1, v22;
	v46 =	vadd.f32 v46, v46;
	v44 =	vsub.f32 $1.000000000e+00, v44;
	v52 =	vld [tilespmem:s10+$0x0];
	v10 =	vpop (erf)  }
0x8ff: {  	v51 =	vsub.f32 $1.000000000e+00, v51;
	v48 =	vmul.f32 $1.442695020e+00, v48;
	v55 =	vpop (erf);
	v57 =	vadd.f32 v10, v10  }
0x900: {  	v9 =	vmul.f32 v44, v9;
	v55 =	vadd.f32 v55, v55;
	v56 =	vpop (erf);
	(erf) = vrcp.f32 v40;
	v40 =	vld [tilespmem:s6+$0xFFFFFFF0]  }
0x901: {  	v10 =	vmovc v12;
	v12 =	vmovc v14;
	v44 =	vld.idx.msk [tilespmem:v45+s22+$0x0], $0xffff;
	(erf) = vpow2.f32 v48;
	v45 =	vsub.f32 $1.000000000e+00, v57;
	v57 =	vadd.f32 v54, v49  }
0x902: {  	v14 =	vmovc v16;
	v16 =	vmovc v26;
	v49 =	vld [tilespmem:s10+$0xFFFFFF80];
	v54 =	vsub.f32 $1.000000000e+00, v55;
	v55 =	vadd.f32 $1.000000000e+00, v56;
	v56 =	vmul.f32 v51, v10;
	[tilespmem:s1+$0x70] =	vst v9;
	s1 =	smov.u32 s6;
	s6 =	smov.u32 s9;
	s9 =	smov.u32 s12  }
0x903: {  	s12 =	smov.u32 s13;
	s13 =	smov.u32 s16;
	s16 =	smov.u32 s17;
	v9 =	vadd.f32 v52, v47;
	v58 =	vmul.f32 v45, v19;
	v45 =	vmul.f32 $1.442695020e+00, v57;
	v47 =	vld [tilespmem:s6+$0xFFFFFFE0];
	v48 =	vpop (erf)  }
0x904: {  	s17 =	smov.u32 s10;
	v52 =	vmul.f32 v54, v33;
	(erf) = vrcp.f32 v55;
	v54 =	vld [tilespmem:s12+$0x30];
	[tilespmem:s6+$0xFFFFFFD0] =	vst v56;
	v48 =	vadd.f32 $1.000000000e+00, v48;
	v51 =	vpop (erf)  }
0x905: {  	v55 =	vmul.f32 $1.442695020e+00, v9;
	[tilespmem:s12+$0x20] =	vst v58;
	v26 =	vpop (erf);
	(erf) = vpow2.f32 v45;
	v36 =	vld.idx.msk [tilespmem:v36+s22+$0x0], $0xffff;
	v45 =	vadd.f32 v51, v51  }
0x906: {  	v46 =	vsub.f32 $1.000000000e+00, v46;
	[tilespmem:s16+$0x0] =	vst v52;
	v51 =	vadd.f32 v26, v26;
	v50 =	vld.idx.msk [tilespmem:v50+s22+$0x0], $0xffff;
	(erf) = vrcp.f32 v48;
	v26 =	vmovc v43  }
0x907: {  	v56 =	vadd.f32 v49, v44;
	(erf) = vpow2.f32 v55;
	v44 =	vld.idx.msk [tilespmem:v53+s22+$0x0], $0xffff;
	v45 =	vsub.f32 $1.000000000e+00, v45;
	v9 =	vmovc v11;
	v11 =	vmovc v13  }
0x908: {  	v46 =	vmul.f32 v46, v12;
	v38 =	vadd.f32 v40, v38;
	v13 =	vmovc v15;
	v15 =	vmovc v19;
	v48 =	vld [tilespmem:s16+$0x10];
	v49 =	vsub.f32 $1.000000000e+00, v51  }
0x909: {  	v40 =	vor.u32 v2, v30;
	v53 =	vmul.f32 $1.442695020e+00, v56;
	v43 =	vpop (erf);
	v45 =	vmul.f32 v45, v9;
	v51 =	vld [tilespmem:s1+$0x70]  }
0x90a: {  	v55 =	vmul.f32 $1.442695020e+00, v38;
	v52 =	vpop (erf);
	v43 =	vadd.f32 v43, v43;
	v49 =	vmul.f32 v49, v14;
	[tilespmem:s9+$0xFFFFFFC0] =	vst v46;
	v46 =	vld [tilespmem:s9+$0xFFFFFFD0]  }
0x90b: {  	v19 =	vmovc v27;
	v36 =	vadd.f32 v47, v36;
	(erf) = vpow2.f32 v53;
	v52 =	vadd.f32 $1.000000000e+00, v52;
	v42 =	vld.idx.msk [tilespmem:v42+s22+$0x0], $0xffff;
	[tilespmem:s1+$0x60] =	vst v45  }
0x90c: {  	v27 =	vmovc v33;
	v45 =	vadd.f32 v54, v50;
	v43 =	vsub.f32 $1.000000000e+00, v43;
	[tilespmem:s12+$0xFFFFFFB0] =	vst v49;
	v35 =	vld.idx.msk [tilespmem:v35+s22+$0x0], $0xffff;
	(erf) = vpow2.f32 v55  }
0x90d: {  	v50 =	vmul.f32 $1.442695020e+00, v36;
	v49 =	vadd.f32 v48, v44;
	(erf) = vrcp.f32 v52;
	v38 =	vpop (erf);
	v41 =	vld.idx.msk [tilespmem:v41+s22+$0x0], $0xffff  }
0x90e: {  	v45 =	vmul.f32 $1.442695020e+00, v45;
	v38 =	vadd.f32 v38, v38;
	v43 =	vmul.f32 v43, v19;
	v44 =	vld [tilespmem:s12+$0xFFFFFFC0];
	v47 =	vpop (erf)  }
0x90f: {  	v48 =	vmul.f32 $1.442695020e+00, v49;
	v47 =	vadd.f32 $1.000000000e+00, v47;
	(erf) = vpow2.f32 v50;
	v33 =	vpop (erf)  }
0x910: {  	v36 =	vpop (erf);
	v38 =	vsub.f32 $1.000000000e+00, v38;
	[tilespmem:s13+$0x10] =	vst v43;
	v43 =	vld [tilespmem:s13+$0x20];
	(erf) = vpow2.f32 v45;
	v45 =	vadd.f32 v33, v33  }
0x911: {  	v33 =	vadd.f32 $1.000000000e+00, v36;
	v36 =	vld.idx.msk [tilespmem:v40+s22+$0x0], $0xffff;
	v40 =	vadd.f32 v46, v42;
	(erf) = vrcp.f32 v47  }
0x912: {  	v38 =	vmul.f32 v38, v16;
	v42 =	vsub.f32 $1.000000000e+00, v45;
	v45 =	vadd.f32 v51, v35  }
0x913: {  	(erf) = vpow2.f32 v48;
	v48 =	vadd.f32 v44, v41;
	v40 =	vmul.f32 $1.442695020e+00, v40  }
0x914: {  	v35 =	vor.u32 v7, v21;
	v44 =	vpop (erf);
	[tilespmem:s13+$0xFFFFFFA0] =	vst v38;
	v38 =	vor.u32 v7, v31;
	v42 =	vmul.f32 v42, v11;
	v31 =	vld [tilespmem:s6+$0x60]  }
0x915: {  	v49 =	vmul.f32 $1.442695020e+00, v45;
	v44 =	vadd.f32 $1.000000000e+00, v44;
	v47 =	vld [tilespmem:s13+$0xFFFFFFB0];
	v46 =	vmul.f32 $1.442695020e+00, v48;
	v41 =	vpop (erf)  }
0x916: {  	v45 =	vpop (erf);
	v48 =	vld.idx.msk [tilespmem:v37+s22+$0x0], $0xffff;
	v37 =	vor.u32 v6, v18;
	(erf) = vpow2.f32 v40;
	[tilespmem:s6+$0x50] =	vst v42;
	v40 =	vadd.f32 $1.000000000e+00, v41  }
0x917: {  	v21 =	vmovc v18;
	v50 =	vadd.f32 v43, v36;
	v45 =	vadd.f32 v45, v45;
	v42 =	vld.idx.msk [tilespmem:v39+s22+$0x0], $0xffff;
	(erf) = vpow2.f32 v49  }
.Ltmp5:
0x918: {  	v41 =	vor.u32 v2, v25;
	v36 =	vor.u32 v6, v23;
	(erf) = vrcp.f32 v44;
	v18 =	vpop (erf);
	(pc) =	sbr.rel @p0 .LBB2_13-.Ltmp5, $4  }
0x919: {  	v44 =	vmul.f32 $1.442695020e+00, v50;
	v39 =	vsub.f32 $1.000000000e+00, v45;
	(erf) = vpow2.f32 v46;
	v43 =	vpop (erf)  }
0x91a: {  	v49 =	vadd.f32 $1.000000000e+00, v43;
	v46 =	vpop (erf);
	v43 =	vadd.f32 $1.000000000e+00, v18;
	(erf) = vrcp.f32 v40  }
0x91b: {  	v18 =	vmovc v17;
	v17 =	vmovc v30;
	v45 =	vmul.f32 v39, v26;
	(erf) = vpow2.f32 v44;
	v46 =	vadd.f32 v46, v46  }
0x91c: {  	v44 =	vadd.f32 v47, v48;
	v39 =	vor.u32 v5, v21;
	v40 =	vpop (erf);
	(erf) = vrcp.f32 v49  }
0x91d: {  	_ =	sdelay $0x1  }
0x91e: {  	v30 =	vsub.f32 $1.000000000e+00, v46  }
0x91f: {  	[tilespmem:s16+$0xFFFFFF90] =	vst v45;
	v31 =	vadd.f32 v31, v42;
	v57 =	vld [tilespmem:s16+$0xFFFFFFA0]  }
0x920: {  	v41 =	vld.idx.msk [tilespmem:v41+s22+$0x0], $0xffff;
	v44 =	vmul.f32 $1.442695020e+00, v44;
	v56 =	vpop (erf);
	v46 =	vmul.f32 v30, v13  }
0x921: {  	v60 =	vld [tilespmem:s9+$0x50];
	(erf) = vrcp.f32 v43;
	v31 =	vmul.f32 $1.442695020e+00, v31;
	v47 =	vpop (erf)  }
0x922: {  	v30 =	vld.idx.msk [tilespmem:v32+s24+$0x0], $0xffff;
	v58 =	vpop (erf);
	(erf) = vpow2.f32 v44;
	[tilespmem:s9+$0x40] =	vst v46  }
0x923: {  	v42 =	vadd.f32 $1.000000000e+00, v56;
	(erf) = vpow2.f32 v31;
	v62 =	vpop (erf);
	v39 =	vld.idx.msk [tilespmem:v39+s22+$0x0], $0xffff  }
0x924: {  	v48 =	vor.u32 v1, v28;
	v61 =	vadd.f32 $1.000000000e+00, v47;
	v59 =	vadd.f32 v58, v58;
	v32 =	vpop (erf)  }
0x925: {  	(erf) = vrcp.f32 v42;
	v46 =	vadd.f32 $1.000000000e+00, v62;
	v41 =	vadd.f32 v57, v41;
	v49 =	vpop (erf)  }
0x926: {  	v63 =	vsub.f32 $1.000000000e+00, v59;
	(erf) = vrcp.f32 v61;
	v31 =	vadd.f32 $1.000000000e+00, v49;
	v50 =	vpop (erf)  }
0x927: {  	(erf) = vrcp.f32 v46;
	v41 =	vmul.f32 $1.442695020e+00, v41;
	v45 =	vadd.f32 v50, v50  }
0x928: {  	v42 =	vmul.f32 v63, v30;
	(erf) = vrcp.f32 v31;
	v53 =	vadd.f32 v60, v39  }
0x929: {  	v51 =	vor.u32 v4, v18;
	(erf) = vrcp.f32 v33;
	v52 =	vsub.f32 $1.000000000e+00, v45  }
0x92a: {  	v56 =	vld [tilespmem:s10+$0xFFFFFF90];
	[tilespmem:s10+$0xFFFFFF80] =	vst v42;
	v55 =	vpop (erf);
	(erf) = vpow2.f32 v41;
	v33 =	vmul.f32 $1.442695020e+00, v53  }
0x92b: {  	v54 =	vld.idx.msk [tilespmem:v48+s22+$0x0], $0xffff;
	v57 =	vpop (erf);
	v31 =	vmul.f32 v52, v15  }
0x92c: {  	v58 =	vpop (erf);
	(erf) = vpow2.f32 v33  }
0x92d: {  	v59 =	vld [tilespmem:s12+$0x40];
	v42 =	vadd.f32 v55, v55;
	[tilespmem:s12+$0x30] =	vst v31  }
0x92e: {  	v60 =	vadd.f32 $1.000000000e+00, v57;
	v61 =	vpop (erf);
	v46 =	vld.idx.msk [tilespmem:v51+s22+$0x0], $0xffff  }
0x92f: {  	v42 =	vsub.f32 $1.000000000e+00, v42;
	v44 =	vadd.f32 $1.000000000e+00, v58;
	v33 =	vpop (erf)  }
0x930: {  	v62 =	vadd.f32 v61, v61;
	v39 =	vadd.f32 v56, v54;
	v63 =	vpop (erf)  }
0x931: {  	v51 =	vadd.f32 $1.000000000e+00, v40;
	v52 =	vmul.f32 v42, v10;
	(erf) = vrcp.f32 v44;
	v53 =	vpop (erf)  }
0x932: {  	(erf) = vrcp.f32 v60;
	v41 =	vsub.f32 $1.000000000e+00, v62;
	v39 =	vmul.f32 $1.442695020e+00, v39;
	v54 =	vpop (erf)  }
0x933: {  	v31 =	vld.idx.msk [tilespmem:v34+s24+$0x0], $0xffff;
	(erf) = vrcp.f32 v51;
	v42 =	vadd.f32 v53, v53;
	v56 =	vpop (erf);
	v57 =	vadd.f32 v59, v46  }
0x934: {  	[tilespmem:s6+$0xFFFFFFE0] =	vst v52;
	v60 =	vld [tilespmem:s6+$0xFFFFFFF0];
	v41 =	vmul.f32 v41, v12;
	(erf) = vpow2.f32 v39;
	v40 =	vadd.f32 $1.000000000e+00, v56  }
0x935: {  	v58 =	vor.u32 v3, v17;
	v38 =	vld.idx.msk [tilespmem:v38+s22+$0x0], $0xffff;
	v42 =	vsub.f32 $1.000000000e+00, v42;
	v39 =	vmul.f32 $1.442695020e+00, v57;
	v48 =	vpop (erf)  }
0x936: {  	v61 =	vld [tilespmem:s9+$0xFFFFFFE0];
	v55 =	vadd.f32 v54, v54;
	[tilespmem:s9+$0xFFFFFFD0] =	vst v41;
	(erf) = vrcp.f32 v40;
	v52 =	vadd.f32 $1.000000000e+00, v48  }
0x937: {  	v36 =	vld.idx.msk [tilespmem:v36+s22+$0x0], $0xffff;
	v42 =	vmul.f32 v42, v19;
	(erf) = vpow2.f32 v39  }
0x938: {  	v59 =	vor.u32 v1, v29;
	v34 =	vsub.f32 $1.000000000e+00, v55;
	(erf) = vrcp.f32 v52  }
0x939: {  	v62 =	vadd.f32 v63, v63;
	v63 =	vld [tilespmem:s13+$0x30];
	[tilespmem:s13+$0x20] =	vst v42  }
0x93a: {  	v55 =	vor.u32 v5, v24;
	v38 =	vadd.f32 v60, v38;
	v34 =	vmul.f32 v34, v31;
	v53 =	vpop (erf);
	v44 =	vld.idx.msk [tilespmem:v58+s22+$0x0], $0xffff  }
0x93b: {  	v57 =	vor.u32 v4, v20;
	v40 =	vsub.f32 $1.000000000e+00, v62;
	v54 =	vpop (erf);
	v39 =	vadd.f32 v53, v53  }
0x93c: {  	v60 =	vld [tilespmem:s12+$0xFFFFFFD0];
	v38 =	vmul.f32 $1.442695020e+00, v38;
	[tilespmem:s17+$0x0] =	vst v34;
	v56 =	vadd.f32 v54, v54;
	v58 =	vpop (erf);
	v36 =	vadd.f32 v61, v36  }
0x93d: {  	v40 =	vmul.f32 v40, v14;
	v45 =	vld.idx.msk [tilespmem:v59+s22+$0x0], $0xffff;
	v39 =	vsub.f32 $1.000000000e+00, v39;
	v46 =	vadd.f32 v58, v58;
	v49 =	vpop (erf)  }
0x93e: {  	v59 =	vld [tilespmem:s17+$0x10];
	(erf) = vpow2.f32 v38;
	v34 =	vsub.f32 $1.000000000e+00, v56;
	v49 =	vadd.f32 $1.000000000e+00, v49  }
0x93f: {  	[tilespmem:s12+$0xFFFFFFC0] =	vst v40;
	v40 =	vld [tilespmem:s6+$0x70];
	v39 =	vmul.f32 v39, v11;
	v62 =	vsub.f32 $1.000000000e+00, v46;
	v43 =	vadd.f32 v63, v44;
	v63 =	vpop (erf)  }
0x940: {  	v54 =	vld [tilespmem:s13+$0xFFFFFFC0];
	v34 =	vmul.f32 v34, v16;
	(erf) = vrcp.f32 v49;
	v49 =	vor.u32 v2, v22;
	v53 =	vpop (erf)  }
0x941: {  	v61 =	vld.idx.msk [tilespmem:v55+s22+$0x0], $0xffff;
	v36 =	vmul.f32 $1.442695020e+00, v36;
	[tilespmem:s6+$0x60] =	vst v39;
	v55 =	vpop (erf)  }
0x942: {  	v39 =	vmul.f32 v62, v27;
	[tilespmem:s13+$0xFFFFFFB0] =	vst v34;
	v50 =	vld.idx.msk [tilespmem:v35+s22+$0x0], $0xffff;
	v52 =	vmul.f32 $1.442695020e+00, v43;
	v56 =	vadd.f32 v55, v55  }
0x943: {  	v51 =	vadd.f32 v63, v63;
	(erf) = vpow2.f32 v36;
	v42 =	vld.idx.msk [tilespmem:v57+s22+$0x0], $0xffff;
	v43 =	vadd.f32 $1.000000000e+00, v53  }
0x944: {  	v58 =	vadd.f32 v59, v45;
	v59 =	vld [tilespmem:s16+$0x20];
	[tilespmem:s16+$0x10] =	vst v39;
	(erf) = vpow2.f32 v52;
	v39 =	vsub.f32 $1.000000000e+00, v56  }
0x945: {  	v57 =	vor.u32 v3, v25;
	v35 =	vsub.f32 $1.000000000e+00, v51;
	(erf) = vrcp.f32 v43;
	v44 =	vld.idx.msk [tilespmem:v49+s22+$0x0], $0xffff  }
0x946: {  	v38 =	vadd.f32 v60, v61;
	v60 =	vmul.f32 v39, v13  }
0x947: {  	v61 =	vld [tilespmem:s9+$0x60];
	v43 =	vmul.f32 $1.442695020e+00, v58;
	v35 =	vmul.f32 v35, v26;
	v34 =	vadd.f32 v40, v50  }
0x948: {  	v63 =	vld [tilespmem:s16+$0xFFFFFFB0];
	v38 =	vmul.f32 $1.442695020e+00, v38;
	v36 =	vadd.f32 v54, v42;
	[tilespmem:s9+$0x50] =	vst v60  }
0x949: {  	v62 =	vpop (erf);
	(erf) = vpow2.f32 v43;
	[tilespmem:s16+$0xFFFFFFA0] =	vst v35;
	v34 =	vmul.f32 $1.442695020e+00, v34;
	v37 =	vld.idx.msk [tilespmem:v37+s22+$0x0], $0xffff  }
0x94a: {  	(erf) = vpow2.f32 v38;
	v41 =	vld.idx.msk [tilespmem:v57+s22+$0x0], $0xffff;
	v47 =	vpop (erf);
	v36 =	vmul.f32 $1.442695020e+00, v36;
	v50 =	vadd.f32 v59, v44  }
0x94b: {  	v49 =	vadd.f32 $1.000000000e+00, v62;
	v48 =	vadd.f32 v47, v47;
	(erf) = vpow2.f32 v34  }
0x94c: {  	v51 =	vpop (erf);
	(erf) = vpow2.f32 v36;
	v40 =	vmul.f32 $1.442695020e+00, v50  }
0x94d: {  	v43 =	vadd.f32 $1.000000000e+00, v51;
	v35 =	vsub.f32 $1.000000000e+00, v48;
	v53 =	vpop (erf);
	(erf) = vrcp.f32 v49  }
0x94e: {  	v54 =	vadd.f32 $1.000000000e+00, v53;
	v55 =	vpop (erf);
	(erf) = vpow2.f32 v40;
	v37 =	vadd.f32 v61, v37  }
0x94f: {  	v52 =	vor.u32 v2, v28;
	v57 =	vadd.f32 v63, v41;
	v56 =	vadd.f32 v55, v55  }
0x950: {  	v59 =	vor.u32 v5, v18;
	v35 =	vmul.f32 v35, v30;
	(erf) = vrcp.f32 v54  }
0x951: {  	v60 =	vmul.f32 $1.442695020e+00, v57;
	v58 =	vsub.f32 $1.000000000e+00, v56;
	(erf) = vrcp.f32 v43  }
0x952: {  	v62 =	vmul.f32 $1.442695020e+00, v37;
	v37 =	vpop (erf)  }
0x953: {  	v45 =	vld [tilespmem:s17+$0xFFFFFFA0];
	[tilespmem:s17+$0xFFFFFF90] =	vst v35;
	v61 =	vmul.f32 v58, v15;
	(erf) = vpow2.f32 v60;
	v46 =	vpop (erf)  }
0x954: {  	v63 =	vld.idx.msk [tilespmem:v52+s22+$0x0], $0xffff;
	(erf) = vpow2.f32 v62;
	v47 =	vpop (erf)  }
0x955: {  	v48 =	vld [tilespmem:s12+$0x50];
	[tilespmem:s12+$0x40] =	vst v61;
	v49 =	vadd.f32 $1.000000000e+00, v46;
	v50 =	vpop (erf)  }
0x956: {  	v38 =	vld.idx.msk [tilespmem:v59+s22+$0x0], $0xffff;
	v35 =	vadd.f32 $1.000000000e+00, v47;
	v34 =	vpop (erf)  }
0x957: {  	(erf) = vrcp.f32 v49;
	v51 =	vadd.f32 $1.000000000e+00, v50;
	v52 =	vpop (erf)  }
0x958: {  	(erf) = vrcp.f32 v35;
	v53 =	vadd.f32 $1.000000000e+00, v52  }
0x959: {  	v39 =	vadd.f32 v45, v63;
	(erf) = vrcp.f32 v51;
	v54 =	vpop (erf)  }
0x95a: {  	v40 =	vadd.f32 v54, v54;
	v55 =	vpop (erf);
	(erf) = vrcp.f32 v53  }
0x95b: {  	v57 =	vmul.f32 $1.442695020e+00, v39;
	v56 =	vadd.f32 v48, v38  }
0x95c: {  	v59 =	vor.u32 v4, v17;
	v58 =	vpop (erf);
	v40 =	vsub.f32 $1.000000000e+00, v40  }
0x95d: {  	v35 =	vmul.f32 $1.442695020e+00, v56;
	(erf) = vpow2.f32 v57;
	v60 =	vpop (erf)  }
0x95e: {  	v61 =	vadd.f32 $1.000000000e+00, v60;
	v40 =	vmul.f32 v40, v19  }
0x95f: {  	v38 =	vadd.f32 $1.000000000e+00, v58;
	(erf) = vpow2.f32 v35  }
0x960: {  	v62 =	vld [tilespmem:s13+$0x40];
	v63 =	vadd.f32 v55, v55;
	(erf) = vrcp.f32 v61;
	v44 =	vpop (erf);
	[tilespmem:s13+$0x30] =	vst v40  }
0x961: {  	v37 =	vadd.f32 $1.000000000e+00, v37;
	(erf) = vrcp.f32 v38;
	v35 =	vpop (erf);
	v45 =	vld.idx.msk [tilespmem:v59+s22+$0x0], $0xffff  }
0x962: {  	v23 =	vor.u32 v7, v23;
	v36 =	vsub.f32 $1.000000000e+00, v63;
	v46 =	vpop (erf)  }
0x963: {  	v47 =	vadd.f32 v44, v44;
	v48 =	vpop (erf);
	(erf) = vrcp.f32 v37  }
0x964: {  	v36 =	vmul.f32 v36, v12;
	v49 =	vadd.f32 v48, v48  }
0x965: {  	v50 =	vor.u32 v6, v24;
	v40 =	vsub.f32 $1.000000000e+00, v47  }
0x966: {  	v52 =	vor.u32 v3, v22;
	v54 =	vld [tilespmem:s9+$0xFFFFFFF0];
	[tilespmem:s9+$0xFFFFFFE0] =	vst v36;
	v51 =	vpop (erf);
	v38 =	vadd.f32 v62, v45;
	v37 =	vsub.f32 $1.000000000e+00, v49  }
0x967: {  	v23 =	vld.idx.msk [tilespmem:v23+s22+$0x0], $0xffff;
	v39 =	vadd.f32 v46, v46;
	v40 =	vmul.f32 v40, v14;
	v36 =	vadd.f32 $1.000000000e+00, v51  }
0x968: {  	v56 =	vld [tilespmem:s12+$0xFFFFFFE0];
	v61 =	vor.u32 v5, v20;
	v53 =	vpop (erf);
	v38 =	vmul.f32 $1.442695020e+00, v38;
	v37 =	vmul.f32 v37, v27  }
0x969: {  	v59 =	vld [tilespmem:s16+$0x30];
	v39 =	vsub.f32 $1.000000000e+00, v39;
	[tilespmem:s12+$0xFFFFFFD0] =	vst v40;
	(erf) = vrcp.f32 v36;
	v57 =	vadd.f32 $1.000000000e+00, v53;
	v55 =	vpop (erf)  }
0x96a: {  	v62 =	vld.idx.msk [tilespmem:v50+s22+$0x0], $0xffff;
	v58 =	vpop (erf);
	v45 =	vadd.f32 v55, v55;
	(erf) = vpow2.f32 v38;
	[tilespmem:s16+$0x20] =	vst v37  }
0x96b: {  	v39 =	vmul.f32 v39, v16;
	v60 =	vadd.f32 v58, v58;
	(erf) = vrcp.f32 v57;
	v63 =	vld.idx.msk [tilespmem:v52+s22+$0x0], $0xffff  }
0x96c: {  	v21 =	vor.u32 v7, v21;
	v23 =	vadd.f32 v54, v23;
	v48 =	vsub.f32 $1.000000000e+00, v45;
	v49 =	vpop (erf)  }
0x96d: {  	v51 =	vld [tilespmem:s9+$0x70];
	v50 =	vor.u32 v4, v25;
	[tilespmem:s13+$0xFFFFFFC0] =	vst v39;
	v38 =	vsub.f32 $1.000000000e+00, v60;
	v42 =	vadd.f32 v49, v49  }
0x96e: {  	v53 =	vor.u32 v2, v29;
	v23 =	vmul.f32 $1.442695020e+00, v23;
	v40 =	vld.idx.msk [tilespmem:v61+s22+$0x0], $0xffff;
	v41 =	vmul.f32 v48, v13  }
0x96f: {  	v52 =	vld [tilespmem:s13+$0xFFFFFFD0];
	v37 =	vadd.f32 v56, v62;
	v38 =	vmul.f32 v38, v26;
	v42 =	vsub.f32 $1.000000000e+00, v42  }
0x970: {  	v57 =	vld [tilespmem:s16+$0xFFFFFFC0];
	(erf) = vpow2.f32 v23;
	[tilespmem:s9+$0x60] =	vst v41;
	v36 =	vadd.f32 v59, v63  }
0x971: {  	v37 =	vmul.f32 $1.442695020e+00, v37;
	[tilespmem:s16+$0xFFFFFFB0] =	vst v38;
	v21 =	vld.idx.msk [tilespmem:v21+s22+$0x0], $0xffff;
	v54 =	vmul.f32 v42, v31  }
0x972: {  	v55 =	vpop (erf);
	v56 =	vld.idx.msk [tilespmem:v50+s22+$0x0], $0xffff;
	v36 =	vmul.f32 $1.442695020e+00, v36  }
0x973: {  	v62 =	vld [tilespmem:s17+$0x20];
	v49 =	vor.u32 v3, v28;
	(erf) = vpow2.f32 v37;
	v59 =	vadd.f32 v55, v55;
	v58 =	vpop (erf);
	[tilespmem:s17+$0x10] =	vst v54  }
0x974: {  	v39 =	vadd.f32 v52, v40;
	v60 =	vadd.f32 $1.000000000e+00, v58;
	v61 =	vpop (erf);
	(erf) = vpow2.f32 v36;
	v48 =	vld.idx.msk [tilespmem:v53+s22+$0x0], $0xffff  }
0x975: {  	v63 =	vor.u32 v6, v18;
	v23 =	vsub.f32 $1.000000000e+00, v59;
	v47 =	vadd.f32 v61, v61  }
0x976: {  	v39 =	vmul.f32 $1.442695020e+00, v39;
	(erf) = vrcp.f32 v60;
	v21 =	vadd.f32 v51, v21  }
0x977: {  	v23 =	vmul.f32 v23, v30;
	v36 =	vsub.f32 $1.000000000e+00, v47;
	v50 =	vadd.f32 v57, v56  }
0x978: {  	(erf) = vpow2.f32 v39;
	v21 =	vmul.f32 $1.442695020e+00, v21  }
0x979: {  	v53 =	vld [tilespmem:s17+$0xFFFFFFB0];
	v52 =	vpop (erf);
	[tilespmem:s17+$0xFFFFFFA0] =	vst v23;
	v36 =	vmul.f32 v36, v15;
	v40 =	vmul.f32 $1.442695020e+00, v50;
	v37 =	vadd.f32 v62, v48  }
0x97a: {  	v41 =	vadd.f32 $1.000000000e+00, v52;
	v54 =	vld.idx.msk [tilespmem:v49+s22+$0x0], $0xffff;
	(erf) = vpow2.f32 v21  }
0x97b: {  	v51 =	vld [tilespmem:s12+$0x60];
	[tilespmem:s12+$0x50] =	vst v36;
	(erf) = vpow2.f32 v40;
	v55 =	vmul.f32 $1.442695020e+00, v37  }
0x97c: {  	v57 =	vpop (erf);
	v56 =	vld.idx.msk [tilespmem:v63+s22+$0x0], $0xffff;
	(erf) = vrcp.f32 v41  }
0x97d: {  	v58 =	vpop (erf);
	(erf) = vpow2.f32 v55  }
0x97e: {  	v40 =	vadd.f32 $1.000000000e+00, v58  }
0x97f: {  	v21 =	vadd.f32 v53, v54  }
0x980: {  	v38 =	vadd.f32 $1.000000000e+00, v57;
	v59 =	vpop (erf);
	(erf) = vrcp.f32 v40  }
0x981: {  	v36 =	vadd.f32 v59, v59;
	v21 =	vmul.f32 $1.442695020e+00, v21;
	v23 =	vadd.f32 v51, v56  }
0x982: {  	v60 =	vor.u32 v5, v17;
	v61 =	vpop (erf)  }
0x983: {  	v36 =	vsub.f32 $1.000000000e+00, v36;
	(erf) = vrcp.f32 v38;
	v23 =	vmul.f32 $1.442695020e+00, v23;
	v62 =	vpop (erf)  }
0x984: {  	v38 =	vadd.f32 $1.000000000e+00, v61;
	(erf) = vpow2.f32 v21;
	v63 =	vpop (erf)  }
0x985: {  	v36 =	vmul.f32 v36, v19;
	v44 =	vadd.f32 $1.000000000e+00, v62;
	(erf) = vpow2.f32 v23;
	v21 =	vpop (erf)  }
0x986: {  	v46 =	vadd.f32 $1.000000000e+00, v63;
	(erf) = vrcp.f32 v38;
	v47 =	vpop (erf)  }
0x987: {  	v45 =	vld [tilespmem:s13+$0x50];
	[tilespmem:s13+$0x40] =	vst v36;
	(erf) = vrcp.f32 v44;
	v48 =	vadd.f32 $1.000000000e+00, v47  }
0x988: {  	v37 =	vld.idx.msk [tilespmem:v60+s22+$0x0], $0xffff;
	(erf) = vrcp.f32 v46  }
0x989: {  	(erf) = vrcp.f32 v48;
	v49 =	vpop (erf)  }
0x98a: {  	v23 =	vadd.f32 v49, v49;
	_ =	sdelay $0x1  }
0x98b: {  	v50 =	vpop (erf);
	v23 =	vsub.f32 $1.000000000e+00, v23  }
0x98c: {  	v36 =	vadd.f32 v45, v37;
	v52 =	vpop (erf)  }
0x98d: {  	v53 =	vor.u32 v4, v22;
	v54 =	vpop (erf)  }
0x98e: {  	v51 =	vadd.f32 v50, v50;
	v36 =	vmul.f32 $1.442695020e+00, v36;
	v56 =	vpop (erf)  }
0x98f: {  	v55 =	vor.u32 v7, v24;
	v40 =	vadd.f32 $1.000000000e+00, v54;
	v57 =	vmul.f32 v23, v27;
	v23 =	vpop (erf)  }
0x990: {  	v38 =	vadd.f32 $1.000000000e+00, v52;
	v37 =	vsub.f32 $1.000000000e+00, v51;
	(erf) = vpow2.f32 v36;
	v59 =	vpop (erf)  }
0x991: {  	v58 =	vld [tilespmem:s16+$0x40];
	v41 =	vadd.f32 v56, v56;
	(erf) = vrcp.f32 v40;
	[tilespmem:s16+$0x30] =	vst v57;
	v60 =	vpop (erf)  }
0x992: {  	v37 =	vmul.f32 v37, v14;
	(erf) = vrcp.f32 v38;
	v39 =	vld.idx.msk [tilespmem:v53+s22+$0x0], $0xffff;
	v38 =	vadd.f32 v60, v60  }
0x993: {  	v61 =	vor.u32 v6, v20;
	v62 =	vsub.f32 $1.000000000e+00, v41  }
0x994: {  	v63 =	vor.u32 v3, v29;
	v48 =	vld [tilespmem:s12+$0xFFFFFFF0];
	[tilespmem:s12+$0xFFFFFFE0] =	vst v37;
	v38 =	vsub.f32 $1.000000000e+00, v38  }
0x995: {  	v24 =	vld.idx.msk [tilespmem:v55+s22+$0x0], $0xffff;
	v37 =	vmul.f32 v62, v16  }
0x996: {  	v49 =	vld [tilespmem:s13+$0xFFFFFFE0];
	v38 =	vmul.f32 v38, v31  }
0x997: {  	v50 =	vld [tilespmem:s17+$0x30];
	[tilespmem:s13+$0xFFFFFFD0] =	vst v37;
	v36 =	vadd.f32 v58, v39  }
0x998: {  	v54 =	vor.u32 v7, v18;
	v53 =	vld.idx.msk [tilespmem:v61+s22+$0x0], $0xffff;
	[tilespmem:s17+$0x20] =	vst v38  }
0x999: {  	v57 =	vor.u32 v4, v28;
	v51 =	vadd.f32 v59, v59;
	v52 =	vpop (erf);
	v36 =	vmul.f32 $1.442695020e+00, v36;
	v41 =	vld.idx.msk [tilespmem:v63+s22+$0x0], $0xffff  }
0x99a: {  	v55 =	vor.u32 v5, v25;
	v24 =	vadd.f32 v48, v24;
	v56 =	vpop (erf);
	v40 =	vadd.f32 $1.000000000e+00, v52  }
0x99b: {  	v37 =	vsub.f32 $1.000000000e+00, v51;
	v58 =	vpop (erf);
	v45 =	vadd.f32 v56, v56;
	(erf) = vpow2.f32 v36  }
0x99c: {  	v24 =	vmul.f32 $1.442695020e+00, v24;
	v59 =	vadd.f32 v58, v58;
	(erf) = vrcp.f32 v40  }
0x99d: {  	v37 =	vmul.f32 v37, v26;
	v38 =	vadd.f32 v49, v53;
	v45 =	vsub.f32 $1.000000000e+00, v45  }
0x99e: {  	v47 =	vld [tilespmem:s17+$0xFFFFFFC0];
	(erf) = vpow2.f32 v24;
	v36 =	vsub.f32 $1.000000000e+00, v59;
	v62 =	vadd.f32 v50, v41  }
0x99f: {  	[tilespmem:s16+$0xFFFFFFC0] =	vst v37;
	v63 =	vld [tilespmem:s16+$0xFFFFFFD0];
	v38 =	vmul.f32 $1.442695020e+00, v38;
	v60 =	vmul.f32 v45, v15  }
0x9a0: {  	v44 =	vld.idx.msk [tilespmem:v55+s22+$0x0], $0xffff;
	v36 =	vmul.f32 v36, v30;
	v45 =	vmul.f32 $1.442695020e+00, v62  }
0x9a1: {  	v61 =	vld [tilespmem:s12+$0x70];
	(erf) = vpow2.f32 v38;
	[tilespmem:s12+$0x60] =	vst v60  }
0x9a2: {  	[tilespmem:s17+$0xFFFFFFB0] =	vst v36;
	v18 =	vld.idx.msk [tilespmem:v54+s22+$0x0], $0xffff;
	(erf) = vpow2.f32 v45  }
0x9a3: {  	v36 =	vld.idx.msk [tilespmem:v57+s22+$0x0], $0xffff  }
0x9a4: {  	v48 =	vpop (erf)  }
0x9a5: {  	v49 =	vadd.f32 v63, v44;
	v50 =	vpop (erf)  }
0x9a6: {  	v37 =	vadd.f32 $1.000000000e+00, v48;
	v39 =	vadd.f32 v50, v50  }
0x9a7: {  	v52 =	vor.u32 v6, v17;
	v51 =	vmul.f32 $1.442695020e+00, v49;
	v18 =	vadd.f32 v61, v18  }
0x9a8: {  	(erf) = vrcp.f32 v37;
	v24 =	vadd.f32 v47, v36;
	v39 =	vsub.f32 $1.000000000e+00, v39  }
0x9a9: {  	v53 =	vpop (erf);
	(erf) = vpow2.f32 v51;
	v18 =	vmul.f32 $1.442695020e+00, v18  }
0x9aa: {  	v54 =	vpop (erf);
	v24 =	vmul.f32 $1.442695020e+00, v24;
	v39 =	vmul.f32 v39, v19  }
0x9ab: {  	v37 =	vadd.f32 $1.000000000e+00, v53;
	(erf) = vpow2.f32 v18;
	v55 =	vpop (erf)  }
0x9ac: {  	v56 =	vld [tilespmem:s13+$0x60];
	(erf) = vpow2.f32 v24;
	[tilespmem:s13+$0x50] =	vst v39;
	v18 =	vadd.f32 $1.000000000e+00, v55  }
0x9ad: {  	(erf) = vrcp.f32 v37;
	v57 =	vld.idx.msk [tilespmem:v52+s22+$0x0], $0xffff  }
0x9ae: {  	(erf) = vrcp.f32 v18;
	_ =	sdelay $0x3  }
0x9af: {  	v58 =	vpop (erf);
	v18 =	vadd.f32 v56, v57  }
0x9b0: {  	v59 =	vpop (erf)  }
0x9b1: {  	v60 =	vpop (erf)  }
0x9b2: {  	v36 =	vadd.f32 $1.000000000e+00, v54;
	v37 =	vadd.f32 v58, v58;
	v61 =	vpop (erf)  }
0x9b3: {  	v63 =	vor.u32 v5, v22;
	v62 =	vmul.f32 $1.442695020e+00, v18;
	v18 =	vpop (erf)  }
0x9b4: {  	v38 =	vadd.f32 $1.000000000e+00, v59;
	v37 =	vsub.f32 $1.000000000e+00, v37;
	(erf) = vrcp.f32 v36;
	v44 =	vpop (erf)  }
0x9b5: {  	(erf) = vpow2.f32 v62;
	v45 =	vadd.f32 v44, v44  }
0x9b6: {  	v37 =	vmul.f32 v37, v27;
	(erf) = vrcp.f32 v38  }
0x9b7: {  	v46 =	vor.u32 v4, v29;
	v36 =	vsub.f32 $1.000000000e+00, v45  }
0x9b8: {  	v47 =	vld [tilespmem:s16+$0x50];
	[tilespmem:s16+$0x40] =	vst v37  }
0x9b9: {  	v40 =	vld.idx.msk [tilespmem:v63+s22+$0x0], $0xffff;
	v36 =	vmul.f32 v36, v31;
	_ =	sdelay $0x1  }
0x9ba: {  	v48 =	vld [tilespmem:s17+$0x40];
	[tilespmem:s17+$0x30] =	vst v36  }
0x9bb: {  	v37 =	vld.idx.msk [tilespmem:v46+s22+$0x0], $0xffff  }
0x9bc: {  	v49 =	vpop (erf)  }
0x9bd: {  	v50 =	vor.u32 v7, v20;
	v24 =	vadd.f32 $1.000000000e+00, v60;
	v38 =	vadd.f32 v47, v40;
	v51 =	vpop (erf)  }
0x9be: {  	v52 =	vor.u32 v6, v25;
	v39 =	vadd.f32 $1.000000000e+00, v61;
	v36 =	vadd.f32 v49, v49;
	v53 =	vpop (erf)  }
0x9bf: {  	(erf) = vrcp.f32 v24;
	v54 =	vmul.f32 $1.442695020e+00, v38;
	v55 =	vadd.f32 v53, v53  }
0x9c0: {  	(erf) = vrcp.f32 v39;
	v36 =	vsub.f32 $1.000000000e+00, v36;
	v37 =	vadd.f32 v48, v37  }
0x9c1: {  	v56 =	vadd.f32 $1.000000000e+00, v51;
	(erf) = vpow2.f32 v54;
	v57 =	vsub.f32 $1.000000000e+00, v55  }
0x9c2: {  	v36 =	vmul.f32 v36, v16;
	v58 =	vmul.f32 $1.442695020e+00, v37  }
0x9c3: {  	v61 =	vld [tilespmem:s16+$0xFFFFFFE0];
	(erf) = vrcp.f32 v56;
	v60 =	vmul.f32 v57, v26  }
0x9c4: {  	v62 =	vld [tilespmem:s13+$0xFFFFFFF0];
	[tilespmem:s13+$0xFFFFFFE0] =	vst v36;
	(erf) = vpow2.f32 v58  }
0x9c5: {  	v59 =	vld.idx.msk [tilespmem:v50+s22+$0x0], $0xffff;
	[tilespmem:s16+$0xFFFFFFD0] =	vst v60  }
0x9c6: {  	v63 =	vld.idx.msk [tilespmem:v52+s22+$0x0], $0xffff;
	_ =	sdelay $0x1  }
0x9c7: {  	v20 =	vpop (erf)  }
0x9c8: {  	v44 =	vpop (erf)  }
0x9c9: {  	v47 =	vadd.f32 v44, v44;
	v45 =	vpop (erf);
	v36 =	vadd.f32 v62, v59  }
0x9ca: {  	v46 =	vadd.f32 $1.000000000e+00, v45;
	v24 =	vadd.f32 v61, v63  }
0x9cb: {  	v38 =	vsub.f32 $1.000000000e+00, v47;
	v48 =	vpop (erf);
	v36 =	vmul.f32 $1.442695020e+00, v36  }
0x9cc: {  	v39 =	vadd.f32 v48, v48;
	(erf) = vrcp.f32 v46;
	v24 =	vmul.f32 $1.442695020e+00, v24;
	v49 =	vpop (erf)  }
0x9cd: {  	v52 =	vor.u32 v5, v28;
	(erf) = vpow2.f32 v36;
	v50 =	vadd.f32 $1.000000000e+00, v49  }
0x9ce: {  	v51 =	vor.u32 v7, v17;
	v53 =	vsub.f32 $1.000000000e+00, v39;
	(erf) = vpow2.f32 v24  }
0x9cf: {  	v38 =	vmul.f32 v38, v30;
	(erf) = vrcp.f32 v50  }
0x9d0: {  	v54 =	vld [tilespmem:s13+$0x70];
	v24 =	vmul.f32 v53, v19  }
0x9d1: {  	v55 =	vld [tilespmem:s17+$0xFFFFFFD0];
	[tilespmem:s17+$0xFFFFFFC0] =	vst v38  }
0x9d2: {  	v37 =	vld.idx.msk [tilespmem:v52+s22+$0x0], $0xffff;
	[tilespmem:s13+$0x60] =	vst v24  }
0x9d3: {  	v17 =	vld.idx.msk [tilespmem:v51+s22+$0x0], $0xffff;
	_ =	sdelay $0x1  }
0x9d4: {  	v56 =	vpop (erf)  }
0x9d5: {  	v24 =	vadd.f32 v56, v56;
	v57 =	vpop (erf)  }
0x9d6: {  	v37 =	vadd.f32 v55, v37;
	v58 =	vpop (erf)  }
0x9d7: {  	v60 =	vor.u32 v6, v22;
	v24 =	vsub.f32 $1.000000000e+00, v24;
	v17 =	vadd.f32 v54, v17;
	v59 =	vpop (erf)  }
0x9d8: {  	v37 =	vmul.f32 $1.442695020e+00, v37;
	v61 =	vadd.f32 v59, v59  }
0x9d9: {  	v24 =	vmul.f32 v24, v27;
	v17 =	vmul.f32 $1.442695020e+00, v17  }
0x9da: {  	v63 =	vor.u32 v5, v29;
	(erf) = vpow2.f32 v37;
	v36 =	vsub.f32 $1.000000000e+00, v61  }
0x9db: {  	v62 =	vld [tilespmem:s16+$0x60];
	[tilespmem:s16+$0x50] =	vst v24;
	(erf) = vpow2.f32 v17  }
0x9dc: {  	v24 =	vld.idx.msk [tilespmem:v60+s22+$0x0], $0xffff;
	v42 =	vmul.f32 v36, v31;
	_ =	sdelay $0x1  }
0x9dd: {  	v43 =	vld [tilespmem:s17+$0x50];
	[tilespmem:s17+$0x40] =	vst v42  }
0x9de: {  	v44 =	vld.idx.msk [tilespmem:v63+s22+$0x0], $0xffff;
	_ =	sdelay $0x1  }
0x9df: {  	v45 =	vadd.f32 $1.000000000e+00, v57;
	v24 =	vadd.f32 v62, v24  }
0x9e0: {  	v46 =	vadd.f32 $1.000000000e+00, v58  }
0x9e1: {  	(erf) = vrcp.f32 v45;
	v47 =	vpop (erf);
	v24 =	vmul.f32 $1.442695020e+00, v24  }
0x9e2: {  	(erf) = vrcp.f32 v46;
	v37 =	vadd.f32 $1.000000000e+00, v47;
	v48 =	vpop (erf);
	v17 =	vadd.f32 v43, v44  }
0x9e3: {  	(erf) = vpow2.f32 v24;
	v49 =	vadd.f32 $1.000000000e+00, v48  }
0x9e4: {  	(erf) = vrcp.f32 v37;
	v17 =	vmul.f32 $1.442695020e+00, v17  }
0x9e5: {  	(erf) = vrcp.f32 v49  }
0x9e6: {  	(erf) = vpow2.f32 v17;
	_ =	sdelay $0x3  }
0x9e7: {  	v17 =	vpop (erf)  }
0x9e8: {  	v50 =	vpop (erf)  }
0x9e9: {  	v51 =	vpop (erf)  }
0x9ea: {  	v37 =	vpop (erf);
	v36 =	vadd.f32 $1.000000000e+00, v51  }
0x9eb: {  	v24 =	vadd.f32 v50, v50;
	v38 =	vpop (erf)  }
0x9ec: {  	v37 =	vadd.f32 v37, v37;
	(erf) = vrcp.f32 v36;
	v53 =	vpop (erf)  }
0x9ed: {  	v52 =	vor.u32 v7, v25;
	v24 =	vsub.f32 $1.000000000e+00, v24;
	v36 =	vadd.f32 $1.000000000e+00, v53  }
0x9ee: {  	v54 =	vor.u32 v6, v28;
	v37 =	vsub.f32 $1.000000000e+00, v37  }
0x9ef: {  	v24 =	vmul.f32 v24, v26;
	(erf) = vrcp.f32 v36  }
0x9f0: {  	v56 =	vld [tilespmem:s17+$0xFFFFFFE0];
	v55 =	vmul.f32 v37, v30  }
0x9f1: {  	v57 =	vld [tilespmem:s16+$0xFFFFFFF0];
	[tilespmem:s16+$0xFFFFFFE0] =	vst v24  }
0x9f2: {  	v24 =	vld.idx.msk [tilespmem:v52+s22+$0x0], $0xffff;
	[tilespmem:s17+$0xFFFFFFD0] =	vst v55  }
0x9f3: {  	v25 =	vld.idx.msk [tilespmem:v54+s22+$0x0], $0xffff;
	_ =	sdelay $0x1  }
0x9f4: {  	v58 =	vpop (erf)  }
0x9f5: {  	v39 =	vadd.f32 v58, v58  }
0x9f6: {  	v24 =	vadd.f32 v57, v24  }
0x9f7: {  	v59 =	vor.u32 v7, v22;
	v25 =	vadd.f32 v56, v25;
	v60 =	vsub.f32 $1.000000000e+00, v39;
	v61 =	vpop (erf)  }
0x9f8: {  	v24 =	vmul.f32 $1.442695020e+00, v24;
	v36 =	vadd.f32 v61, v61  }
0x9f9: {  	v25 =	vmul.f32 $1.442695020e+00, v25;
	v37 =	vmul.f32 v60, v27  }
0x9fa: {  	v62 =	vor.u32 v6, v29;
	(erf) = vpow2.f32 v24;
	v43 =	vsub.f32 $1.000000000e+00, v36  }
0x9fb: {  	v63 =	vld [tilespmem:s16+$0x70];
	(erf) = vpow2.f32 v25;
	[tilespmem:s16+$0x60] =	vst v37  }
0x9fc: {  	v22 =	vld.idx.msk [tilespmem:v59+s22+$0x0], $0xffff;
	v24 =	vmul.f32 v43, v31;
	_ =	sdelay $0x1  }
0x9fd: {  	v44 =	vld [tilespmem:s17+$0x60];
	[tilespmem:s17+$0x50] =	vst v24  }
0x9fe: {  	v24 =	vld.idx.msk [tilespmem:v62+s22+$0x0], $0xffff;
	_ =	sdelay $0x1  }
0x9ff: {  	v22 =	vadd.f32 v63, v22;
	_ =	sdelay $0x1  }
0xa00: {  	v45 =	vpop (erf);
	v22 =	vmul.f32 $1.442695020e+00, v22  }
0xa01: {  	v36 =	vadd.f32 $1.000000000e+00, v45;
	v46 =	vpop (erf);
	v24 =	vadd.f32 v44, v24  }
0xa02: {  	v47 =	vadd.f32 $1.000000000e+00, v46;
	(erf) = vpow2.f32 v22  }
0xa03: {  	(erf) = vrcp.f32 v36;
	v24 =	vmul.f32 $1.442695020e+00, v24  }
0xa04: {  	(erf) = vrcp.f32 v47  }
0xa05: {  	(erf) = vpow2.f32 v24;
	_ =	sdelay $0x5  }
0xa06: {  	v48 =	vpop (erf)  }
0xa07: {  	v49 =	vpop (erf)  }
0xa08: {  	v50 =	vpop (erf)  }
0xa09: {  	v22 =	vadd.f32 $1.000000000e+00, v48;
	v51 =	vpop (erf)  }
0xa0a: {  	v36 =	vadd.f32 $1.000000000e+00, v51  }
0xa0b: {  	(erf) = vrcp.f32 v22  }
0xa0c: {  	(erf) = vrcp.f32 v36;
	_ =	sdelay $0x7  }
0xa0d: {  	v53 =	vpop (erf)  }
0xa0e: {  	v52 =	vadd.f32 v50, v50;
	v36 =	vpop (erf)  }
0xa0f: {  	v36 =	vadd.f32 v36, v36  }
0xa10: {  	v54 =	vor.u32 v7, v28;
	v22 =	vsub.f32 $1.000000000e+00, v52  }
0xa11: {  	v55 =	vor.u32 v7, v29;
	v36 =	vsub.f32 $1.000000000e+00, v36  }
0xa12: {  	v22 =	vmul.f32 v22, v30  }
0xa13: {  	v57 =	vld [tilespmem:s17+$0x70];
	v56 =	vmul.f32 v36, v31  }
0xa14: {  	v58 =	vld [tilespmem:s17+$0xFFFFFFF0];
	[tilespmem:s17+$0xFFFFFFE0] =	vst v22  }
0xa15: {  	v22 =	vld.idx.msk [tilespmem:v54+s22+$0x0], $0xffff;
	[tilespmem:s17+$0x60] =	vst v56  }
0xa16: {  	v28 =	vld.idx.msk [tilespmem:v55+s22+$0x0], $0xffff;
	_ =	sdelay $0x3  }
0xa17: {  	v22 =	vadd.f32 v58, v22  }
0xa18: {  	v28 =	vadd.f32 v57, v28  }
0xa19: {  	v22 =	vmul.f32 $1.442695020e+00, v22  }
0xa1a: {  	v28 =	vmul.f32 $1.442695020e+00, v28  }
0xa1b: {  	(erf) = vpow2.f32 v22  }
0xa1c: {  	(erf) = vpow2.f32 v28;
	_ =	sdelay $0x7  }
0xa1d: {  	v22 =	vpop (erf)  }
0xa1e: {  	v59 =	vadd.f32 v32, v32;
	v22 =	vadd.f32 $1.000000000e+00, v22;
	v60 =	vpop (erf)  }
0xa1f: {  	v23 =	vadd.f32 v23, v23;
	v29 =	vadd.f32 $1.000000000e+00, v60  }
0xa20: {  	v62 =	vadd.f32 v34, v34;
	v28 =	vsub.f32 $1.000000000e+00, v59;
	(erf) = vrcp.f32 v22  }
0xa21: {  	v42 =	vsub.f32 $1.000000000e+00, v23;
	v61 =	vadd.f32 v33, v33;
	(erf) = vrcp.f32 v29  }
0xa22: {  	v21 =	vadd.f32 v21, v21;
	v37 =	vsub.f32 $1.000000000e+00, v62;
	v8 =	vmul.f32 v28, v8  }
0xa23: {  	v20 =	vadd.f32 v20, v20;
	v63 =	vsub.f32 $1.000000000e+00, v61;
	v45 =	vmul.f32 v42, v13  }
0xa24: {  	v18 =	vadd.f32 v18, v18;
	v40 =	vsub.f32 $1.000000000e+00, v21;
	[tilespmem:s1+$0xFFFFFFF0] =	vst v8;
	v8 =	vmul.f32 v37, v10  }
0xa25: {  	v9 =	vmul.f32 v63, v9;
	v46 =	vsub.f32 $1.000000000e+00, v20;
	[tilespmem:s9+$0x70] =	vst v45;
	v52 =	vadd.f32 v53, v53  }
0xa26: {  	v43 =	vsub.f32 $1.000000000e+00, v18;
	v44 =	vadd.f32 v17, v17;
	[tilespmem:s6+$0xFFFFFFF0] =	vst v8;
	v8 =	vmul.f32 v40, v12  }
0xa27: {  	[tilespmem:s1+$0x70] =	vst v9;
	v50 =	vmul.f32 v46, v15;
	v58 =	vsub.f32 $1.000000000e+00, v52;
	v36 =	vadd.f32 v35, v35  }
0xa28: {  	v48 =	vsub.f32 $1.000000000e+00, v44;
	v49 =	vadd.f32 v49, v49;
	[tilespmem:s9+$0xFFFFFFF0] =	vst v8;
	v8 =	vmul.f32 v43, v14  }
0xa29: {  	v47 =	vadd.f32 v38, v38;
	[tilespmem:s12+$0x70] =	vst v50;
	v61 =	vmul.f32 v58, v27;
	v39 =	vsub.f32 $1.000000000e+00, v36;
	v53 =	vpop (erf)  }
0xa2a: {  	v54 =	vsub.f32 $1.000000000e+00, v49;
	[tilespmem:s12+$0xFFFFFFF0] =	vst v8;
	v8 =	vmul.f32 v48, v16;
	v55 =	vadd.f32 v53, v53;
	v56 =	vpop (erf)  }
0xa2b: {  	v51 =	vsub.f32 $1.000000000e+00, v47;
	[tilespmem:s16+$0x70] =	vst v61;
	v41 =	vmul.f32 v39, v11;
	v59 =	vadd.f32 v56, v56  }
0xa2c: {  	[tilespmem:s13+$0xFFFFFFF0] =	vst v8;
	v8 =	vmul.f32 v54, v26;
	v60 =	vsub.f32 $1.000000000e+00, v55  }
0xa2d: {  	[tilespmem:s6+$0x70] =	vst v41;
	v57 =	vmul.f32 v51, v19;
	v62 =	vsub.f32 $1.000000000e+00, v59  }
0xa2e: {  	[tilespmem:s16+$0xFFFFFFF0] =	vst v8;
	v8 =	vmul.f32 v60, v30  }
0xa2f: {  	[tilespmem:s13+$0x70] =	vst v57;
	v63 =	vmul.f32 v62, v31  }
0xa30: {  	[tilespmem:s17+$0xFFFFFFF0] =	vst v8  }
0xa31: {  	[tilespmem:s17+$0x70] =	vst v63  }
0xa32: {  	[spmem:s5] =	stream.indirect.scatter.add.f32 [tilespmem:s15], [sflag:$0x2], $0x80, s14, s8, $0xb8;
	[tilespmem:$0x1D180] =	vst v63  }
0xa33: {  	_ =	swait.ge [sflag:s20], $0x2800  }
0xa34: {  	[sflag:s20] =	ssyncset.done $0x0  }
0xa35: {  	s0 =	simm.s32 $0x3;
	[sflag:s20] =	ssyncadd.s32 $0xFFFFD800  }
0xa36: {  	_ =	swait.ge [sflag:s0], $0x50  }
0xa37: {  	[sflag:s0] =	ssyncset.done $0x0  }
0xa38: {  	[sflag:s0] =	ssyncadd.s32 $0xFFFFFFB0  }
0xa39: {  	_ =	swait.ge [sflag:s0], $0x50  }
0xa3a: {  	[sflag:s0] =	ssyncset.done $0x0  }
0xa3b: {  	[sflag:s0] =	ssyncadd.s32 $0xFFFFFFB0  }
0xa3c: {  	_ =	swait.ge [sflag:s0], $0x50  }
0xa3d: {  	[sflag:s0] =	ssyncset.done $0x0  }
0xa3e: {  	[sflag:s0] =	ssyncadd.s32 $0xFFFFFFB0  }
0xa3f: {  	_ =	swait.ge [sflag:s0], $0x50  }
0xa40: {  	[sflag:s0] =	ssyncset.done $0x0  }
0xa41: {  	[sflag:s0] =	ssyncadd.s32 $0xFFFFFFB0  }
0xa42: {  	_ =	swait.ge [sflag:s0], $0x50  }
0xa43: {  	[sflag:s0] =	ssyncset.done $0x0  }
0xa44: {  	[sflag:s0] =	ssyncadd.s32 $0xFFFFFFB0  }
0xa45: {  	_ =	swait.ge [sflag:s0], $0x50  }
0xa46: {  	[sflag:s0] =	ssyncset.done $0x0  }
0xa47: {  	[sflag:s0] =	ssyncadd.s32 $0xFFFFFFB0  }
0xa48: {  	_ =	swait.ge [sflag:s0], $0x50  }
0xa49: {  	[sflag:s0] =	ssyncset.done $0x0  }
0xa4a: {  	[sflag:s0] =	ssyncadd.s32 $0xFFFFFFB0  }
0xa4b: {  	_ =	swait.ge [sflag:s0], $0x50  }
0xa4c: {  	[sflag:s0] =	ssyncset.done $0x0  }
0xa4d: {  	[sflag:s0] =	ssyncadd.s32 $0xFFFFFFB0  }
0xa4e: {  	_ =	swait.ge [sflag:s0], $0x50  }
0xa4f: {  	[sflag:s0] =	ssyncset.done $0x0  }
0xa50: {  	[sflag:s0] =	ssyncadd.s32 $0xFFFFFFB0  }
0xa51: {  	_ =	swait.ge [sflag:s0], $0x50  }
0xa52: {  	[sflag:s0] =	ssyncset.done $0x0  }
0xa53: {  	[sflag:s0] =	ssyncadd.s32 $0xFFFFFFB0  }
0xa54: {  	_ =	swait.ge [sflag:s0], $0x50  }
0xa55: {  	[sflag:s0] =	ssyncset.done $0x0  }
0xa56: {  	[sflag:s0] =	ssyncadd.s32 $0xFFFFFFB0  }
0xa57: {  	_ =	swait.ge [sflag:s0], $0x50  }
0xa58: {  	[sflag:s0] =	ssyncset.done $0x0  }
0xa59: {  	[sflag:s0] =	ssyncadd.s32 $0xFFFFFFB0  }
0xa5a: {  	_ =	swait.ge [sflag:s0], $0x50  }
0xa5b: {  	[sflag:s0] =	ssyncset.done $0x0  }
0xa5c: {  	[sflag:s0] =	ssyncadd.s32 $0xFFFFFFB0  }
0xa5d: {  	_ =	swait.ge [sflag:s0], $0x50  }
0xa5e: {  	[sflag:s0] =	ssyncset.done $0x0  }
0xa5f: {  	[sflag:s0] =	ssyncadd.s32 $0xFFFFFFB0  }
0xa60: {  	_ =	swait.ge [sflag:s0], $0x50  }
0xa61: {  	[sflag:s0] =	ssyncset.done $0x0  }
0xa62: {  	[sflag:s0] =	ssyncadd.s32 $0xFFFFFFB0  }
0xa63: {  	_ =	swait.ge [sflag:s0], $0x50  }
0xa64: {  	[sflag:s0] =	ssyncset.done $0x0  }
0xa65: {  	[sflag:s0] =	ssyncadd.s32 $0xFFFFFFB0  }
0xa66: {  	_ =	swait.ge [sflag:s0], $0x50  }
0xa67: {  	[sflag:s0] =	ssyncset.done $0x0  }
0xa68: {  	[sflag:s0] =	ssyncadd.s32 $0xFFFFFFB0  }
0xa69: {  	_ =	swait.ge [sflag:s0], $0x50  }
0xa6a: {  	[sflag:s0] =	ssyncset.done $0x0  }
0xa6b: {  	[sflag:s0] =	ssyncadd.s32 $0xFFFFFFB0  }
0xa6c: {  	_ =	swait.ge [sflag:s0], $0x50  }
0xa6d: {  	[sflag:s0] =	ssyncset.done $0x0  }
0xa6e: {  	[sflag:s0] =	ssyncadd.s32 $0xFFFFFFB0  }
0xa6f: {  	_ =	swait.ge [sflag:s0], $0x50  }
0xa70: {  	[sflag:s0] =	ssyncset.done $0x0  }
0xa71: {  	[sflag:s0] =	ssyncadd.s32 $0xFFFFFFB0  }
0xa72: {  	_ =	swait.ge [sflag:s0], $0x50  }
0xa73: {  	[sflag:s0] =	ssyncset.done $0x0  }
0xa74: {  	[sflag:s0] =	ssyncadd.s32 $0xFFFFFFB0  }
0xa75: {  	_ =	swait.ge [sflag:s0], $0x50  }
0xa76: {  	[sflag:s0] =	ssyncset.done $0x0  }
0xa77: {  	[sflag:s0] =	ssyncadd.s32 $0xFFFFFFB0  }
0xa78: {  	_ =	swait.ge [sflag:s0], $0x50  }
0xa79: {  	[sflag:s0] =	ssyncset.done $0x0  }
0xa7a: {  	[sflag:s0] =	ssyncadd.s32 $0xFFFFFFB0  }
0xa7b: {  	_ =	swait.ge [sflag:s0], $0x50  }
0xa7c: {  	[sflag:s0] =	ssyncset.done $0x0  }
0xa7d: {  	[sflag:s0] =	ssyncadd.s32 $0xFFFFFFB0  }
0xa7e: {  	_ =	swait.ge [sflag:s0], $0x50  }
0xa7f: {  	s31 =	rddreg [dreg:$0x17]  }
0xa80: {  	s1 =	sadd.s32 $0x1, s31  }
0xa81: {  	p0 =	sne.s32 s1, $0x5  }
.Ltmp6:
0xa82: {  	_ = 	snop;
	(pc) =	sbr.rel @p0 .LBB2_2-.Ltmp6, $3  }
0xa83: {  	_ =	sdelay $0x1  }
0xa84: {  	[sflag:s0] =	ssyncset.done $0x0  }
0xa85: {  	s4 =	simm.s32 $0x4;
	[sflag:s0] =	ssyncadd.s32 $0xFFFFFFB0  }
0xa86: {  	[bflag:$0x0] =	sbarrier.arrive $0xFFFF  }
0xa87: {  	s6 =	rddreg [dreg:$0x10]  }
0xa88: {  	s0 =	rddreg [dreg:$0x11]  }
0xa89: {  	s1 =	rddreg [dreg:$0x14]  }
0xa8a: {  	[hbm:s0], [sflag:s6] =	dma.local [spmem:s1], $0x2710  }
0xa8b: {  	_ =	swait.ge [sflag:s4], $0x2710  }
0xa8c: {  	[sflag:s4] =	ssyncset.done $0x0;
	s30 =	rddreg [dreg:$0x12]  }
0xa8d: {  	s2 =	rddreg [dreg:$0x15];
	[sflag:s4] =	ssyncadd.s32 $0xFFFFD8F0  }
0xa8e: {  	[hbm:s30], [sflag:s6] =	dma.local [spmem:s2], $0x50  }
0xa8f: {  	_ =	swait.ge [sflag:s4], $0x50  }
0xa90: {  	s3 =	rddreg [dreg:$0x16]  }
0xa91: {  	s31 =	rddreg [dreg:$0x13];
	s3 =	sadd.s32 $0x1, s3  }
0xa92: {  	p0 =	sne.s32 s3, s31  }
.Ltmp7:
0xa93: {  	_ = 	snop;
	(pc) =	sbr.rel @p0 .LBB2_1-.Ltmp7, $3  }
0xa94: {  	_ =	sdelay $0x1  }
0xa95: {  	[sflag:s4] =	ssyncset.done $0x0  }
0xa96: {  	[sflag:s4] =	ssyncadd.s32 $0xFFFFFFB0  }
0xa97: {  	_ =	sfence.sel $0x180000  }
0xa98: {  	[bflag:$0x0] =	sbarrier.arrive $0xFFFF  }
0xa99: {  	_ =	strace $0x90000047  }
0xa9a: {  	s0 =	stileid.u32;
	[bflag:$0x2] =	sbarrier.arrive $0xFFFF  }
0xa9b: {  	p0 =	sne.s32 s0, $0x0;
	s0 =	rddreg [dreg:$0x6]  }
0xa9c: {  	s0 =	sadd.s32 @!p0 $0x100000, s0  }
0xa9d: {  	[sflag:s0] =	ssyncadd.tile.s32 @!p0 $0x1;
	_ =	shalt  }
.Lfunc_end2:
_tile_overlayer_lowered:
.L_overlay_start_2:
0xa9e: {  	(tag) =	ssettag $0x2  }
0xa9f: {  	s0 =	rddreg [dreg:$0x0];
	s2 =	stileid.u32  }
0xaa0: {  	s1 =	rddreg [dreg:$0x1];
	p0 =	sne.s32 s2, $0x0  }
0xaa1: {  	s3 =	rddreg [dreg:$0x2];
	[bflag:$0x3] =	sbarrier.arrive $0xFFFF;
	s2 =	simm.s32 @!p0 $0x1C04  }
0xaa2: {  	[timem:s3], [sflag:s2] =	dma.local @!p0 [hbm:s0], s1  }
0xaa3: {  	s0 =	simm.s32 @!p0 $0x4  }
0xaa4: {  	_ =	swait.ge @!p0 [sflag:s0], s1  }
0xaa5: {  	s1 =	ssub.s32 @!p0 $0x0, s1;
	[sflag:s0] =	ssyncset.done @!p0 $0x0  }
0xaa6: {  	[sflag:s0] =	ssyncadd.s32 @!p0 s1  }
0xaa7: {  	[bflag:$0x3] =	sbarrier.arrive $0xFFFF  }
0xaa8: {  	_ =	shalt  }

</sc_bundles>
